<compile_context>
chip_gen: v7x
topology: tpu7x:2x2x1
jax: 0.10.2.dev20260603
libtpu: 0.0.44.dev20260713+nightly
codegen_flags: <defaults>
</compile_context>

<pallas_src>
import functools

import jax
import jax.numpy as jnp
from jax import lax
from jax.experimental import pallas as pl
from jax.experimental.pallas import tpu as pltpu
from jax.experimental.pallas import tpu_sc as plsc

_E, _T, _N = 16, 32, 1400
_P = 8
_DE = 16
_QD = 34
_NC, _NS = 2, 16
_NW = _NC * _NS
_NP = _P + _N
_BPW = _E * _NP // _NW
_BPAD = _NW * _BPW


def _sc_gather(table, idx_flat):
    mesh = plsc.VectorSubcoreMesh(core_axis_name="c", subcore_axis_name="s")

    @functools.partial(
        pl.kernel,
        mesh=mesh,
        out_type=jax.ShapeDtypeStruct((_BPAD, _DE), jnp.float32),
        scratch_types=[
            pltpu.VMEM((_BPW,), jnp.int32),
            pltpu.VMEM((_BPW, _DE), jnp.float32),
            pltpu.SemaphoreType.DMA,
        ],
        compiler_params=pltpu.CompilerParams(use_tc_tiling_on_sc=False),
    )
    def gather_kernel(table_hbm, idx_hbm, out_hbm, idx_v, rows_v, sem):
        wid = lax.axis_index("s") * _NC + lax.axis_index("c")
        base = wid * _BPW
        pltpu.sync_copy(idx_hbm.at[pl.ds(base, _BPW)], idx_v)
        pltpu.async_copy(table_hbm.at[idx_v], rows_v, sem).wait()
        pltpu.sync_copy(rows_v, out_hbm.at[pl.ds(base, _BPW)])

    return gather_kernel(table, idx_flat)


_EB = 2


def _assemble_body(yf_ref, xf_ref, emb_ref, sa_ref, se_ref, pad_ref,
                   out_ref):
    g = pl.program_id(0)
    emb_rows = emb_ref[...]
    sub = lax.broadcasted_iota(jnp.int32, (_T, 1), 0)
    for ex in range(_EB):
        e = g * _EB + ex
        emb_t = jnp.transpose(emb_rows[ex * _NP:ex * _NP + _N, :])
        sa = jnp.zeros((_T, 1), jnp.float32)
        se = jnp.zeros((_T, 1), jnp.float32)
        for t in range(_T):
            sa = jnp.where(sub == t, sa_ref[e, t], sa)
            se = jnp.where(sub == t, se_ref[e, t], se)
        sa = jnp.nan_to_num(sa)
        se = jnp.nan_to_num(se)
        for c in range(_QD):
            if c < 16:
                ref = yf_ref if c < 8 else xf_ref
                src = jnp.nan_to_num(ref[ex, c % 8, :].reshape(1, _N))
                data = jnp.broadcast_to(src, (_T, _N))
            elif c < 32:
                src = jnp.nan_to_num(emb_t[c - 16, :].reshape(1, _N))
                data = jnp.broadcast_to(src, (_T, _N))
            else:
                data = jnp.broadcast_to(sa if c == 32 else se, (_T, _N))
            padv = jnp.broadcast_to(pad_ref[c, :].reshape(1, _P), (_T, _P))
            out_ref[c, ex * _T:(ex + 1) * _T, :] = jnp.concatenate(
                [padv, data], axis=1)


def kernel(pv, pv_y_osgb_fourier, pv_x_osgb_fourier, pv_system_row_number,
           pv_x_osgb, solar_azimuth, solar_elevation, query_padding,
           embedding_table):
    idx = jnp.pad(pv_system_row_number, ((0, 0), (0, _P))).reshape(-1)
    emb_flat = _sc_gather(embedding_table, idx)

    yf_t = pv_y_osgb_fourier.transpose(0, 2, 1)
    xf_t = pv_x_osgb_fourier.transpose(0, 2, 1)
    pad_t = query_padding.T

    out = pl.pallas_call(
        _assemble_body,
        grid=(_E // _EB,),
        in_specs=[
            pl.BlockSpec((_EB, _P, _N), lambda g: (g, 0, 0)),
            pl.BlockSpec((_EB, _P, _N), lambda g: (g, 0, 0)),
            pl.BlockSpec((_EB * _NP, _DE), lambda g: (g, 0)),
            pl.BlockSpec(memory_space=pltpu.SMEM),
            pl.BlockSpec(memory_space=pltpu.SMEM),
            pl.BlockSpec((_QD, _P), lambda g: (0, 0)),
        ],
        out_specs=pl.BlockSpec((_QD, _EB * _T, _P + _N),
                               lambda g: (0, g, 0)),
        out_shape=jax.ShapeDtypeStruct((_QD, _E * _T, _P + _N), jnp.float32),
        compiler_params=pltpu.CompilerParams(
            dimension_semantics=("parallel",)),
    )(yf_t, xf_t, emb_flat, solar_azimuth, solar_elevation, pad_t)
    return jnp.transpose(out, (1, 2, 0))

# --- scband reference (transcript-rebuilt; emitter-appended) ---
"""Pipeline reference for scband-query-generator-82016695485017 (READ-ONLY COPY).

The authoritative reference and input builder live on the scoring server;
editing this copy changes nothing except your own understanding.
"""

import jax, jax.numpy as jnp
import numpy as np

E, T, N = 16, 32, 1400
F2 = 8
D_EMB = 16
P = 8
Q_DIM = 16 + D_EMB + 2
NUM_PV = 1400


def setup_inputs(seed: int = 0) -> dict:
    key = jax.random.key(seed)
    ks = jax.random.split(key, 9)
    pv = jax.random.normal(ks[0], (E, T, N), dtype=jnp.float32)
    pv_y_osgb_fourier = jax.random.normal(ks[1], (E, N, F2), dtype=jnp.float32)
    pv_x_osgb_fourier = jax.random.normal(ks[2], (E, N, F2), dtype=jnp.float32)
    pv_system_row_number = jax.random.randint(ks[3], (E, N), 0, NUM_PV, dtype=jnp.int32)
    pv_x_osgb = jax.random.normal(ks[4], (E, N), dtype=jnp.float32)
    solar_azimuth = jax.random.normal(ks[5], (E, T), dtype=jnp.float32)
    solar_elevation = jax.random.normal(ks[6], (E, T), dtype=jnp.float32)
    query_padding = jax.random.normal(ks[7], (P, Q_DIM), dtype=jnp.float32) / 5.0
    embedding_table = jax.random.normal(ks[8], (NUM_PV, D_EMB), dtype=jnp.float32)
    return {
        "pv": pv,
        "pv_y_osgb_fourier": pv_y_osgb_fourier,
        "pv_x_osgb_fourier": pv_x_osgb_fourier,
        "pv_system_row_number": pv_system_row_number,
        "pv_x_osgb": pv_x_osgb,
        "solar_azimuth": solar_azimuth,
        "solar_elevation": solar_elevation,
        "query_padding": query_padding,
        "embedding_table": embedding_table,
    }


def reference(pv, pv_y_osgb_fourier, pv_x_osgb_fourier, pv_system_row_number,
              pv_x_osgb, solar_azimuth, solar_elevation, query_padding,
              embedding_table):
    n_ex = pv.shape[0]
    n_timesteps = pv.shape[1]
    n_pv = pv_x_osgb.shape[1]
    # repeat_over_time: [example, n_pv, f] -> [example, time, n_pv, f]
    y_fourier = jnp.broadcast_to(pv_y_osgb_fourier[:, None, :, :],
                                 (n_ex, n_timesteps) + pv_y_osgb_fourier.shape[1:])
    x_fourier = jnp.broadcast_to(pv_x_osgb_fourier[:, None, :, :],
                                 (n_ex, n_timesteps) + pv_x_osgb_fourier.shape[1:])
    row = jnp.broadcast_to(pv_system_row_number[:, None, :],
                           (n_ex, n_timesteps, n_pv))
    # solar features: 'example time -> example time n_pv 1'
    sa = jnp.broadcast_to(solar_azimuth[:, :, None, None], (n_ex, n_timesteps, n_pv, 1))
    se = jnp.broadcast_to(solar_elevation[:, :, None, None], (n_ex, n_timesteps, n_pv, 1))
    # embedding lookup (gather)
    emb = jnp.take(embedding_table, row, axis=0)
    q = jnp.concatenate((y_fourier, x_fourier, emb, sa, se), axis=-1)
    q = jnp.nan_to_num(q, nan=0.0)
    q = q.reshape(n_ex * n_timesteps, n_pv, q.shape[-1])
    batch_size = q.shape[0]
    pad = jnp.broadcast_to(query_padding[None, :, :],
                           (batch_size,) + query_padding.shape)
    query = jnp.concatenate((pad, q), axis=1)
    return query

if __name__ == "__main__":
    import jax
    _d = setup_inputs()
    print(jax.jit(kernel)(*tuple(_d.values())))

</pallas_src>

<mosaic_0001>
#map = affine_map<(d0, d1) -> (0, 0)>
#map1 = affine_map<(d0, d1) -> (0)>
module attributes {stable_mosaic.version = 14 : i64} {
  func.func @gather_kernel(%arg0: i32, %arg1: i32, %arg2: memref<1400x16xf32, #tpu.memory_space<hbm>>, %arg3: memref<22528xi32, #tpu.memory_space<hbm>>, %arg4: memref<22528x16xf32, #tpu.memory_space<hbm>>, %arg5: memref<704xi32, #tpu.memory_space<vmem>>, %arg6: memref<704x16xf32, #tpu.memory_space<vmem>>, %arg7: memref<!tpu.dma_semaphore, #tpu.memory_space<semaphore_mem>>) attributes {dimension_semantics = [#tpu.dimension_semantics<core_parallel>, #tpu.dimension_semantics<subcore_parallel>], iteration_bounds = array<i64: 2, 16>, scalar_prefetch = 0 : i64, scratch_operands = 3 : i64, tpu.core_type = #tpu.core_type<sc_vector_subcore>, window_params = [{transform_indices = #map}, {transform_indices = #map1}, {transform_indices = #map}]} {
    %mul3A = arith.constant 2 : i32
    %mul3A_0 = arith.muli %arg1, %mul3A : i32
    %add3A = arith.addi %mul3A_0, %arg0 : i32
    %mul3A_1 = arith.constant 704 : i32
    %mul3A_2 = arith.muli %add3A, %mul3A_1 : i32
    "tpu.region"() ({
      %run_scoped3A = tpu.sem_alloc : memref<!tpu.dma_semaphore, #tpu.memory_space<semaphore_mem>>
      %dma_start3A_7 = tpu.memref_slice %arg3[%mul3A_2] : memref<22528xi32, #tpu.memory_space<hbm>> -> memref<704xi32, #tpu.memory_space<hbm>>
      %dma_start3A_8 = tpu.memref_slice %arg3[%mul3A_2] : memref<22528xi32, #tpu.memory_space<hbm>> -> memref<704xi32, #tpu.memory_space<hbm>>
      tpu.enqueue_dma source(%dma_start3A_8 : memref<704xi32, #tpu.memory_space<hbm>>) target(%arg5 : memref<704xi32, #tpu.memory_space<vmem>>) target_semaphore(%run_scoped3A : memref<!tpu.dma_semaphore, #tpu.memory_space<semaphore_mem>>)
      %dma_wait3A_9 = tpu.memref_slice %arg3[%mul3A_2] : memref<22528xi32, #tpu.memory_space<hbm>> -> memref<704xi32, #tpu.memory_space<hbm>>
      %dma_wait3A_10 = tpu.memref_slice %arg3[%mul3A_2] : memref<22528xi32, #tpu.memory_space<hbm>> -> memref<704xi32, #tpu.memory_space<hbm>>
      tpu.wait_dma2 semaphore(%run_scoped3A : memref<!tpu.dma_semaphore, #tpu.memory_space<semaphore_mem>>) src(%dma_wait3A_10 : memref<704xi32, #tpu.memory_space<hbm>>) dst(%arg5 : memref<704xi32, #tpu.memory_space<vmem>>)
      tpu.yield
    }) : () -> ()
    %dma_start3A = arith.constant 0 : i32
    %dma_start3A_3 = arith.constant 0 : i32
    %dma_start3A_4 = tpu.memref_slice %arg2[%dma_start3A, %dma_start3A_3] : memref<1400x16xf32, #tpu.memory_space<hbm>> -> memref<1400x16xf32, #tpu.memory_space<hbm>>
    tpu.enqueue_indirect_dma source(%dma_start3A_4 : memref<1400x16xf32, #tpu.memory_space<hbm>>) target(%arg6 : memref<704x16xf32, #tpu.memory_space<vmem>>) offsets(%arg5 : memref<704xi32, #tpu.memory_space<vmem>>) semaphore(%arg7 : memref<!tpu.dma_semaphore, #tpu.memory_space<semaphore_mem>>)
    %dma_wait3A = arith.constant 0 : i32
    %dma_wait3A_5 = arith.constant 0 : i32
    %dma_wait3A_6 = tpu.memref_slice %arg2[%dma_wait3A, %dma_wait3A_5] : memref<1400x16xf32, #tpu.memory_space<hbm>> -> memref<1400x16xf32, #tpu.memory_space<hbm>>
    tpu.wait_indirect_dma semaphore(%arg7 : memref<!tpu.dma_semaphore, #tpu.memory_space<semaphore_mem>>) src(%dma_wait3A_6 : memref<1400x16xf32, #tpu.memory_space<hbm>>) dst(%arg6 : memref<704x16xf32, #tpu.memory_space<vmem>>)
    "tpu.region"() ({
      %run_scoped3A = tpu.sem_alloc : memref<!tpu.dma_semaphore, #tpu.memory_space<semaphore_mem>>
      %dma_start3A_7 = arith.constant 0 : i32
      %dma_start3A_8 = tpu.memref_slice %arg4[%mul3A_2, %dma_start3A_7] : memref<22528x16xf32, #tpu.memory_space<hbm>> -> memref<704x16xf32, #tpu.memory_space<hbm>>
      %dma_start3A_9 = arith.constant 0 : i32
      %dma_start3A_10 = tpu.memref_slice %arg4[%mul3A_2, %dma_start3A_9] : memref<22528x16xf32, #tpu.memory_space<hbm>> -> memref<704x16xf32, #tpu.memory_space<hbm>>
      tpu.enqueue_dma source(%arg6 : memref<704x16xf32, #tpu.memory_space<vmem>>) target(%dma_start3A_10 : memref<704x16xf32, #tpu.memory_space<hbm>>) target_semaphore(%run_scoped3A : memref<!tpu.dma_semaphore, #tpu.memory_space<semaphore_mem>>)
      %dma_wait3A_11 = arith.constant 0 : i32
      %dma_wait3A_12 = tpu.memref_slice %arg4[%mul3A_2, %dma_wait3A_11] : memref<22528x16xf32, #tpu.memory_space<hbm>> -> memref<704x16xf32, #tpu.memory_space<hbm>>
      %dma_wait3A_13 = arith.constant 0 : i32
      %dma_wait3A_14 = tpu.memref_slice %arg4[%mul3A_2, %dma_wait3A_13] : memref<22528x16xf32, #tpu.memory_space<hbm>> -> memref<704x16xf32, #tpu.memory_space<hbm>>
      tpu.wait_dma2 semaphore(%run_scoped3A : memref<!tpu.dma_semaphore, #tpu.memory_space<semaphore_mem>>) src(%arg6 : memref<704x16xf32, #tpu.memory_space<vmem>>) dst(%dma_wait3A_14 : memref<704x16xf32, #tpu.memory_space<hbm>>)
      tpu.yield
    }) : () -> ()
    return
  }
}

module attributes {stable_mosaic.version = 14 : i64} {
  func.func @_assemble_body(%arg0: i32, %arg1: memref<2x8x1400xf32, #tpu.memory_space<vmem>>, %arg2: memref<2x8x1400xf32, #tpu.memory_space<vmem>>, %arg3: memref<2816x16xf32, #tpu.memory_space<vmem>>, %arg4: memref<16x32xf32, #tpu.memory_space<smem>>, %arg5: memref<16x32xf32, #tpu.memory_space<smem>>, %arg6: memref<34x8xf32, #tpu.memory_space<vmem>>, %arg7: memref<34x64x1408xf32, #tpu.memory_space<vmem>>) attributes {dimension_semantics = [#tpu.dimension_semantics<parallel>], iteration_bounds = array<i64: 8>, scalar_prefetch = 0 : i64, scratch_operands = 0 : i64, tpu.core_type = #tpu.core_type<tc>, window_params = [{transform_indices = @transform_0, window_bounds = array<i64: 2, 8, 1400>}, {transform_indices = @transform_1, window_bounds = array<i64: 2, 8, 1400>}, {transform_indices = @transform_2, window_bounds = array<i64: 2816, 16>}, {transform_indices = @transform_3, window_bounds = array<i64: 16, 32>}, {transform_indices = @transform_4, window_bounds = array<i64: 16, 32>}, {pipeline_mode = #tpu.pipeline_mode<synchronous>, transform_indices = @transform_5, window_bounds = array<i64: 34, 8>}, {transform_indices = @transform_6, window_bounds = array<i64: 34, 64, 1408>}]} {
    %get3A = arith.constant 0 : index
    %get3A_0 = arith.constant 0 : index
    %get3A_1 = vector.load %arg3[%get3A, %get3A_0] : memref<2816x16xf32, #tpu.memory_space<vmem>>, vector<2816x16xf32>
    %iota3A = tpu.iota {dimensions = array<i32: 0>} : vector<32x1xi32>
    %mul3A = arith.constant 2 : i32
    %mul3A_2 = arith.muli %arg0, %mul3A : i32
    %add3A = arith.constant 0 : i32
    %add3A_3 = arith.addi %mul3A_2, %add3A : i32
    %slice3A = vector.extract_strided_slice %get3A_1 {offsets = [0, 0], sizes = [1400, 16], strides = [1, 1]} : vector<2816x16xf32> to vector<1400x16xf32>
    %transpose3A = tpu.transpose %slice3A, [1, 0] : vector<1400x16xf32> -> vector<16x1400xf32>
    %broadcast_in_dim3A = arith.constant 0.000000e+00 : f32
    %broadcast_in_dim3A_4 = vector.broadcast %broadcast_in_dim3A : f32 to vector<32x1xf32>
    %broadcast_in_dim3A_5 = arith.constant 0.000000e+00 : f32
    %broadcast_in_dim3A_6 = vector.broadcast %broadcast_in_dim3A_5 : f32 to vector<32x1xf32>
    %eq3A = arith.constant 0 : i32
    %eq3A_7 = vector.broadcast %eq3A : i32 to vector<32x1xi32>
    %eq3A_8 = arith.cmpi eq, %iota3A, %eq3A_7 : vector<32x1xi32>
    %get3A_9 = arith.index_cast %add3A_3 : i32 to index
    %get3A_10 = arith.constant 0 : index
    %get3A_11 = memref.load %arg4[%get3A_9, %get3A_10] : memref<16x32xf32, #tpu.memory_space<smem>>
    %broadcast_in_dim3A_12 = vector.broadcast %get3A_11 : f32 to vector<32x1xf32>
    %select_n3A = arith.select %eq3A_8, %broadcast_in_dim3A_12, %broadcast_in_dim3A_4 : vector<32x1xi1>, vector<32x1xf32>
    %eq3A_13 = arith.constant 0 : i32
    %eq3A_14 = vector.broadcast %eq3A_13 : i32 to vector<32x1xi32>
    %eq3A_15 = arith.cmpi eq, %iota3A, %eq3A_14 : vector<32x1xi32>
    %get3A_16 = arith.index_cast %add3A_3 : i32 to index
    %get3A_17 = arith.constant 0 : index
    %get3A_18 = memref.load %arg5[%get3A_16, %get3A_17] : memref<16x32xf32, #tpu.memory_space<smem>>
    %broadcast_in_dim3A_19 = vector.broadcast %get3A_18 : f32 to vector<32x1xf32>
    %select_n3A_20 = arith.select %eq3A_15, %broadcast_in_dim3A_19, %broadcast_in_dim3A_6 : vector<32x1xi1>, vector<32x1xf32>
    %eq3A_21 = arith.constant 1 : i32
    %eq3A_22 = vector.broadcast %eq3A_21 : i32 to vector<32x1xi32>
    %eq3A_23 = arith.cmpi eq, %iota3A, %eq3A_22 : vector<32x1xi32>
    %get3A_24 = arith.index_cast %add3A_3 : i32 to index
    %get3A_25 = arith.constant 1 : index
    %get3A_26 = memref.load %arg4[%get3A_24, %get3A_25] : memref<16x32xf32, #tpu.memory_space<smem>>
    %broadcast_in_dim3A_27 = vector.broadcast %get3A_26 : f32 to vector<32x1xf32>
    %select_n3A_28 = arith.select %eq3A_23, %broadcast_in_dim3A_27, %select_n3A : vector<32x1xi1>, vector<32x1xf32>
    %eq3A_29 = arith.constant 1 : i32
    %eq3A_30 = vector.broadcast %eq3A_29 : i32 to vector<32x1xi32>
    %eq3A_31 = arith.cmpi eq, %iota3A, %eq3A_30 : vector<32x1xi32>
    %get3A_32 = arith.index_cast %add3A_3 : i32 to index
    %get3A_33 = arith.constant 1 : index
    %get3A_34 = memref.load %arg5[%get3A_32, %get3A_33] : memref<16x32xf32, #tpu.memory_space<smem>>
    %broadcast_in_dim3A_35 = vector.broadcast %get3A_34 : f32 to vector<32x1xf32>
    %select_n3A_36 = arith.select %eq3A_31, %broadcast_in_dim3A_35, %select_n3A_20 : vector<32x1xi1>, vector<32x1xf32>
    %eq3A_37 = arith.constant 2 : i32
    %eq3A_38 = vector.broadcast %eq3A_37 : i32 to vector<32x1xi32>
    %eq3A_39 = arith.cmpi eq, %iota3A, %eq3A_38 : vector<32x1xi32>
    %get3A_40 = arith.index_cast %add3A_3 : i32 to index
    %get3A_41 = arith.constant 2 : index
    %get3A_42 = memref.load %arg4[%get3A_40, %get3A_41] : memref<16x32xf32, #tpu.memory_space<smem>>
    %broadcast_in_dim3A_43 = vector.broadcast %get3A_42 : f32 to vector<32x1xf32>
    %select_n3A_44 = arith.select %eq3A_39, %broadcast_in_dim3A_43, %select_n3A_28 : vector<32x1xi1>, vector<32x1xf32>
    %eq3A_45 = arith.constant 2 : i32
    %eq3A_46 = vector.broadcast %eq3A_45 : i32 to vector<32x1xi32>
    %eq3A_47 = arith.cmpi eq, %iota3A, %eq3A_46 : vector<32x1xi32>
    %get3A_48 = arith.index_cast %add3A_3 : i32 to index
    %get3A_49 = arith.constant 2 : index
    %get3A_50 = memref.load %arg5[%get3A_48, %get3A_49] : memref<16x32xf32, #tpu.memory_space<smem>>
    %broadcast_in_dim3A_51 = vector.broadcast %get3A_50 : f32 to vector<32x1xf32>
    %select_n3A_52 = arith.select %eq3A_47, %broadcast_in_dim3A_51, %select_n3A_36 : vector<32x1xi1>, vector<32x1xf32>
    %eq3A_53 = arith.constant 3 : i32
    %eq3A_54 = vector.broadcast %eq3A_53 : i32 to vector<32x1xi32>
    %eq3A_55 = arith.cmpi eq, %iota3A, %eq3A_54 : vector<32x1xi32>
    %get3A_56 = arith.index_cast %add3A_3 : i32 to index
    %get3A_57 = arith.constant 3 : index
    %get3A_58 = memref.load %arg4[%get3A_56, %get3A_57] : memref<16x32xf32, #tpu.memory_space<smem>>
    %broadcast_in_dim3A_59 = vector.broadcast %get3A_58 : f32 to vector<32x1xf32>
    %select_n3A_60 = arith.select %eq3A_55, %broadcast_in_dim3A_59, %select_n3A_44 : vector<32x1xi1>, vector<32x1xf32>
    %eq3A_61 = arith.constant 3 : i32
    %eq3A_62 = vector.broadcast %eq3A_61 : i32 to vector<32x1xi32>
    %eq3A_63 = arith.cmpi eq, %iota3A, %eq3A_62 : vector<32x1xi32>
    %get3A_64 = arith.index_cast %add3A_3 : i32 to index
    %get3A_65 = arith.constant 3 : index
    %get3A_66 = memref.load %arg5[%get3A_64, %get3A_65] : memref<16x32xf32, #tpu.memory_space<smem>>
    %broadcast_in_dim3A_67 = vector.broadcast %get3A_66 : f32 to vector<32x1xf32>
    %select_n3A_68 = arith.select %eq3A_63, %broadcast_in_dim3A_67, %select_n3A_52 : vector<32x1xi1>, vector<32x1xf32>
    %eq3A_69 = arith.constant 4 : i32
    %eq3A_70 = vector.broadcast %eq3A_69 : i32 to vector<32x1xi32>
    %eq3A_71 = arith.cmpi eq, %iota3A, %eq3A_70 : vector<32x1xi32>
    %get3A_72 = arith.index_cast %add3A_3 : i32 to index
    %get3A_73 = arith.constant 4 : index
    %get3A_74 = memref.load %arg4[%get3A_72, %get3A_73] : memref<16x32xf32, #tpu.memory_space<smem>>
    %broadcast_in_dim3A_75 = vector.broadcast %get3A_74 : f32 to vector<32x1xf32>
    %select_n3A_76 = arith.select %eq3A_71, %broadcast_in_dim3A_75, %select_n3A_60 : vector<32x1xi1>, vector<32x1xf32>
    %eq3A_77 = arith.constant 4 : i32
    %eq3A_78 = vector.broadcast %eq3A_77 : i32 to vector<32x1xi32>
    %eq3A_79 = arith.cmpi eq, %iota3A, %eq3A_78 : vector<32x1xi32>
    %get3A_80 = arith.index_cast %add3A_3 : i32 to index
    %get3A_81 = arith.constant 4 : index
    %get3A_82 = memref.load %arg5[%get3A_80, %get3A_81] : memref<16x32xf32, #tpu.memory_space<smem>>
    %broadcast_in_dim3A_83 = vector.broadcast %get3A_82 : f32 to vector<32x1xf32>
    %select_n3A_84 = arith.select %eq3A_79, %broadcast_in_dim3A_83, %select_n3A_68 : vector<32x1xi1>, vector<32x1xf32>
    %eq3A_85 = arith.constant 5 : i32
    %eq3A_86 = vector.broadcast %eq3A_85 : i32 to vector<32x1xi32>
    %eq3A_87 = arith.cmpi eq, %iota3A, %eq3A_86 : vector<32x1xi32>
    %get3A_88 = arith.index_cast %add3A_3 : i32 to index
    %get3A_89 = arith.constant 5 : index
    %get3A_90 = memref.load %arg4[%get3A_88, %get3A_89] : memref<16x32xf32, #tpu.memory_space<smem>>
    %broadcast_in_dim3A_91 = vector.broadcast %get3A_90 : f32 to vector<32x1xf32>
    %select_n3A_92 = arith.select %eq3A_87, %broadcast_in_dim3A_91, %select_n3A_76 : vector<32x1xi1>, vector<32x1xf32>
    %eq3A_93 = arith.constant 5 : i32
    %eq3A_94 = vector.broadcast %eq3A_93 : i32 to vector<32x1xi32>
    %eq3A_95 = arith.cmpi eq, %iota3A, %eq3A_94 : vector<32x1xi32>
    %get3A_96 = arith.index_cast %add3A_3 : i32 to index
    %get3A_97 = arith.constant 5 : index
    %get3A_98 = memref.load %arg5[%get3A_96, %get3A_97] : memref<16x32xf32, #tpu.memory_space<smem>>
    %broadcast_in_dim3A_99 = vector.broadcast %get3A_98 : f32 to vector<32x1xf32>
    %select_n3A_100 = arith.select %eq3A_95, %broadcast_in_dim3A_99, %select_n3A_84 : vector<32x1xi1>, vector<32x1xf32>
    %eq3A_101 = arith.constant 6 : i32
    %eq3A_102 = vector.broadcast %eq3A_101 : i32 to vector<32x1xi32>
    %eq3A_103 = arith.cmpi eq, %iota3A, %eq3A_102 : vector<32x1xi32>
    %get3A_104 = arith.index_cast %add3A_3 : i32 to index
    %get3A_105 = arith.constant 6 : index
    %get3A_106 = memref.load %arg4[%get3A_104, %get3A_105] : memref<16x32xf32, #tpu.memory_space<smem>>
    %broadcast_in_dim3A_107 = vector.broadcast %get3A_106 : f32 to vector<32x1xf32>
    %select_n3A_108 = arith.select %eq3A_103, %broadcast_in_dim3A_107, %select_n3A_92 : vector<32x1xi1>, vector<32x1xf32>
    %eq3A_109 = arith.constant 6 : i32
    %eq3A_110 = vector.broadcast %eq3A_109 : i32 to vector<32x1xi32>
    %eq3A_111 = arith.cmpi eq, %iota3A, %eq3A_110 : vector<32x1xi32>
    %get3A_112 = arith.index_cast %add3A_3 : i32 to index
    %get3A_113 = arith.constant 6 : index
    %get3A_114 = memref.load %arg5[%get3A_112, %get3A_113] : memref<16x32xf32, #tpu.memory_space<smem>>
    %broadcast_in_dim3A_115 = vector.broadcast %get3A_114 : f32 to vector<32x1xf32>
    %select_n3A_116 = arith.select %eq3A_111, %broadcast_in_dim3A_115, %select_n3A_100 : vector<32x1xi1>, vector<32x1xf32>
    %eq3A_117 = arith.constant 7 : i32
    %eq3A_118 = vector.broadcast %eq3A_117 : i32 to vector<32x1xi32>
    %eq3A_119 = arith.cmpi eq, %iota3A, %eq3A_118 : vector<32x1xi32>
    %get3A_120 = arith.index_cast %add3A_3 : i32 to index
    %get3A_121 = arith.constant 7 : index
    %get3A_122 = memref.load %arg4[%get3A_120, %get3A_121] : memref<16x32xf32, #tpu.memory_space<smem>>
    %broadcast_in_dim3A_123 = vector.broadcast %get3A_122 : f32 to vector<32x1xf32>
    %select_n3A_124 = arith.select %eq3A_119, %broadcast_in_dim3A_123, %select_n3A_108 : vector<32x1xi1>, vector<32x1xf32>
    %eq3A_125 = arith.constant 7 : i32
    %eq3A_126 = vector.broadcast %eq3A_125 : i32 to vector<32x1xi32>
    %eq3A_127 = arith.cmpi eq, %iota3A, %eq3A_126 : vector<32x1xi32>
    %get3A_128 = arith.index_cast %add3A_3 : i32 to index
    %get3A_129 = arith.constant 7 : index
    %get3A_130 = memref.load %arg5[%get3A_128, %get3A_129] : memref<16x32xf32, #tpu.memory_space<smem>>
    %broadcast_in_dim3A_131 = vector.broadcast %get3A_130 : f32 to vector<32x1xf32>
    %select_n3A_132 = arith.select %eq3A_127, %broadcast_in_dim3A_131, %select_n3A_116 : vector<32x1xi1>, vector<32x1xf32>
    %eq3A_133 = arith.constant 8 : i32
    %eq3A_134 = vector.broadcast %eq3A_133 : i32 to vector<32x1xi32>
    %eq3A_135 = arith.cmpi eq, %iota3A, %eq3A_134 : vector<32x1xi32>
    %get3A_136 = arith.index_cast %add3A_3 : i32 to index
    %get3A_137 = arith.constant 8 : index
    %get3A_138 = memref.load %arg4[%get3A_136, %get3A_137] : memref<16x32xf32, #tpu.memory_space<smem>>
    %broadcast_in_dim3A_139 = vector.broadcast %get3A_138 : f32 to vector<32x1xf32>
    %select_n3A_140 = arith.select %eq3A_135, %broadcast_in_dim3A_139, %select_n3A_124 : vector<32x1xi1>, vector<32x1xf32>
    %eq3A_141 = arith.constant 8 : i32
    %eq3A_142 = vector.broadcast %eq3A_141 : i32 to vector<32x1xi32>
    %eq3A_143 = arith.cmpi eq, %iota3A, %eq3A_142 : vector<32x1xi32>
    %get3A_144 = arith.index_cast %add3A_3 : i32 to index
    %get3A_145 = arith.constant 8 : index
    %get3A_146 = memref.load %arg5[%get3A_144, %get3A_145] : memref<16x32xf32, #tpu.memory_space<smem>>
    %broadcast_in_dim3A_147 = vector.broadcast %get3A_146 : f32 to vector<32x1xf32>
    %select_n3A_148 = arith.select %eq3A_143, %broadcast_in_dim3A_147, %select_n3A_132 : vector<32x1xi1>, vector<32x1xf32>
    %eq3A_149 = arith.constant 9 : i32
    %eq3A_150 = vector.broadcast %eq3A_149 : i32 to vector<32x1xi32>
    %eq3A_151 = arith.cmpi eq, %iota3A, %eq3A_150 : vector<32x1xi32>
    %get3A_152 = arith.index_cast %add3A_3 : i32 to index
    %get3A_153 = arith.constant 9 : index
    %get3A_154 = memref.load %arg4[%get3A_152, %get3A_153] : memref<16x32xf32, #tpu.memory_space<smem>>
    %broadcast_in_dim3A_155 = vector.broadcast %get3A_154 : f32 to vector<32x1xf32>
    %select_n3A_156 = arith.select %eq3A_151, %broadcast_in_dim3A_155, %select_n3A_140 : vector<32x1xi1>, vector<32x1xf32>
    %eq3A_157 = arith.constant 9 : i32
    %eq3A_158 = vector.broadcast %eq3A_157 : i32 to vector<32x1xi32>
    %eq3A_159 = arith.cmpi eq, %iota3A, %eq3A_158 : vector<32x1xi32>
    %get3A_160 = arith.index_cast %add3A_3 : i32 to index
    %get3A_161 = arith.constant 9 : index
    %get3A_162 = memref.load %arg5[%get3A_160, %get3A_161] : memref<16x32xf32, #tpu.memory_space<smem>>
    %broadcast_in_dim3A_163 = vector.broadcast %get3A_162 : f32 to vector<32x1xf32>
    %select_n3A_164 = arith.select %eq3A_159, %broadcast_in_dim3A_163, %select_n3A_148 : vector<32x1xi1>, vector<32x1xf32>
    %eq3A_165 = arith.constant 10 : i32
    %eq3A_166 = vector.broadcast %eq3A_165 : i32 to vector<32x1xi32>
    %eq3A_167 = arith.cmpi eq, %iota3A, %eq3A_166 : vector<32x1xi32>
    %get3A_168 = arith.index_cast %add3A_3 : i32 to index
    %get3A_169 = arith.constant 10 : index
    %get3A_170 = memref.load %arg4[%get3A_168, %get3A_169] : memref<16x32xf32, #tpu.memory_space<smem>>
    %broadcast_in_dim3A_171 = vector.broadcast %get3A_170 : f32 to vector<32x1xf32>
    %select_n3A_172 = arith.select %eq3A_167, %broadcast_in_dim3A_171, %select_n3A_156 : vector<32x1xi1>, vector<32x1xf32>
    %eq3A_173 = arith.constant 10 : i32
    %eq3A_174 = vector.broadcast %eq3A_173 : i32 to vector<32x1xi32>
    %eq3A_175 = arith.cmpi eq, %iota3A, %eq3A_174 : vector<32x1xi32>
    %get3A_176 = arith.index_cast %add3A_3 : i32 to index
    %get3A_177 = arith.constant 10 : index
    %get3A_178 = memref.load %arg5[%get3A_176, %get3A_177] : memref<16x32xf32, #tpu.memory_space<smem>>
    %broadcast_in_dim3A_179 = vector.broadcast %get3A_178 : f32 to vector<32x1xf32>
    %select_n3A_180 = arith.select %eq3A_175, %broadcast_in_dim3A_179, %select_n3A_164 : vector<32x1xi1>, vector<32x1xf32>
    %eq3A_181 = arith.constant 11 : i32
    %eq3A_182 = vector.broadcast %eq3A_181 : i32 to vector<32x1xi32>
    %eq3A_183 = arith.cmpi eq, %iota3A, %eq3A_182 : vector<32x1xi32>
    %get3A_184 = arith.index_cast %add3A_3 : i32 to index
    %get3A_185 = arith.constant 11 : index
    %get3A_186 = memref.load %arg4[%get3A_184, %get3A_185] : memref<16x32xf32, #tpu.memory_space<smem>>
    %broadcast_in_dim3A_187 = vector.broadcast %get3A_186 : f32 to vector<32x1xf32>
    %select_n3A_188 = arith.select %eq3A_183, %broadcast_in_dim3A_187, %select_n3A_172 : vector<32x1xi1>, vector<32x1xf32>
    %eq3A_189 = arith.constant 11 : i32
    %eq3A_190 = vector.broadcast %eq3A_189 : i32 to vector<32x1xi32>
    %eq3A_191 = arith.cmpi eq, %iota3A, %eq3A_190 : vector<32x1xi32>
    %get3A_192 = arith.index_cast %add3A_3 : i32 to index
    %get3A_193 = arith.constant 11 : index
    %get3A_194 = memref.load %arg5[%get3A_192, %get3A_193] : memref<16x32xf32, #tpu.memory_space<smem>>
    %broadcast_in_dim3A_195 = vector.broadcast %get3A_194 : f32 to vector<32x1xf32>
    %select_n3A_196 = arith.select %eq3A_191, %broadcast_in_dim3A_195, %select_n3A_180 : vector<32x1xi1>, vector<32x1xf32>
    %eq3A_197 = arith.constant 12 : i32
    %eq3A_198 = vector.broadcast %eq3A_197 : i32 to vector<32x1xi32>
    %eq3A_199 = arith.cmpi eq, %iota3A, %eq3A_198 : vector<32x1xi32>
    %get3A_200 = arith.index_cast %add3A_3 : i32 to index
    %get3A_201 = arith.constant 12 : index
    %get3A_202 = memref.load %arg4[%get3A_200, %get3A_201] : memref<16x32xf32, #tpu.memory_space<smem>>
    %broadcast_in_dim3A_203 = vector.broadcast %get3A_202 : f32 to vector<32x1xf32>
    %select_n3A_204 = arith.select %eq3A_199, %broadcast_in_dim3A_203, %select_n3A_188 : vector<32x1xi1>, vector<32x1xf32>
    %eq3A_205 = arith.constant 12 : i32
    %eq3A_206 = vector.broadcast %eq3A_205 : i32 to vector<32x1xi32>
    %eq3A_207 = arith.cmpi eq, %iota3A, %eq3A_206 : vector<32x1xi32>
    %get3A_208 = arith.index_cast %add3A_3 : i32 to index
    %get3A_209 = arith.constant 12 : index
    %get3A_210 = memref.load %arg5[%get3A_208, %get3A_209] : memref<16x32xf32, #tpu.memory_space<smem>>
    %broadcast_in_dim3A_211 = vector.broadcast %get3A_210 : f32 to vector<32x1xf32>
    %select_n3A_212 = arith.select %eq3A_207, %broadcast_in_dim3A_211, %select_n3A_196 : vector<32x1xi1>, vector<32x1xf32>
    %eq3A_213 = arith.constant 13 : i32
    %eq3A_214 = vector.broadcast %eq3A_213 : i32 to vector<32x1xi32>
    %eq3A_215 = arith.cmpi eq, %iota3A, %eq3A_214 : vector<32x1xi32>
    %get3A_216 = arith.index_cast %add3A_3 : i32 to index
    %get3A_217 = arith.constant 13 : index
    %get3A_218 = memref.load %arg4[%get3A_216, %get3A_217] : memref<16x32xf32, #tpu.memory_space<smem>>
    %broadcast_in_dim3A_219 = vector.broadcast %get3A_218 : f32 to vector<32x1xf32>
    %select_n3A_220 = arith.select %eq3A_215, %broadcast_in_dim3A_219, %select_n3A_204 : vector<32x1xi1>, vector<32x1xf32>
    %eq3A_221 = arith.constant 13 : i32
    %eq3A_222 = vector.broadcast %eq3A_221 : i32 to vector<32x1xi32>
    %eq3A_223 = arith.cmpi eq, %iota3A, %eq3A_222 : vector<32x1xi32>
    %get3A_224 = arith.index_cast %add3A_3 : i32 to index
    %get3A_225 = arith.constant 13 : index
    %get3A_226 = memref.load %arg5[%get3A_224, %get3A_225] : memref<16x32xf32, #tpu.memory_space<smem>>
    %broadcast_in_dim3A_227 = vector.broadcast %get3A_226 : f32 to vector<32x1xf32>
    %select_n3A_228 = arith.select %eq3A_223, %broadcast_in_dim3A_227, %select_n3A_212 : vector<32x1xi1>, vector<32x1xf32>
    %eq3A_229 = arith.constant 14 : i32
    %eq3A_230 = vector.broadcast %eq3A_229 : i32 to vector<32x1xi32>
    %eq3A_231 = arith.cmpi eq, %iota3A, %eq3A_230 : vector<32x1xi32>
    %get3A_232 = arith.index_cast %add3A_3 : i32 to index
    %get3A_233 = arith.constant 14 : index
    %get3A_234 = memref.load %arg4[%get3A_232, %get3A_233] : memref<16x32xf32, #tpu.memory_space<smem>>
    %broadcast_in_dim3A_235 = vector.broadcast %get3A_234 : f32 to vector<32x1xf32>
    %select_n3A_236 = arith.select %eq3A_231, %broadcast_in_dim3A_235, %select_n3A_220 : vector<32x1xi1>, vector<32x1xf32>
    %eq3A_237 = arith.constant 14 : i32
    %eq3A_238 = vector.broadcast %eq3A_237 : i32 to vector<32x1xi32>
    %eq3A_239 = arith.cmpi eq, %iota3A, %eq3A_238 : vector<32x1xi32>
    %get3A_240 = arith.index_cast %add3A_3 : i32 to index
    %get3A_241 = arith.constant 14 : index
    %get3A_242 = memref.load %arg5[%get3A_240, %get3A_241] : memref<16x32xf32, #tpu.memory_space<smem>>
    %broadcast_in_dim3A_243 = vector.broadcast %get3A_242 : f32 to vector<32x1xf32>
    %select_n3A_244 = arith.select %eq3A_239, %broadcast_in_dim3A_243, %select_n3A_228 : vector<32x1xi1>, vector<32x1xf32>
    %eq3A_245 = arith.constant 15 : i32
    %eq3A_246 = vector.broadcast %eq3A_245 : i32 to vector<32x1xi32>
    %eq3A_247 = arith.cmpi eq, %iota3A, %eq3A_246 : vector<32x1xi32>
    %get3A_248 = arith.index_cast %add3A_3 : i32 to index
    %get3A_249 = arith.constant 15 : index
    %get3A_250 = memref.load %arg4[%get3A_248, %get3A_249] : memref<16x32xf32, #tpu.memory_space<smem>>
    %broadcast_in_dim3A_251 = vector.broadcast %get3A_250 : f32 to vector<32x1xf32>
    %select_n3A_252 = arith.select %eq3A_247, %broadcast_in_dim3A_251, %select_n3A_236 : vector<32x1xi1>, vector<32x1xf32>
    %eq3A_253 = arith.constant 15 : i32
    %eq3A_254 = vector.broadcast %eq3A_253 : i32 to vector<32x1xi32>
    %eq3A_255 = arith.cmpi eq, %iota3A, %eq3A_254 : vector<32x1xi32>
    %get3A_256 = arith.index_cast %add3A_3 : i32 to index
    %get3A_257 = arith.constant 15 : index
    %get3A_258 = memref.load %arg5[%get3A_256, %get3A_257] : memref<16x32xf32, #tpu.memory_space<smem>>
    %broadcast_in_dim3A_259 = vector.broadcast %get3A_258 : f32 to vector<32x1xf32>
    %select_n3A_260 = arith.select %eq3A_255, %broadcast_in_dim3A_259, %select_n3A_244 : vector<32x1xi1>, vector<32x1xf32>
    %eq3A_261 = arith.constant 16 : i32
    %eq3A_262 = vector.broadcast %eq3A_261 : i32 to vector<32x1xi32>
    %eq3A_263 = arith.cmpi eq, %iota3A, %eq3A_262 : vector<32x1xi32>
    %get3A_264 = arith.index_cast %add3A_3 : i32 to index
    %get3A_265 = arith.constant 16 : index
    %get3A_266 = memref.load %arg4[%get3A_264, %get3A_265] : memref<16x32xf32, #tpu.memory_space<smem>>
    %broadcast_in_dim3A_267 = vector.broadcast %get3A_266 : f32 to vector<32x1xf32>
    %select_n3A_268 = arith.select %eq3A_263, %broadcast_in_dim3A_267, %select_n3A_252 : vector<32x1xi1>, vector<32x1xf32>
    %eq3A_269 = arith.constant 16 : i32
    %eq3A_270 = vector.broadcast %eq3A_269 : i32 to vector<32x1xi32>
    %eq3A_271 = arith.cmpi eq, %iota3A, %eq3A_270 : vector<32x1xi32>
    %get3A_272 = arith.index_cast %add3A_3 : i32 to index
    %get3A_273 = arith.constant 16 : index
    %get3A_274 = memref.load %arg5[%get3A_272, %get3A_273] : memref<16x32xf32, #tpu.memory_space<smem>>
    %broadcast_in_dim3A_275 = vector.broadcast %get3A_274 : f32 to vector<32x1xf32>
    %select_n3A_276 = arith.select %eq3A_271, %broadcast_in_dim3A_275, %select_n3A_260 : vector<32x1xi1>, vector<32x1xf32>
    %eq3A_277 = arith.constant 17 : i32
    %eq3A_278 = vector.broadcast %eq3A_277 : i32 to vector<32x1xi32>
    %eq3A_279 = arith.cmpi eq, %iota3A, %eq3A_278 : vector<32x1xi32>
    %get3A_280 = arith.index_cast %add3A_3 : i32 to index
    %get3A_281 = arith.constant 17 : index
    %get3A_282 = memref.load %arg4[%get3A_280, %get3A_281] : memref<16x32xf32, #tpu.memory_space<smem>>
    %broadcast_in_dim3A_283 = vector.broadcast %get3A_282 : f32 to vector<32x1xf32>
    %select_n3A_284 = arith.select %eq3A_279, %broadcast_in_dim3A_283, %select_n3A_268 : vector<32x1xi1>, vector<32x1xf32>
    %eq3A_285 = arith.constant 17 : i32
    %eq3A_286 = vector.broadcast %eq3A_285 : i32 to vector<32x1xi32>
    %eq3A_287 = arith.cmpi eq, %iota3A, %eq3A_286 : vector<32x1xi32>
    %get3A_288 = arith.index_cast %add3A_3 : i32 to index
    %get3A_289 = arith.constant 17 : index
    %get3A_290 = memref.load %arg5[%get3A_288, %get3A_289] : memref<16x32xf32, #tpu.memory_space<smem>>
    %broadcast_in_dim3A_291 = vector.broadcast %get3A_290 : f32 to vector<32x1xf32>
    %select_n3A_292 = arith.select %eq3A_287, %broadcast_in_dim3A_291, %select_n3A_276 : vector<32x1xi1>, vector<32x1xf32>
    %eq3A_293 = arith.constant 18 : i32
    %eq3A_294 = vector.broadcast %eq3A_293 : i32 to vector<32x1xi32>
    %eq3A_295 = arith.cmpi eq, %iota3A, %eq3A_294 : vector<32x1xi32>
    %get3A_296 = arith.index_cast %add3A_3 : i32 to index
    %get3A_297 = arith.constant 18 : index
    %get3A_298 = memref.load %arg4[%get3A_296, %get3A_297] : memref<16x32xf32, #tpu.memory_space<smem>>
    %broadcast_in_dim3A_299 = vector.broadcast %get3A_298 : f32 to vector<32x1xf32>
    %select_n3A_300 = arith.select %eq3A_295, %broadcast_in_dim3A_299, %select_n3A_284 : vector<32x1xi1>, vector<32x1xf32>
    %eq3A_301 = arith.constant 18 : i32
    %eq3A_302 = vector.broadcast %eq3A_301 : i32 to vector<32x1xi32>
    %eq3A_303 = arith.cmpi eq, %iota3A, %eq3A_302 : vector<32x1xi32>
    %get3A_304 = arith.index_cast %add3A_3 : i32 to index
    %get3A_305 = arith.constant 18 : index
    %get3A_306 = memref.load %arg5[%get3A_304, %get3A_305] : memref<16x32xf32, #tpu.memory_space<smem>>
    %broadcast_in_dim3A_307 = vector.broadcast %get3A_306 : f32 to vector<32x1xf32>
    %select_n3A_308 = arith.select %eq3A_303, %broadcast_in_dim3A_307, %select_n3A_292 : vector<32x1xi1>, vector<32x1xf32>
    %eq3A_309 = arith.constant 19 : i32
    %eq3A_310 = vector.broadcast %eq3A_309 : i32 to vector<32x1xi32>
    %eq3A_311 = arith.cmpi eq, %iota3A, %eq3A_310 : vector<32x1xi32>
    %get3A_312 = arith.index_cast %add3A_3 : i32 to index
    %get3A_313 = arith.constant 19 : index
    %get3A_314 = memref.load %arg4[%get3A_312, %get3A_313] : memref<16x32xf32, #tpu.memory_space<smem>>
    %broadcast_in_dim3A_315 = vector.broadcast %get3A_314 : f32 to vector<32x1xf32>
    %select_n3A_316 = arith.select %eq3A_311, %broadcast_in_dim3A_315, %select_n3A_300 : vector<32x1xi1>, vector<32x1xf32>
    %eq3A_317 = arith.constant 19 : i32
    %eq3A_318 = vector.broadcast %eq3A_317 : i32 to vector<32x1xi32>
    %eq3A_319 = arith.cmpi eq, %iota3A, %eq3A_318 : vector<32x1xi32>
    %get3A_320 = arith.index_cast %add3A_3 : i32 to index
    %get3A_321 = arith.constant 19 : index
    %get3A_322 = memref.load %arg5[%get3A_320, %get3A_321] : memref<16x32xf32, #tpu.memory_space<smem>>
    %broadcast_in_dim3A_323 = vector.broadcast %get3A_322 : f32 to vector<32x1xf32>
    %select_n3A_324 = arith.select %eq3A_319, %broadcast_in_dim3A_323, %select_n3A_308 : vector<32x1xi1>, vector<32x1xf32>
    %eq3A_325 = arith.constant 20 : i32
    %eq3A_326 = vector.broadcast %eq3A_325 : i32 to vector<32x1xi32>
    %eq3A_327 = arith.cmpi eq, %iota3A, %eq3A_326 : vector<32x1xi32>
    %get3A_328 = arith.index_cast %add3A_3 : i32 to index
    %get3A_329 = arith.constant 20 : index
    %get3A_330 = memref.load %arg4[%get3A_328, %get3A_329] : memref<16x32xf32, #tpu.memory_space<smem>>
    %broadcast_in_dim3A_331 = vector.broadcast %get3A_330 : f32 to vector<32x1xf32>
    %select_n3A_332 = arith.select %eq3A_327, %broadcast_in_dim3A_331, %select_n3A_316 : vector<32x1xi1>, vector<32x1xf32>
    %eq3A_333 = arith.constant 20 : i32
    %eq3A_334 = vector.broadcast %eq3A_333 : i32 to vector<32x1xi32>
    %eq3A_335 = arith.cmpi eq, %iota3A, %eq3A_334 : vector<32x1xi32>
    %get3A_336 = arith.index_cast %add3A_3 : i32 to index
    %get3A_337 = arith.constant 20 : index
    %get3A_338 = memref.load %arg5[%get3A_336, %get3A_337] : memref<16x32xf32, #tpu.memory_space<smem>>
    %broadcast_in_dim3A_339 = vector.broadcast %get3A_338 : f32 to vector<32x1xf32>
    %select_n3A_340 = arith.select %eq3A_335, %broadcast_in_dim3A_339, %select_n3A_324 : vector<32x1xi1>, vector<32x1xf32>
    %eq3A_341 = arith.constant 21 : i32
    %eq3A_342 = vector.broadcast %eq3A_341 : i32 to vector<32x1xi32>
    %eq3A_343 = arith.cmpi eq, %iota3A, %eq3A_342 : vector<32x1xi32>
    %get3A_344 = arith.index_cast %add3A_3 : i32 to index
    %get3A_345 = arith.constant 21 : index
    %get3A_346 = memref.load %arg4[%get3A_344, %get3A_345] : memref<16x32xf32, #tpu.memory_space<smem>>
    %broadcast_in_dim3A_347 = vector.broadcast %get3A_346 : f32 to vector<32x1xf32>
    %select_n3A_348 = arith.select %eq3A_343, %broadcast_in_dim3A_347, %select_n3A_332 : vector<32x1xi1>, vector<32x1xf32>
    %eq3A_349 = arith.constant 21 : i32
    %eq3A_350 = vector.broadcast %eq3A_349 : i32 to vector<32x1xi32>
    %eq3A_351 = arith.cmpi eq, %iota3A, %eq3A_350 : vector<32x1xi32>
    %get3A_352 = arith.index_cast %add3A_3 : i32 to index
    %get3A_353 = arith.constant 21 : index
    %get3A_354 = memref.load %arg5[%get3A_352, %get3A_353] : memref<16x32xf32, #tpu.memory_space<smem>>
    %broadcast_in_dim3A_355 = vector.broadcast %get3A_354 : f32 to vector<32x1xf32>
    %select_n3A_356 = arith.select %eq3A_351, %broadcast_in_dim3A_355, %select_n3A_340 : vector<32x1xi1>, vector<32x1xf32>
    %eq3A_357 = arith.constant 22 : i32
    %eq3A_358 = vector.broadcast %eq3A_357 : i32 to vector<32x1xi32>
    %eq3A_359 = arith.cmpi eq, %iota3A, %eq3A_358 : vector<32x1xi32>
    %get3A_360 = arith.index_cast %add3A_3 : i32 to index
    %get3A_361 = arith.constant 22 : index
    %get3A_362 = memref.load %arg4[%get3A_360, %get3A_361] : memref<16x32xf32, #tpu.memory_space<smem>>
    %broadcast_in_dim3A_363 = vector.broadcast %get3A_362 : f32 to vector<32x1xf32>
    %select_n3A_364 = arith.select %eq3A_359, %broadcast_in_dim3A_363, %select_n3A_348 : vector<32x1xi1>, vector<32x1xf32>
    %eq3A_365 = arith.constant 22 : i32
    %eq3A_366 = vector.broadcast %eq3A_365 : i32 to vector<32x1xi32>
    %eq3A_367 = arith.cmpi eq, %iota3A, %eq3A_366 : vector<32x1xi32>
    %get3A_368 = arith.index_cast %add3A_3 : i32 to index
    %get3A_369 = arith.constant 22 : index
    %get3A_370 = memref.load %arg5[%get3A_368, %get3A_369] : memref<16x32xf32, #tpu.memory_space<smem>>
    %broadcast_in_dim3A_371 = vector.broadcast %get3A_370 : f32 to vector<32x1xf32>
    %select_n3A_372 = arith.select %eq3A_367, %broadcast_in_dim3A_371, %select_n3A_356 : vector<32x1xi1>, vector<32x1xf32>
    %eq3A_373 = arith.constant 23 : i32
    %eq3A_374 = vector.broadcast %eq3A_373 : i32 to vector<32x1xi32>
    %eq3A_375 = arith.cmpi eq, %iota3A, %eq3A_374 : vector<32x1xi32>
    %get3A_376 = arith.index_cast %add3A_3 : i32 to index
    %get3A_377 = arith.constant 23 : index
    %get3A_378 = memref.load %arg4[%get3A_376, %get3A_377] : memref<16x32xf32, #tpu.memory_space<smem>>
    %broadcast_in_dim3A_379 = vector.broadcast %get3A_378 : f32 to vector<32x1xf32>
    %select_n3A_380 = arith.select %eq3A_375, %broadcast_in_dim3A_379, %select_n3A_364 : vector<32x1xi1>, vector<32x1xf32>
    %eq3A_381 = arith.constant 23 : i32
    %eq3A_382 = vector.broadcast %eq3A_381 : i32 to vector<32x1xi32>
    %eq3A_383 = arith.cmpi eq, %iota3A, %eq3A_382 : vector<32x1xi32>
    %get3A_384 = arith.index_cast %add3A_3 : i32 to index
    %get3A_385 = arith.constant 23 : index
    %get3A_386 = memref.load %arg5[%get3A_384, %get3A_385] : memref<16x32xf32, #tpu.memory_space<smem>>
    %broadcast_in_dim3A_387 = vector.broadcast %get3A_386 : f32 to vector<32x1xf32>
    %select_n3A_388 = arith.select %eq3A_383, %broadcast_in_dim3A_387, %select_n3A_372 : vector<32x1xi1>, vector<32x1xf32>
    %eq3A_389 = arith.constant 24 : i32
    %eq3A_390 = vector.broadcast %eq3A_389 : i32 to vector<32x1xi32>
    %eq3A_391 = arith.cmpi eq, %iota3A, %eq3A_390 : vector<32x1xi32>
    %get3A_392 = arith.index_cast %add3A_3 : i32 to index
    %get3A_393 = arith.constant 24 : index
    %get3A_394 = memref.load %arg4[%get3A_392, %get3A_393] : memref<16x32xf32, #tpu.memory_space<smem>>
    %broadcast_in_dim3A_395 = vector.broadcast %get3A_394 : f32 to vector<32x1xf32>
    %select_n3A_396 = arith.select %eq3A_391, %broadcast_in_dim3A_395, %select_n3A_380 : vector<32x1xi1>, vector<32x1xf32>
    %eq3A_397 = arith.constant 24 : i32
    %eq3A_398 = vector.broadcast %eq3A_397 : i32 to vector<32x1xi32>
    %eq3A_399 = arith.cmpi eq, %iota3A, %eq3A_398 : vector<32x1xi32>
    %get3A_400 = arith.index_cast %add3A_3 : i32 to index
    %get3A_401 = arith.constant 24 : index
    %get3A_402 = memref.load %arg5[%get3A_400, %get3A_401] : memref<16x32xf32, #tpu.memory_space<smem>>
    %broadcast_in_dim3A_403 = vector.broadcast %get3A_402 : f32 to vector<32x1xf32>
    %select_n3A_404 = arith.select %eq3A_399, %broadcast_in_dim3A_403, %select_n3A_388 : vector<32x1xi1>, vector<32x1xf32>
    %eq3A_405 = arith.constant 25 : i32
    %eq3A_406 = vector.broadcast %eq3A_405 : i32 to vector<32x1xi32>
    %eq3A_407 = arith.cmpi eq, %iota3A, %eq3A_406 : vector<32x1xi32>
    %get3A_408 = arith.index_cast %add3A_3 : i32 to index
    %get3A_409 = arith.constant 25 : index
    %get3A_410 = memref.load %arg4[%get3A_408, %get3A_409] : memref<16x32xf32, #tpu.memory_space<smem>>
    %broadcast_in_dim3A_411 = vector.broadcast %get3A_410 : f32 to vector<32x1xf32>
    %select_n3A_412 = arith.select %eq3A_407, %broadcast_in_dim3A_411, %select_n3A_396 : vector<32x1xi1>, vector<32x1xf32>
    %eq3A_413 = arith.constant 25 : i32
    %eq3A_414 = vector.broadcast %eq3A_413 : i32 to vector<32x1xi32>
    %eq3A_415 = arith.cmpi eq, %iota3A, %eq3A_414 : vector<32x1xi32>
    %get3A_416 = arith.index_cast %add3A_3 : i32 to index
    %get3A_417 = arith.constant 25 : index
    %get3A_418 = memref.load %arg5[%get3A_416, %get3A_417] : memref<16x32xf32, #tpu.memory_space<smem>>
    %broadcast_in_dim3A_419 = vector.broadcast %get3A_418 : f32 to vector<32x1xf32>
    %select_n3A_420 = arith.select %eq3A_415, %broadcast_in_dim3A_419, %select_n3A_404 : vector<32x1xi1>, vector<32x1xf32>
    %eq3A_421 = arith.constant 26 : i32
    %eq3A_422 = vector.broadcast %eq3A_421 : i32 to vector<32x1xi32>
    %eq3A_423 = arith.cmpi eq, %iota3A, %eq3A_422 : vector<32x1xi32>
    %get3A_424 = arith.index_cast %add3A_3 : i32 to index
    %get3A_425 = arith.constant 26 : index
    %get3A_426 = memref.load %arg4[%get3A_424, %get3A_425] : memref<16x32xf32, #tpu.memory_space<smem>>
    %broadcast_in_dim3A_427 = vector.broadcast %get3A_426 : f32 to vector<32x1xf32>
    %select_n3A_428 = arith.select %eq3A_423, %broadcast_in_dim3A_427, %select_n3A_412 : vector<32x1xi1>, vector<32x1xf32>
    %eq3A_429 = arith.constant 26 : i32
    %eq3A_430 = vector.broadcast %eq3A_429 : i32 to vector<32x1xi32>
    %eq3A_431 = arith.cmpi eq, %iota3A, %eq3A_430 : vector<32x1xi32>
    %get3A_432 = arith.index_cast %add3A_3 : i32 to index
    %get3A_433 = arith.constant 26 : index
    %get3A_434 = memref.load %arg5[%get3A_432, %get3A_433] : memref<16x32xf32, #tpu.memory_space<smem>>
    %broadcast_in_dim3A_435 = vector.broadcast %get3A_434 : f32 to vector<32x1xf32>
    %select_n3A_436 = arith.select %eq3A_431, %broadcast_in_dim3A_435, %select_n3A_420 : vector<32x1xi1>, vector<32x1xf32>
    %eq3A_437 = arith.constant 27 : i32
    %eq3A_438 = vector.broadcast %eq3A_437 : i32 to vector<32x1xi32>
    %eq3A_439 = arith.cmpi eq, %iota3A, %eq3A_438 : vector<32x1xi32>
    %get3A_440 = arith.index_cast %add3A_3 : i32 to index
    %get3A_441 = arith.constant 27 : index
    %get3A_442 = memref.load %arg4[%get3A_440, %get3A_441] : memref<16x32xf32, #tpu.memory_space<smem>>
    %broadcast_in_dim3A_443 = vector.broadcast %get3A_442 : f32 to vector<32x1xf32>
    %select_n3A_444 = arith.select %eq3A_439, %broadcast_in_dim3A_443, %select_n3A_428 : vector<32x1xi1>, vector<32x1xf32>
    %eq3A_445 = arith.constant 27 : i32
    %eq3A_446 = vector.broadcast %eq3A_445 : i32 to vector<32x1xi32>
    %eq3A_447 = arith.cmpi eq, %iota3A, %eq3A_446 : vector<32x1xi32>
    %get3A_448 = arith.index_cast %add3A_3 : i32 to index
    %get3A_449 = arith.constant 27 : index
    %get3A_450 = memref.load %arg5[%get3A_448, %get3A_449] : memref<16x32xf32, #tpu.memory_space<smem>>
    %broadcast_in_dim3A_451 = vector.broadcast %get3A_450 : f32 to vector<32x1xf32>
    %select_n3A_452 = arith.select %eq3A_447, %broadcast_in_dim3A_451, %select_n3A_436 : vector<32x1xi1>, vector<32x1xf32>
    %eq3A_453 = arith.constant 28 : i32
    %eq3A_454 = vector.broadcast %eq3A_453 : i32 to vector<32x1xi32>
    %eq3A_455 = arith.cmpi eq, %iota3A, %eq3A_454 : vector<32x1xi32>
    %get3A_456 = arith.index_cast %add3A_3 : i32 to index
    %get3A_457 = arith.constant 28 : index
    %get3A_458 = memref.load %arg4[%get3A_456, %get3A_457] : memref<16x32xf32, #tpu.memory_space<smem>>
    %broadcast_in_dim3A_459 = vector.broadcast %get3A_458 : f32 to vector<32x1xf32>
    %select_n3A_460 = arith.select %eq3A_455, %broadcast_in_dim3A_459, %select_n3A_444 : vector<32x1xi1>, vector<32x1xf32>
    %eq3A_461 = arith.constant 28 : i32
    %eq3A_462 = vector.broadcast %eq3A_461 : i32 to vector<32x1xi32>
    %eq3A_463 = arith.cmpi eq, %iota3A, %eq3A_462 : vector<32x1xi32>
    %get3A_464 = arith.index_cast %add3A_3 : i32 to index
    %get3A_465 = arith.constant 28 : index
    %get3A_466 = memref.load %arg5[%get3A_464, %get3A_465] : memref<16x32xf32, #tpu.memory_space<smem>>
    %broadcast_in_dim3A_467 = vector.broadcast %get3A_466 : f32 to vector<32x1xf32>
    %select_n3A_468 = arith.select %eq3A_463, %broadcast_in_dim3A_467, %select_n3A_452 : vector<32x1xi1>, vector<32x1xf32>
    %eq3A_469 = arith.constant 29 : i32
    %eq3A_470 = vector.broadcast %eq3A_469 : i32 to vector<32x1xi32>
    %eq3A_471 = arith.cmpi eq, %iota3A, %eq3A_470 : vector<32x1xi32>
    %get3A_472 = arith.index_cast %add3A_3 : i32 to index
    %get3A_473 = arith.constant 29 : index
    %get3A_474 = memref.load %arg4[%get3A_472, %get3A_473] : memref<16x32xf32, #tpu.memory_space<smem>>
    %broadcast_in_dim3A_475 = vector.broadcast %get3A_474 : f32 to vector<32x1xf32>
    %select_n3A_476 = arith.select %eq3A_471, %broadcast_in_dim3A_475, %select_n3A_460 : vector<32x1xi1>, vector<32x1xf32>
    %eq3A_477 = arith.constant 29 : i32
    %eq3A_478 = vector.broadcast %eq3A_477 : i32 to vector<32x1xi32>
    %eq3A_479 = arith.cmpi eq, %iota3A, %eq3A_478 : vector<32x1xi32>
    %get3A_480 = arith.index_cast %add3A_3 : i32 to index
    %get3A_481 = arith.constant 29 : index
    %get3A_482 = memref.load %arg5[%get3A_480, %get3A_481] : memref<16x32xf32, #tpu.memory_space<smem>>
    %broadcast_in_dim3A_483 = vector.broadcast %get3A_482 : f32 to vector<32x1xf32>
    %select_n3A_484 = arith.select %eq3A_479, %broadcast_in_dim3A_483, %select_n3A_468 : vector<32x1xi1>, vector<32x1xf32>
    %eq3A_485 = arith.constant 30 : i32
    %eq3A_486 = vector.broadcast %eq3A_485 : i32 to vector<32x1xi32>
    %eq3A_487 = arith.cmpi eq, %iota3A, %eq3A_486 : vector<32x1xi32>
    %get3A_488 = arith.index_cast %add3A_3 : i32 to index
    %get3A_489 = arith.constant 30 : index
    %get3A_490 = memref.load %arg4[%get3A_488, %get3A_489] : memref<16x32xf32, #tpu.memory_space<smem>>
    %broadcast_in_dim3A_491 = vector.broadcast %get3A_490 : f32 to vector<32x1xf32>
    %select_n3A_492 = arith.select %eq3A_487, %broadcast_in_dim3A_491, %select_n3A_476 : vector<32x1xi1>, vector<32x1xf32>
    %eq3A_493 = arith.constant 30 : i32
    %eq3A_494 = vector.broadcast %eq3A_493 : i32 to vector<32x1xi32>
    %eq3A_495 = arith.cmpi eq, %iota3A, %eq3A_494 : vector<32x1xi32>
    %get3A_496 = arith.index_cast %add3A_3 : i32 to index
    %get3A_497 = arith.constant 30 : index
    %get3A_498 = memref.load %arg5[%get3A_496, %get3A_497] : memref<16x32xf32, #tpu.memory_space<smem>>
    %broadcast_in_dim3A_499 = vector.broadcast %get3A_498 : f32 to vector<32x1xf32>
    %select_n3A_500 = arith.select %eq3A_495, %broadcast_in_dim3A_499, %select_n3A_484 : vector<32x1xi1>, vector<32x1xf32>
    %eq3A_501 = arith.constant 31 : i32
    %eq3A_502 = vector.broadcast %eq3A_501 : i32 to vector<32x1xi32>
    %eq3A_503 = arith.cmpi eq, %iota3A, %eq3A_502 : vector<32x1xi32>
    %get3A_504 = arith.index_cast %add3A_3 : i32 to index
    %get3A_505 = arith.constant 31 : index
    %get3A_506 = memref.load %arg4[%get3A_504, %get3A_505] : memref<16x32xf32, #tpu.memory_space<smem>>
    %broadcast_in_dim3A_507 = vector.broadcast %get3A_506 : f32 to vector<32x1xf32>
    %select_n3A_508 = arith.select %eq3A_503, %broadcast_in_dim3A_507, %select_n3A_492 : vector<32x1xi1>, vector<32x1xf32>
    %eq3A_509 = arith.constant 31 : i32
    %eq3A_510 = vector.broadcast %eq3A_509 : i32 to vector<32x1xi32>
    %eq3A_511 = arith.cmpi eq, %iota3A, %eq3A_510 : vector<32x1xi32>
    %get3A_512 = arith.index_cast %add3A_3 : i32 to index
    %get3A_513 = arith.constant 31 : index
    %get3A_514 = memref.load %arg5[%get3A_512, %get3A_513] : memref<16x32xf32, #tpu.memory_space<smem>>
    %broadcast_in_dim3A_515 = vector.broadcast %get3A_514 : f32 to vector<32x1xf32>
    %select_n3A_516 = arith.select %eq3A_511, %broadcast_in_dim3A_515, %select_n3A_500 : vector<32x1xi1>, vector<32x1xf32>
    %ne3A = arith.cmpf one, %select_n3A_508, %select_n3A_508 : vector<32x1xf32>
    %jit3A = arith.constant 0.000000e+00 : f32
    %broadcast_in_dim3A_517 = vector.broadcast %jit3A : f32 to vector<32x1xf32>
    %select_n3A_518 = arith.select %ne3A, %broadcast_in_dim3A_517, %select_n3A_508 : vector<32x1xi1>, vector<32x1xf32>
    %eq3A_519 = arith.constant 0x7F800000 : f32
    %eq3A_520 = vector.broadcast %eq3A_519 : f32 to vector<32x1xf32>
    %eq3A_521 = arith.cmpf oeq, %select_n3A_518, %eq3A_520 : vector<32x1xf32>
    %jit3A_522 = arith.constant 3.40282347E+38 : f32
    %broadcast_in_dim3A_523 = vector.broadcast %jit3A_522 : f32 to vector<32x1xf32>
    %select_n3A_524 = arith.select %eq3A_521, %broadcast_in_dim3A_523, %select_n3A_518 : vector<32x1xi1>, vector<32x1xf32>
    %eq3A_525 = arith.constant 0xFF800000 : f32
    %eq3A_526 = vector.broadcast %eq3A_525 : f32 to vector<32x1xf32>
    %eq3A_527 = arith.cmpf oeq, %select_n3A_524, %eq3A_526 : vector<32x1xf32>
    %jit3A_528 = arith.constant -3.40282347E+38 : f32
    %broadcast_in_dim3A_529 = vector.broadcast %jit3A_528 : f32 to vector<32x1xf32>
    %select_n3A_530 = arith.select %eq3A_527, %broadcast_in_dim3A_529, %select_n3A_524 : vector<32x1xi1>, vector<32x1xf32>
    %ne3A_531 = arith.cmpf one, %select_n3A_516, %select_n3A_516 : vector<32x1xf32>
    %jit3A_532 = arith.constant 0.000000e+00 : f32
    %broadcast_in_dim3A_533 = vector.broadcast %jit3A_532 : f32 to vector<32x1xf32>
    %select_n3A_534 = arith.select %ne3A_531, %broadcast_in_dim3A_533, %select_n3A_516 : vector<32x1xi1>, vector<32x1xf32>
    %eq3A_535 = arith.constant 0x7F800000 : f32
    %eq3A_536 = vector.broadcast %eq3A_535 : f32 to vector<32x1xf32>
    %eq3A_537 = arith.cmpf oeq, %select_n3A_534, %eq3A_536 : vector<32x1xf32>
    %jit3A_538 = arith.constant 3.40282347E+38 : f32
    %broadcast_in_dim3A_539 = vector.broadcast %jit3A_538 : f32 to vector<32x1xf32>
    %select_n3A_540 = arith.select %eq3A_537, %broadcast_in_dim3A_539, %select_n3A_534 : vector<32x1xi1>, vector<32x1xf32>
    %eq3A_541 = arith.constant 0xFF800000 : f32
    %eq3A_542 = vector.broadcast %eq3A_541 : f32 to vector<32x1xf32>
    %eq3A_543 = arith.cmpf oeq, %select_n3A_540, %eq3A_542 : vector<32x1xf32>
    %jit3A_544 = arith.constant -3.40282347E+38 : f32
    %broadcast_in_dim3A_545 = vector.broadcast %jit3A_544 : f32 to vector<32x1xf32>
    %select_n3A_546 = arith.select %eq3A_543, %broadcast_in_dim3A_545, %select_n3A_540 : vector<32x1xi1>, vector<32x1xf32>
    %get3A_547 = arith.constant 0 : index
    %get3A_548 = arith.constant 0 : index
    %get3A_549 = arith.constant 0 : index
    %get3A_550 = vector.load %arg1[%get3A_547, %get3A_548, %get3A_549] : memref<2x8x1400xf32, #tpu.memory_space<vmem>>, vector<1x1x1400xf32>
    %get3A_551 = vector.shape_cast %get3A_550 : vector<1x1x1400xf32> to vector<1400xf32>
    %reshape3A = vector.shape_cast %get3A_551 : vector<1400xf32> to vector<1x1400xf32>
    %ne3A_552 = arith.cmpf one, %reshape3A, %reshape3A : vector<1x1400xf32>
    %jit3A_553 = arith.constant 0.000000e+00 : f32
    %broadcast_in_dim3A_554 = vector.broadcast %jit3A_553 : f32 to vector<1x1400xf32>
    %select_n3A_555 = arith.select %ne3A_552, %broadcast_in_dim3A_554, %reshape3A : vector<1x1400xi1>, vector<1x1400xf32>
    %eq3A_556 = arith.constant 0x7F800000 : f32
    %eq3A_557 = vector.broadcast %eq3A_556 : f32 to vector<1x1400xf32>
    %eq3A_558 = arith.cmpf oeq, %select_n3A_555, %eq3A_557 : vector<1x1400xf32>
    %jit3A_559 = arith.constant 3.40282347E+38 : f32
    %broadcast_in_dim3A_560 = vector.broadcast %jit3A_559 : f32 to vector<1x1400xf32>
    %select_n3A_561 = arith.select %eq3A_558, %broadcast_in_dim3A_560, %select_n3A_555 : vector<1x1400xi1>, vector<1x1400xf32>
    %eq3A_562 = arith.constant 0xFF800000 : f32
    %eq3A_563 = vector.broadcast %eq3A_562 : f32 to vector<1x1400xf32>
    %eq3A_564 = arith.cmpf oeq, %select_n3A_561, %eq3A_563 : vector<1x1400xf32>
    %jit3A_565 = arith.constant -3.40282347E+38 : f32
    %broadcast_in_dim3A_566 = vector.broadcast %jit3A_565 : f32 to vector<1x1400xf32>
    %select_n3A_567 = arith.select %eq3A_564, %broadcast_in_dim3A_566, %select_n3A_561 : vector<1x1400xi1>, vector<1x1400xf32>
    %broadcast_in_dim3A_568 = vector.shape_cast %select_n3A_567 : vector<1x1400xf32> to vector<1x1400xf32>
    %broadcast_in_dim3A_569 = vector.broadcast %broadcast_in_dim3A_568 : vector<1x1400xf32> to vector<32x1400xf32>
    %get3A_570 = arith.constant 0 : index
    %get3A_571 = arith.constant 0 : index
    %get3A_572 = vector.load %arg6[%get3A_570, %get3A_571] : memref<34x8xf32, #tpu.memory_space<vmem>>, vector<1x8xf32>
    %get3A_573 = vector.shape_cast %get3A_572 : vector<1x8xf32> to vector<8xf32>
    %reshape3A_574 = vector.shape_cast %get3A_573 : vector<8xf32> to vector<1x8xf32>
    %broadcast_in_dim3A_575 = vector.shape_cast %reshape3A_574 : vector<1x8xf32> to vector<1x8xf32>
    %broadcast_in_dim3A_576 = vector.broadcast %broadcast_in_dim3A_575 : vector<1x8xf32> to vector<32x8xf32>
    %concatenate3A = tpu.concatenate %broadcast_in_dim3A_576, %broadcast_in_dim3A_569 in 1 : vector<32x8xf32>, vector<32x1400xf32> -> vector<32x1408xf32>
    %swap3A = arith.constant 0 : index
    %swap3A_577 = arith.constant 0 : index
    %swap3A_578 = arith.constant 0 : index
    %swap3A_579 = vector.load %arg7[%swap3A, %swap3A_577, %swap3A_578] : memref<34x64x1408xf32, #tpu.memory_space<vmem>>, vector<1x32x1408xf32>
    %swap3A_580 = vector.shape_cast %swap3A_579 : vector<1x32x1408xf32> to vector<32x1408xf32>
    %swap3A_581 = vector.shape_cast %concatenate3A : vector<32x1408xf32> to vector<1x32x1408xf32>
    tpu.vector_store %arg7[%swap3A, %swap3A_577, %swap3A_578], %swap3A_581 {strides = array<i32>} : memref<34x64x1408xf32, #tpu.memory_space<vmem>>, vector<1x32x1408xf32>,
    %get3A_582 = arith.constant 0 : index
    %get3A_583 = arith.constant 1 : index
    %get3A_584 = arith.constant 0 : index
    %get3A_585 = vector.load %arg1[%get3A_582, %get3A_583, %get3A_584] : memref<2x8x1400xf32, #tpu.memory_space<vmem>>, vector<1x1x1400xf32>
    %get3A_586 = vector.shape_cast %get3A_585 : vector<1x1x1400xf32> to vector<1400xf32>
    %reshape3A_587 = vector.shape_cast %get3A_586 : vector<1400xf32> to vector<1x1400xf32>
    %ne3A_588 = arith.cmpf one, %reshape3A_587, %reshape3A_587 : vector<1x1400xf32>
    %jit3A_589 = arith.constant 0.000000e+00 : f32
    %broadcast_in_dim3A_590 = vector.broadcast %jit3A_589 : f32 to vector<1x1400xf32>
    %select_n3A_591 = arith.select %ne3A_588, %broadcast_in_dim3A_590, %reshape3A_587 : vector<1x1400xi1>, vector<1x1400xf32>
    %eq3A_592 = arith.constant 0x7F800000 : f32
    %eq3A_593 = vector.broadcast %eq3A_592 : f32 to vector<1x1400xf32>
    %eq3A_594 = arith.cmpf oeq, %select_n3A_591, %eq3A_593 : vector<1x1400xf32>
    %jit3A_595 = arith.constant 3.40282347E+38 : f32
    %broadcast_in_dim3A_596 = vector.broadcast %jit3A_595 : f32 to vector<1x1400xf32>
    %select_n3A_597 = arith.select %eq3A_594, %broadcast_in_dim3A_596, %select_n3A_591 : vector<1x1400xi1>, vector<1x1400xf32>
    %eq3A_598 = arith.constant 0xFF800000 : f32
    %eq3A_599 = vector.broadcast %eq3A_598 : f32 to vector<1x1400xf32>
    %eq3A_600 = arith.cmpf oeq, %select_n3A_597, %eq3A_599 : vector<1x1400xf32>
    %jit3A_601 = arith.constant -3.40282347E+38 : f32
    %broadcast_in_dim3A_602 = vector.broadcast %jit3A_601 : f32 to vector<1x1400xf32>
    %select_n3A_603 = arith.select %eq3A_600, %broadcast_in_dim3A_602, %select_n3A_597 : vector<1x1400xi1>, vector<1x1400xf32>
    %broadcast_in_dim3A_604 = vector.shape_cast %select_n3A_603 : vector<1x1400xf32> to vector<1x1400xf32>
    %broadcast_in_dim3A_605 = vector.broadcast %broadcast_in_dim3A_604 : vector<1x1400xf32> to vector<32x1400xf32>
    %get3A_606 = arith.constant 1 : index
    %get3A_607 = arith.constant 0 : index
    %get3A_608 = vector.load %arg6[%get3A_606, %get3A_607] : memref<34x8xf32, #tpu.memory_space<vmem>>, vector<1x8xf32>
    %get3A_609 = vector.shape_cast %get3A_608 : vector<1x8xf32> to vector<8xf32>
    %reshape3A_610 = vector.shape_cast %get3A_609 : vector<8xf32> to vector<1x8xf32>
    %broadcast_in_dim3A_611 = vector.shape_cast %reshape3A_610 : vector<1x8xf32> to vector<1x8xf32>
    %broadcast_in_dim3A_612 = vector.broadcast %broadcast_in_dim3A_611 : vector<1x8xf32> to vector<32x8xf32>
    %concatenate3A_613 = tpu.concatenate %broadcast_in_dim3A_612, %broadcast_in_dim3A_605 in 1 : vector<32x8xf32>, vector<32x1400xf32> -> vector<32x1408xf32>
    %swap3A_614 = arith.constant 1 : index
    %swap3A_615 = arith.constant 0 : index
    %swap3A_616 = arith.constant 0 : index
    %swap3A_617 = vector.load %arg7[%swap3A_614, %swap3A_615, %swap3A_616] : memref<34x64x1408xf32, #tpu.memory_space<vmem>>, vector<1x32x1408xf32>
    %swap3A_618 = vector.shape_cast %swap3A_617 : vector<1x32x1408xf32> to vector<32x1408xf32>
    %swap3A_619 = vector.shape_cast %concatenate3A_613 : vector<32x1408xf32> to vector<1x32x1408xf32>
    tpu.vector_store %arg7[%swap3A_614, %swap3A_615, %swap3A_616], %swap3A_619 {strides = array<i32>} : memref<34x64x1408xf32, #tpu.memory_space<vmem>>, vector<1x32x1408xf32>,
    %get3A_620 = arith.constant 0 : index
    %get3A_621 = arith.constant 2 : index
    %get3A_622 = arith.constant 0 : index
    %get3A_623 = vector.load %arg1[%get3A_620, %get3A_621, %get3A_622] : memref<2x8x1400xf32, #tpu.memory_space<vmem>>, vector<1x1x1400xf32>
    %get3A_624 = vector.shape_cast %get3A_623 : vector<1x1x1400xf32> to vector<1400xf32>
    %reshape3A_625 = vector.shape_cast %get3A_624 : vector<1400xf32> to vector<1x1400xf32>
    %ne3A_626 = arith.cmpf one, %reshape3A_625, %reshape3A_625 : vector<1x1400xf32>
    %jit3A_627 = arith.constant 0.000000e+00 : f32
    %broadcast_in_dim3A_628 = vector.broadcast %jit3A_627 : f32 to vector<1x1400xf32>
    %select_n3A_629 = arith.select %ne3A_626, %broadcast_in_dim3A_628, %reshape3A_625 : vector<1x1400xi1>, vector<1x1400xf32>
    %eq3A_630 = arith.constant 0x7F800000 : f32
    %eq3A_631 = vector.broadcast %eq3A_630 : f32 to vector<1x1400xf32>
    %eq3A_632 = arith.cmpf oeq, %select_n3A_629, %eq3A_631 : vector<1x1400xf32>
    %jit3A_633 = arith.constant 3.40282347E+38 : f32
    %broadcast_in_dim3A_634 = vector.broadcast %jit3A_633 : f32 to vector<1x1400xf32>
    %select_n3A_635 = arith.select %eq3A_632, %broadcast_in_dim3A_634, %select_n3A_629 : vector<1x1400xi1>, vector<1x1400xf32>
    %eq3A_636 = arith.constant 0xFF800000 : f32
    %eq3A_637 = vector.broadcast %eq3A_636 : f32 to vector<1x1400xf32>
    %eq3A_638 = arith.cmpf oeq, %select_n3A_635, %eq3A_637 : vector<1x1400xf32>
    %jit3A_639 = arith.constant -3.40282347E+38 : f32
    %broadcast_in_dim3A_640 = vector.broadcast %jit3A_639 : f32 to vector<1x1400xf32>
    %select_n3A_641 = arith.select %eq3A_638, %broadcast_in_dim3A_640, %select_n3A_635 : vector<1x1400xi1>, vector<1x1400xf32>
    %broadcast_in_dim3A_642 = vector.shape_cast %select_n3A_641 : vector<1x1400xf32> to vector<1x1400xf32>
    %broadcast_in_dim3A_643 = vector.broadcast %broadcast_in_dim3A_642 : vector<1x1400xf32> to vector<32x1400xf32>
    %get3A_644 = arith.constant 2 : index
    %get3A_645 = arith.constant 0 : index
    %get3A_646 = vector.load %arg6[%get3A_644, %get3A_645] : memref<34x8xf32, #tpu.memory_space<vmem>>, vector<1x8xf32>
    %get3A_647 = vector.shape_cast %get3A_646 : vector<1x8xf32> to vector<8xf32>
    %reshape3A_648 = vector.shape_cast %get3A_647 : vector<8xf32> to vector<1x8xf32>
    %broadcast_in_dim3A_649 = vector.shape_cast %reshape3A_648 : vector<1x8xf32> to vector<1x8xf32>
    %broadcast_in_dim3A_650 = vector.broadcast %broadcast_in_dim3A_649 : vector<1x8xf32> to vector<32x8xf32>
    %concatenate3A_651 = tpu.concatenate %broadcast_in_dim3A_650, %broadcast_in_dim3A_643 in 1 : vector<32x8xf32>, vector<32x1400xf32> -> vector<32x1408xf32>
    %swap3A_652 = arith.constant 2 : index
    %swap3A_653 = arith.constant 0 : index
    %swap3A_654 = arith.constant 0 : index
    %swap3A_655 = vector.load %arg7[%swap3A_652, %swap3A_653, %swap3A_654] : memref<34x64x1408xf32, #tpu.memory_space<vmem>>, vector<1x32x1408xf32>
    %swap3A_656 = vector.shape_cast %swap3A_655 : vector<1x32x1408xf32> to vector<32x1408xf32>
    %swap3A_657 = vector.shape_cast %concatenate3A_651 : vector<32x1408xf32> to vector<1x32x1408xf32>
    tpu.vector_store %arg7[%swap3A_652, %swap3A_653, %swap3A_654], %swap3A_657 {strides = array<i32>} : memref<34x64x1408xf32, #tpu.memory_space<vmem>>, vector<1x32x1408xf32>,
    %get3A_658 = arith.constant 0 : index
    %get3A_659 = arith.constant 3 : index
    %get3A_660 = arith.constant 0 : index
    %get3A_661 = vector.load %arg1[%get3A_658, %get3A_659, %get3A_660] : memref<2x8x1400xf32, #tpu.memory_space<vmem>>, vector<1x1x1400xf32>
    %get3A_662 = vector.shape_cast %get3A_661 : vector<1x1x1400xf32> to vector<1400xf32>
    %reshape3A_663 = vector.shape_cast %get3A_662 : vector<1400xf32> to vector<1x1400xf32>
    %ne3A_664 = arith.cmpf one, %reshape3A_663, %reshape3A_663 : vector<1x1400xf32>
    %jit3A_665 = arith.constant 0.000000e+00 : f32
    %broadcast_in_dim3A_666 = vector.broadcast %jit3A_665 : f32 to vector<1x1400xf32>
    %select_n3A_667 = arith.select %ne3A_664, %broadcast_in_dim3A_666, %reshape3A_663 : vector<1x1400xi1>, vector<1x1400xf32>
    %eq3A_668 = arith.constant 0x7F800000 : f32
    %eq3A_669 = vector.broadcast %eq3A_668 : f32 to vector<1x1400xf32>
    %eq3A_670 = arith.cmpf oeq, %select_n3A_667, %eq3A_669 : vector<1x1400xf32>
    %jit3A_671 = arith.constant 3.40282347E+38 : f32
    %broadcast_in_dim3A_672 = vector.broadcast %jit3A_671 : f32 to vector<1x1400xf32>
    %select_n3A_673 = arith.select %eq3A_670, %broadcast_in_dim3A_672, %select_n3A_667 : vector<1x1400xi1>, vector<1x1400xf32>
    %eq3A_674 = arith.constant 0xFF800000 : f32
    %eq3A_675 = vector.broadcast %eq3A_674 : f32 to vector<1x1400xf32>
    %eq3A_676 = arith.cmpf oeq, %select_n3A_673, %eq3A_675 : vector<1x1400xf32>
    %jit3A_677 = arith.constant -3.40282347E+38 : f32
    %broadcast_in_dim3A_678 = vector.broadcast %jit3A_677 : f32 to vector<1x1400xf32>
    %select_n3A_679 = arith.select %eq3A_676, %broadcast_in_dim3A_678, %select_n3A_673 : vector<1x1400xi1>, vector<1x1400xf32>
    %broadcast_in_dim3A_680 = vector.shape_cast %select_n3A_679 : vector<1x1400xf32> to vector<1x1400xf32>
    %broadcast_in_dim3A_681 = vector.broadcast %broadcast_in_dim3A_680 : vector<1x1400xf32> to vector<32x1400xf32>
    %get3A_682 = arith.constant 3 : index
    %get3A_683 = arith.constant 0 : index
    %get3A_684 = vector.load %arg6[%get3A_682, %get3A_683] : memref<34x8xf32, #tpu.memory_space<vmem>>, vector<1x8xf32>
    %get3A_685 = vector.shape_cast %get3A_684 : vector<1x8xf32> to vector<8xf32>
    %reshape3A_686 = vector.shape_cast %get3A_685 : vector<8xf32> to vector<1x8xf32>
    %broadcast_in_dim3A_687 = vector.shape_cast %reshape3A_686 : vector<1x8xf32> to vector<1x8xf32>
    %broadcast_in_dim3A_688 = vector.broadcast %broadcast_in_dim3A_687 : vector<1x8xf32> to vector<32x8xf32>
    %concatenate3A_689 = tpu.concatenate %broadcast_in_dim3A_688, %broadcast_in_dim3A_681 in 1 : vector<32x8xf32>, vector<32x1400xf32> -> vector<32x1408xf32>
    %swap3A_690 = arith.constant 3 : index
    %swap3A_691 = arith.constant 0 : index
    %swap3A_692 = arith.constant 0 : index
    %swap3A_693 = vector.load %arg7[%swap3A_690, %swap3A_691, %swap3A_692] : memref<34x64x1408xf32, #tpu.memory_space<vmem>>, vector<1x32x1408xf32>
    %swap3A_694 = vector.shape_cast %swap3A_693 : vector<1x32x1408xf32> to vector<32x1408xf32>
    %swap3A_695 = vector.shape_cast %concatenate3A_689 : vector<32x1408xf32> to vector<1x32x1408xf32>
    tpu.vector_store %arg7[%swap3A_690, %swap3A_691, %swap3A_692], %swap3A_695 {strides = array<i32>} : memref<34x64x1408xf32, #tpu.memory_space<vmem>>, vector<1x32x1408xf32>,
    %get3A_696 = arith.constant 0 : index
    %get3A_697 = arith.constant 4 : index
    %get3A_698 = arith.constant 0 : index
    %get3A_699 = vector.load %arg1[%get3A_696, %get3A_697, %get3A_698] : memref<2x8x1400xf32, #tpu.memory_space<vmem>>, vector<1x1x1400xf32>
    %get3A_700 = vector.shape_cast %get3A_699 : vector<1x1x1400xf32> to vector<1400xf32>
    %reshape3A_701 = vector.shape_cast %get3A_700 : vector<1400xf32> to vector<1x1400xf32>
    %ne3A_702 = arith.cmpf one, %reshape3A_701, %reshape3A_701 : vector<1x1400xf32>
    %jit3A_703 = arith.constant 0.000000e+00 : f32
    %broadcast_in_dim3A_704 = vector.broadcast %jit3A_703 : f32 to vector<1x1400xf32>
    %select_n3A_705 = arith.select %ne3A_702, %broadcast_in_dim3A_704, %reshape3A_701 : vector<1x1400xi1>, vector<1x1400xf32>
    %eq3A_706 = arith.constant 0x7F800000 : f32
    %eq3A_707 = vector.broadcast %eq3A_706 : f32 to vector<1x1400xf32>
    %eq3A_708 = arith.cmpf oeq, %select_n3A_705, %eq3A_707 : vector<1x1400xf32>
    %jit3A_709 = arith.constant 3.40282347E+38 : f32
    %broadcast_in_dim3A_710 = vector.broadcast %jit3A_709 : f32 to vector<1x1400xf32>
    %select_n3A_711 = arith.select %eq3A_708, %broadcast_in_dim3A_710, %select_n3A_705 : vector<1x1400xi1>, vector<1x1400xf32>
    %eq3A_712 = arith.constant 0xFF800000 : f32
    %eq3A_713 = vector.broadcast %eq3A_712 : f32 to vector<1x1400xf32>
    %eq3A_714 = arith.cmpf oeq, %select_n3A_711, %eq3A_713 : vector<1x1400xf32>
    %jit3A_715 = arith.constant -3.40282347E+38 : f32
    %broadcast_in_dim3A_716 = vector.broadcast %jit3A_715 : f32 to vector<1x1400xf32>
    %select_n3A_717 = arith.select %eq3A_714, %broadcast_in_dim3A_716, %select_n3A_711 : vector<1x1400xi1>, vector<1x1400xf32>
    %broadcast_in_dim3A_718 = vector.shape_cast %select_n3A_717 : vector<1x1400xf32> to vector<1x1400xf32>
    %broadcast_in_dim3A_719 = vector.broadcast %broadcast_in_dim3A_718 : vector<1x1400xf32> to vector<32x1400xf32>
    %get3A_720 = arith.constant 4 : index
    %get3A_721 = arith.constant 0 : index
    %get3A_722 = vector.load %arg6[%get3A_720, %get3A_721] : memref<34x8xf32, #tpu.memory_space<vmem>>, vector<1x8xf32>
    %get3A_723 = vector.shape_cast %get3A_722 : vector<1x8xf32> to vector<8xf32>
    %reshape3A_724 = vector.shape_cast %get3A_723 : vector<8xf32> to vector<1x8xf32>
    %broadcast_in_dim3A_725 = vector.shape_cast %reshape3A_724 : vector<1x8xf32> to vector<1x8xf32>
    %broadcast_in_dim3A_726 = vector.broadcast %broadcast_in_dim3A_725 : vector<1x8xf32> to vector<32x8xf32>
    %concatenate3A_727 = tpu.concatenate %broadcast_in_dim3A_726, %broadcast_in_dim3A_719 in 1 : vector<32x8xf32>, vector<32x1400xf32> -> vector<32x1408xf32>
    %swap3A_728 = arith.constant 4 : index
    %swap3A_729 = arith.constant 0 : index
    %swap3A_730 = arith.constant 0 : index
    %swap3A_731 = vector.load %arg7[%swap3A_728, %swap3A_729, %swap3A_730] : memref<34x64x1408xf32, #tpu.memory_space<vmem>>, vector<1x32x1408xf32>
    %swap3A_732 = vector.shape_cast %swap3A_731 : vector<1x32x1408xf32> to vector<32x1408xf32>
    %swap3A_733 = vector.shape_cast %concatenate3A_727 : vector<32x1408xf32> to vector<1x32x1408xf32>
    tpu.vector_store %arg7[%swap3A_728, %swap3A_729, %swap3A_730], %swap3A_733 {strides = array<i32>} : memref<34x64x1408xf32, #tpu.memory_space<vmem>>, vector<1x32x1408xf32>,
    %get3A_734 = arith.constant 0 : index
    %get3A_735 = arith.constant 5 : index
    %get3A_736 = arith.constant 0 : index
    %get3A_737 = vector.load %arg1[%get3A_734, %get3A_735, %get3A_736] : memref<2x8x1400xf32, #tpu.memory_space<vmem>>, vector<1x1x1400xf32>
    %get3A_738 = vector.shape_cast %get3A_737 : vector<1x1x1400xf32> to vector<1400xf32>
    %reshape3A_739 = vector.shape_cast %get3A_738 : vector<1400xf32> to vector<1x1400xf32>
    %ne3A_740 = arith.cmpf one, %reshape3A_739, %reshape3A_739 : vector<1x1400xf32>
    %jit3A_741 = arith.constant 0.000000e+00 : f32
    %broadcast_in_dim3A_742 = vector.broadcast %jit3A_741 : f32 to vector<1x1400xf32>
    %select_n3A_743 = arith.select %ne3A_740, %broadcast_in_dim3A_742, %reshape3A_739 : vector<1x1400xi1>, vector<1x1400xf32>
    %eq3A_744 = arith.constant 0x7F800000 : f32
    %eq3A_745 = vector.broadcast %eq3A_744 : f32 to vector<1x1400xf32>
    %eq3A_746 = arith.cmpf oeq, %select_n3A_743, %eq3A_745 : vector<1x1400xf32>
    %jit3A_747 = arith.constant 3.40282347E+38 : f32
    %broadcast_in_dim3A_748 = vector.broadcast %jit3A_747 : f32 to vector<1x1400xf32>
    %select_n3A_749 = arith.select %eq3A_746, %broadcast_in_dim3A_748, %select_n3A_743 : vector<1x1400xi1>, vector<1x1400xf32>
    %eq3A_750 = arith.constant 0xFF800000 : f32
    %eq3A_751 = vector.broadcast %eq3A_750 : f32 to vector<1x1400xf32>
    %eq3A_752 = arith.cmpf oeq, %select_n3A_749, %eq3A_751 : vector<1x1400xf32>
    %jit3A_753 = arith.constant -3.40282347E+38 : f32
    %broadcast_in_dim3A_754 = vector.broadcast %jit3A_753 : f32 to vector<1x1400xf32>
    %select_n3A_755 = arith.select %eq3A_752, %broadcast_in_dim3A_754, %select_n3A_749 : vector<1x1400xi1>, vector<1x1400xf32>
    %broadcast_in_dim3A_756 = vector.shape_cast %select_n3A_755 : vector<1x1400xf32> to vector<1x1400xf32>
    %broadcast_in_dim3A_757 = vector.broadcast %broadcast_in_dim3A_756 : vector<1x1400xf32> to vector<32x1400xf32>
    %get3A_758 = arith.constant 5 : index
    %get3A_759 = arith.constant 0 : index
    %get3A_760 = vector.load %arg6[%get3A_758, %get3A_759] : memref<34x8xf32, #tpu.memory_space<vmem>>, vector<1x8xf32>
    %get3A_761 = vector.shape_cast %get3A_760 : vector<1x8xf32> to vector<8xf32>
    %reshape3A_762 = vector.shape_cast %get3A_761 : vector<8xf32> to vector<1x8xf32>
    %broadcast_in_dim3A_763 = vector.shape_cast %reshape3A_762 : vector<1x8xf32> to vector<1x8xf32>
    %broadcast_in_dim3A_764 = vector.broadcast %broadcast_in_dim3A_763 : vector<1x8xf32> to vector<32x8xf32>
    %concatenate3A_765 = tpu.concatenate %broadcast_in_dim3A_764, %broadcast_in_dim3A_757 in 1 : vector<32x8xf32>, vector<32x1400xf32> -> vector<32x1408xf32>
    %swap3A_766 = arith.constant 5 : index
    %swap3A_767 = arith.constant 0 : index
    %swap3A_768 = arith.constant 0 : index
    %swap3A_769 = vector.load %arg7[%swap3A_766, %swap3A_767, %swap3A_768] : memref<34x64x1408xf32, #tpu.memory_space<vmem>>, vector<1x32x1408xf32>
    %swap3A_770 = vector.shape_cast %swap3A_769 : vector<1x32x1408xf32> to vector<32x1408xf32>
    %swap3A_771 = vector.shape_cast %concatenate3A_765 : vector<32x1408xf32> to vector<1x32x1408xf32>
    tpu.vector_store %arg7[%swap3A_766, %swap3A_767, %swap3A_768], %swap3A_771 {strides = array<i32>} : memref<34x64x1408xf32, #tpu.memory_space<vmem>>, vector<1x32x1408xf32>,
    %get3A_772 = arith.constant 0 : index
    %get3A_773 = arith.constant 6 : index
    %get3A_774 = arith.constant 0 : index
    %get3A_775 = vector.load %arg1[%get3A_772, %get3A_773, %get3A_774] : memref<2x8x1400xf32, #tpu.memory_space<vmem>>, vector<1x1x1400xf32>
    %get3A_776 = vector.shape_cast %get3A_775 : vector<1x1x1400xf32> to vector<1400xf32>
    %reshape3A_777 = vector.shape_cast %get3A_776 : vector<1400xf32> to vector<1x1400xf32>
    %ne3A_778 = arith.cmpf one, %reshape3A_777, %reshape3A_777 : vector<1x1400xf32>
    %jit3A_779 = arith.constant 0.000000e+00 : f32
    %broadcast_in_dim3A_780 = vector.broadcast %jit3A_779 : f32 to vector<1x1400xf32>
    %select_n3A_781 = arith.select %ne3A_778, %broadcast_in_dim3A_780, %reshape3A_777 : vector<1x1400xi1>, vector<1x1400xf32>
    %eq3A_782 = arith.constant 0x7F800000 : f32
    %eq3A_783 = vector.broadcast %eq3A_782 : f32 to vector<1x1400xf32>
    %eq3A_784 = arith.cmpf oeq, %select_n3A_781, %eq3A_783 : vector<1x1400xf32>
    %jit3A_785 = arith.constant 3.40282347E+38 : f32
    %broadcast_in_dim3A_786 = vector.broadcast %jit3A_785 : f32 to vector<1x1400xf32>
    %select_n3A_787 = arith.select %eq3A_784, %broadcast_in_dim3A_786, %select_n3A_781 : vector<1x1400xi1>, vector<1x1400xf32>
    %eq3A_788 = arith.constant 0xFF800000 : f32
    %eq3A_789 = vector.broadcast %eq3A_788 : f32 to vector<1x1400xf32>
    %eq3A_790 = arith.cmpf oeq, %select_n3A_787, %eq3A_789 : vector<1x1400xf32>
    %jit3A_791 = arith.constant -3.40282347E+38 : f32
    %broadcast_in_dim3A_792 = vector.broadcast %jit3A_791 : f32 to vector<1x1400xf32>
    %select_n3A_793 = arith.select %eq3A_790, %broadcast_in_dim3A_792, %select_n3A_787 : vector<1x1400xi1>, vector<1x1400xf32>
    %broadcast_in_dim3A_794 = vector.shape_cast %select_n3A_793 : vector<1x1400xf32> to vector<1x1400xf32>
    %broadcast_in_dim3A_795 = vector.broadcast %broadcast_in_dim3A_794 : vector<1x1400xf32> to vector<32x1400xf32>
    %get3A_796 = arith.constant 6 : index
    %get3A_797 = arith.constant 0 : index
    %get3A_798 = vector.load %arg6[%get3A_796, %get3A_797] : memref<34x8xf32, #tpu.memory_space<vmem>>, vector<1x8xf32>
    %get3A_799 = vector.shape_cast %get3A_798 : vector<1x8xf32> to vector<8xf32>
    %reshape3A_800 = vector.shape_cast %get3A_799 : vector<8xf32> to vector<1x8xf32>
    %broadcast_in_dim3A_801 = vector.shape_cast %reshape3A_800 : vector<1x8xf32> to vector<1x8xf32>
    %broadcast_in_dim3A_802 = vector.broadcast %broadcast_in_dim3A_801 : vector<1x8xf32> to vector<32x8xf32>
    %concatenate3A_803 = tpu.concatenate %broadcast_in_dim3A_802, %broadcast_in_dim3A_795 in 1 : vector<32x8xf32>, vector<32x1400xf32> -> vector<32x1408xf32>
    %swap3A_804 = arith.constant 6 : index
    %swap3A_805 = arith.constant 0 : index
    %swap3A_806 = arith.constant 0 : index
    %swap3A_807 = vector.load %arg7[%swap3A_804, %swap3A_805, %swap3A_806] : memref<34x64x1408xf32, #tpu.memory_space<vmem>>, vector<1x32x1408xf32>
    %swap3A_808 = vector.shape_cast %swap3A_807 : vector<1x32x1408xf32> to vector<32x1408xf32>
    %swap3A_809 = vector.shape_cast %concatenate3A_803 : vector<32x1408xf32> to vector<1x32x1408xf32>
    tpu.vector_store %arg7[%swap3A_804, %swap3A_805, %swap3A_806], %swap3A_809 {strides = array<i32>} : memref<34x64x1408xf32, #tpu.memory_space<vmem>>, vector<1x32x1408xf32>,
    %get3A_810 = arith.constant 0 : index
    %get3A_811 = arith.constant 7 : index
    %get3A_812 = arith.constant 0 : index
    %get3A_813 = vector.load %arg1[%get3A_810, %get3A_811, %get3A_812] : memref<2x8x1400xf32, #tpu.memory_space<vmem>>, vector<1x1x1400xf32>
    %get3A_814 = vector.shape_cast %get3A_813 : vector<1x1x1400xf32> to vector<1400xf32>
    %reshape3A_815 = vector.shape_cast %get3A_814 : vector<1400xf32> to vector<1x1400xf32>
    %ne3A_816 = arith.cmpf one, %reshape3A_815, %reshape3A_815 : vector<1x1400xf32>
    %jit3A_817 = arith.constant 0.000000e+00 : f32
    %broadcast_in_dim3A_818 = vector.broadcast %jit3A_817 : f32 to vector<1x1400xf32>
    %select_n3A_819 = arith.select %ne3A_816, %broadcast_in_dim3A_818, %reshape3A_815 : vector<1x1400xi1>, vector<1x1400xf32>
    %eq3A_820 = arith.constant 0x7F800000 : f32
    %eq3A_821 = vector.broadcast %eq3A_820 : f32 to vector<1x1400xf32>
    %eq3A_822 = arith.cmpf oeq, %select_n3A_819, %eq3A_821 : vector<1x1400xf32>
    %jit3A_823 = arith.constant 3.40282347E+38 : f32
    %broadcast_in_dim3A_824 = vector.broadcast %jit3A_823 : f32 to vector<1x1400xf32>
    %select_n3A_825 = arith.select %eq3A_822, %broadcast_in_dim3A_824, %select_n3A_819 : vector<1x1400xi1>, vector<1x1400xf32>
    %eq3A_826 = arith.constant 0xFF800000 : f32
    %eq3A_827 = vector.broadcast %eq3A_826 : f32 to vector<1x1400xf32>
    %eq3A_828 = arith.cmpf oeq, %select_n3A_825, %eq3A_827 : vector<1x1400xf32>
    %jit3A_829 = arith.constant -3.40282347E+38 : f32
    %broadcast_in_dim3A_830 = vector.broadcast %jit3A_829 : f32 to vector<1x1400xf32>
    %select_n3A_831 = arith.select %eq3A_828, %broadcast_in_dim3A_830, %select_n3A_825 : vector<1x1400xi1>, vector<1x1400xf32>
    %broadcast_in_dim3A_832 = vector.shape_cast %select_n3A_831 : vector<1x1400xf32> to vector<1x1400xf32>
    %broadcast_in_dim3A_833 = vector.broadcast %broadcast_in_dim3A_832 : vector<1x1400xf32> to vector<32x1400xf32>
    %get3A_834 = arith.constant 7 : index
    %get3A_835 = arith.constant 0 : index
    %get3A_836 = vector.load %arg6[%get3A_834, %get3A_835] : memref<34x8xf32, #tpu.memory_space<vmem>>, vector<1x8xf32>
    %get3A_837 = vector.shape_cast %get3A_836 : vector<1x8xf32> to vector<8xf32>
    %reshape3A_838 = vector.shape_cast %get3A_837 : vector<8xf32> to vector<1x8xf32>
    %broadcast_in_dim3A_839 = vector.shape_cast %reshape3A_838 : vector<1x8xf32> to vector<1x8xf32>
    %broadcast_in_dim3A_840 = vector.broadcast %broadcast_in_dim3A_839 : vector<1x8xf32> to vector<32x8xf32>
    %concatenate3A_841 = tpu.concatenate %broadcast_in_dim3A_840, %broadcast_in_dim3A_833 in 1 : vector<32x8xf32>, vector<32x1400xf32> -> vector<32x1408xf32>
    %swap3A_842 = arith.constant 7 : index
    %swap3A_843 = arith.constant 0 : index
    %swap3A_844 = arith.constant 0 : index
    %swap3A_845 = vector.load %arg7[%swap3A_842, %swap3A_843, %swap3A_844] : memref<34x64x1408xf32, #tpu.memory_space<vmem>>, vector<1x32x1408xf32>
    %swap3A_846 = vector.shape_cast %swap3A_845 : vector<1x32x1408xf32> to vector<32x1408xf32>
    %swap3A_847 = vector.shape_cast %concatenate3A_841 : vector<32x1408xf32> to vector<1x32x1408xf32>
    tpu.vector_store %arg7[%swap3A_842, %swap3A_843, %swap3A_844], %swap3A_847 {strides = array<i32>} : memref<34x64x1408xf32, #tpu.memory_space<vmem>>, vector<1x32x1408xf32>,
    %get3A_848 = arith.constant 0 : index
    %get3A_849 = arith.constant 0 : index
    %get3A_850 = arith.constant 0 : index
    %get3A_851 = vector.load %arg2[%get3A_848, %get3A_849, %get3A_850] : memref<2x8x1400xf32, #tpu.memory_space<vmem>>, vector<1x1x1400xf32>
    %get3A_852 = vector.shape_cast %get3A_851 : vector<1x1x1400xf32> to vector<1400xf32>
    %reshape3A_853 = vector.shape_cast %get3A_852 : vector<1400xf32> to vector<1x1400xf32>
    %ne3A_854 = arith.cmpf one, %reshape3A_853, %reshape3A_853 : vector<1x1400xf32>
    %jit3A_855 = arith.constant 0.000000e+00 : f32
    %broadcast_in_dim3A_856 = vector.broadcast %jit3A_855 : f32 to vector<1x1400xf32>
    %select_n3A_857 = arith.select %ne3A_854, %broadcast_in_dim3A_856, %reshape3A_853 : vector<1x1400xi1>, vector<1x1400xf32>
    %eq3A_858 = arith.constant 0x7F800000 : f32
    %eq3A_859 = vector.broadcast %eq3A_858 : f32 to vector<1x1400xf32>
    %eq3A_860 = arith.cmpf oeq, %select_n3A_857, %eq3A_859 : vector<1x1400xf32>
    %jit3A_861 = arith.constant 3.40282347E+38 : f32
    %broadcast_in_dim3A_862 = vector.broadcast %jit3A_861 : f32 to vector<1x1400xf32>
    %select_n3A_863 = arith.select %eq3A_860, %broadcast_in_dim3A_862, %select_n3A_857 : vector<1x1400xi1>, vector<1x1400xf32>
    %eq3A_864 = arith.constant 0xFF800000 : f32
    %eq3A_865 = vector.broadcast %eq3A_864 : f32 to vector<1x1400xf32>
    %eq3A_866 = arith.cmpf oeq, %select_n3A_863, %eq3A_865 : vector<1x1400xf32>
    %jit3A_867 = arith.constant -3.40282347E+38 : f32
    %broadcast_in_dim3A_868 = vector.broadcast %jit3A_867 : f32 to vector<1x1400xf32>
    %select_n3A_869 = arith.select %eq3A_866, %broadcast_in_dim3A_868, %select_n3A_863 : vector<1x1400xi1>, vector<1x1400xf32>
    %broadcast_in_dim3A_870 = vector.shape_cast %select_n3A_869 : vector<1x1400xf32> to vector<1x1400xf32>
    %broadcast_in_dim3A_871 = vector.broadcast %broadcast_in_dim3A_870 : vector<1x1400xf32> to vector<32x1400xf32>
    %get3A_872 = arith.constant 8 : index
    %get3A_873 = arith.constant 0 : index
    %get3A_874 = vector.load %arg6[%get3A_872, %get3A_873] : memref<34x8xf32, #tpu.memory_space<vmem>>, vector<1x8xf32>
    %get3A_875 = vector.shape_cast %get3A_874 : vector<1x8xf32> to vector<8xf32>
    %reshape3A_876 = vector.shape_cast %get3A_875 : vector<8xf32> to vector<1x8xf32>
    %broadcast_in_dim3A_877 = vector.shape_cast %reshape3A_876 : vector<1x8xf32> to vector<1x8xf32>
    %broadcast_in_dim3A_878 = vector.broadcast %broadcast_in_dim3A_877 : vector<1x8xf32> to vector<32x8xf32>
    %concatenate3A_879 = tpu.concatenate %broadcast_in_dim3A_878, %broadcast_in_dim3A_871 in 1 : vector<32x8xf32>, vector<32x1400xf32> -> vector<32x1408xf32>
    %swap3A_880 = arith.constant 8 : index
    %swap3A_881 = arith.constant 0 : index
    %swap3A_882 = arith.constant 0 : index
    %swap3A_883 = vector.load %arg7[%swap3A_880, %swap3A_881, %swap3A_882] : memref<34x64x1408xf32, #tpu.memory_space<vmem>>, vector<1x32x1408xf32>
    %swap3A_884 = vector.shape_cast %swap3A_883 : vector<1x32x1408xf32> to vector<32x1408xf32>
    %swap3A_885 = vector.shape_cast %concatenate3A_879 : vector<32x1408xf32> to vector<1x32x1408xf32>
    tpu.vector_store %arg7[%swap3A_880, %swap3A_881, %swap3A_882], %swap3A_885 {strides = array<i32>} : memref<34x64x1408xf32, #tpu.memory_space<vmem>>, vector<1x32x1408xf32>,
    %get3A_886 = arith.constant 0 : index
    %get3A_887 = arith.constant 1 : index
    %get3A_888 = arith.constant 0 : index
    %get3A_889 = vector.load %arg2[%get3A_886, %get3A_887, %get3A_888] : memref<2x8x1400xf32, #tpu.memory_space<vmem>>, vector<1x1x1400xf32>
    %get3A_890 = vector.shape_cast %get3A_889 : vector<1x1x1400xf32> to vector<1400xf32>
    %reshape3A_891 = vector.shape_cast %get3A_890 : vector<1400xf32> to vector<1x1400xf32>
    %ne3A_892 = arith.cmpf one, %reshape3A_891, %reshape3A_891 : vector<1x1400xf32>
    %jit3A_893 = arith.constant 0.000000e+00 : f32
    %broadcast_in_dim3A_894 = vector.broadcast %jit3A_893 : f32 to vector<1x1400xf32>
    %select_n3A_895 = arith.select %ne3A_892, %broadcast_in_dim3A_894, %reshape3A_891 : vector<1x1400xi1>, vector<1x1400xf32>
    %eq3A_896 = arith.constant 0x7F800000 : f32
    %eq3A_897 = vector.broadcast %eq3A_896 : f32 to vector<1x1400xf32>
    %eq3A_898 = arith.cmpf oeq, %select_n3A_895, %eq3A_897 : vector<1x1400xf32>
    %jit3A_899 = arith.constant 3.40282347E+38 : f32
    %broadcast_in_dim3A_900 = vector.broadcast %jit3A_899 : f32 to vector<1x1400xf32>
    %select_n3A_901 = arith.select %eq3A_898, %broadcast_in_dim3A_900, %select_n3A_895 : vector<1x1400xi1>, vector<1x1400xf32>
    %eq3A_902 = arith.constant 0xFF800000 : f32
    %eq3A_903 = vector.broadcast %eq3A_902 : f32 to vector<1x1400xf32>
    %eq3A_904 = arith.cmpf oeq, %select_n3A_901, %eq3A_903 : vector<1x1400xf32>
    %jit3A_905 = arith.constant -3.40282347E+38 : f32
    %broadcast_in_dim3A_906 = vector.broadcast %jit3A_905 : f32 to vector<1x1400xf32>
    %select_n3A_907 = arith.select %eq3A_904, %broadcast_in_dim3A_906, %select_n3A_901 : vector<1x1400xi1>, vector<1x1400xf32>
    %broadcast_in_dim3A_908 = vector.shape_cast %select_n3A_907 : vector<1x1400xf32> to vector<1x1400xf32>
    %broadcast_in_dim3A_909 = vector.broadcast %broadcast_in_dim3A_908 : vector<1x1400xf32> to vector<32x1400xf32>
    %get3A_910 = arith.constant 9 : index
    %get3A_911 = arith.constant 0 : index
    %get3A_912 = vector.load %arg6[%get3A_910, %get3A_911] : memref<34x8xf32, #tpu.memory_space<vmem>>, vector<1x8xf32>
    %get3A_913 = vector.shape_cast %get3A_912 : vector<1x8xf32> to vector<8xf32>
    %reshape3A_914 = vector.shape_cast %get3A_913 : vector<8xf32> to vector<1x8xf32>
    %broadcast_in_dim3A_915 = vector.shape_cast %reshape3A_914 : vector<1x8xf32> to vector<1x8xf32>
    %broadcast_in_dim3A_916 = vector.broadcast %broadcast_in_dim3A_915 : vector<1x8xf32> to vector<32x8xf32>
    %concatenate3A_917 = tpu.concatenate %broadcast_in_dim3A_916, %broadcast_in_dim3A_909 in 1 : vector<32x8xf32>, vector<32x1400xf32> -> vector<32x1408xf32>
    %swap3A_918 = arith.constant 9 : index
    %swap3A_919 = arith.constant 0 : index
    %swap3A_920 = arith.constant 0 : index
    %swap3A_921 = vector.load %arg7[%swap3A_918, %swap3A_919, %swap3A_920] : memref<34x64x1408xf32, #tpu.memory_space<vmem>>, vector<1x32x1408xf32>
    %swap3A_922 = vector.shape_cast %swap3A_921 : vector<1x32x1408xf32> to vector<32x1408xf32>
    %swap3A_923 = vector.shape_cast %concatenate3A_917 : vector<32x1408xf32> to vector<1x32x1408xf32>
    tpu.vector_store %arg7[%swap3A_918, %swap3A_919, %swap3A_920], %swap3A_923 {strides = array<i32>} : memref<34x64x1408xf32, #tpu.memory_space<vmem>>, vector<1x32x1408xf32>,
    %get3A_924 = arith.constant 0 : index
    %get3A_925 = arith.constant 2 : index
    %get3A_926 = arith.constant 0 : index
    %get3A_927 = vector.load %arg2[%get3A_924, %get3A_925, %get3A_926] : memref<2x8x1400xf32, #tpu.memory_space<vmem>>, vector<1x1x1400xf32>
    %get3A_928 = vector.shape_cast %get3A_927 : vector<1x1x1400xf32> to vector<1400xf32>
    %reshape3A_929 = vector.shape_cast %get3A_928 : vector<1400xf32> to vector<1x1400xf32>
    %ne3A_930 = arith.cmpf one, %reshape3A_929, %reshape3A_929 : vector<1x1400xf32>
    %jit3A_931 = arith.constant 0.000000e+00 : f32
    %broadcast_in_dim3A_932 = vector.broadcast %jit3A_931 : f32 to vector<1x1400xf32>
    %select_n3A_933 = arith.select %ne3A_930, %broadcast_in_dim3A_932, %reshape3A_929 : vector<1x1400xi1>, vector<1x1400xf32>
    %eq3A_934 = arith.constant 0x7F800000 : f32
    %eq3A_935 = vector.broadcast %eq3A_934 : f32 to vector<1x1400xf32>
    %eq3A_936 = arith.cmpf oeq, %select_n3A_933, %eq3A_935 : vector<1x1400xf32>
    %jit3A_937 = arith.constant 3.40282347E+38 : f32
    %broadcast_in_dim3A_938 = vector.broadcast %jit3A_937 : f32 to vector<1x1400xf32>
    %select_n3A_939 = arith.select %eq3A_936, %broadcast_in_dim3A_938, %select_n3A_933 : vector<1x1400xi1>, vector<1x1400xf32>
    %eq3A_940 = arith.constant 0xFF800000 : f32
    %eq3A_941 = vector.broadcast %eq3A_940 : f32 to vector<1x1400xf32>
    %eq3A_942 = arith.cmpf oeq, %select_n3A_939, %eq3A_941 : vector<1x1400xf32>
    %jit3A_943 = arith.constant -3.40282347E+38 : f32
    %broadcast_in_dim3A_944 = vector.broadcast %jit3A_943 : f32 to vector<1x1400xf32>
    %select_n3A_945 = arith.select %eq3A_942, %broadcast_in_dim3A_944, %select_n3A_939 : vector<1x1400xi1>, vector<1x1400xf32>
    %broadcast_in_dim3A_946 = vector.shape_cast %select_n3A_945 : vector<1x1400xf32> to vector<1x1400xf32>
    %broadcast_in_dim3A_947 = vector.broadcast %broadcast_in_dim3A_946 : vector<1x1400xf32> to vector<32x1400xf32>
    %get3A_948 = arith.constant 10 : index
    %get3A_949 = arith.constant 0 : index
    %get3A_950 = vector.load %arg6[%get3A_948, %get3A_949] : memref<34x8xf32, #tpu.memory_space<vmem>>, vector<1x8xf32>
    %get3A_951 = vector.shape_cast %get3A_950 : vector<1x8xf32> to vector<8xf32>
    %reshape3A_952 = vector.shape_cast %get3A_951 : vector<8xf32> to vector<1x8xf32>
    %broadcast_in_dim3A_953 = vector.shape_cast %reshape3A_952 : vector<1x8xf32> to vector<1x8xf32>
    %broadcast_in_dim3A_954 = vector.broadcast %broadcast_in_dim3A_953 : vector<1x8xf32> to vector<32x8xf32>
    %concatenate3A_955 = tpu.concatenate %broadcast_in_dim3A_954, %broadcast_in_dim3A_947 in 1 : vector<32x8xf32>, vector<32x1400xf32> -> vector<32x1408xf32>
    %swap3A_956 = arith.constant 10 : index
    %swap3A_957 = arith.constant 0 : index
    %swap3A_958 = arith.constant 0 : index
    %swap3A_959 = vector.load %arg7[%swap3A_956, %swap3A_957, %swap3A_958] : memref<34x64x1408xf32, #tpu.memory_space<vmem>>, vector<1x32x1408xf32>
    %swap3A_960 = vector.shape_cast %swap3A_959 : vector<1x32x1408xf32> to vector<32x1408xf32>
    %swap3A_961 = vector.shape_cast %concatenate3A_955 : vector<32x1408xf32> to vector<1x32x1408xf32>
    tpu.vector_store %arg7[%swap3A_956, %swap3A_957, %swap3A_958], %swap3A_961 {strides = array<i32>} : memref<34x64x1408xf32, #tpu.memory_space<vmem>>, vector<1x32x1408xf32>,
    %get3A_962 = arith.constant 0 : index
    %get3A_963 = arith.constant 3 : index
    %get3A_964 = arith.constant 0 : index
    %get3A_965 = vector.load %arg2[%get3A_962, %get3A_963, %get3A_964] : memref<2x8x1400xf32, #tpu.memory_space<vmem>>, vector<1x1x1400xf32>
    %get3A_966 = vector.shape_cast %get3A_965 : vector<1x1x1400xf32> to vector<1400xf32>
    %reshape3A_967 = vector.shape_cast %get3A_966 : vector<1400xf32> to vector<1x1400xf32>
    %ne3A_968 = arith.cmpf one, %reshape3A_967, %reshape3A_967 : vector<1x1400xf32>
    %jit3A_969 = arith.constant 0.000000e+00 : f32
    %broadcast_in_dim3A_970 = vector.broadcast %jit3A_969 : f32 to vector<1x1400xf32>
    %select_n3A_971 = arith.select %ne3A_968, %broadcast_in_dim3A_970, %reshape3A_967 : vector<1x1400xi1>, vector<1x1400xf32>
    %eq3A_972 = arith.constant 0x7F800000 : f32
    %eq3A_973 = vector.broadcast %eq3A_972 : f32 to vector<1x1400xf32>
    %eq3A_974 = arith.cmpf oeq, %select_n3A_971, %eq3A_973 : vector<1x1400xf32>
    %jit3A_975 = arith.constant 3.40282347E+38 : f32
    %broadcast_in_dim3A_976 = vector.broadcast %jit3A_975 : f32 to vector<1x1400xf32>
    %select_n3A_977 = arith.select %eq3A_974, %broadcast_in_dim3A_976, %select_n3A_971 : vector<1x1400xi1>, vector<1x1400xf32>
    %eq3A_978 = arith.constant 0xFF800000 : f32
    %eq3A_979 = vector.broadcast %eq3A_978 : f32 to vector<1x1400xf32>
    %eq3A_980 = arith.cmpf oeq, %select_n3A_977, %eq3A_979 : vector<1x1400xf32>
    %jit3A_981 = arith.constant -3.40282347E+38 : f32
    %broadcast_in_dim3A_982 = vector.broadcast %jit3A_981 : f32 to vector<1x1400xf32>
    %select_n3A_983 = arith.select %eq3A_980, %broadcast_in_dim3A_982, %select_n3A_977 : vector<1x1400xi1>, vector<1x1400xf32>
    %broadcast_in_dim3A_984 = vector.shape_cast %select_n3A_983 : vector<1x1400xf32> to vector<1x1400xf32>
    %broadcast_in_dim3A_985 = vector.broadcast %broadcast_in_dim3A_984 : vector<1x1400xf32> to vector<32x1400xf32>
    %get3A_986 = arith.constant 11 : index
    %get3A_987 = arith.constant 0 : index
    %get3A_988 = vector.load %arg6[%get3A_986, %get3A_987] : memref<34x8xf32, #tpu.memory_space<vmem>>, vector<1x8xf32>
    %get3A_989 = vector.shape_cast %get3A_988 : vector<1x8xf32> to vector<8xf32>
    %reshape3A_990 = vector.shape_cast %get3A_989 : vector<8xf32> to vector<1x8xf32>
    %broadcast_in_dim3A_991 = vector.shape_cast %reshape3A_990 : vector<1x8xf32> to vector<1x8xf32>
    %broadcast_in_dim3A_992 = vector.broadcast %broadcast_in_dim3A_991 : vector<1x8xf32> to vector<32x8xf32>
    %concatenate3A_993 = tpu.concatenate %broadcast_in_dim3A_992, %broadcast_in_dim3A_985 in 1 : vector<32x8xf32>, vector<32x1400xf32> -> vector<32x1408xf32>
    %swap3A_994 = arith.constant 11 : index
    %swap3A_995 = arith.constant 0 : index
    %swap3A_996 = arith.constant 0 : index
    %swap3A_997 = vector.load %arg7[%swap3A_994, %swap3A_995, %swap3A_996] : memref<34x64x1408xf32, #tpu.memory_space<vmem>>, vector<1x32x1408xf32>
    %swap3A_998 = vector.shape_cast %swap3A_997 : vector<1x32x1408xf32> to vector<32x1408xf32>
    %swap3A_999 = vector.shape_cast %concatenate3A_993 : vector<32x1408xf32> to vector<1x32x1408xf32>
    tpu.vector_store %arg7[%swap3A_994, %swap3A_995, %swap3A_996], %swap3A_999 {strides = array<i32>} : memref<34x64x1408xf32, #tpu.memory_space<vmem>>, vector<1x32x1408xf32>,
    %get3A_1000 = arith.constant 0 : index
    %get3A_1001 = arith.constant 4 : index
    %get3A_1002 = arith.constant 0 : index
    %get3A_1003 = vector.load %arg2[%get3A_1000, %get3A_1001, %get3A_1002] : memref<2x8x1400xf32, #tpu.memory_space<vmem>>, vector<1x1x1400xf32>
    %get3A_1004 = vector.shape_cast %get3A_1003 : vector<1x1x1400xf32> to vector<1400xf32>
    %reshape3A_1005 = vector.shape_cast %get3A_1004 : vector<1400xf32> to vector<1x1400xf32>
    %ne3A_1006 = arith.cmpf one, %reshape3A_1005, %reshape3A_1005 : vector<1x1400xf32>
    %jit3A_1007 = arith.constant 0.000000e+00 : f32
    %broadcast_in_dim3A_1008 = vector.broadcast %jit3A_1007 : f32 to vector<1x1400xf32>
    %select_n3A_1009 = arith.select %ne3A_1006, %broadcast_in_dim3A_1008, %reshape3A_1005 : vector<1x1400xi1>, vector<1x1400xf32>
    %eq3A_1010 = arith.constant 0x7F800000 : f32
    %eq3A_1011 = vector.broadcast %eq3A_1010 : f32 to vector<1x1400xf32>
    %eq3A_1012 = arith.cmpf oeq, %select_n3A_1009, %eq3A_1011 : vector<1x1400xf32>
    %jit3A_1013 = arith.constant 3.40282347E+38 : f32
    %broadcast_in_dim3A_1014 = vector.broadcast %jit3A_1013 : f32 to vector<1x1400xf32>
    %select_n3A_1015 = arith.select %eq3A_1012, %broadcast_in_dim3A_1014, %select_n3A_1009 : vector<1x1400xi1>, vector<1x1400xf32>
    %eq3A_1016 = arith.constant 0xFF800000 : f32
    %eq3A_1017 = vector.broadcast %eq3A_1016 : f32 to vector<1x1400xf32>
    %eq3A_1018 = arith.cmpf oeq, %select_n3A_1015, %eq3A_1017 : vector<1x1400xf32>
    %jit3A_1019 = arith.constant -3.40282347E+38 : f32
    %broadcast_in_dim3A_1020 = vector.broadcast %jit3A_1019 : f32 to vector<1x1400xf32>
    %select_n3A_1021 = arith.select %eq3A_1018, %broadcast_in_dim3A_1020, %select_n3A_1015 : vector<1x1400xi1>, vector<1x1400xf32>
    %broadcast_in_dim3A_1022 = vector.shape_cast %select_n3A_1021 : vector<1x1400xf32> to vector<1x1400xf32>
    %broadcast_in_dim3A_1023 = vector.broadcast %broadcast_in_dim3A_1022 : vector<1x1400xf32> to vector<32x1400xf32>
    %get3A_1024 = arith.constant 12 : index
    %get3A_1025 = arith.constant 0 : index
    %get3A_1026 = vector.load %arg6[%get3A_1024, %get3A_1025] : memref<34x8xf32, #tpu.memory_space<vmem>>, vector<1x8xf32>
    %get3A_1027 = vector.shape_cast %get3A_1026 : vector<1x8xf32> to vector<8xf32>
    %reshape3A_1028 = vector.shape_cast %get3A_1027 : vector<8xf32> to vector<1x8xf32>
    %broadcast_in_dim3A_1029 = vector.shape_cast %reshape3A_1028 : vector<1x8xf32> to vector<1x8xf32>
    %broadcast_in_dim3A_1030 = vector.broadcast %broadcast_in_dim3A_1029 : vector<1x8xf32> to vector<32x8xf32>
    %concatenate3A_1031 = tpu.concatenate %broadcast_in_dim3A_1030, %broadcast_in_dim3A_1023 in 1 : vector<32x8xf32>, vector<32x1400xf32> -> vector<32x1408xf32>
    %swap3A_1032 = arith.constant 12 : index
    %swap3A_1033 = arith.constant 0 : index
    %swap3A_1034 = arith.constant 0 : index
    %swap3A_1035 = vector.load %arg7[%swap3A_1032, %swap3A_1033, %swap3A_1034] : memref<34x64x1408xf32, #tpu.memory_space<vmem>>, vector<1x32x1408xf32>
    %swap3A_1036 = vector.shape_cast %swap3A_1035 : vector<1x32x1408xf32> to vector<32x1408xf32>
    %swap3A_1037 = vector.shape_cast %concatenate3A_1031 : vector<32x1408xf32> to vector<1x32x1408xf32>
    tpu.vector_store %arg7[%swap3A_1032, %swap3A_1033, %swap3A_1034], %swap3A_1037 {strides = array<i32>} : memref<34x64x1408xf32, #tpu.memory_space<vmem>>, vector<1x32x1408xf32>,
    %get3A_1038 = arith.constant 0 : index
    %get3A_1039 = arith.constant 5 : index
    %get3A_1040 = arith.constant 0 : index
    %get3A_1041 = vector.load %arg2[%get3A_1038, %get3A_1039, %get3A_1040] : memref<2x8x1400xf32, #tpu.memory_space<vmem>>, vector<1x1x1400xf32>
    %get3A_1042 = vector.shape_cast %get3A_1041 : vector<1x1x1400xf32> to vector<1400xf32>
    %reshape3A_1043 = vector.shape_cast %get3A_1042 : vector<1400xf32> to vector<1x1400xf32>
    %ne3A_1044 = arith.cmpf one, %reshape3A_1043, %reshape3A_1043 : vector<1x1400xf32>
    %jit3A_1045 = arith.constant 0.000000e+00 : f32
    %broadcast_in_dim3A_1046 = vector.broadcast %jit3A_1045 : f32 to vector<1x1400xf32>
    %select_n3A_1047 = arith.select %ne3A_1044, %broadcast_in_dim3A_1046, %reshape3A_1043 : vector<1x1400xi1>, vector<1x1400xf32>
    %eq3A_1048 = arith.constant 0x7F800000 : f32
    %eq3A_1049 = vector.broadcast %eq3A_1048 : f32 to vector<1x1400xf32>
    %eq3A_1050 = arith.cmpf oeq, %select_n3A_1047, %eq3A_1049 : vector<1x1400xf32>
    %jit3A_1051 = arith.constant 3.40282347E+38 : f32
    %broadcast_in_dim3A_1052 = vector.broadcast %jit3A_1051 : f32 to vector<1x1400xf32>
    %select_n3A_1053 = arith.select %eq3A_1050, %broadcast_in_dim3A_1052, %select_n3A_1047 : vector<1x1400xi1>, vector<1x1400xf32>
    %eq3A_1054 = arith.constant 0xFF800000 : f32
    %eq3A_1055 = vector.broadcast %eq3A_1054 : f32 to vector<1x1400xf32>
    %eq3A_1056 = arith.cmpf oeq, %select_n3A_1053, %eq3A_1055 : vector<1x1400xf32>
    %jit3A_1057 = arith.constant -3.40282347E+38 : f32
    %broadcast_in_dim3A_1058 = vector.broadcast %jit3A_1057 : f32 to vector<1x1400xf32>
    %select_n3A_1059 = arith.select %eq3A_1056, %broadcast_in_dim3A_1058, %select_n3A_1053 : vector<1x1400xi1>, vector<1x1400xf32>
    %broadcast_in_dim3A_1060 = vector.shape_cast %select_n3A_1059 : vector<1x1400xf32> to vector<1x1400xf32>
    %broadcast_in_dim3A_1061 = vector.broadcast %broadcast_in_dim3A_1060 : vector<1x1400xf32> to vector<32x1400xf32>
    %get3A_1062 = arith.constant 13 : index
    %get3A_1063 = arith.constant 0 : index
    %get3A_1064 = vector.load %arg6[%get3A_1062, %get3A_1063] : memref<34x8xf32, #tpu.memory_space<vmem>>, vector<1x8xf32>
    %get3A_1065 = vector.shape_cast %get3A_1064 : vector<1x8xf32> to vector<8xf32>
    %reshape3A_1066 = vector.shape_cast %get3A_1065 : vector<8xf32> to vector<1x8xf32>
    %broadcast_in_dim3A_1067 = vector.shape_cast %reshape3A_1066 : vector<1x8xf32> to vector<1x8xf32>
    %broadcast_in_dim3A_1068 = vector.broadcast %broadcast_in_dim3A_1067 : vector<1x8xf32> to vector<32x8xf32>
    %concatenate3A_1069 = tpu.concatenate %broadcast_in_dim3A_1068, %broadcast_in_dim3A_1061 in 1 : vector<32x8xf32>, vector<32x1400xf32> -> vector<32x1408xf32>
    %swap3A_1070 = arith.constant 13 : index
    %swap3A_1071 = arith.constant 0 : index
    %swap3A_1072 = arith.constant 0 : index
    %swap3A_1073 = vector.load %arg7[%swap3A_1070, %swap3A_1071, %swap3A_1072] : memref<34x64x1408xf32, #tpu.memory_space<vmem>>, vector<1x32x1408xf32>
    %swap3A_1074 = vector.shape_cast %swap3A_1073 : vector<1x32x1408xf32> to vector<32x1408xf32>
    %swap3A_1075 = vector.shape_cast %concatenate3A_1069 : vector<32x1408xf32> to vector<1x32x1408xf32>
    tpu.vector_store %arg7[%swap3A_1070, %swap3A_1071, %swap3A_1072], %swap3A_1075 {strides = array<i32>} : memref<34x64x1408xf32, #tpu.memory_space<vmem>>, vector<1x32x1408xf32>,
    %get3A_1076 = arith.constant 0 : index
    %get3A_1077 = arith.constant 6 : index
    %get3A_1078 = arith.constant 0 : index
    %get3A_1079 = vector.load %arg2[%get3A_1076, %get3A_1077, %get3A_1078] : memref<2x8x1400xf32, #tpu.memory_space<vmem>>, vector<1x1x1400xf32>
    %get3A_1080 = vector.shape_cast %get3A_1079 : vector<1x1x1400xf32> to vector<1400xf32>
    %reshape3A_1081 = vector.shape_cast %get3A_1080 : vector<1400xf32> to vector<1x1400xf32>
    %ne3A_1082 = arith.cmpf one, %reshape3A_1081, %reshape3A_1081 : vector<1x1400xf32>
    %jit3A_1083 = arith.constant 0.000000e+00 : f32
    %broadcast_in_dim3A_1084 = vector.broadcast %jit3A_1083 : f32 to vector<1x1400xf32>
    %select_n3A_1085 = arith.select %ne3A_1082, %broadcast_in_dim3A_1084, %reshape3A_1081 : vector<1x1400xi1>, vector<1x1400xf32>
    %eq3A_1086 = arith.constant 0x7F800000 : f32
    %eq3A_1087 = vector.broadcast %eq3A_1086 : f32 to vector<1x1400xf32>
    %eq3A_1088 = arith.cmpf oeq, %select_n3A_1085, %eq3A_1087 : vector<1x1400xf32>
    %jit3A_1089 = arith.constant 3.40282347E+38 : f32
    %broadcast_in_dim3A_1090 = vector.broadcast %jit3A_1089 : f32 to vector<1x1400xf32>
    %select_n3A_1091 = arith.select %eq3A_1088, %broadcast_in_dim3A_1090, %select_n3A_1085 : vector<1x1400xi1>, vector<1x1400xf32>
    %eq3A_1092 = arith.constant 0xFF800000 : f32
    %eq3A_1093 = vector.broadcast %eq3A_1092 : f32 to vector<1x1400xf32>
    %eq3A_1094 = arith.cmpf oeq, %select_n3A_1091, %eq3A_1093 : vector<1x1400xf32>
    %jit3A_1095 = arith.constant -3.40282347E+38 : f32
    %broadcast_in_dim3A_1096 = vector.broadcast %jit3A_1095 : f32 to vector<1x1400xf32>
    %select_n3A_1097 = arith.select %eq3A_1094, %broadcast_in_dim3A_1096, %select_n3A_1091 : vector<1x1400xi1>, vector<1x1400xf32>
    %broadcast_in_dim3A_1098 = vector.shape_cast %select_n3A_1097 : vector<1x1400xf32> to vector<1x1400xf32>
    %broadcast_in_dim3A_1099 = vector.broadcast %broadcast_in_dim3A_1098 : vector<1x1400xf32> to vector<32x1400xf32>
    %get3A_1100 = arith.constant 14 : index
    %get3A_1101 = arith.constant 0 : index
    %get3A_1102 = vector.load %arg6[%get3A_1100, %get3A_1101] : memref<34x8xf32, #tpu.memory_space<vmem>>, vector<1x8xf32>
    %get3A_1103 = vector.shape_cast %get3A_1102 : vector<1x8xf32> to vector<8xf32>
    %reshape3A_1104 = vector.shape_cast %get3A_1103 : vector<8xf32> to vector<1x8xf32>
    %broadcast_in_dim3A_1105 = vector.shape_cast %reshape3A_1104 : vector<1x8xf32> to vector<1x8xf32>
    %broadcast_in_dim3A_1106 = vector.broadcast %broadcast_in_dim3A_1105 : vector<1x8xf32> to vector<32x8xf32>
    %concatenate3A_1107 = tpu.concatenate %broadcast_in_dim3A_1106, %broadcast_in_dim3A_1099 in 1 : vector<32x8xf32>, vector<32x1400xf32> -> vector<32x1408xf32>
    %swap3A_1108 = arith.constant 14 : index
    %swap3A_1109 = arith.constant 0 : index
    %swap3A_1110 = arith.constant 0 : index
    %swap3A_1111 = vector.load %arg7[%swap3A_1108, %swap3A_1109, %swap3A_1110] : memref<34x64x1408xf32, #tpu.memory_space<vmem>>, vector<1x32x1408xf32>
    %swap3A_1112 = vector.shape_cast %swap3A_1111 : vector<1x32x1408xf32> to vector<32x1408xf32>
    %swap3A_1113 = vector.shape_cast %concatenate3A_1107 : vector<32x1408xf32> to vector<1x32x1408xf32>
    tpu.vector_store %arg7[%swap3A_1108, %swap3A_1109, %swap3A_1110], %swap3A_1113 {strides = array<i32>} : memref<34x64x1408xf32, #tpu.memory_space<vmem>>, vector<1x32x1408xf32>,
    %get3A_1114 = arith.constant 0 : index
    %get3A_1115 = arith.constant 7 : index
    %get3A_1116 = arith.constant 0 : index
    %get3A_1117 = vector.load %arg2[%get3A_1114, %get3A_1115, %get3A_1116] : memref<2x8x1400xf32, #tpu.memory_space<vmem>>, vector<1x1x1400xf32>
    %get3A_1118 = vector.shape_cast %get3A_1117 : vector<1x1x1400xf32> to vector<1400xf32>
    %reshape3A_1119 = vector.shape_cast %get3A_1118 : vector<1400xf32> to vector<1x1400xf32>
    %ne3A_1120 = arith.cmpf one, %reshape3A_1119, %reshape3A_1119 : vector<1x1400xf32>
    %jit3A_1121 = arith.constant 0.000000e+00 : f32
    %broadcast_in_dim3A_1122 = vector.broadcast %jit3A_1121 : f32 to vector<1x1400xf32>
    %select_n3A_1123 = arith.select %ne3A_1120, %broadcast_in_dim3A_1122, %reshape3A_1119 : vector<1x1400xi1>, vector<1x1400xf32>
    %eq3A_1124 = arith.constant 0x7F800000 : f32
    %eq3A_1125 = vector.broadcast %eq3A_1124 : f32 to vector<1x1400xf32>
    %eq3A_1126 = arith.cmpf oeq, %select_n3A_1123, %eq3A_1125 : vector<1x1400xf32>
    %jit3A_1127 = arith.constant 3.40282347E+38 : f32
    %broadcast_in_dim3A_1128 = vector.broadcast %jit3A_1127 : f32 to vector<1x1400xf32>
    %select_n3A_1129 = arith.select %eq3A_1126, %broadcast_in_dim3A_1128, %select_n3A_1123 : vector<1x1400xi1>, vector<1x1400xf32>
    %eq3A_1130 = arith.constant 0xFF800000 : f32
    %eq3A_1131 = vector.broadcast %eq3A_1130 : f32 to vector<1x1400xf32>
    %eq3A_1132 = arith.cmpf oeq, %select_n3A_1129, %eq3A_1131 : vector<1x1400xf32>
    %jit3A_1133 = arith.constant -3.40282347E+38 : f32
    %broadcast_in_dim3A_1134 = vector.broadcast %jit3A_1133 : f32 to vector<1x1400xf32>
    %select_n3A_1135 = arith.select %eq3A_1132, %broadcast_in_dim3A_1134, %select_n3A_1129 : vector<1x1400xi1>, vector<1x1400xf32>
    %broadcast_in_dim3A_1136 = vector.shape_cast %select_n3A_1135 : vector<1x1400xf32> to vector<1x1400xf32>
    %broadcast_in_dim3A_1137 = vector.broadcast %broadcast_in_dim3A_1136 : vector<1x1400xf32> to vector<32x1400xf32>
    %get3A_1138 = arith.constant 15 : index
    %get3A_1139 = arith.constant 0 : index
    %get3A_1140 = vector.load %arg6[%get3A_1138, %get3A_1139] : memref<34x8xf32, #tpu.memory_space<vmem>>, vector<1x8xf32>
    %get3A_1141 = vector.shape_cast %get3A_1140 : vector<1x8xf32> to vector<8xf32>
    %reshape3A_1142 = vector.shape_cast %get3A_1141 : vector<8xf32> to vector<1x8xf32>
    %broadcast_in_dim3A_1143 = vector.shape_cast %reshape3A_1142 : vector<1x8xf32> to vector<1x8xf32>
    %broadcast_in_dim3A_1144 = vector.broadcast %broadcast_in_dim3A_1143 : vector<1x8xf32> to vector<32x8xf32>
    %concatenate3A_1145 = tpu.concatenate %broadcast_in_dim3A_1144, %broadcast_in_dim3A_1137 in 1 : vector<32x8xf32>, vector<32x1400xf32> -> vector<32x1408xf32>
    %swap3A_1146 = arith.constant 15 : index
    %swap3A_1147 = arith.constant 0 : index
    %swap3A_1148 = arith.constant 0 : index
    %swap3A_1149 = vector.load %arg7[%swap3A_1146, %swap3A_1147, %swap3A_1148] : memref<34x64x1408xf32, #tpu.memory_space<vmem>>, vector<1x32x1408xf32>
    %swap3A_1150 = vector.shape_cast %swap3A_1149 : vector<1x32x1408xf32> to vector<32x1408xf32>
    %swap3A_1151 = vector.shape_cast %concatenate3A_1145 : vector<32x1408xf32> to vector<1x32x1408xf32>
    tpu.vector_store %arg7[%swap3A_1146, %swap3A_1147, %swap3A_1148], %swap3A_1151 {strides = array<i32>} : memref<34x64x1408xf32, #tpu.memory_space<vmem>>, vector<1x32x1408xf32>,
    %slice3A_1152 = vector.extract_strided_slice %transpose3A {offsets = [0, 0], sizes = [1, 1400], strides = [1, 1]} : vector<16x1400xf32> to vector<1x1400xf32>
    %squeeze3A = vector.shape_cast %slice3A_1152 : vector<1x1400xf32> to vector<1400xf32>
    %reshape3A_1153 = vector.shape_cast %squeeze3A : vector<1400xf32> to vector<1x1400xf32>
    %ne3A_1154 = arith.cmpf one, %reshape3A_1153, %reshape3A_1153 : vector<1x1400xf32>
    %jit3A_1155 = arith.constant 0.000000e+00 : f32
    %broadcast_in_dim3A_1156 = vector.broadcast %jit3A_1155 : f32 to vector<1x1400xf32>
    %select_n3A_1157 = arith.select %ne3A_1154, %broadcast_in_dim3A_1156, %reshape3A_1153 : vector<1x1400xi1>, vector<1x1400xf32>
    %eq3A_1158 = arith.constant 0x7F800000 : f32
    %eq3A_1159 = vector.broadcast %eq3A_1158 : f32 to vector<1x1400xf32>
    %eq3A_1160 = arith.cmpf oeq, %select_n3A_1157, %eq3A_1159 : vector<1x1400xf32>
    %jit3A_1161 = arith.constant 3.40282347E+38 : f32
    %broadcast_in_dim3A_1162 = vector.broadcast %jit3A_1161 : f32 to vector<1x1400xf32>
    %select_n3A_1163 = arith.select %eq3A_1160, %broadcast_in_dim3A_1162, %select_n3A_1157 : vector<1x1400xi1>, vector<1x1400xf32>
    %eq3A_1164 = arith.constant 0xFF800000 : f32
    %eq3A_1165 = vector.broadcast %eq3A_1164 : f32 to vector<1x1400xf32>
    %eq3A_1166 = arith.cmpf oeq, %select_n3A_1163, %eq3A_1165 : vector<1x1400xf32>
    %jit3A_1167 = arith.constant -3.40282347E+38 : f32
    %broadcast_in_dim3A_1168 = vector.broadcast %jit3A_1167 : f32 to vector<1x1400xf32>
    %select_n3A_1169 = arith.select %eq3A_1166, %broadcast_in_dim3A_1168, %select_n3A_1163 : vector<1x1400xi1>, vector<1x1400xf32>
    %broadcast_in_dim3A_1170 = vector.shape_cast %select_n3A_1169 : vector<1x1400xf32> to vector<1x1400xf32>
    %broadcast_in_dim3A_1171 = vector.broadcast %broadcast_in_dim3A_1170 : vector<1x1400xf32> to vector<32x1400xf32>
    %get3A_1172 = arith.constant 16 : index
    %get3A_1173 = arith.constant 0 : index
    %get3A_1174 = vector.load %arg6[%get3A_1172, %get3A_1173] : memref<34x8xf32, #tpu.memory_space<vmem>>, vector<1x8xf32>
    %get3A_1175 = vector.shape_cast %get3A_1174 : vector<1x8xf32> to vector<8xf32>
    %reshape3A_1176 = vector.shape_cast %get3A_1175 : vector<8xf32> to vector<1x8xf32>
    %broadcast_in_dim3A_1177 = vector.shape_cast %reshape3A_1176 : vector<1x8xf32> to vector<1x8xf32>
    %broadcast_in_dim3A_1178 = vector.broadcast %broadcast_in_dim3A_1177 : vector<1x8xf32> to vector<32x8xf32>
    %concatenate3A_1179 = tpu.concatenate %broadcast_in_dim3A_1178, %broadcast_in_dim3A_1171 in 1 : vector<32x8xf32>, vector<32x1400xf32> -> vector<32x1408xf32>
    %swap3A_1180 = arith.constant 16 : index
    %swap3A_1181 = arith.constant 0 : index
    %swap3A_1182 = arith.constant 0 : index
    %swap3A_1183 = vector.load %arg7[%swap3A_1180, %swap3A_1181, %swap3A_1182] : memref<34x64x1408xf32, #tpu.memory_space<vmem>>, vector<1x32x1408xf32>
    %swap3A_1184 = vector.shape_cast %swap3A_1183 : vector<1x32x1408xf32> to vector<32x1408xf32>
    %swap3A_1185 = vector.shape_cast %concatenate3A_1179 : vector<32x1408xf32> to vector<1x32x1408xf32>
    tpu.vector_store %arg7[%swap3A_1180, %swap3A_1181, %swap3A_1182], %swap3A_1185 {strides = array<i32>} : memref<34x64x1408xf32, #tpu.memory_space<vmem>>, vector<1x32x1408xf32>,
    %slice3A_1186 = vector.extract_strided_slice %transpose3A {offsets = [1, 0], sizes = [1, 1400], strides = [1, 1]} : vector<16x1400xf32> to vector<1x1400xf32>
    %squeeze3A_1187 = vector.shape_cast %slice3A_1186 : vector<1x1400xf32> to vector<1400xf32>
    %reshape3A_1188 = vector.shape_cast %squeeze3A_1187 : vector<1400xf32> to vector<1x1400xf32>
    %ne3A_1189 = arith.cmpf one, %reshape3A_1188, %reshape3A_1188 : vector<1x1400xf32>
    %jit3A_1190 = arith.constant 0.000000e+00 : f32
    %broadcast_in_dim3A_1191 = vector.broadcast %jit3A_1190 : f32 to vector<1x1400xf32>
    %select_n3A_1192 = arith.select %ne3A_1189, %broadcast_in_dim3A_1191, %reshape3A_1188 : vector<1x1400xi1>, vector<1x1400xf32>
    %eq3A_1193 = arith.constant 0x7F800000 : f32
    %eq3A_1194 = vector.broadcast %eq3A_1193 : f32 to vector<1x1400xf32>
    %eq3A_1195 = arith.cmpf oeq, %select_n3A_1192, %eq3A_1194 : vector<1x1400xf32>
    %jit3A_1196 = arith.constant 3.40282347E+38 : f32
    %broadcast_in_dim3A_1197 = vector.broadcast %jit3A_1196 : f32 to vector<1x1400xf32>
    %select_n3A_1198 = arith.select %eq3A_1195, %broadcast_in_dim3A_1197, %select_n3A_1192 : vector<1x1400xi1>, vector<1x1400xf32>
    %eq3A_1199 = arith.constant 0xFF800000 : f32
    %eq3A_1200 = vector.broadcast %eq3A_1199 : f32 to vector<1x1400xf32>
    %eq3A_1201 = arith.cmpf oeq, %select_n3A_1198, %eq3A_1200 : vector<1x1400xf32>
    %jit3A_1202 = arith.constant -3.40282347E+38 : f32
    %broadcast_in_dim3A_1203 = vector.broadcast %jit3A_1202 : f32 to vector<1x1400xf32>
    %select_n3A_1204 = arith.select %eq3A_1201, %broadcast_in_dim3A_1203, %select_n3A_1198 : vector<1x1400xi1>, vector<1x1400xf32>
    %broadcast_in_dim3A_1205 = vector.shape_cast %select_n3A_1204 : vector<1x1400xf32> to vector<1x1400xf32>
    %broadcast_in_dim3A_1206 = vector.broadcast %broadcast_in_dim3A_1205 : vector<1x1400xf32> to vector<32x1400xf32>
    %get3A_1207 = arith.constant 17 : index
    %get3A_1208 = arith.constant 0 : index
    %get3A_1209 = vector.load %arg6[%get3A_1207, %get3A_1208] : memref<34x8xf32, #tpu.memory_space<vmem>>, vector<1x8xf32>
    %get3A_1210 = vector.shape_cast %get3A_1209 : vector<1x8xf32> to vector<8xf32>
    %reshape3A_1211 = vector.shape_cast %get3A_1210 : vector<8xf32> to vector<1x8xf32>
    %broadcast_in_dim3A_1212 = vector.shape_cast %reshape3A_1211 : vector<1x8xf32> to vector<1x8xf32>
    %broadcast_in_dim3A_1213 = vector.broadcast %broadcast_in_dim3A_1212 : vector<1x8xf32> to vector<32x8xf32>
    %concatenate3A_1214 = tpu.concatenate %broadcast_in_dim3A_1213, %broadcast_in_dim3A_1206 in 1 : vector<32x8xf32>, vector<32x1400xf32> -> vector<32x1408xf32>
    %swap3A_1215 = arith.constant 17 : index
    %swap3A_1216 = arith.constant 0 : index
    %swap3A_1217 = arith.constant 0 : index
    %swap3A_1218 = vector.load %arg7[%swap3A_1215, %swap3A_1216, %swap3A_1217] : memref<34x64x1408xf32, #tpu.memory_space<vmem>>, vector<1x32x1408xf32>
    %swap3A_1219 = vector.shape_cast %swap3A_1218 : vector<1x32x1408xf32> to vector<32x1408xf32>
    %swap3A_1220 = vector.shape_cast %concatenate3A_1214 : vector<32x1408xf32> to vector<1x32x1408xf32>
    tpu.vector_store %arg7[%swap3A_1215, %swap3A_1216, %swap3A_1217], %swap3A_1220 {strides = array<i32>} : memref<34x64x1408xf32, #tpu.memory_space<vmem>>, vector<1x32x1408xf32>,
    %slice3A_1221 = vector.extract_strided_slice %transpose3A {offsets = [2, 0], sizes = [1, 1400], strides = [1, 1]} : vector<16x1400xf32> to vector<1x1400xf32>
    %squeeze3A_1222 = vector.shape_cast %slice3A_1221 : vector<1x1400xf32> to vector<1400xf32>
    %reshape3A_1223 = vector.shape_cast %squeeze3A_1222 : vector<1400xf32> to vector<1x1400xf32>
    %ne3A_1224 = arith.cmpf one, %reshape3A_1223, %reshape3A_1223 : vector<1x1400xf32>
    %jit3A_1225 = arith.constant 0.000000e+00 : f32
    %broadcast_in_dim3A_1226 = vector.broadcast %jit3A_1225 : f32 to vector<1x1400xf32>
    %select_n3A_1227 = arith.select %ne3A_1224, %broadcast_in_dim3A_1226, %reshape3A_1223 : vector<1x1400xi1>, vector<1x1400xf32>
    %eq3A_1228 = arith.constant 0x7F800000 : f32
    %eq3A_1229 = vector.broadcast %eq3A_1228 : f32 to vector<1x1400xf32>
    %eq3A_1230 = arith.cmpf oeq, %select_n3A_1227, %eq3A_1229 : vector<1x1400xf32>
    %jit3A_1231 = arith.constant 3.40282347E+38 : f32
    %broadcast_in_dim3A_1232 = vector.broadcast %jit3A_1231 : f32 to vector<1x1400xf32>
    %select_n3A_1233 = arith.select %eq3A_1230, %broadcast_in_dim3A_1232, %select_n3A_1227 : vector<1x1400xi1>, vector<1x1400xf32>
    %eq3A_1234 = arith.constant 0xFF800000 : f32
    %eq3A_1235 = vector.broadcast %eq3A_1234 : f32 to vector<1x1400xf32>
    %eq3A_1236 = arith.cmpf oeq, %select_n3A_1233, %eq3A_1235 : vector<1x1400xf32>
    %jit3A_1237 = arith.constant -3.40282347E+38 : f32
    %broadcast_in_dim3A_1238 = vector.broadcast %jit3A_1237 : f32 to vector<1x1400xf32>
    %select_n3A_1239 = arith.select %eq3A_1236, %broadcast_in_dim3A_1238, %select_n3A_1233 : vector<1x1400xi1>, vector<1x1400xf32>
    %broadcast_in_dim3A_1240 = vector.shape_cast %select_n3A_1239 : vector<1x1400xf32> to vector<1x1400xf32>
    %broadcast_in_dim3A_1241 = vector.broadcast %broadcast_in_dim3A_1240 : vector<1x1400xf32> to vector<32x1400xf32>
    %get3A_1242 = arith.constant 18 : index
    %get3A_1243 = arith.constant 0 : index
    %get3A_1244 = vector.load %arg6[%get3A_1242, %get3A_1243] : memref<34x8xf32, #tpu.memory_space<vmem>>, vector<1x8xf32>
    %get3A_1245 = vector.shape_cast %get3A_1244 : vector<1x8xf32> to vector<8xf32>
    %reshape3A_1246 = vector.shape_cast %get3A_1245 : vector<8xf32> to vector<1x8xf32>
    %broadcast_in_dim3A_1247 = vector.shape_cast %reshape3A_1246 : vector<1x8xf32> to vector<1x8xf32>
    %broadcast_in_dim3A_1248 = vector.broadcast %broadcast_in_dim3A_1247 : vector<1x8xf32> to vector<32x8xf32>
    %concatenate3A_1249 = tpu.concatenate %broadcast_in_dim3A_1248, %broadcast_in_dim3A_1241 in 1 : vector<32x8xf32>, vector<32x1400xf32> -> vector<32x1408xf32>
    %swap3A_1250 = arith.constant 18 : index
    %swap3A_1251 = arith.constant 0 : index
    %swap3A_1252 = arith.constant 0 : index
    %swap3A_1253 = vector.load %arg7[%swap3A_1250, %swap3A_1251, %swap3A_1252] : memref<34x64x1408xf32, #tpu.memory_space<vmem>>, vector<1x32x1408xf32>
    %swap3A_1254 = vector.shape_cast %swap3A_1253 : vector<1x32x1408xf32> to vector<32x1408xf32>
    %swap3A_1255 = vector.shape_cast %concatenate3A_1249 : vector<32x1408xf32> to vector<1x32x1408xf32>
    tpu.vector_store %arg7[%swap3A_1250, %swap3A_1251, %swap3A_1252], %swap3A_1255 {strides = array<i32>} : memref<34x64x1408xf32, #tpu.memory_space<vmem>>, vector<1x32x1408xf32>,
    %slice3A_1256 = vector.extract_strided_slice %transpose3A {offsets = [3, 0], sizes = [1, 1400], strides = [1, 1]} : vector<16x1400xf32> to vector<1x1400xf32>
    %squeeze3A_1257 = vector.shape_cast %slice3A_1256 : vector<1x1400xf32> to vector<1400xf32>
    %reshape3A_1258 = vector.shape_cast %squeeze3A_1257 : vector<1400xf32> to vector<1x1400xf32>
    %ne3A_1259 = arith.cmpf one, %reshape3A_1258, %reshape3A_1258 : vector<1x1400xf32>
    %jit3A_1260 = arith.constant 0.000000e+00 : f32
    %broadcast_in_dim3A_1261 = vector.broadcast %jit3A_1260 : f32 to vector<1x1400xf32>
    %select_n3A_1262 = arith.select %ne3A_1259, %broadcast_in_dim3A_1261, %reshape3A_1258 : vector<1x1400xi1>, vector<1x1400xf32>
    %eq3A_1263 = arith.constant 0x7F800000 : f32
    %eq3A_1264 = vector.broadcast %eq3A_1263 : f32 to vector<1x1400xf32>
    %eq3A_1265 = arith.cmpf oeq, %select_n3A_1262, %eq3A_1264 : vector<1x1400xf32>
    %jit3A_1266 = arith.constant 3.40282347E+38 : f32
    %broadcast_in_dim3A_1267 = vector.broadcast %jit3A_1266 : f32 to vector<1x1400xf32>
    %select_n3A_1268 = arith.select %eq3A_1265, %broadcast_in_dim3A_1267, %select_n3A_1262 : vector<1x1400xi1>, vector<1x1400xf32>
    %eq3A_1269 = arith.constant 0xFF800000 : f32
    %eq3A_1270 = vector.broadcast %eq3A_1269 : f32 to vector<1x1400xf32>
    %eq3A_1271 = arith.cmpf oeq, %select_n3A_1268, %eq3A_1270 : vector<1x1400xf32>
    %jit3A_1272 = arith.constant -3.40282347E+38 : f32
    %broadcast_in_dim3A_1273 = vector.broadcast %jit3A_1272 : f32 to vector<1x1400xf32>
    %select_n3A_1274 = arith.select %eq3A_1271, %broadcast_in_dim3A_1273, %select_n3A_1268 : vector<1x1400xi1>, vector<1x1400xf32>
    %broadcast_in_dim3A_1275 = vector.shape_cast %select_n3A_1274 : vector<1x1400xf32> to vector<1x1400xf32>
    %broadcast_in_dim3A_1276 = vector.broadcast %broadcast_in_dim3A_1275 : vector<1x1400xf32> to vector<32x1400xf32>
    %get3A_1277 = arith.constant 19 : index
    %get3A_1278 = arith.constant 0 : index
    %get3A_1279 = vector.load %arg6[%get3A_1277, %get3A_1278] : memref<34x8xf32, #tpu.memory_space<vmem>>, vector<1x8xf32>
    %get3A_1280 = vector.shape_cast %get3A_1279 : vector<1x8xf32> to vector<8xf32>
    %reshape3A_1281 = vector.shape_cast %get3A_1280 : vector<8xf32> to vector<1x8xf32>
    %broadcast_in_dim3A_1282 = vector.shape_cast %reshape3A_1281 : vector<1x8xf32> to vector<1x8xf32>
    %broadcast_in_dim3A_1283 = vector.broadcast %broadcast_in_dim3A_1282 : vector<1x8xf32> to vector<32x8xf32>
    %concatenate3A_1284 = tpu.concatenate %broadcast_in_dim3A_1283, %broadcast_in_dim3A_1276 in 1 : vector<32x8xf32>, vector<32x1400xf32> -> vector<32x1408xf32>
    %swap3A_1285 = arith.constant 19 : index
    %swap3A_1286 = arith.constant 0 : index
    %swap3A_1287 = arith.constant 0 : index
    %swap3A_1288 = vector.load %arg7[%swap3A_1285, %swap3A_1286, %swap3A_1287] : memref<34x64x1408xf32, #tpu.memory_space<vmem>>, vector<1x32x1408xf32>
    %swap3A_1289 = vector.shape_cast %swap3A_1288 : vector<1x32x1408xf32> to vector<32x1408xf32>
    %swap3A_1290 = vector.shape_cast %concatenate3A_1284 : vector<32x1408xf32> to vector<1x32x1408xf32>
    tpu.vector_store %arg7[%swap3A_1285, %swap3A_1286, %swap3A_1287], %swap3A_1290 {strides = array<i32>} : memref<34x64x1408xf32, #tpu.memory_space<vmem>>, vector<1x32x1408xf32>,
    %slice3A_1291 = vector.extract_strided_slice %transpose3A {offsets = [4, 0], sizes = [1, 1400], strides = [1, 1]} : vector<16x1400xf32> to vector<1x1400xf32>
    %squeeze3A_1292 = vector.shape_cast %slice3A_1291 : vector<1x1400xf32> to vector<1400xf32>
    %reshape3A_1293 = vector.shape_cast %squeeze3A_1292 : vector<1400xf32> to vector<1x1400xf32>
    %ne3A_1294 = arith.cmpf one, %reshape3A_1293, %reshape3A_1293 : vector<1x1400xf32>
    %jit3A_1295 = arith.constant 0.000000e+00 : f32
    %broadcast_in_dim3A_1296 = vector.broadcast %jit3A_1295 : f32 to vector<1x1400xf32>
    %select_n3A_1297 = arith.select %ne3A_1294, %broadcast_in_dim3A_1296, %reshape3A_1293 : vector<1x1400xi1>, vector<1x1400xf32>
    %eq3A_1298 = arith.constant 0x7F800000 : f32
    %eq3A_1299 = vector.broadcast %eq3A_1298 : f32 to vector<1x1400xf32>
    %eq3A_1300 = arith.cmpf oeq, %select_n3A_1297, %eq3A_1299 : vector<1x1400xf32>
    %jit3A_1301 = arith.constant 3.40282347E+38 : f32
    %broadcast_in_dim3A_1302 = vector.broadcast %jit3A_1301 : f32 to vector<1x1400xf32>
    %select_n3A_1303 = arith.select %eq3A_1300, %broadcast_in_dim3A_1302, %select_n3A_1297 : vector<1x1400xi1>, vector<1x1400xf32>
    %eq3A_1304 = arith.constant 0xFF800000 : f32
    %eq3A_1305 = vector.broadcast %eq3A_1304 : f32 to vector<1x1400xf32>
    %eq3A_1306 = arith.cmpf oeq, %select_n3A_1303, %eq3A_1305 : vector<1x1400xf32>
    %jit3A_1307 = arith.constant -3.40282347E+38 : f32
    %broadcast_in_dim3A_1308 = vector.broadcast %jit3A_1307 : f32 to vector<1x1400xf32>
    %select_n3A_1309 = arith.select %eq3A_1306, %broadcast_in_dim3A_1308, %select_n3A_1303 : vector<1x1400xi1>, vector<1x1400xf32>
    %broadcast_in_dim3A_1310 = vector.shape_cast %select_n3A_1309 : vector<1x1400xf32> to vector<1x1400xf32>
    %broadcast_in_dim3A_1311 = vector.broadcast %broadcast_in_dim3A_1310 : vector<1x1400xf32> to vector<32x1400xf32>
    %get3A_1312 = arith.constant 20 : index
    %get3A_1313 = arith.constant 0 : index
    %get3A_1314 = vector.load %arg6[%get3A_1312, %get3A_1313] : memref<34x8xf32, #tpu.memory_space<vmem>>, vector<1x8xf32>
    %get3A_1315 = vector.shape_cast %get3A_1314 : vector<1x8xf32> to vector<8xf32>
    %reshape3A_1316 = vector.shape_cast %get3A_1315 : vector<8xf32> to vector<1x8xf32>
    %broadcast_in_dim3A_1317 = vector.shape_cast %reshape3A_1316 : vector<1x8xf32> to vector<1x8xf32>
    %broadcast_in_dim3A_1318 = vector.broadcast %broadcast_in_dim3A_1317 : vector<1x8xf32> to vector<32x8xf32>
    %concatenate3A_1319 = tpu.concatenate %broadcast_in_dim3A_1318, %broadcast_in_dim3A_1311 in 1 : vector<32x8xf32>, vector<32x1400xf32> -> vector<32x1408xf32>
    %swap3A_1320 = arith.constant 20 : index
    %swap3A_1321 = arith.constant 0 : index
    %swap3A_1322 = arith.constant 0 : index
    %swap3A_1323 = vector.load %arg7[%swap3A_1320, %swap3A_1321, %swap3A_1322] : memref<34x64x1408xf32, #tpu.memory_space<vmem>>, vector<1x32x1408xf32>
    %swap3A_1324 = vector.shape_cast %swap3A_1323 : vector<1x32x1408xf32> to vector<32x1408xf32>
    %swap3A_1325 = vector.shape_cast %concatenate3A_1319 : vector<32x1408xf32> to vector<1x32x1408xf32>
    tpu.vector_store %arg7[%swap3A_1320, %swap3A_1321, %swap3A_1322], %swap3A_1325 {strides = array<i32>} : memref<34x64x1408xf32, #tpu.memory_space<vmem>>, vector<1x32x1408xf32>,
    %slice3A_1326 = vector.extract_strided_slice %transpose3A {offsets = [5, 0], sizes = [1, 1400], strides = [1, 1]} : vector<16x1400xf32> to vector<1x1400xf32>
    %squeeze3A_1327 = vector.shape_cast %slice3A_1326 : vector<1x1400xf32> to vector<1400xf32>
    %reshape3A_1328 = vector.shape_cast %squeeze3A_1327 : vector<1400xf32> to vector<1x1400xf32>
    %ne3A_1329 = arith.cmpf one, %reshape3A_1328, %reshape3A_1328 : vector<1x1400xf32>
    %jit3A_1330 = arith.constant 0.000000e+00 : f32
    %broadcast_in_dim3A_1331 = vector.broadcast %jit3A_1330 : f32 to vector<1x1400xf32>
    %select_n3A_1332 = arith.select %ne3A_1329, %broadcast_in_dim3A_1331, %reshape3A_1328 : vector<1x1400xi1>, vector<1x1400xf32>
    %eq3A_1333 = arith.constant 0x7F800000 : f32
    %eq3A_1334 = vector.broadcast %eq3A_1333 : f32 to vector<1x1400xf32>
    %eq3A_1335 = arith.cmpf oeq, %select_n3A_1332, %eq3A_1334 : vector<1x1400xf32>
    %jit3A_1336 = arith.constant 3.40282347E+38 : f32
    %broadcast_in_dim3A_1337 = vector.broadcast %jit3A_1336 : f32 to vector<1x1400xf32>
    %select_n3A_1338 = arith.select %eq3A_1335, %broadcast_in_dim3A_1337, %select_n3A_1332 : vector<1x1400xi1>, vector<1x1400xf32>
    %eq3A_1339 = arith.constant 0xFF800000 : f32
    %eq3A_1340 = vector.broadcast %eq3A_1339 : f32 to vector<1x1400xf32>
    %eq3A_1341 = arith.cmpf oeq, %select_n3A_1338, %eq3A_1340 : vector<1x1400xf32>
    %jit3A_1342 = arith.constant -3.40282347E+38 : f32
    %broadcast_in_dim3A_1343 = vector.broadcast %jit3A_1342 : f32 to vector<1x1400xf32>
    %select_n3A_1344 = arith.select %eq3A_1341, %broadcast_in_dim3A_1343, %select_n3A_1338 : vector<1x1400xi1>, vector<1x1400xf32>
    %broadcast_in_dim3A_1345 = vector.shape_cast %select_n3A_1344 : vector<1x1400xf32> to vector<1x1400xf32>
    %broadcast_in_dim3A_1346 = vector.broadcast %broadcast_in_dim3A_1345 : vector<1x1400xf32> to vector<32x1400xf32>
    %get3A_1347 = arith.constant 21 : index
    %get3A_1348 = arith.constant 0 : index
    %get3A_1349 = vector.load %arg6[%get3A_1347, %get3A_1348] : memref<34x8xf32, #tpu.memory_space<vmem>>, vector<1x8xf32>
    %get3A_1350 = vector.shape_cast %get3A_1349 : vector<1x8xf32> to vector<8xf32>
    %reshape3A_1351 = vector.shape_cast %get3A_1350 : vector<8xf32> to vector<1x8xf32>
    %broadcast_in_dim3A_1352 = vector.shape_cast %reshape3A_1351 : vector<1x8xf32> to vector<1x8xf32>
    %broadcast_in_dim3A_1353 = vector.broadcast %broadcast_in_dim3A_1352 : vector<1x8xf32> to vector<32x8xf32>
    %concatenate3A_1354 = tpu.concatenate %broadcast_in_dim3A_1353, %broadcast_in_dim3A_1346 in 1 : vector<32x8xf32>, vector<32x1400xf32> -> vector<32x1408xf32>
    %swap3A_1355 = arith.constant 21 : index
    %swap3A_1356 = arith.constant 0 : index
    %swap3A_1357 = arith.constant 0 : index
    %swap3A_1358 = vector.load %arg7[%swap3A_1355, %swap3A_1356, %swap3A_1357] : memref<34x64x1408xf32, #tpu.memory_space<vmem>>, vector<1x32x1408xf32>
    %swap3A_1359 = vector.shape_cast %swap3A_1358 : vector<1x32x1408xf32> to vector<32x1408xf32>
    %swap3A_1360 = vector.shape_cast %concatenate3A_1354 : vector<32x1408xf32> to vector<1x32x1408xf32>
    tpu.vector_store %arg7[%swap3A_1355, %swap3A_1356, %swap3A_1357], %swap3A_1360 {strides = array<i32>} : memref<34x64x1408xf32, #tpu.memory_space<vmem>>, vector<1x32x1408xf32>,
    %slice3A_1361 = vector.extract_strided_slice %transpose3A {offsets = [6, 0], sizes = [1, 1400], strides = [1, 1]} : vector<16x1400xf32> to vector<1x1400xf32>
    %squeeze3A_1362 = vector.shape_cast %slice3A_1361 : vector<1x1400xf32> to vector<1400xf32>
    %reshape3A_1363 = vector.shape_cast %squeeze3A_1362 : vector<1400xf32> to vector<1x1400xf32>
    %ne3A_1364 = arith.cmpf one, %reshape3A_1363, %reshape3A_1363 : vector<1x1400xf32>
    %jit3A_1365 = arith.constant 0.000000e+00 : f32
    %broadcast_in_dim3A_1366 = vector.broadcast %jit3A_1365 : f32 to vector<1x1400xf32>
    %select_n3A_1367 = arith.select %ne3A_1364, %broadcast_in_dim3A_1366, %reshape3A_1363 : vector<1x1400xi1>, vector<1x1400xf32>
    %eq3A_1368 = arith.constant 0x7F800000 : f32
    %eq3A_1369 = vector.broadcast %eq3A_1368 : f32 to vector<1x1400xf32>
    %eq3A_1370 = arith.cmpf oeq, %select_n3A_1367, %eq3A_1369 : vector<1x1400xf32>
    %jit3A_1371 = arith.constant 3.40282347E+38 : f32
    %broadcast_in_dim3A_1372 = vector.broadcast %jit3A_1371 : f32 to vector<1x1400xf32>
    %select_n3A_1373 = arith.select %eq3A_1370, %broadcast_in_dim3A_1372, %select_n3A_1367 : vector<1x1400xi1>, vector<1x1400xf32>
    %eq3A_1374 = arith.constant 0xFF800000 : f32
    %eq3A_1375 = vector.broadcast %eq3A_1374 : f32 to vector<1x1400xf32>
    %eq3A_1376 = arith.cmpf oeq, %select_n3A_1373, %eq3A_1375 : vector<1x1400xf32>
    %jit3A_1377 = arith.constant -3.40282347E+38 : f32
    %broadcast_in_dim3A_1378 = vector.broadcast %jit3A_1377 : f32 to vector<1x1400xf32>
    %select_n3A_1379 = arith.select %eq3A_1376, %broadcast_in_dim3A_1378, %select_n3A_1373 : vector<1x1400xi1>, vector<1x1400xf32>
    %broadcast_in_dim3A_1380 = vector.shape_cast %select_n3A_1379 : vector<1x1400xf32> to vector<1x1400xf32>
    %broadcast_in_dim3A_1381 = vector.broadcast %broadcast_in_dim3A_1380 : vector<1x1400xf32> to vector<32x1400xf32>
    %get3A_1382 = arith.constant 22 : index
    %get3A_1383 = arith.constant 0 : index
    %get3A_1384 = vector.load %arg6[%get3A_1382, %get3A_1383] : memref<34x8xf32, #tpu.memory_space<vmem>>, vector<1x8xf32>
    %get3A_1385 = vector.shape_cast %get3A_1384 : vector<1x8xf32> to vector<8xf32>
    %reshape3A_1386 = vector.shape_cast %get3A_1385 : vector<8xf32> to vector<1x8xf32>
    %broadcast_in_dim3A_1387 = vector.shape_cast %reshape3A_1386 : vector<1x8xf32> to vector<1x8xf32>
    %broadcast_in_dim3A_1388 = vector.broadcast %broadcast_in_dim3A_1387 : vector<1x8xf32> to vector<32x8xf32>
    %concatenate3A_1389 = tpu.concatenate %broadcast_in_dim3A_1388, %broadcast_in_dim3A_1381 in 1 : vector<32x8xf32>, vector<32x1400xf32> -> vector<32x1408xf32>
    %swap3A_1390 = arith.constant 22 : index
    %swap3A_1391 = arith.constant 0 : index
    %swap3A_1392 = arith.constant 0 : index
    %swap3A_1393 = vector.load %arg7[%swap3A_1390, %swap3A_1391, %swap3A_1392] : memref<34x64x1408xf32, #tpu.memory_space<vmem>>, vector<1x32x1408xf32>
    %swap3A_1394 = vector.shape_cast %swap3A_1393 : vector<1x32x1408xf32> to vector<32x1408xf32>
    %swap3A_1395 = vector.shape_cast %concatenate3A_1389 : vector<32x1408xf32> to vector<1x32x1408xf32>
    tpu.vector_store %arg7[%swap3A_1390, %swap3A_1391, %swap3A_1392], %swap3A_1395 {strides = array<i32>} : memref<34x64x1408xf32, #tpu.memory_space<vmem>>, vector<1x32x1408xf32>,
    %slice3A_1396 = vector.extract_strided_slice %transpose3A {offsets = [7, 0], sizes = [1, 1400], strides = [1, 1]} : vector<16x1400xf32> to vector<1x1400xf32>
    %squeeze3A_1397 = vector.shape_cast %slice3A_1396 : vector<1x1400xf32> to vector<1400xf32>
    %reshape3A_1398 = vector.shape_cast %squeeze3A_1397 : vector<1400xf32> to vector<1x1400xf32>
    %ne3A_1399 = arith.cmpf one, %reshape3A_1398, %reshape3A_1398 : vector<1x1400xf32>
    %jit3A_1400 = arith.constant 0.000000e+00 : f32
    %broadcast_in_dim3A_1401 = vector.broadcast %jit3A_1400 : f32 to vector<1x1400xf32>
    %select_n3A_1402 = arith.select %ne3A_1399, %broadcast_in_dim3A_1401, %reshape3A_1398 : vector<1x1400xi1>, vector<1x1400xf32>
    %eq3A_1403 = arith.constant 0x7F800000 : f32
    %eq3A_1404 = vector.broadcast %eq3A_1403 : f32 to vector<1x1400xf32>
    %eq3A_1405 = arith.cmpf oeq, %select_n3A_1402, %eq3A_1404 : vector<1x1400xf32>
    %jit3A_1406 = arith.constant 3.40282347E+38 : f32
    %broadcast_in_dim3A_1407 = vector.broadcast %jit3A_1406 : f32 to vector<1x1400xf32>
    %select_n3A_1408 = arith.select %eq3A_1405, %broadcast_in_dim3A_1407, %select_n3A_1402 : vector<1x1400xi1>, vector<1x1400xf32>
    %eq3A_1409 = arith.constant 0xFF800000 : f32
    %eq3A_1410 = vector.broadcast %eq3A_1409 : f32 to vector<1x1400xf32>
    %eq3A_1411 = arith.cmpf oeq, %select_n3A_1408, %eq3A_1410 : vector<1x1400xf32>
    %jit3A_1412 = arith.constant -3.40282347E+38 : f32
    %broadcast_in_dim3A_1413 = vector.broadcast %jit3A_1412 : f32 to vector<1x1400xf32>
    %select_n3A_1414 = arith.select %eq3A_1411, %broadcast_in_dim3A_1413, %select_n3A_1408 : vector<1x1400xi1>, vector<1x1400xf32>
    %broadcast_in_dim3A_1415 = vector.shape_cast %select_n3A_1414 : vector<1x1400xf32> to vector<1x1400xf32>
    %broadcast_in_dim3A_1416 = vector.broadcast %broadcast_in_dim3A_1415 : vector<1x1400xf32> to vector<32x1400xf32>
    %get3A_1417 = arith.constant 23 : index
    %get3A_1418 = arith.constant 0 : index
    %get3A_1419 = vector.load %arg6[%get3A_1417, %get3A_1418] : memref<34x8xf32, #tpu.memory_space<vmem>>, vector<1x8xf32>
    %get3A_1420 = vector.shape_cast %get3A_1419 : vector<1x8xf32> to vector<8xf32>
    %reshape3A_1421 = vector.shape_cast %get3A_1420 : vector<8xf32> to vector<1x8xf32>
    %broadcast_in_dim3A_1422 = vector.shape_cast %reshape3A_1421 : vector<1x8xf32> to vector<1x8xf32>
    %broadcast_in_dim3A_1423 = vector.broadcast %broadcast_in_dim3A_1422 : vector<1x8xf32> to vector<32x8xf32>
    %concatenate3A_1424 = tpu.concatenate %broadcast_in_dim3A_1423, %broadcast_in_dim3A_1416 in 1 : vector<32x8xf32>, vector<32x1400xf32> -> vector<32x1408xf32>
    %swap3A_1425 = arith.constant 23 : index
    %swap3A_1426 = arith.constant 0 : index
    %swap3A_1427 = arith.constant 0 : index
    %swap3A_1428 = vector.load %arg7[%swap3A_1425, %swap3A_1426, %swap3A_1427] : memref<34x64x1408xf32, #tpu.memory_space<vmem>>, vector<1x32x1408xf32>
    %swap3A_1429 = vector.shape_cast %swap3A_1428 : vector<1x32x1408xf32> to vector<32x1408xf32>
    %swap3A_1430 = vector.shape_cast %concatenate3A_1424 : vector<32x1408xf32> to vector<1x32x1408xf32>
    tpu.vector_store %arg7[%swap3A_1425, %swap3A_1426, %swap3A_1427], %swap3A_1430 {strides = array<i32>} : memref<34x64x1408xf32, #tpu.memory_space<vmem>>, vector<1x32x1408xf32>,
    %slice3A_1431 = vector.extract_strided_slice %transpose3A {offsets = [8, 0], sizes = [1, 1400], strides = [1, 1]} : vector<16x1400xf32> to vector<1x1400xf32>
    %squeeze3A_1432 = vector.shape_cast %slice3A_1431 : vector<1x1400xf32> to vector<1400xf32>
    %reshape3A_1433 = vector.shape_cast %squeeze3A_1432 : vector<1400xf32> to vector<1x1400xf32>
    %ne3A_1434 = arith.cmpf one, %reshape3A_1433, %reshape3A_1433 : vector<1x1400xf32>
    %jit3A_1435 = arith.constant 0.000000e+00 : f32
    %broadcast_in_dim3A_1436 = vector.broadcast %jit3A_1435 : f32 to vector<1x1400xf32>
    %select_n3A_1437 = arith.select %ne3A_1434, %broadcast_in_dim3A_1436, %reshape3A_1433 : vector<1x1400xi1>, vector<1x1400xf32>
    %eq3A_1438 = arith.constant 0x7F800000 : f32
    %eq3A_1439 = vector.broadcast %eq3A_1438 : f32 to vector<1x1400xf32>
    %eq3A_1440 = arith.cmpf oeq, %select_n3A_1437, %eq3A_1439 : vector<1x1400xf32>
    %jit3A_1441 = arith.constant 3.40282347E+38 : f32
    %broadcast_in_dim3A_1442 = vector.broadcast %jit3A_1441 : f32 to vector<1x1400xf32>
    %select_n3A_1443 = arith.select %eq3A_1440, %broadcast_in_dim3A_1442, %select_n3A_1437 : vector<1x1400xi1>, vector<1x1400xf32>
    %eq3A_1444 = arith.constant 0xFF800000 : f32
    %eq3A_1445 = vector.broadcast %eq3A_1444 : f32 to vector<1x1400xf32>
    %eq3A_1446 = arith.cmpf oeq, %select_n3A_1443, %eq3A_1445 : vector<1x1400xf32>
    %jit3A_1447 = arith.constant -3.40282347E+38 : f32
    %broadcast_in_dim3A_1448 = vector.broadcast %jit3A_1447 : f32 to vector<1x1400xf32>
    %select_n3A_1449 = arith.select %eq3A_1446, %broadcast_in_dim3A_1448, %select_n3A_1443 : vector<1x1400xi1>, vector<1x1400xf32>
    %broadcast_in_dim3A_1450 = vector.shape_cast %select_n3A_1449 : vector<1x1400xf32> to vector<1x1400xf32>
    %broadcast_in_dim3A_1451 = vector.broadcast %broadcast_in_dim3A_1450 : vector<1x1400xf32> to vector<32x1400xf32>
    %get3A_1452 = arith.constant 24 : index
    %get3A_1453 = arith.constant 0 : index
    %get3A_1454 = vector.load %arg6[%get3A_1452, %get3A_1453] : memref<34x8xf32, #tpu.memory_space<vmem>>, vector<1x8xf32>
    %get3A_1455 = vector.shape_cast %get3A_1454 : vector<1x8xf32> to vector<8xf32>
    %reshape3A_1456 = vector.shape_cast %get3A_1455 : vector<8xf32> to vector<1x8xf32>
    %broadcast_in_dim3A_1457 = vector.shape_cast %reshape3A_1456 : vector<1x8xf32> to vector<1x8xf32>
    %broadcast_in_dim3A_1458 = vector.broadcast %broadcast_in_dim3A_1457 : vector<1x8xf32> to vector<32x8xf32>
    %concatenate3A_1459 = tpu.concatenate %broadcast_in_dim3A_1458, %broadcast_in_dim3A_1451 in 1 : vector<32x8xf32>, vector<32x1400xf32> -> vector<32x1408xf32>
    %swap3A_1460 = arith.constant 24 : index
    %swap3A_1461 = arith.constant 0 : index
    %swap3A_1462 = arith.constant 0 : index
    %swap3A_1463 = vector.load %arg7[%swap3A_1460, %swap3A_1461, %swap3A_1462] : memref<34x64x1408xf32, #tpu.memory_space<vmem>>, vector<1x32x1408xf32>
    %swap3A_1464 = vector.shape_cast %swap3A_1463 : vector<1x32x1408xf32> to vector<32x1408xf32>
    %swap3A_1465 = vector.shape_cast %concatenate3A_1459 : vector<32x1408xf32> to vector<1x32x1408xf32>
    tpu.vector_store %arg7[%swap3A_1460, %swap3A_1461, %swap3A_1462], %swap3A_1465 {strides = array<i32>} : memref<34x64x1408xf32, #tpu.memory_space<vmem>>, vector<1x32x1408xf32>,
    %slice3A_1466 = vector.extract_strided_slice %transpose3A {offsets = [9, 0], sizes = [1, 1400], strides = [1, 1]} : vector<16x1400xf32> to vector<1x1400xf32>
    %squeeze3A_1467 = vector.shape_cast %slice3A_1466 : vector<1x1400xf32> to vector<1400xf32>
    %reshape3A_1468 = vector.shape_cast %squeeze3A_1467 : vector<1400xf32> to vector<1x1400xf32>
    %ne3A_1469 = arith.cmpf one, %reshape3A_1468, %reshape3A_1468 : vector<1x1400xf32>
    %jit3A_1470 = arith.constant 0.000000e+00 : f32
    %broadcast_in_dim3A_1471 = vector.broadcast %jit3A_1470 : f32 to vector<1x1400xf32>
    %select_n3A_1472 = arith.select %ne3A_1469, %broadcast_in_dim3A_1471, %reshape3A_1468 : vector<1x1400xi1>, vector<1x1400xf32>
    %eq3A_1473 = arith.constant 0x7F800000 : f32
    %eq3A_1474 = vector.broadcast %eq3A_1473 : f32 to vector<1x1400xf32>
    %eq3A_1475 = arith.cmpf oeq, %select_n3A_1472, %eq3A_1474 : vector<1x1400xf32>
    %jit3A_1476 = arith.constant 3.40282347E+38 : f32
    %broadcast_in_dim3A_1477 = vector.broadcast %jit3A_1476 : f32 to vector<1x1400xf32>
    %select_n3A_1478 = arith.select %eq3A_1475, %broadcast_in_dim3A_1477, %select_n3A_1472 : vector<1x1400xi1>, vector<1x1400xf32>
    %eq3A_1479 = arith.constant 0xFF800000 : f32
    %eq3A_1480 = vector.broadcast %eq3A_1479 : f32 to vector<1x1400xf32>
    %eq3A_1481 = arith.cmpf oeq, %select_n3A_1478, %eq3A_1480 : vector<1x1400xf32>
    %jit3A_1482 = arith.constant -3.40282347E+38 : f32
    %broadcast_in_dim3A_1483 = vector.broadcast %jit3A_1482 : f32 to vector<1x1400xf32>
    %select_n3A_1484 = arith.select %eq3A_1481, %broadcast_in_dim3A_1483, %select_n3A_1478 : vector<1x1400xi1>, vector<1x1400xf32>
    %broadcast_in_dim3A_1485 = vector.shape_cast %select_n3A_1484 : vector<1x1400xf32> to vector<1x1400xf32>
    %broadcast_in_dim3A_1486 = vector.broadcast %broadcast_in_dim3A_1485 : vector<1x1400xf32> to vector<32x1400xf32>
    %get3A_1487 = arith.constant 25 : index
    %get3A_1488 = arith.constant 0 : index
    %get3A_1489 = vector.load %arg6[%get3A_1487, %get3A_1488] : memref<34x8xf32, #tpu.memory_space<vmem>>, vector<1x8xf32>
    %get3A_1490 = vector.shape_cast %get3A_1489 : vector<1x8xf32> to vector<8xf32>
    %reshape3A_1491 = vector.shape_cast %get3A_1490 : vector<8xf32> to vector<1x8xf32>
    %broadcast_in_dim3A_1492 = vector.shape_cast %reshape3A_1491 : vector<1x8xf32> to vector<1x8xf32>
    %broadcast_in_dim3A_1493 = vector.broadcast %broadcast_in_dim3A_1492 : vector<1x8xf32> to vector<32x8xf32>
    %concatenate3A_1494 = tpu.concatenate %broadcast_in_dim3A_1493, %broadcast_in_dim3A_1486 in 1 : vector<32x8xf32>, vector<32x1400xf32> -> vector<32x1408xf32>
    %swap3A_1495 = arith.constant 25 : index
    %swap3A_1496 = arith.constant 0 : index
    %swap3A_1497 = arith.constant 0 : index
    %swap3A_1498 = vector.load %arg7[%swap3A_1495, %swap3A_1496, %swap3A_1497] : memref<34x64x1408xf32, #tpu.memory_space<vmem>>, vector<1x32x1408xf32>
    %swap3A_1499 = vector.shape_cast %swap3A_1498 : vector<1x32x1408xf32> to vector<32x1408xf32>
    %swap3A_1500 = vector.shape_cast %concatenate3A_1494 : vector<32x1408xf32> to vector<1x32x1408xf32>
    tpu.vector_store %arg7[%swap3A_1495, %swap3A_1496, %swap3A_1497], %swap3A_1500 {strides = array<i32>} : memref<34x64x1408xf32, #tpu.memory_space<vmem>>, vector<1x32x1408xf32>,
    %slice3A_1501 = vector.extract_strided_slice %transpose3A {offsets = [10, 0], sizes = [1, 1400], strides = [1, 1]} : vector<16x1400xf32> to vector<1x1400xf32>
    %squeeze3A_1502 = vector.shape_cast %slice3A_1501 : vector<1x1400xf32> to vector<1400xf32>
    %reshape3A_1503 = vector.shape_cast %squeeze3A_1502 : vector<1400xf32> to vector<1x1400xf32>
    %ne3A_1504 = arith.cmpf one, %reshape3A_1503, %reshape3A_1503 : vector<1x1400xf32>
    %jit3A_1505 = arith.constant 0.000000e+00 : f32
    %broadcast_in_dim3A_1506 = vector.broadcast %jit3A_1505 : f32 to vector<1x1400xf32>
    %select_n3A_1507 = arith.select %ne3A_1504, %broadcast_in_dim3A_1506, %reshape3A_1503 : vector<1x1400xi1>, vector<1x1400xf32>
    %eq3A_1508 = arith.constant 0x7F800000 : f32
    %eq3A_1509 = vector.broadcast %eq3A_1508 : f32 to vector<1x1400xf32>
    %eq3A_1510 = arith.cmpf oeq, %select_n3A_1507, %eq3A_1509 : vector<1x1400xf32>
    %jit3A_1511 = arith.constant 3.40282347E+38 : f32
    %broadcast_in_dim3A_1512 = vector.broadcast %jit3A_1511 : f32 to vector<1x1400xf32>
    %select_n3A_1513 = arith.select %eq3A_1510, %broadcast_in_dim3A_1512, %select_n3A_1507 : vector<1x1400xi1>, vector<1x1400xf32>
    %eq3A_1514 = arith.constant 0xFF800000 : f32
    %eq3A_1515 = vector.broadcast %eq3A_1514 : f32 to vector<1x1400xf32>
    %eq3A_1516 = arith.cmpf oeq, %select_n3A_1513, %eq3A_1515 : vector<1x1400xf32>
    %jit3A_1517 = arith.constant -3.40282347E+38 : f32
    %broadcast_in_dim3A_1518 = vector.broadcast %jit3A_1517 : f32 to vector<1x1400xf32>
    %select_n3A_1519 = arith.select %eq3A_1516, %broadcast_in_dim3A_1518, %select_n3A_1513 : vector<1x1400xi1>, vector<1x1400xf32>
    %broadcast_in_dim3A_1520 = vector.shape_cast %select_n3A_1519 : vector<1x1400xf32> to vector<1x1400xf32>
    %broadcast_in_dim3A_1521 = vector.broadcast %broadcast_in_dim3A_1520 : vector<1x1400xf32> to vector<32x1400xf32>
    %get3A_1522 = arith.constant 26 : index
    %get3A_1523 = arith.constant 0 : index
    %get3A_1524 = vector.load %arg6[%get3A_1522, %get3A_1523] : memref<34x8xf32, #tpu.memory_space<vmem>>, vector<1x8xf32>
    %get3A_1525 = vector.shape_cast %get3A_1524 : vector<1x8xf32> to vector<8xf32>
    %reshape3A_1526 = vector.shape_cast %get3A_1525 : vector<8xf32> to vector<1x8xf32>
    %broadcast_in_dim3A_1527 = vector.shape_cast %reshape3A_1526 : vector<1x8xf32> to vector<1x8xf32>
    %broadcast_in_dim3A_1528 = vector.broadcast %broadcast_in_dim3A_1527 : vector<1x8xf32> to vector<32x8xf32>
    %concatenate3A_1529 = tpu.concatenate %broadcast_in_dim3A_1528, %broadcast_in_dim3A_1521 in 1 : vector<32x8xf32>, vector<32x1400xf32> -> vector<32x1408xf32>
    %swap3A_1530 = arith.constant 26 : index
    %swap3A_1531 = arith.constant 0 : index
    %swap3A_1532 = arith.constant 0 : index
    %swap3A_1533 = vector.load %arg7[%swap3A_1530, %swap3A_1531, %swap3A_1532] : memref<34x64x1408xf32, #tpu.memory_space<vmem>>, vector<1x32x1408xf32>
    %swap3A_1534 = vector.shape_cast %swap3A_1533 : vector<1x32x1408xf32> to vector<32x1408xf32>
    %swap3A_1535 = vector.shape_cast %concatenate3A_1529 : vector<32x1408xf32> to vector<1x32x1408xf32>
    tpu.vector_store %arg7[%swap3A_1530, %swap3A_1531, %swap3A_1532], %swap3A_1535 {strides = array<i32>} : memref<34x64x1408xf32, #tpu.memory_space<vmem>>, vector<1x32x1408xf32>,
    %slice3A_1536 = vector.extract_strided_slice %transpose3A {offsets = [11, 0], sizes = [1, 1400], strides = [1, 1]} : vector<16x1400xf32> to vector<1x1400xf32>
    %squeeze3A_1537 = vector.shape_cast %slice3A_1536 : vector<1x1400xf32> to vector<1400xf32>
    %reshape3A_1538 = vector.shape_cast %squeeze3A_1537 : vector<1400xf32> to vector<1x1400xf32>
    %ne3A_1539 = arith.cmpf one, %reshape3A_1538, %reshape3A_1538 : vector<1x1400xf32>
    %jit3A_1540 = arith.constant 0.000000e+00 : f32
    %broadcast_in_dim3A_1541 = vector.broadcast %jit3A_1540 : f32 to vector<1x1400xf32>
    %select_n3A_1542 = arith.select %ne3A_1539, %broadcast_in_dim3A_1541, %reshape3A_1538 : vector<1x1400xi1>, vector<1x1400xf32>
    %eq3A_1543 = arith.constant 0x7F800000 : f32
    %eq3A_1544 = vector.broadcast %eq3A_1543 : f32 to vector<1x1400xf32>
    %eq3A_1545 = arith.cmpf oeq, %select_n3A_1542, %eq3A_1544 : vector<1x1400xf32>
    %jit3A_1546 = arith.constant 3.40282347E+38 : f32
    %broadcast_in_dim3A_1547 = vector.broadcast %jit3A_1546 : f32 to vector<1x1400xf32>
    %select_n3A_1548 = arith.select %eq3A_1545, %broadcast_in_dim3A_1547, %select_n3A_1542 : vector<1x1400xi1>, vector<1x1400xf32>
    %eq3A_1549 = arith.constant 0xFF800000 : f32
    %eq3A_1550 = vector.broadcast %eq3A_1549 : f32 to vector<1x1400xf32>
    %eq3A_1551 = arith.cmpf oeq, %select_n3A_1548, %eq3A_1550 : vector<1x1400xf32>
    %jit3A_1552 = arith.constant -3.40282347E+38 : f32
    %broadcast_in_dim3A_1553 = vector.broadcast %jit3A_1552 : f32 to vector<1x1400xf32>
    %select_n3A_1554 = arith.select %eq3A_1551, %broadcast_in_dim3A_1553, %select_n3A_1548 : vector<1x1400xi1>, vector<1x1400xf32>
    %broadcast_in_dim3A_1555 = vector.shape_cast %select_n3A_1554 : vector<1x1400xf32> to vector<1x1400xf32>
    %broadcast_in_dim3A_1556 = vector.broadcast %broadcast_in_dim3A_1555 : vector<1x1400xf32> to vector<32x1400xf32>
    %get3A_1557 = arith.constant 27 : index
    %get3A_1558 = arith.constant 0 : index
    %get3A_1559 = vector.load %arg6[%get3A_1557, %get3A_1558] : memref<34x8xf32, #tpu.memory_space<vmem>>, vector<1x8xf32>
    %get3A_1560 = vector.shape_cast %get3A_1559 : vector<1x8xf32> to vector<8xf32>
    %reshape3A_1561 = vector.shape_cast %get3A_1560 : vector<8xf32> to vector<1x8xf32>
    %broadcast_in_dim3A_1562 = vector.shape_cast %reshape3A_1561 : vector<1x8xf32> to vector<1x8xf32>
    %broadcast_in_dim3A_1563 = vector.broadcast %broadcast_in_dim3A_1562 : vector<1x8xf32> to vector<32x8xf32>
    %concatenate3A_1564 = tpu.concatenate %broadcast_in_dim3A_1563, %broadcast_in_dim3A_1556 in 1 : vector<32x8xf32>, vector<32x1400xf32> -> vector<32x1408xf32>
    %swap3A_1565 = arith.constant 27 : index
    %swap3A_1566 = arith.constant 0 : index
    %swap3A_1567 = arith.constant 0 : index
    %swap3A_1568 = vector.load %arg7[%swap3A_1565, %swap3A_1566, %swap3A_1567] : memref<34x64x1408xf32, #tpu.memory_space<vmem>>, vector<1x32x1408xf32>
    %swap3A_1569 = vector.shape_cast %swap3A_1568 : vector<1x32x1408xf32> to vector<32x1408xf32>
    %swap3A_1570 = vector.shape_cast %concatenate3A_1564 : vector<32x1408xf32> to vector<1x32x1408xf32>
    tpu.vector_store %arg7[%swap3A_1565, %swap3A_1566, %swap3A_1567], %swap3A_1570 {strides = array<i32>} : memref<34x64x1408xf32, #tpu.memory_space<vmem>>, vector<1x32x1408xf32>,
    %slice3A_1571 = vector.extract_strided_slice %transpose3A {offsets = [12, 0], sizes = [1, 1400], strides = [1, 1]} : vector<16x1400xf32> to vector<1x1400xf32>
    %squeeze3A_1572 = vector.shape_cast %slice3A_1571 : vector<1x1400xf32> to vector<1400xf32>
    %reshape3A_1573 = vector.shape_cast %squeeze3A_1572 : vector<1400xf32> to vector<1x1400xf32>
    %ne3A_1574 = arith.cmpf one, %reshape3A_1573, %reshape3A_1573 : vector<1x1400xf32>
    %jit3A_1575 = arith.constant 0.000000e+00 : f32
    %broadcast_in_dim3A_1576 = vector.broadcast %jit3A_1575 : f32 to vector<1x1400xf32>
    %select_n3A_1577 = arith.select %ne3A_1574, %broadcast_in_dim3A_1576, %reshape3A_1573 : vector<1x1400xi1>, vector<1x1400xf32>
    %eq3A_1578 = arith.constant 0x7F800000 : f32
    %eq3A_1579 = vector.broadcast %eq3A_1578 : f32 to vector<1x1400xf32>
    %eq3A_1580 = arith.cmpf oeq, %select_n3A_1577, %eq3A_1579 : vector<1x1400xf32>
    %jit3A_1581 = arith.constant 3.40282347E+38 : f32
    %broadcast_in_dim3A_1582 = vector.broadcast %jit3A_1581 : f32 to vector<1x1400xf32>
    %select_n3A_1583 = arith.select %eq3A_1580, %broadcast_in_dim3A_1582, %select_n3A_1577 : vector<1x1400xi1>, vector<1x1400xf32>
    %eq3A_1584 = arith.constant 0xFF800000 : f32
    %eq3A_1585 = vector.broadcast %eq3A_1584 : f32 to vector<1x1400xf32>
    %eq3A_1586 = arith.cmpf oeq, %select_n3A_1583, %eq3A_1585 : vector<1x1400xf32>
    %jit3A_1587 = arith.constant -3.40282347E+38 : f32
    %broadcast_in_dim3A_1588 = vector.broadcast %jit3A_1587 : f32 to vector<1x1400xf32>
    %select_n3A_1589 = arith.select %eq3A_1586, %broadcast_in_dim3A_1588, %select_n3A_1583 : vector<1x1400xi1>, vector<1x1400xf32>
    %broadcast_in_dim3A_1590 = vector.shape_cast %select_n3A_1589 : vector<1x1400xf32> to vector<1x1400xf32>
    %broadcast_in_dim3A_1591 = vector.broadcast %broadcast_in_dim3A_1590 : vector<1x1400xf32> to vector<32x1400xf32>
    %get3A_1592 = arith.constant 28 : index
    %get3A_1593 = arith.constant 0 : index
    %get3A_1594 = vector.load %arg6[%get3A_1592, %get3A_1593] : memref<34x8xf32, #tpu.memory_space<vmem>>, vector<1x8xf32>
    %get3A_1595 = vector.shape_cast %get3A_1594 : vector<1x8xf32> to vector<8xf32>
    %reshape3A_1596 = vector.shape_cast %get3A_1595 : vector<8xf32> to vector<1x8xf32>
    %broadcast_in_dim3A_1597 = vector.shape_cast %reshape3A_1596 : vector<1x8xf32> to vector<1x8xf32>
    %broadcast_in_dim3A_1598 = vector.broadcast %broadcast_in_dim3A_1597 : vector<1x8xf32> to vector<32x8xf32>
    %concatenate3A_1599 = tpu.concatenate %broadcast_in_dim3A_1598, %broadcast_in_dim3A_1591 in 1 : vector<32x8xf32>, vector<32x1400xf32> -> vector<32x1408xf32>
    %swap3A_1600 = arith.constant 28 : index
    %swap3A_1601 = arith.constant 0 : index
    %swap3A_1602 = arith.constant 0 : index
    %swap3A_1603 = vector.load %arg7[%swap3A_1600, %swap3A_1601, %swap3A_1602] : memref<34x64x1408xf32, #tpu.memory_space<vmem>>, vector<1x32x1408xf32>
    %swap3A_1604 = vector.shape_cast %swap3A_1603 : vector<1x32x1408xf32> to vector<32x1408xf32>
    %swap3A_1605 = vector.shape_cast %concatenate3A_1599 : vector<32x1408xf32> to vector<1x32x1408xf32>
    tpu.vector_store %arg7[%swap3A_1600, %swap3A_1601, %swap3A_1602], %swap3A_1605 {strides = array<i32>} : memref<34x64x1408xf32, #tpu.memory_space<vmem>>, vector<1x32x1408xf32>,
    %slice3A_1606 = vector.extract_strided_slice %transpose3A {offsets = [13, 0], sizes = [1, 1400], strides = [1, 1]} : vector<16x1400xf32> to vector<1x1400xf32>
    %squeeze3A_1607 = vector.shape_cast %slice3A_1606 : vector<1x1400xf32> to vector<1400xf32>
    %reshape3A_1608 = vector.shape_cast %squeeze3A_1607 : vector<1400xf32> to vector<1x1400xf32>
    %ne3A_1609 = arith.cmpf one, %reshape3A_1608, %reshape3A_1608 : vector<1x1400xf32>
    %jit3A_1610 = arith.constant 0.000000e+00 : f32
    %broadcast_in_dim3A_1611 = vector.broadcast %jit3A_1610 : f32 to vector<1x1400xf32>
    %select_n3A_1612 = arith.select %ne3A_1609, %broadcast_in_dim3A_1611, %reshape3A_1608 : vector<1x1400xi1>, vector<1x1400xf32>
    %eq3A_1613 = arith.constant 0x7F800000 : f32
    %eq3A_1614 = vector.broadcast %eq3A_1613 : f32 to vector<1x1400xf32>
    %eq3A_1615 = arith.cmpf oeq, %select_n3A_1612, %eq3A_1614 : vector<1x1400xf32>
    %jit3A_1616 = arith.constant 3.40282347E+38 : f32
    %broadcast_in_dim3A_1617 = vector.broadcast %jit3A_1616 : f32 to vector<1x1400xf32>
    %select_n3A_1618 = arith.select %eq3A_1615, %broadcast_in_dim3A_1617, %select_n3A_1612 : vector<1x1400xi1>, vector<1x1400xf32>
    %eq3A_1619 = arith.constant 0xFF800000 : f32
    %eq3A_1620 = vector.broadcast %eq3A_1619 : f32 to vector<1x1400xf32>
    %eq3A_1621 = arith.cmpf oeq, %select_n3A_1618, %eq3A_1620 : vector<1x1400xf32>
    %jit3A_1622 = arith.constant -3.40282347E+38 : f32
    %broadcast_in_dim3A_1623 = vector.broadcast %jit3A_1622 : f32 to vector<1x1400xf32>
    %select_n3A_1624 = arith.select %eq3A_1621, %broadcast_in_dim3A_1623, %select_n3A_1618 : vector<1x1400xi1>, vector<1x1400xf32>
    %broadcast_in_dim3A_1625 = vector.shape_cast %select_n3A_1624 : vector<1x1400xf32> to vector<1x1400xf32>
    %broadcast_in_dim3A_1626 = vector.broadcast %broadcast_in_dim3A_1625 : vector<1x1400xf32> to vector<32x1400xf32>
    %get3A_1627 = arith.constant 29 : index
    %get3A_1628 = arith.constant 0 : index
    %get3A_1629 = vector.load %arg6[%get3A_1627, %get3A_1628] : memref<34x8xf32, #tpu.memory_space<vmem>>, vector<1x8xf32>
    %get3A_1630 = vector.shape_cast %get3A_1629 : vector<1x8xf32> to vector<8xf32>
    %reshape3A_1631 = vector.shape_cast %get3A_1630 : vector<8xf32> to vector<1x8xf32>
    %broadcast_in_dim3A_1632 = vector.shape_cast %reshape3A_1631 : vector<1x8xf32> to vector<1x8xf32>
    %broadcast_in_dim3A_1633 = vector.broadcast %broadcast_in_dim3A_1632 : vector<1x8xf32> to vector<32x8xf32>
    %concatenate3A_1634 = tpu.concatenate %broadcast_in_dim3A_1633, %broadcast_in_dim3A_1626 in 1 : vector<32x8xf32>, vector<32x1400xf32> -> vector<32x1408xf32>
    %swap3A_1635 = arith.constant 29 : index
    %swap3A_1636 = arith.constant 0 : index
    %swap3A_1637 = arith.constant 0 : index
    %swap3A_1638 = vector.load %arg7[%swap3A_1635, %swap3A_1636, %swap3A_1637] : memref<34x64x1408xf32, #tpu.memory_space<vmem>>, vector<1x32x1408xf32>
    %swap3A_1639 = vector.shape_cast %swap3A_1638 : vector<1x32x1408xf32> to vector<32x1408xf32>
    %swap3A_1640 = vector.shape_cast %concatenate3A_1634 : vector<32x1408xf32> to vector<1x32x1408xf32>
    tpu.vector_store %arg7[%swap3A_1635, %swap3A_1636, %swap3A_1637], %swap3A_1640 {strides = array<i32>} : memref<34x64x1408xf32, #tpu.memory_space<vmem>>, vector<1x32x1408xf32>,
    %slice3A_1641 = vector.extract_strided_slice %transpose3A {offsets = [14, 0], sizes = [1, 1400], strides = [1, 1]} : vector<16x1400xf32> to vector<1x1400xf32>
    %squeeze3A_1642 = vector.shape_cast %slice3A_1641 : vector<1x1400xf32> to vector<1400xf32>
    %reshape3A_1643 = vector.shape_cast %squeeze3A_1642 : vector<1400xf32> to vector<1x1400xf32>
    %ne3A_1644 = arith.cmpf one, %reshape3A_1643, %reshape3A_1643 : vector<1x1400xf32>
    %jit3A_1645 = arith.constant 0.000000e+00 : f32
    %broadcast_in_dim3A_1646 = vector.broadcast %jit3A_1645 : f32 to vector<1x1400xf32>
    %select_n3A_1647 = arith.select %ne3A_1644, %broadcast_in_dim3A_1646, %reshape3A_1643 : vector<1x1400xi1>, vector<1x1400xf32>
    %eq3A_1648 = arith.constant 0x7F800000 : f32
    %eq3A_1649 = vector.broadcast %eq3A_1648 : f32 to vector<1x1400xf32>
    %eq3A_1650 = arith.cmpf oeq, %select_n3A_1647, %eq3A_1649 : vector<1x1400xf32>
    %jit3A_1651 = arith.constant 3.40282347E+38 : f32
    %broadcast_in_dim3A_1652 = vector.broadcast %jit3A_1651 : f32 to vector<1x1400xf32>
    %select_n3A_1653 = arith.select %eq3A_1650, %broadcast_in_dim3A_1652, %select_n3A_1647 : vector<1x1400xi1>, vector<1x1400xf32>
    %eq3A_1654 = arith.constant 0xFF800000 : f32
    %eq3A_1655 = vector.broadcast %eq3A_1654 : f32 to vector<1x1400xf32>
    %eq3A_1656 = arith.cmpf oeq, %select_n3A_1653, %eq3A_1655 : vector<1x1400xf32>
    %jit3A_1657 = arith.constant -3.40282347E+38 : f32
    %broadcast_in_dim3A_1658 = vector.broadcast %jit3A_1657 : f32 to vector<1x1400xf32>
    %select_n3A_1659 = arith.select %eq3A_1656, %broadcast_in_dim3A_1658, %select_n3A_1653 : vector<1x1400xi1>, vector<1x1400xf32>
    %broadcast_in_dim3A_1660 = vector.shape_cast %select_n3A_1659 : vector<1x1400xf32> to vector<1x1400xf32>
    %broadcast_in_dim3A_1661 = vector.broadcast %broadcast_in_dim3A_1660 : vector<1x1400xf32> to vector<32x1400xf32>
    %get3A_1662 = arith.constant 30 : index
    %get3A_1663 = arith.constant 0 : index
    %get3A_1664 = vector.load %arg6[%get3A_1662, %get3A_1663] : memref<34x8xf32, #tpu.memory_space<vmem>>, vector<1x8xf32>
    %get3A_1665 = vector.shape_cast %get3A_1664 : vector<1x8xf32> to vector<8xf32>
    %reshape3A_1666 = vector.shape_cast %get3A_1665 : vector<8xf32> to vector<1x8xf32>
    %broadcast_in_dim3A_1667 = vector.shape_cast %reshape3A_1666 : vector<1x8xf32> to vector<1x8xf32>
    %broadcast_in_dim3A_1668 = vector.broadcast %broadcast_in_dim3A_1667 : vector<1x8xf32> to vector<32x8xf32>
    %concatenate3A_1669 = tpu.concatenate %broadcast_in_dim3A_1668, %broadcast_in_dim3A_1661 in 1 : vector<32x8xf32>, vector<32x1400xf32> -> vector<32x1408xf32>
    %swap3A_1670 = arith.constant 30 : index
    %swap3A_1671 = arith.constant 0 : index
    %swap3A_1672 = arith.constant 0 : index
    %swap3A_1673 = vector.load %arg7[%swap3A_1670, %swap3A_1671, %swap3A_1672] : memref<34x64x1408xf32, #tpu.memory_space<vmem>>, vector<1x32x1408xf32>
    %swap3A_1674 = vector.shape_cast %swap3A_1673 : vector<1x32x1408xf32> to vector<32x1408xf32>
    %swap3A_1675 = vector.shape_cast %concatenate3A_1669 : vector<32x1408xf32> to vector<1x32x1408xf32>
    tpu.vector_store %arg7[%swap3A_1670, %swap3A_1671, %swap3A_1672], %swap3A_1675 {strides = array<i32>} : memref<34x64x1408xf32, #tpu.memory_space<vmem>>, vector<1x32x1408xf32>,
    %slice3A_1676 = vector.extract_strided_slice %transpose3A {offsets = [15, 0], sizes = [1, 1400], strides = [1, 1]} : vector<16x1400xf32> to vector<1x1400xf32>
    %squeeze3A_1677 = vector.shape_cast %slice3A_1676 : vector<1x1400xf32> to vector<1400xf32>
    %reshape3A_1678 = vector.shape_cast %squeeze3A_1677 : vector<1400xf32> to vector<1x1400xf32>
    %ne3A_1679 = arith.cmpf one, %reshape3A_1678, %reshape3A_1678 : vector<1x1400xf32>
    %jit3A_1680 = arith.constant 0.000000e+00 : f32
    %broadcast_in_dim3A_1681 = vector.broadcast %jit3A_1680 : f32 to vector<1x1400xf32>
    %select_n3A_1682 = arith.select %ne3A_1679, %broadcast_in_dim3A_1681, %reshape3A_1678 : vector<1x1400xi1>, vector<1x1400xf32>
    %eq3A_1683 = arith.constant 0x7F800000 : f32
    %eq3A_1684 = vector.broadcast %eq3A_1683 : f32 to vector<1x1400xf32>
    %eq3A_1685 = arith.cmpf oeq, %select_n3A_1682, %eq3A_1684 : vector<1x1400xf32>
    %jit3A_1686 = arith.constant 3.40282347E+38 : f32
    %broadcast_in_dim3A_1687 = vector.broadcast %jit3A_1686 : f32 to vector<1x1400xf32>
    %select_n3A_1688 = arith.select %eq3A_1685, %broadcast_in_dim3A_1687, %select_n3A_1682 : vector<1x1400xi1>, vector<1x1400xf32>
    %eq3A_1689 = arith.constant 0xFF800000 : f32
    %eq3A_1690 = vector.broadcast %eq3A_1689 : f32 to vector<1x1400xf32>
    %eq3A_1691 = arith.cmpf oeq, %select_n3A_1688, %eq3A_1690 : vector<1x1400xf32>
    %jit3A_1692 = arith.constant -3.40282347E+38 : f32
    %broadcast_in_dim3A_1693 = vector.broadcast %jit3A_1692 : f32 to vector<1x1400xf32>
    %select_n3A_1694 = arith.select %eq3A_1691, %broadcast_in_dim3A_1693, %select_n3A_1688 : vector<1x1400xi1>, vector<1x1400xf32>
    %broadcast_in_dim3A_1695 = vector.shape_cast %select_n3A_1694 : vector<1x1400xf32> to vector<1x1400xf32>
    %broadcast_in_dim3A_1696 = vector.broadcast %broadcast_in_dim3A_1695 : vector<1x1400xf32> to vector<32x1400xf32>
    %get3A_1697 = arith.constant 31 : index
    %get3A_1698 = arith.constant 0 : index
    %get3A_1699 = vector.load %arg6[%get3A_1697, %get3A_1698] : memref<34x8xf32, #tpu.memory_space<vmem>>, vector<1x8xf32>
    %get3A_1700 = vector.shape_cast %get3A_1699 : vector<1x8xf32> to vector<8xf32>
    %reshape3A_1701 = vector.shape_cast %get3A_1700 : vector<8xf32> to vector<1x8xf32>
    %broadcast_in_dim3A_1702 = vector.shape_cast %reshape3A_1701 : vector<1x8xf32> to vector<1x8xf32>
    %broadcast_in_dim3A_1703 = vector.broadcast %broadcast_in_dim3A_1702 : vector<1x8xf32> to vector<32x8xf32>
    %concatenate3A_1704 = tpu.concatenate %broadcast_in_dim3A_1703, %broadcast_in_dim3A_1696 in 1 : vector<32x8xf32>, vector<32x1400xf32> -> vector<32x1408xf32>
    %swap3A_1705 = arith.constant 31 : index
    %swap3A_1706 = arith.constant 0 : index
    %swap3A_1707 = arith.constant 0 : index
    %swap3A_1708 = vector.load %arg7[%swap3A_1705, %swap3A_1706, %swap3A_1707] : memref<34x64x1408xf32, #tpu.memory_space<vmem>>, vector<1x32x1408xf32>
    %swap3A_1709 = vector.shape_cast %swap3A_1708 : vector<1x32x1408xf32> to vector<32x1408xf32>
    %swap3A_1710 = vector.shape_cast %concatenate3A_1704 : vector<32x1408xf32> to vector<1x32x1408xf32>
    tpu.vector_store %arg7[%swap3A_1705, %swap3A_1706, %swap3A_1707], %swap3A_1710 {strides = array<i32>} : memref<34x64x1408xf32, #tpu.memory_space<vmem>>, vector<1x32x1408xf32>,
    %broadcast_in_dim3A_1711 = vector.shape_cast %select_n3A_530 : vector<32x1xf32> to vector<32x1xf32>
    %broadcast_in_dim3A_1712 = vector.broadcast %broadcast_in_dim3A_1711 : vector<32x1xf32> to vector<32x1400xf32>
    %get3A_1713 = arith.constant 32 : index
    %get3A_1714 = arith.constant 0 : index
    %get3A_1715 = vector.load %arg6[%get3A_1713, %get3A_1714] : memref<34x8xf32, #tpu.memory_space<vmem>>, vector<1x8xf32>
    %get3A_1716 = vector.shape_cast %get3A_1715 : vector<1x8xf32> to vector<8xf32>
    %reshape3A_1717 = vector.shape_cast %get3A_1716 : vector<8xf32> to vector<1x8xf32>
    %broadcast_in_dim3A_1718 = vector.shape_cast %reshape3A_1717 : vector<1x8xf32> to vector<1x8xf32>
    %broadcast_in_dim3A_1719 = vector.broadcast %broadcast_in_dim3A_1718 : vector<1x8xf32> to vector<32x8xf32>
    %concatenate3A_1720 = tpu.concatenate %broadcast_in_dim3A_1719, %broadcast_in_dim3A_1712 in 1 : vector<32x8xf32>, vector<32x1400xf32> -> vector<32x1408xf32>
    %swap3A_1721 = arith.constant 32 : index
    %swap3A_1722 = arith.constant 0 : index
    %swap3A_1723 = arith.constant 0 : index
    %swap3A_1724 = vector.load %arg7[%swap3A_1721, %swap3A_1722, %swap3A_1723] : memref<34x64x1408xf32, #tpu.memory_space<vmem>>, vector<1x32x1408xf32>
    %swap3A_1725 = vector.shape_cast %swap3A_1724 : vector<1x32x1408xf32> to vector<32x1408xf32>
    %swap3A_1726 = vector.shape_cast %concatenate3A_1720 : vector<32x1408xf32> to vector<1x32x1408xf32>
    tpu.vector_store %arg7[%swap3A_1721, %swap3A_1722, %swap3A_1723], %swap3A_1726 {strides = array<i32>} : memref<34x64x1408xf32, #tpu.memory_space<vmem>>, vector<1x32x1408xf32>,
    %broadcast_in_dim3A_1727 = vector.shape_cast %select_n3A_546 : vector<32x1xf32> to vector<32x1xf32>
    %broadcast_in_dim3A_1728 = vector.broadcast %broadcast_in_dim3A_1727 : vector<32x1xf32> to vector<32x1400xf32>
    %get3A_1729 = arith.constant 33 : index
    %get3A_1730 = arith.constant 0 : index
    %get3A_1731 = vector.load %arg6[%get3A_1729, %get3A_1730] : memref<34x8xf32, #tpu.memory_space<vmem>>, vector<1x8xf32>
    %get3A_1732 = vector.shape_cast %get3A_1731 : vector<1x8xf32> to vector<8xf32>
    %reshape3A_1733 = vector.shape_cast %get3A_1732 : vector<8xf32> to vector<1x8xf32>
    %broadcast_in_dim3A_1734 = vector.shape_cast %reshape3A_1733 : vector<1x8xf32> to vector<1x8xf32>
    %broadcast_in_dim3A_1735 = vector.broadcast %broadcast_in_dim3A_1734 : vector<1x8xf32> to vector<32x8xf32>
    %concatenate3A_1736 = tpu.concatenate %broadcast_in_dim3A_1735, %broadcast_in_dim3A_1728 in 1 : vector<32x8xf32>, vector<32x1400xf32> -> vector<32x1408xf32>
    %swap3A_1737 = arith.constant 33 : index
    %swap3A_1738 = arith.constant 0 : index
    %swap3A_1739 = arith.constant 0 : index
    %swap3A_1740 = vector.load %arg7[%swap3A_1737, %swap3A_1738, %swap3A_1739] : memref<34x64x1408xf32, #tpu.memory_space<vmem>>, vector<1x32x1408xf32>
    %swap3A_1741 = vector.shape_cast %swap3A_1740 : vector<1x32x1408xf32> to vector<32x1408xf32>
    %swap3A_1742 = vector.shape_cast %concatenate3A_1736 : vector<32x1408xf32> to vector<1x32x1408xf32>
    tpu.vector_store %arg7[%swap3A_1737, %swap3A_1738, %swap3A_1739], %swap3A_1742 {strides = array<i32>} : memref<34x64x1408xf32, #tpu.memory_space<vmem>>, vector<1x32x1408xf32>,
    %mul3A_1743 = arith.constant 2 : i32
    %mul3A_1744 = arith.muli %arg0, %mul3A_1743 : i32
    %add3A_1745 = arith.constant 1 : i32
    %add3A_1746 = arith.addi %mul3A_1744, %add3A_1745 : i32
    %slice3A_1747 = vector.extract_strided_slice %get3A_1 {offsets = [1408, 0], sizes = [1400, 16], strides = [1, 1]} : vector<2816x16xf32> to vector<1400x16xf32>
    %transpose3A_1748 = tpu.transpose %slice3A_1747, [1, 0] : vector<1400x16xf32> -> vector<16x1400xf32>
    %broadcast_in_dim3A_1749 = arith.constant 0.000000e+00 : f32
    %broadcast_in_dim3A_1750 = vector.broadcast %broadcast_in_dim3A_1749 : f32 to vector<32x1xf32>
    %broadcast_in_dim3A_1751 = arith.constant 0.000000e+00 : f32
    %broadcast_in_dim3A_1752 = vector.broadcast %broadcast_in_dim3A_1751 : f32 to vector<32x1xf32>
    %eq3A_1753 = arith.constant 0 : i32
    %eq3A_1754 = vector.broadcast %eq3A_1753 : i32 to vector<32x1xi32>
    %eq3A_1755 = arith.cmpi eq, %iota3A, %eq3A_1754 : vector<32x1xi32>
    %get3A_1756 = arith.index_cast %add3A_1746 : i32 to index
    %get3A_1757 = arith.constant 0 : index
    %get3A_1758 = memref.load %arg4[%get3A_1756, %get3A_1757] : memref<16x32xf32, #tpu.memory_space<smem>>
    %broadcast_in_dim3A_1759 = vector.broadcast %get3A_1758 : f32 to vector<32x1xf32>
    %select_n3A_1760 = arith.select %eq3A_1755, %broadcast_in_dim3A_1759, %broadcast_in_dim3A_1750 : vector<32x1xi1>, vector<32x1xf32>
    %eq3A_1761 = arith.constant 0 : i32
    %eq3A_1762 = vector.broadcast %eq3A_1761 : i32 to vector<32x1xi32>
    %eq3A_1763 = arith.cmpi eq, %iota3A, %eq3A_1762 : vector<32x1xi32>
    %get3A_1764 = arith.index_cast %add3A_1746 : i32 to index
    %get3A_1765 = arith.constant 0 : index
    %get3A_1766 = memref.load %arg5[%get3A_1764, %get3A_1765] : memref<16x32xf32, #tpu.memory_space<smem>>
    %broadcast_in_dim3A_1767 = vector.broadcast %get3A_1766 : f32 to vector<32x1xf32>
    %select_n3A_1768 = arith.select %eq3A_1763, %broadcast_in_dim3A_1767, %broadcast_in_dim3A_1752 : vector<32x1xi1>, vector<32x1xf32>
    %eq3A_1769 = arith.constant 1 : i32
    %eq3A_1770 = vector.broadcast %eq3A_1769 : i32 to vector<32x1xi32>
    %eq3A_1771 = arith.cmpi eq, %iota3A, %eq3A_1770 : vector<32x1xi32>
    %get3A_1772 = arith.index_cast %add3A_1746 : i32 to index
    %get3A_1773 = arith.constant 1 : index
    %get3A_1774 = memref.load %arg4[%get3A_1772, %get3A_1773] : memref<16x32xf32, #tpu.memory_space<smem>>
    %broadcast_in_dim3A_1775 = vector.broadcast %get3A_1774 : f32 to vector<32x1xf32>
    %select_n3A_1776 = arith.select %eq3A_1771, %broadcast_in_dim3A_1775, %select_n3A_1760 : vector<32x1xi1>, vector<32x1xf32>
    %eq3A_1777 = arith.constant 1 : i32
    %eq3A_1778 = vector.broadcast %eq3A_1777 : i32 to vector<32x1xi32>
    %eq3A_1779 = arith.cmpi eq, %iota3A, %eq3A_1778 : vector<32x1xi32>
    %get3A_1780 = arith.index_cast %add3A_1746 : i32 to index
    %get3A_1781 = arith.constant 1 : index
    %get3A_1782 = memref.load %arg5[%get3A_1780, %get3A_1781] : memref<16x32xf32, #tpu.memory_space<smem>>
    %broadcast_in_dim3A_1783 = vector.broadcast %get3A_1782 : f32 to vector<32x1xf32>
    %select_n3A_1784 = arith.select %eq3A_1779, %broadcast_in_dim3A_1783, %select_n3A_1768 : vector<32x1xi1>, vector<32x1xf32>
    %eq3A_1785 = arith.constant 2 : i32
    %eq3A_1786 = vector.broadcast %eq3A_1785 : i32 to vector<32x1xi32>
    %eq3A_1787 = arith.cmpi eq, %iota3A, %eq3A_1786 : vector<32x1xi32>
    %get3A_1788 = arith.index_cast %add3A_1746 : i32 to index
    %get3A_1789 = arith.constant 2 : index
    %get3A_1790 = memref.load %arg4[%get3A_1788, %get3A_1789] : memref<16x32xf32, #tpu.memory_space<smem>>
    %broadcast_in_dim3A_1791 = vector.broadcast %get3A_1790 : f32 to vector<32x1xf32>
    %select_n3A_1792 = arith.select %eq3A_1787, %broadcast_in_dim3A_1791, %select_n3A_1776 : vector<32x1xi1>, vector<32x1xf32>
    %eq3A_1793 = arith.constant 2 : i32
    %eq3A_1794 = vector.broadcast %eq3A_1793 : i32 to vector<32x1xi32>
    %eq3A_1795 = arith.cmpi eq, %iota3A, %eq3A_1794 : vector<32x1xi32>
    %get3A_1796 = arith.index_cast %add3A_1746 : i32 to index
    %get3A_1797 = arith.constant 2 : index
    %get3A_1798 = memref.load %arg5[%get3A_1796, %get3A_1797] : memref<16x32xf32, #tpu.memory_space<smem>>
    %broadcast_in_dim3A_1799 = vector.broadcast %get3A_1798 : f32 to vector<32x1xf32>
    %select_n3A_1800 = arith.select %eq3A_1795, %broadcast_in_dim3A_1799, %select_n3A_1784 : vector<32x1xi1>, vector<32x1xf32>
    %eq3A_1801 = arith.constant 3 : i32
    %eq3A_1802 = vector.broadcast %eq3A_1801 : i32 to vector<32x1xi32>
    %eq3A_1803 = arith.cmpi eq, %iota3A, %eq3A_1802 : vector<32x1xi32>
    %get3A_1804 = arith.index_cast %add3A_1746 : i32 to index
    %get3A_1805 = arith.constant 3 : index
    %get3A_1806 = memref.load %arg4[%get3A_1804, %get3A_1805] : memref<16x32xf32, #tpu.memory_space<smem>>
    %broadcast_in_dim3A_1807 = vector.broadcast %get3A_1806 : f32 to vector<32x1xf32>
    %select_n3A_1808 = arith.select %eq3A_1803, %broadcast_in_dim3A_1807, %select_n3A_1792 : vector<32x1xi1>, vector<32x1xf32>
    %eq3A_1809 = arith.constant 3 : i32
    %eq3A_1810 = vector.broadcast %eq3A_1809 : i32 to vector<32x1xi32>
    %eq3A_1811 = arith.cmpi eq, %iota3A, %eq3A_1810 : vector<32x1xi32>
    %get3A_1812 = arith.index_cast %add3A_1746 : i32 to index
    %get3A_1813 = arith.constant 3 : index
    %get3A_1814 = memref.load %arg5[%get3A_1812, %get3A_1813] : memref<16x32xf32, #tpu.memory_space<smem>>
    %broadcast_in_dim3A_1815 = vector.broadcast %get3A_1814 : f32 to vector<32x1xf32>
    %select_n3A_1816 = arith.select %eq3A_1811, %broadcast_in_dim3A_1815, %select_n3A_1800 : vector<32x1xi1>, vector<32x1xf32>
    %eq3A_1817 = arith.constant 4 : i32
    %eq3A_1818 = vector.broadcast %eq3A_1817 : i32 to vector<32x1xi32>
    %eq3A_1819 = arith.cmpi eq, %iota3A, %eq3A_1818 : vector<32x1xi32>
    %get3A_1820 = arith.index_cast %add3A_1746 : i32 to index
    %get3A_1821 = arith.constant 4 : index
    %get3A_1822 = memref.load %arg4[%get3A_1820, %get3A_1821] : memref<16x32xf32, #tpu.memory_space<smem>>
    %broadcast_in_dim3A_1823 = vector.broadcast %get3A_1822 : f32 to vector<32x1xf32>
    %select_n3A_1824 = arith.select %eq3A_1819, %broadcast_in_dim3A_1823, %select_n3A_1808 : vector<32x1xi1>, vector<32x1xf32>
    %eq3A_1825 = arith.constant 4 : i32
    %eq3A_1826 = vector.broadcast %eq3A_1825 : i32 to vector<32x1xi32>
    %eq3A_1827 = arith.cmpi eq, %iota3A, %eq3A_1826 : vector<32x1xi32>
    %get3A_1828 = arith.index_cast %add3A_1746 : i32 to index
    %get3A_1829 = arith.constant 4 : index
    %get3A_1830 = memref.load %arg5[%get3A_1828, %get3A_1829] : memref<16x32xf32, #tpu.memory_space<smem>>
    %broadcast_in_dim3A_1831 = vector.broadcast %get3A_1830 : f32 to vector<32x1xf32>
    %select_n3A_1832 = arith.select %eq3A_1827, %broadcast_in_dim3A_1831, %select_n3A_1816 : vector<32x1xi1>, vector<32x1xf32>
    %eq3A_1833 = arith.constant 5 : i32
    %eq3A_1834 = vector.broadcast %eq3A_1833 : i32 to vector<32x1xi32>
    %eq3A_1835 = arith.cmpi eq, %iota3A, %eq3A_1834 : vector<32x1xi32>
    %get3A_1836 = arith.index_cast %add3A_1746 : i32 to index
    %get3A_1837 = arith.constant 5 : index
    %get3A_1838 = memref.load %arg4[%get3A_1836, %get3A_1837] : memref<16x32xf32, #tpu.memory_space<smem>>
    %broadcast_in_dim3A_1839 = vector.broadcast %get3A_1838 : f32 to vector<32x1xf32>
    %select_n3A_1840 = arith.select %eq3A_1835, %broadcast_in_dim3A_1839, %select_n3A_1824 : vector<32x1xi1>, vector<32x1xf32>
    %eq3A_1841 = arith.constant 5 : i32
    %eq3A_1842 = vector.broadcast %eq3A_1841 : i32 to vector<32x1xi32>
    %eq3A_1843 = arith.cmpi eq, %iota3A, %eq3A_1842 : vector<32x1xi32>
    %get3A_1844 = arith.index_cast %add3A_1746 : i32 to index
    %get3A_1845 = arith.constant 5 : index
    %get3A_1846 = memref.load %arg5[%get3A_1844, %get3A_1845] : memref<16x32xf32, #tpu.memory_space<smem>>
    %broadcast_in_dim3A_1847 = vector.broadcast %get3A_1846 : f32 to vector<32x1xf32>
    %select_n3A_1848 = arith.select %eq3A_1843, %broadcast_in_dim3A_1847, %select_n3A_1832 : vector<32x1xi1>, vector<32x1xf32>
    %eq3A_1849 = arith.constant 6 : i32
    %eq3A_1850 = vector.broadcast %eq3A_1849 : i32 to vector<32x1xi32>
    %eq3A_1851 = arith.cmpi eq, %iota3A, %eq3A_1850 : vector<32x1xi32>
    %get3A_1852 = arith.index_cast %add3A_1746 : i32 to index
    %get3A_1853 = arith.constant 6 : index
    %get3A_1854 = memref.load %arg4[%get3A_1852, %get3A_1853] : memref<16x32xf32, #tpu.memory_space<smem>>
    %broadcast_in_dim3A_1855 = vector.broadcast %get3A_1854 : f32 to vector<32x1xf32>
    %select_n3A_1856 = arith.select %eq3A_1851, %broadcast_in_dim3A_1855, %select_n3A_1840 : vector<32x1xi1>, vector<32x1xf32>
    %eq3A_1857 = arith.constant 6 : i32
    %eq3A_1858 = vector.broadcast %eq3A_1857 : i32 to vector<32x1xi32>
    %eq3A_1859 = arith.cmpi eq, %iota3A, %eq3A_1858 : vector<32x1xi32>
    %get3A_1860 = arith.index_cast %add3A_1746 : i32 to index
    %get3A_1861 = arith.constant 6 : index
    %get3A_1862 = memref.load %arg5[%get3A_1860, %get3A_1861] : memref<16x32xf32, #tpu.memory_space<smem>>
    %broadcast_in_dim3A_1863 = vector.broadcast %get3A_1862 : f32 to vector<32x1xf32>
    %select_n3A_1864 = arith.select %eq3A_1859, %broadcast_in_dim3A_1863, %select_n3A_1848 : vector<32x1xi1>, vector<32x1xf32>
    %eq3A_1865 = arith.constant 7 : i32
    %eq3A_1866 = vector.broadcast %eq3A_1865 : i32 to vector<32x1xi32>
    %eq3A_1867 = arith.cmpi eq, %iota3A, %eq3A_1866 : vector<32x1xi32>
    %get3A_1868 = arith.index_cast %add3A_1746 : i32 to index
    %get3A_1869 = arith.constant 7 : index
    %get3A_1870 = memref.load %arg4[%get3A_1868, %get3A_1869] : memref<16x32xf32, #tpu.memory_space<smem>>
    %broadcast_in_dim3A_1871 = vector.broadcast %get3A_1870 : f32 to vector<32x1xf32>
    %select_n3A_1872 = arith.select %eq3A_1867, %broadcast_in_dim3A_1871, %select_n3A_1856 : vector<32x1xi1>, vector<32x1xf32>
    %eq3A_1873 = arith.constant 7 : i32
    %eq3A_1874 = vector.broadcast %eq3A_1873 : i32 to vector<32x1xi32>
    %eq3A_1875 = arith.cmpi eq, %iota3A, %eq3A_1874 : vector<32x1xi32>
    %get3A_1876 = arith.index_cast %add3A_1746 : i32 to index
    %get3A_1877 = arith.constant 7 : index
    %get3A_1878 = memref.load %arg5[%get3A_1876, %get3A_1877] : memref<16x32xf32, #tpu.memory_space<smem>>
    %broadcast_in_dim3A_1879 = vector.broadcast %get3A_1878 : f32 to vector<32x1xf32>
    %select_n3A_1880 = arith.select %eq3A_1875, %broadcast_in_dim3A_1879, %select_n3A_1864 : vector<32x1xi1>, vector<32x1xf32>
    %eq3A_1881 = arith.constant 8 : i32
    %eq3A_1882 = vector.broadcast %eq3A_1881 : i32 to vector<32x1xi32>
    %eq3A_1883 = arith.cmpi eq, %iota3A, %eq3A_1882 : vector<32x1xi32>
    %get3A_1884 = arith.index_cast %add3A_1746 : i32 to index
    %get3A_1885 = arith.constant 8 : index
    %get3A_1886 = memref.load %arg4[%get3A_1884, %get3A_1885] : memref<16x32xf32, #tpu.memory_space<smem>>
    %broadcast_in_dim3A_1887 = vector.broadcast %get3A_1886 : f32 to vector<32x1xf32>
    %select_n3A_1888 = arith.select %eq3A_1883, %broadcast_in_dim3A_1887, %select_n3A_1872 : vector<32x1xi1>, vector<32x1xf32>
    %eq3A_1889 = arith.constant 8 : i32
    %eq3A_1890 = vector.broadcast %eq3A_1889 : i32 to vector<32x1xi32>
    %eq3A_1891 = arith.cmpi eq, %iota3A, %eq3A_1890 : vector<32x1xi32>
    %get3A_1892 = arith.index_cast %add3A_1746 : i32 to index
    %get3A_1893 = arith.constant 8 : index
    %get3A_1894 = memref.load %arg5[%get3A_1892, %get3A_1893] : memref<16x32xf32, #tpu.memory_space<smem>>
    %broadcast_in_dim3A_1895 = vector.broadcast %get3A_1894 : f32 to vector<32x1xf32>
    %select_n3A_1896 = arith.select %eq3A_1891, %broadcast_in_dim3A_1895, %select_n3A_1880 : vector<32x1xi1>, vector<32x1xf32>
    %eq3A_1897 = arith.constant 9 : i32
    %eq3A_1898 = vector.broadcast %eq3A_1897 : i32 to vector<32x1xi32>
    %eq3A_1899 = arith.cmpi eq, %iota3A, %eq3A_1898 : vector<32x1xi32>
    %get3A_1900 = arith.index_cast %add3A_1746 : i32 to index
    %get3A_1901 = arith.constant 9 : index
    %get3A_1902 = memref.load %arg4[%get3A_1900, %get3A_1901] : memref<16x32xf32, #tpu.memory_space<smem>>
    %broadcast_in_dim3A_1903 = vector.broadcast %get3A_1902 : f32 to vector<32x1xf32>
    %select_n3A_1904 = arith.select %eq3A_1899, %broadcast_in_dim3A_1903, %select_n3A_1888 : vector<32x1xi1>, vector<32x1xf32>
    %eq3A_1905 = arith.constant 9 : i32
    %eq3A_1906 = vector.broadcast %eq3A_1905 : i32 to vector<32x1xi32>
    %eq3A_1907 = arith.cmpi eq, %iota3A, %eq3A_1906 : vector<32x1xi32>
    %get3A_1908 = arith.index_cast %add3A_1746 : i32 to index
    %get3A_1909 = arith.constant 9 : index
    %get3A_1910 = memref.load %arg5[%get3A_1908, %get3A_1909] : memref<16x32xf32, #tpu.memory_space<smem>>
    %broadcast_in_dim3A_1911 = vector.broadcast %get3A_1910 : f32 to vector<32x1xf32>
    %select_n3A_1912 = arith.select %eq3A_1907, %broadcast_in_dim3A_1911, %select_n3A_1896 : vector<32x1xi1>, vector<32x1xf32>
    %eq3A_1913 = arith.constant 10 : i32
    %eq3A_1914 = vector.broadcast %eq3A_1913 : i32 to vector<32x1xi32>
    %eq3A_1915 = arith.cmpi eq, %iota3A, %eq3A_1914 : vector<32x1xi32>
    %get3A_1916 = arith.index_cast %add3A_1746 : i32 to index
    %get3A_1917 = arith.constant 10 : index
    %get3A_1918 = memref.load %arg4[%get3A_1916, %get3A_1917] : memref<16x32xf32, #tpu.memory_space<smem>>
    %broadcast_in_dim3A_1919 = vector.broadcast %get3A_1918 : f32 to vector<32x1xf32>
    %select_n3A_1920 = arith.select %eq3A_1915, %broadcast_in_dim3A_1919, %select_n3A_1904 : vector<32x1xi1>, vector<32x1xf32>
    %eq3A_1921 = arith.constant 10 : i32
    %eq3A_1922 = vector.broadcast %eq3A_1921 : i32 to vector<32x1xi32>
    %eq3A_1923 = arith.cmpi eq, %iota3A, %eq3A_1922 : vector<32x1xi32>
    %get3A_1924 = arith.index_cast %add3A_1746 : i32 to index
    %get3A_1925 = arith.constant 10 : index
    %get3A_1926 = memref.load %arg5[%get3A_1924, %get3A_1925] : memref<16x32xf32, #tpu.memory_space<smem>>
    %broadcast_in_dim3A_1927 = vector.broadcast %get3A_1926 : f32 to vector<32x1xf32>
    %select_n3A_1928 = arith.select %eq3A_1923, %broadcast_in_dim3A_1927, %select_n3A_1912 : vector<32x1xi1>, vector<32x1xf32>
    %eq3A_1929 = arith.constant 11 : i32
    %eq3A_1930 = vector.broadcast %eq3A_1929 : i32 to vector<32x1xi32>
    %eq3A_1931 = arith.cmpi eq, %iota3A, %eq3A_1930 : vector<32x1xi32>
    %get3A_1932 = arith.index_cast %add3A_1746 : i32 to index
    %get3A_1933 = arith.constant 11 : index
    %get3A_1934 = memref.load %arg4[%get3A_1932, %get3A_1933] : memref<16x32xf32, #tpu.memory_space<smem>>
    %broadcast_in_dim3A_1935 = vector.broadcast %get3A_1934 : f32 to vector<32x1xf32>
    %select_n3A_1936 = arith.select %eq3A_1931, %broadcast_in_dim3A_1935, %select_n3A_1920 : vector<32x1xi1>, vector<32x1xf32>
    %eq3A_1937 = arith.constant 11 : i32
    %eq3A_1938 = vector.broadcast %eq3A_1937 : i32 to vector<32x1xi32>
    %eq3A_1939 = arith.cmpi eq, %iota3A, %eq3A_1938 : vector<32x1xi32>
    %get3A_1940 = arith.index_cast %add3A_1746 : i32 to index
    %get3A_1941 = arith.constant 11 : index
    %get3A_1942 = memref.load %arg5[%get3A_1940, %get3A_1941] : memref<16x32xf32, #tpu.memory_space<smem>>
    %broadcast_in_dim3A_1943 = vector.broadcast %get3A_1942 : f32 to vector<32x1xf32>
    %select_n3A_1944 = arith.select %eq3A_1939, %broadcast_in_dim3A_1943, %select_n3A_1928 : vector<32x1xi1>, vector<32x1xf32>
    %eq3A_1945 = arith.constant 12 : i32
    %eq3A_1946 = vector.broadcast %eq3A_1945 : i32 to vector<32x1xi32>
    %eq3A_1947 = arith.cmpi eq, %iota3A, %eq3A_1946 : vector<32x1xi32>
    %get3A_1948 = arith.index_cast %add3A_1746 : i32 to index
    %get3A_1949 = arith.constant 12 : index
    %get3A_1950 = memref.load %arg4[%get3A_1948, %get3A_1949] : memref<16x32xf32, #tpu.memory_space<smem>>
    %broadcast_in_dim3A_1951 = vector.broadcast %get3A_1950 : f32 to vector<32x1xf32>
    %select_n3A_1952 = arith.select %eq3A_1947, %broadcast_in_dim3A_1951, %select_n3A_1936 : vector<32x1xi1>, vector<32x1xf32>
    %eq3A_1953 = arith.constant 12 : i32
    %eq3A_1954 = vector.broadcast %eq3A_1953 : i32 to vector<32x1xi32>
    %eq3A_1955 = arith.cmpi eq, %iota3A, %eq3A_1954 : vector<32x1xi32>
    %get3A_1956 = arith.index_cast %add3A_1746 : i32 to index
    %get3A_1957 = arith.constant 12 : index
    %get3A_1958 = memref.load %arg5[%get3A_1956, %get3A_1957] : memref<16x32xf32, #tpu.memory_space<smem>>
    %broadcast_in_dim3A_1959 = vector.broadcast %get3A_1958 : f32 to vector<32x1xf32>
    %select_n3A_1960 = arith.select %eq3A_1955, %broadcast_in_dim3A_1959, %select_n3A_1944 : vector<32x1xi1>, vector<32x1xf32>
    %eq3A_1961 = arith.constant 13 : i32
    %eq3A_1962 = vector.broadcast %eq3A_1961 : i32 to vector<32x1xi32>
    %eq3A_1963 = arith.cmpi eq, %iota3A, %eq3A_1962 : vector<32x1xi32>
    %get3A_1964 = arith.index_cast %add3A_1746 : i32 to index
    %get3A_1965 = arith.constant 13 : index
    %get3A_1966 = memref.load %arg4[%get3A_1964, %get3A_1965] : memref<16x32xf32, #tpu.memory_space<smem>>
    %broadcast_in_dim3A_1967 = vector.broadcast %get3A_1966 : f32 to vector<32x1xf32>
    %select_n3A_1968 = arith.select %eq3A_1963, %broadcast_in_dim3A_1967, %select_n3A_1952 : vector<32x1xi1>, vector<32x1xf32>
    %eq3A_1969 = arith.constant 13 : i32
    %eq3A_1970 = vector.broadcast %eq3A_1969 : i32 to vector<32x1xi32>
    %eq3A_1971 = arith.cmpi eq, %iota3A, %eq3A_1970 : vector<32x1xi32>
    %get3A_1972 = arith.index_cast %add3A_1746 : i32 to index
    %get3A_1973 = arith.constant 13 : index
    %get3A_1974 = memref.load %arg5[%get3A_1972, %get3A_1973] : memref<16x32xf32, #tpu.memory_space<smem>>
    %broadcast_in_dim3A_1975 = vector.broadcast %get3A_1974 : f32 to vector<32x1xf32>
    %select_n3A_1976 = arith.select %eq3A_1971, %broadcast_in_dim3A_1975, %select_n3A_1960 : vector<32x1xi1>, vector<32x1xf32>
    %eq3A_1977 = arith.constant 14 : i32
    %eq3A_1978 = vector.broadcast %eq3A_1977 : i32 to vector<32x1xi32>
    %eq3A_1979 = arith.cmpi eq, %iota3A, %eq3A_1978 : vector<32x1xi32>
    %get3A_1980 = arith.index_cast %add3A_1746 : i32 to index
    %get3A_1981 = arith.constant 14 : index
    %get3A_1982 = memref.load %arg4[%get3A_1980, %get3A_1981] : memref<16x32xf32, #tpu.memory_space<smem>>
    %broadcast_in_dim3A_1983 = vector.broadcast %get3A_1982 : f32 to vector<32x1xf32>
    %select_n3A_1984 = arith.select %eq3A_1979, %broadcast_in_dim3A_1983, %select_n3A_1968 : vector<32x1xi1>, vector<32x1xf32>
    %eq3A_1985 = arith.constant 14 : i32
    %eq3A_1986 = vector.broadcast %eq3A_1985 : i32 to vector<32x1xi32>
    %eq3A_1987 = arith.cmpi eq, %iota3A, %eq3A_1986 : vector<32x1xi32>
    %get3A_1988 = arith.index_cast %add3A_1746 : i32 to index
    %get3A_1989 = arith.constant 14 : index
    %get3A_1990 = memref.load %arg5[%get3A_1988, %get3A_1989] : memref<16x32xf32, #tpu.memory_space<smem>>
    %broadcast_in_dim3A_1991 = vector.broadcast %get3A_1990 : f32 to vector<32x1xf32>
    %select_n3A_1992 = arith.select %eq3A_1987, %broadcast_in_dim3A_1991, %select_n3A_1976 : vector<32x1xi1>, vector<32x1xf32>
    %eq3A_1993 = arith.constant 15 : i32
    %eq3A_1994 = vector.broadcast %eq3A_1993 : i32 to vector<32x1xi32>
    %eq3A_1995 = arith.cmpi eq, %iota3A, %eq3A_1994 : vector<32x1xi32>
    %get3A_1996 = arith.index_cast %add3A_1746 : i32 to index
    %get3A_1997 = arith.constant 15 : index
    %get3A_1998 = memref.load %arg4[%get3A_1996, %get3A_1997] : memref<16x32xf32, #tpu.memory_space<smem>>
    %broadcast_in_dim3A_1999 = vector.broadcast %get3A_1998 : f32 to vector<32x1xf32>
    %select_n3A_2000 = arith.select %eq3A_1995, %broadcast_in_dim3A_1999, %select_n3A_1984 : vector<32x1xi1>, vector<32x1xf32>
    %eq3A_2001 = arith.constant 15 : i32
    %eq3A_2002 = vector.broadcast %eq3A_2001 : i32 to vector<32x1xi32>
    %eq3A_2003 = arith.cmpi eq, %iota3A, %eq3A_2002 : vector<32x1xi32>
    %get3A_2004 = arith.index_cast %add3A_1746 : i32 to index
    %get3A_2005 = arith.constant 15 : index
    %get3A_2006 = memref.load %arg5[%get3A_2004, %get3A_2005] : memref<16x32xf32, #tpu.memory_space<smem>>
    %broadcast_in_dim3A_2007 = vector.broadcast %get3A_2006 : f32 to vector<32x1xf32>
    %select_n3A_2008 = arith.select %eq3A_2003, %broadcast_in_dim3A_2007, %select_n3A_1992 : vector<32x1xi1>, vector<32x1xf32>
    %eq3A_2009 = arith.constant 16 : i32
    %eq3A_2010 = vector.broadcast %eq3A_2009 : i32 to vector<32x1xi32>
    %eq3A_2011 = arith.cmpi eq, %iota3A, %eq3A_2010 : vector<32x1xi32>
    %get3A_2012 = arith.index_cast %add3A_1746 : i32 to index
    %get3A_2013 = arith.constant 16 : index
    %get3A_2014 = memref.load %arg4[%get3A_2012, %get3A_2013] : memref<16x32xf32, #tpu.memory_space<smem>>
    %broadcast_in_dim3A_2015 = vector.broadcast %get3A_2014 : f32 to vector<32x1xf32>
    %select_n3A_2016 = arith.select %eq3A_2011, %broadcast_in_dim3A_2015, %select_n3A_2000 : vector<32x1xi1>, vector<32x1xf32>
    %eq3A_2017 = arith.constant 16 : i32
    %eq3A_2018 = vector.broadcast %eq3A_2017 : i32 to vector<32x1xi32>
    %eq3A_2019 = arith.cmpi eq, %iota3A, %eq3A_2018 : vector<32x1xi32>
    %get3A_2020 = arith.index_cast %add3A_1746 : i32 to index
    %get3A_2021 = arith.constant 16 : index
    %get3A_2022 = memref.load %arg5[%get3A_2020, %get3A_2021] : memref<16x32xf32, #tpu.memory_space<smem>>
    %broadcast_in_dim3A_2023 = vector.broadcast %get3A_2022 : f32 to vector<32x1xf32>
    %select_n3A_2024 = arith.select %eq3A_2019, %broadcast_in_dim3A_2023, %select_n3A_2008 : vector<32x1xi1>, vector<32x1xf32>
    %eq3A_2025 = arith.constant 17 : i32
    %eq3A_2026 = vector.broadcast %eq3A_2025 : i32 to vector<32x1xi32>
    %eq3A_2027 = arith.cmpi eq, %iota3A, %eq3A_2026 : vector<32x1xi32>
    %get3A_2028 = arith.index_cast %add3A_1746 : i32 to index
    %get3A_2029 = arith.constant 17 : index
    %get3A_2030 = memref.load %arg4[%get3A_2028, %get3A_2029] : memref<16x32xf32, #tpu.memory_space<smem>>
    %broadcast_in_dim3A_2031 = vector.broadcast %get3A_2030 : f32 to vector<32x1xf32>
    %select_n3A_2032 = arith.select %eq3A_2027, %broadcast_in_dim3A_2031, %select_n3A_2016 : vector<32x1xi1>, vector<32x1xf32>
    %eq3A_2033 = arith.constant 17 : i32
    %eq3A_2034 = vector.broadcast %eq3A_2033 : i32 to vector<32x1xi32>
    %eq3A_2035 = arith.cmpi eq, %iota3A, %eq3A_2034 : vector<32x1xi32>
    %get3A_2036 = arith.index_cast %add3A_1746 : i32 to index
    %get3A_2037 = arith.constant 17 : index
    %get3A_2038 = memref.load %arg5[%get3A_2036, %get3A_2037] : memref<16x32xf32, #tpu.memory_space<smem>>
    %broadcast_in_dim3A_2039 = vector.broadcast %get3A_2038 : f32 to vector<32x1xf32>
    %select_n3A_2040 = arith.select %eq3A_2035, %broadcast_in_dim3A_2039, %select_n3A_2024 : vector<32x1xi1>, vector<32x1xf32>
    %eq3A_2041 = arith.constant 18 : i32
    %eq3A_2042 = vector.broadcast %eq3A_2041 : i32 to vector<32x1xi32>
    %eq3A_2043 = arith.cmpi eq, %iota3A, %eq3A_2042 : vector<32x1xi32>
    %get3A_2044 = arith.index_cast %add3A_1746 : i32 to index
    %get3A_2045 = arith.constant 18 : index
    %get3A_2046 = memref.load %arg4[%get3A_2044, %get3A_2045] : memref<16x32xf32, #tpu.memory_space<smem>>
    %broadcast_in_dim3A_2047 = vector.broadcast %get3A_2046 : f32 to vector<32x1xf32>
    %select_n3A_2048 = arith.select %eq3A_2043, %broadcast_in_dim3A_2047, %select_n3A_2032 : vector<32x1xi1>, vector<32x1xf32>
    %eq3A_2049 = arith.constant 18 : i32
    %eq3A_2050 = vector.broadcast %eq3A_2049 : i32 to vector<32x1xi32>
    %eq3A_2051 = arith.cmpi eq, %iota3A, %eq3A_2050 : vector<32x1xi32>
    %get3A_2052 = arith.index_cast %add3A_1746 : i32 to index
    %get3A_2053 = arith.constant 18 : index
    %get3A_2054 = memref.load %arg5[%get3A_2052, %get3A_2053] : memref<16x32xf32, #tpu.memory_space<smem>>
    %broadcast_in_dim3A_2055 = vector.broadcast %get3A_2054 : f32 to vector<32x1xf32>
    %select_n3A_2056 = arith.select %eq3A_2051, %broadcast_in_dim3A_2055, %select_n3A_2040 : vector<32x1xi1>, vector<32x1xf32>
    %eq3A_2057 = arith.constant 19 : i32
    %eq3A_2058 = vector.broadcast %eq3A_2057 : i32 to vector<32x1xi32>
    %eq3A_2059 = arith.cmpi eq, %iota3A, %eq3A_2058 : vector<32x1xi32>
    %get3A_2060 = arith.index_cast %add3A_1746 : i32 to index
    %get3A_2061 = arith.constant 19 : index
    %get3A_2062 = memref.load %arg4[%get3A_2060, %get3A_2061] : memref<16x32xf32, #tpu.memory_space<smem>>
    %broadcast_in_dim3A_2063 = vector.broadcast %get3A_2062 : f32 to vector<32x1xf32>
    %select_n3A_2064 = arith.select %eq3A_2059, %broadcast_in_dim3A_2063, %select_n3A_2048 : vector<32x1xi1>, vector<32x1xf32>
    %eq3A_2065 = arith.constant 19 : i32
    %eq3A_2066 = vector.broadcast %eq3A_2065 : i32 to vector<32x1xi32>
    %eq3A_2067 = arith.cmpi eq, %iota3A, %eq3A_2066 : vector<32x1xi32>
    %get3A_2068 = arith.index_cast %add3A_1746 : i32 to index
    %get3A_2069 = arith.constant 19 : index
    %get3A_2070 = memref.load %arg5[%get3A_2068, %get3A_2069] : memref<16x32xf32, #tpu.memory_space<smem>>
    %broadcast_in_dim3A_2071 = vector.broadcast %get3A_2070 : f32 to vector<32x1xf32>
    %select_n3A_2072 = arith.select %eq3A_2067, %broadcast_in_dim3A_2071, %select_n3A_2056 : vector<32x1xi1>, vector<32x1xf32>
    %eq3A_2073 = arith.constant 20 : i32
    %eq3A_2074 = vector.broadcast %eq3A_2073 : i32 to vector<32x1xi32>
    %eq3A_2075 = arith.cmpi eq, %iota3A, %eq3A_2074 : vector<32x1xi32>
    %get3A_2076 = arith.index_cast %add3A_1746 : i32 to index
    %get3A_2077 = arith.constant 20 : index
    %get3A_2078 = memref.load %arg4[%get3A_2076, %get3A_2077] : memref<16x32xf32, #tpu.memory_space<smem>>
    %broadcast_in_dim3A_2079 = vector.broadcast %get3A_2078 : f32 to vector<32x1xf32>
    %select_n3A_2080 = arith.select %eq3A_2075, %broadcast_in_dim3A_2079, %select_n3A_2064 : vector<32x1xi1>, vector<32x1xf32>
    %eq3A_2081 = arith.constant 20 : i32
    %eq3A_2082 = vector.broadcast %eq3A_2081 : i32 to vector<32x1xi32>
    %eq3A_2083 = arith.cmpi eq, %iota3A, %eq3A_2082 : vector<32x1xi32>
    %get3A_2084 = arith.index_cast %add3A_1746 : i32 to index
    %get3A_2085 = arith.constant 20 : index
    %get3A_2086 = memref.load %arg5[%get3A_2084, %get3A_2085] : memref<16x32xf32, #tpu.memory_space<smem>>
    %broadcast_in_dim3A_2087 = vector.broadcast %get3A_2086 : f32 to vector<32x1xf32>
    %select_n3A_2088 = arith.select %eq3A_2083, %broadcast_in_dim3A_2087, %select_n3A_2072 : vector<32x1xi1>, vector<32x1xf32>
    %eq3A_2089 = arith.constant 21 : i32
    %eq3A_2090 = vector.broadcast %eq3A_2089 : i32 to vector<32x1xi32>
    %eq3A_2091 = arith.cmpi eq, %iota3A, %eq3A_2090 : vector<32x1xi32>
    %get3A_2092 = arith.index_cast %add3A_1746 : i32 to index
    %get3A_2093 = arith.constant 21 : index
    %get3A_2094 = memref.load %arg4[%get3A_2092, %get3A_2093] : memref<16x32xf32, #tpu.memory_space<smem>>
    %broadcast_in_dim3A_2095 = vector.broadcast %get3A_2094 : f32 to vector<32x1xf32>
    %select_n3A_2096 = arith.select %eq3A_2091, %broadcast_in_dim3A_2095, %select_n3A_2080 : vector<32x1xi1>, vector<32x1xf32>
    %eq3A_2097 = arith.constant 21 : i32
    %eq3A_2098 = vector.broadcast %eq3A_2097 : i32 to vector<32x1xi32>
    %eq3A_2099 = arith.cmpi eq, %iota3A, %eq3A_2098 : vector<32x1xi32>
    %get3A_2100 = arith.index_cast %add3A_1746 : i32 to index
    %get3A_2101 = arith.constant 21 : index
    %get3A_2102 = memref.load %arg5[%get3A_2100, %get3A_2101] : memref<16x32xf32, #tpu.memory_space<smem>>
    %broadcast_in_dim3A_2103 = vector.broadcast %get3A_2102 : f32 to vector<32x1xf32>
    %select_n3A_2104 = arith.select %eq3A_2099, %broadcast_in_dim3A_2103, %select_n3A_2088 : vector<32x1xi1>, vector<32x1xf32>
    %eq3A_2105 = arith.constant 22 : i32
    %eq3A_2106 = vector.broadcast %eq3A_2105 : i32 to vector<32x1xi32>
    %eq3A_2107 = arith.cmpi eq, %iota3A, %eq3A_2106 : vector<32x1xi32>
    %get3A_2108 = arith.index_cast %add3A_1746 : i32 to index
    %get3A_2109 = arith.constant 22 : index
    %get3A_2110 = memref.load %arg4[%get3A_2108, %get3A_2109] : memref<16x32xf32, #tpu.memory_space<smem>>
    %broadcast_in_dim3A_2111 = vector.broadcast %get3A_2110 : f32 to vector<32x1xf32>
    %select_n3A_2112 = arith.select %eq3A_2107, %broadcast_in_dim3A_2111, %select_n3A_2096 : vector<32x1xi1>, vector<32x1xf32>
    %eq3A_2113 = arith.constant 22 : i32
    %eq3A_2114 = vector.broadcast %eq3A_2113 : i32 to vector<32x1xi32>
    %eq3A_2115 = arith.cmpi eq, %iota3A, %eq3A_2114 : vector<32x1xi32>
    %get3A_2116 = arith.index_cast %add3A_1746 : i32 to index
    %get3A_2117 = arith.constant 22 : index
    %get3A_2118 = memref.load %arg5[%get3A_2116, %get3A_2117] : memref<16x32xf32, #tpu.memory_space<smem>>
    %broadcast_in_dim3A_2119 = vector.broadcast %get3A_2118 : f32 to vector<32x1xf32>
    %select_n3A_2120 = arith.select %eq3A_2115, %broadcast_in_dim3A_2119, %select_n3A_2104 : vector<32x1xi1>, vector<32x1xf32>
    %eq3A_2121 = arith.constant 23 : i32
    %eq3A_2122 = vector.broadcast %eq3A_2121 : i32 to vector<32x1xi32>
    %eq3A_2123 = arith.cmpi eq, %iota3A, %eq3A_2122 : vector<32x1xi32>
    %get3A_2124 = arith.index_cast %add3A_1746 : i32 to index
    %get3A_2125 = arith.constant 23 : index
    %get3A_2126 = memref.load %arg4[%get3A_2124, %get3A_2125] : memref<16x32xf32, #tpu.memory_space<smem>>
    %broadcast_in_dim3A_2127 = vector.broadcast %get3A_2126 : f32 to vector<32x1xf32>
    %select_n3A_2128 = arith.select %eq3A_2123, %broadcast_in_dim3A_2127, %select_n3A_2112 : vector<32x1xi1>, vector<32x1xf32>
    %eq3A_2129 = arith.constant 23 : i32
    %eq3A_2130 = vector.broadcast %eq3A_2129 : i32 to vector<32x1xi32>
    %eq3A_2131 = arith.cmpi eq, %iota3A, %eq3A_2130 : vector<32x1xi32>
    %get3A_2132 = arith.index_cast %add3A_1746 : i32 to index
    %get3A_2133 = arith.constant 23 : index
    %get3A_2134 = memref.load %arg5[%get3A_2132, %get3A_2133] : memref<16x32xf32, #tpu.memory_space<smem>>
    %broadcast_in_dim3A_2135 = vector.broadcast %get3A_2134 : f32 to vector<32x1xf32>
    %select_n3A_2136 = arith.select %eq3A_2131, %broadcast_in_dim3A_2135, %select_n3A_2120 : vector<32x1xi1>, vector<32x1xf32>
    %eq3A_2137 = arith.constant 24 : i32
    %eq3A_2138 = vector.broadcast %eq3A_2137 : i32 to vector<32x1xi32>
    %eq3A_2139 = arith.cmpi eq, %iota3A, %eq3A_2138 : vector<32x1xi32>
    %get3A_2140 = arith.index_cast %add3A_1746 : i32 to index
    %get3A_2141 = arith.constant 24 : index
    %get3A_2142 = memref.load %arg4[%get3A_2140, %get3A_2141] : memref<16x32xf32, #tpu.memory_space<smem>>
    %broadcast_in_dim3A_2143 = vector.broadcast %get3A_2142 : f32 to vector<32x1xf32>
    %select_n3A_2144 = arith.select %eq3A_2139, %broadcast_in_dim3A_2143, %select_n3A_2128 : vector<32x1xi1>, vector<32x1xf32>
    %eq3A_2145 = arith.constant 24 : i32
    %eq3A_2146 = vector.broadcast %eq3A_2145 : i32 to vector<32x1xi32>
    %eq3A_2147 = arith.cmpi eq, %iota3A, %eq3A_2146 : vector<32x1xi32>
    %get3A_2148 = arith.index_cast %add3A_1746 : i32 to index
    %get3A_2149 = arith.constant 24 : index
    %get3A_2150 = memref.load %arg5[%get3A_2148, %get3A_2149] : memref<16x32xf32, #tpu.memory_space<smem>>
    %broadcast_in_dim3A_2151 = vector.broadcast %get3A_2150 : f32 to vector<32x1xf32>
    %select_n3A_2152 = arith.select %eq3A_2147, %broadcast_in_dim3A_2151, %select_n3A_2136 : vector<32x1xi1>, vector<32x1xf32>
    %eq3A_2153 = arith.constant 25 : i32
    %eq3A_2154 = vector.broadcast %eq3A_2153 : i32 to vector<32x1xi32>
    %eq3A_2155 = arith.cmpi eq, %iota3A, %eq3A_2154 : vector<32x1xi32>
    %get3A_2156 = arith.index_cast %add3A_1746 : i32 to index
    %get3A_2157 = arith.constant 25 : index
    %get3A_2158 = memref.load %arg4[%get3A_2156, %get3A_2157] : memref<16x32xf32, #tpu.memory_space<smem>>
    %broadcast_in_dim3A_2159 = vector.broadcast %get3A_2158 : f32 to vector<32x1xf32>
    %select_n3A_2160 = arith.select %eq3A_2155, %broadcast_in_dim3A_2159, %select_n3A_2144 : vector<32x1xi1>, vector<32x1xf32>
    %eq3A_2161 = arith.constant 25 : i32
    %eq3A_2162 = vector.broadcast %eq3A_2161 : i32 to vector<32x1xi32>
    %eq3A_2163 = arith.cmpi eq, %iota3A, %eq3A_2162 : vector<32x1xi32>
    %get3A_2164 = arith.index_cast %add3A_1746 : i32 to index
    %get3A_2165 = arith.constant 25 : index
    %get3A_2166 = memref.load %arg5[%get3A_2164, %get3A_2165] : memref<16x32xf32, #tpu.memory_space<smem>>
    %broadcast_in_dim3A_2167 = vector.broadcast %get3A_2166 : f32 to vector<32x1xf32>
    %select_n3A_2168 = arith.select %eq3A_2163, %broadcast_in_dim3A_2167, %select_n3A_2152 : vector<32x1xi1>, vector<32x1xf32>
    %eq3A_2169 = arith.constant 26 : i32
    %eq3A_2170 = vector.broadcast %eq3A_2169 : i32 to vector<32x1xi32>
    %eq3A_2171 = arith.cmpi eq, %iota3A, %eq3A_2170 : vector<32x1xi32>
    %get3A_2172 = arith.index_cast %add3A_1746 : i32 to index
    %get3A_2173 = arith.constant 26 : index
    %get3A_2174 = memref.load %arg4[%get3A_2172, %get3A_2173] : memref<16x32xf32, #tpu.memory_space<smem>>
    %broadcast_in_dim3A_2175 = vector.broadcast %get3A_2174 : f32 to vector<32x1xf32>
    %select_n3A_2176 = arith.select %eq3A_2171, %broadcast_in_dim3A_2175, %select_n3A_2160 : vector<32x1xi1>, vector<32x1xf32>
    %eq3A_2177 = arith.constant 26 : i32
    %eq3A_2178 = vector.broadcast %eq3A_2177 : i32 to vector<32x1xi32>
    %eq3A_2179 = arith.cmpi eq, %iota3A, %eq3A_2178 : vector<32x1xi32>
    %get3A_2180 = arith.index_cast %add3A_1746 : i32 to index
    %get3A_2181 = arith.constant 26 : index
    %get3A_2182 = memref.load %arg5[%get3A_2180, %get3A_2181] : memref<16x32xf32, #tpu.memory_space<smem>>
    %broadcast_in_dim3A_2183 = vector.broadcast %get3A_2182 : f32 to vector<32x1xf32>
    %select_n3A_2184 = arith.select %eq3A_2179, %broadcast_in_dim3A_2183, %select_n3A_2168 : vector<32x1xi1>, vector<32x1xf32>
    %eq3A_2185 = arith.constant 27 : i32
    %eq3A_2186 = vector.broadcast %eq3A_2185 : i32 to vector<32x1xi32>
    %eq3A_2187 = arith.cmpi eq, %iota3A, %eq3A_2186 : vector<32x1xi32>
    %get3A_2188 = arith.index_cast %add3A_1746 : i32 to index
    %get3A_2189 = arith.constant 27 : index
    %get3A_2190 = memref.load %arg4[%get3A_2188, %get3A_2189] : memref<16x32xf32, #tpu.memory_space<smem>>
    %broadcast_in_dim3A_2191 = vector.broadcast %get3A_2190 : f32 to vector<32x1xf32>
    %select_n3A_2192 = arith.select %eq3A_2187, %broadcast_in_dim3A_2191, %select_n3A_2176 : vector<32x1xi1>, vector<32x1xf32>
    %eq3A_2193 = arith.constant 27 : i32
    %eq3A_2194 = vector.broadcast %eq3A_2193 : i32 to vector<32x1xi32>
    %eq3A_2195 = arith.cmpi eq, %iota3A, %eq3A_2194 : vector<32x1xi32>
    %get3A_2196 = arith.index_cast %add3A_1746 : i32 to index
    %get3A_2197 = arith.constant 27 : index
    %get3A_2198 = memref.load %arg5[%get3A_2196, %get3A_2197] : memref<16x32xf32, #tpu.memory_space<smem>>
    %broadcast_in_dim3A_2199 = vector.broadcast %get3A_2198 : f32 to vector<32x1xf32>
    %select_n3A_2200 = arith.select %eq3A_2195, %broadcast_in_dim3A_2199, %select_n3A_2184 : vector<32x1xi1>, vector<32x1xf32>
    %eq3A_2201 = arith.constant 28 : i32
    %eq3A_2202 = vector.broadcast %eq3A_2201 : i32 to vector<32x1xi32>
    %eq3A_2203 = arith.cmpi eq, %iota3A, %eq3A_2202 : vector<32x1xi32>
    %get3A_2204 = arith.index_cast %add3A_1746 : i32 to index
    %get3A_2205 = arith.constant 28 : index
    %get3A_2206 = memref.load %arg4[%get3A_2204, %get3A_2205] : memref<16x32xf32, #tpu.memory_space<smem>>
    %broadcast_in_dim3A_2207 = vector.broadcast %get3A_2206 : f32 to vector<32x1xf32>
    %select_n3A_2208 = arith.select %eq3A_2203, %broadcast_in_dim3A_2207, %select_n3A_2192 : vector<32x1xi1>, vector<32x1xf32>
    %eq3A_2209 = arith.constant 28 : i32
    %eq3A_2210 = vector.broadcast %eq3A_2209 : i32 to vector<32x1xi32>
    %eq3A_2211 = arith.cmpi eq, %iota3A, %eq3A_2210 : vector<32x1xi32>
    %get3A_2212 = arith.index_cast %add3A_1746 : i32 to index
    %get3A_2213 = arith.constant 28 : index
    %get3A_2214 = memref.load %arg5[%get3A_2212, %get3A_2213] : memref<16x32xf32, #tpu.memory_space<smem>>
    %broadcast_in_dim3A_2215 = vector.broadcast %get3A_2214 : f32 to vector<32x1xf32>
    %select_n3A_2216 = arith.select %eq3A_2211, %broadcast_in_dim3A_2215, %select_n3A_2200 : vector<32x1xi1>, vector<32x1xf32>
    %eq3A_2217 = arith.constant 29 : i32
    %eq3A_2218 = vector.broadcast %eq3A_2217 : i32 to vector<32x1xi32>
    %eq3A_2219 = arith.cmpi eq, %iota3A, %eq3A_2218 : vector<32x1xi32>
    %get3A_2220 = arith.index_cast %add3A_1746 : i32 to index
    %get3A_2221 = arith.constant 29 : index
    %get3A_2222 = memref.load %arg4[%get3A_2220, %get3A_2221] : memref<16x32xf32, #tpu.memory_space<smem>>
    %broadcast_in_dim3A_2223 = vector.broadcast %get3A_2222 : f32 to vector<32x1xf32>
    %select_n3A_2224 = arith.select %eq3A_2219, %broadcast_in_dim3A_2223, %select_n3A_2208 : vector<32x1xi1>, vector<32x1xf32>
    %eq3A_2225 = arith.constant 29 : i32
    %eq3A_2226 = vector.broadcast %eq3A_2225 : i32 to vector<32x1xi32>
    %eq3A_2227 = arith.cmpi eq, %iota3A, %eq3A_2226 : vector<32x1xi32>
    %get3A_2228 = arith.index_cast %add3A_1746 : i32 to index
    %get3A_2229 = arith.constant 29 : index
    %get3A_2230 = memref.load %arg5[%get3A_2228, %get3A_2229] : memref<16x32xf32, #tpu.memory_space<smem>>
    %broadcast_in_dim3A_2231 = vector.broadcast %get3A_2230 : f32 to vector<32x1xf32>
    %select_n3A_2232 = arith.select %eq3A_2227, %broadcast_in_dim3A_2231, %select_n3A_2216 : vector<32x1xi1>, vector<32x1xf32>
    %eq3A_2233 = arith.constant 30 : i32
    %eq3A_2234 = vector.broadcast %eq3A_2233 : i32 to vector<32x1xi32>
    %eq3A_2235 = arith.cmpi eq, %iota3A, %eq3A_2234 : vector<32x1xi32>
    %get3A_2236 = arith.index_cast %add3A_1746 : i32 to index
    %get3A_2237 = arith.constant 30 : index
    %get3A_2238 = memref.load %arg4[%get3A_2236, %get3A_2237] : memref<16x32xf32, #tpu.memory_space<smem>>
    %broadcast_in_dim3A_2239 = vector.broadcast %get3A_2238 : f32 to vector<32x1xf32>
    %select_n3A_2240 = arith.select %eq3A_2235, %broadcast_in_dim3A_2239, %select_n3A_2224 : vector<32x1xi1>, vector<32x1xf32>
    %eq3A_2241 = arith.constant 30 : i32
    %eq3A_2242 = vector.broadcast %eq3A_2241 : i32 to vector<32x1xi32>
    %eq3A_2243 = arith.cmpi eq, %iota3A, %eq3A_2242 : vector<32x1xi32>
    %get3A_2244 = arith.index_cast %add3A_1746 : i32 to index
    %get3A_2245 = arith.constant 30 : index
    %get3A_2246 = memref.load %arg5[%get3A_2244, %get3A_2245] : memref<16x32xf32, #tpu.memory_space<smem>>
    %broadcast_in_dim3A_2247 = vector.broadcast %get3A_2246 : f32 to vector<32x1xf32>
    %select_n3A_2248 = arith.select %eq3A_2243, %broadcast_in_dim3A_2247, %select_n3A_2232 : vector<32x1xi1>, vector<32x1xf32>
    %eq3A_2249 = arith.constant 31 : i32
    %eq3A_2250 = vector.broadcast %eq3A_2249 : i32 to vector<32x1xi32>
    %eq3A_2251 = arith.cmpi eq, %iota3A, %eq3A_2250 : vector<32x1xi32>
    %get3A_2252 = arith.index_cast %add3A_1746 : i32 to index
    %get3A_2253 = arith.constant 31 : index
    %get3A_2254 = memref.load %arg4[%get3A_2252, %get3A_2253] : memref<16x32xf32, #tpu.memory_space<smem>>
    %broadcast_in_dim3A_2255 = vector.broadcast %get3A_2254 : f32 to vector<32x1xf32>
    %select_n3A_2256 = arith.select %eq3A_2251, %broadcast_in_dim3A_2255, %select_n3A_2240 : vector<32x1xi1>, vector<32x1xf32>
    %eq3A_2257 = arith.constant 31 : i32
    %eq3A_2258 = vector.broadcast %eq3A_2257 : i32 to vector<32x1xi32>
    %eq3A_2259 = arith.cmpi eq, %iota3A, %eq3A_2258 : vector<32x1xi32>
    %get3A_2260 = arith.index_cast %add3A_1746 : i32 to index
    %get3A_2261 = arith.constant 31 : index
    %get3A_2262 = memref.load %arg5[%get3A_2260, %get3A_2261] : memref<16x32xf32, #tpu.memory_space<smem>>
    %broadcast_in_dim3A_2263 = vector.broadcast %get3A_2262 : f32 to vector<32x1xf32>
    %select_n3A_2264 = arith.select %eq3A_2259, %broadcast_in_dim3A_2263, %select_n3A_2248 : vector<32x1xi1>, vector<32x1xf32>
    %ne3A_2265 = arith.cmpf one, %select_n3A_2256, %select_n3A_2256 : vector<32x1xf32>
    %jit3A_2266 = arith.constant 0.000000e+00 : f32
    %broadcast_in_dim3A_2267 = vector.broadcast %jit3A_2266 : f32 to vector<32x1xf32>
    %select_n3A_2268 = arith.select %ne3A_2265, %broadcast_in_dim3A_2267, %select_n3A_2256 : vector<32x1xi1>, vector<32x1xf32>
    %eq3A_2269 = arith.constant 0x7F800000 : f32
    %eq3A_2270 = vector.broadcast %eq3A_2269 : f32 to vector<32x1xf32>
    %eq3A_2271 = arith.cmpf oeq, %select_n3A_2268, %eq3A_2270 : vector<32x1xf32>
    %jit3A_2272 = arith.constant 3.40282347E+38 : f32
    %broadcast_in_dim3A_2273 = vector.broadcast %jit3A_2272 : f32 to vector<32x1xf32>
    %select_n3A_2274 = arith.select %eq3A_2271, %broadcast_in_dim3A_2273, %select_n3A_2268 : vector<32x1xi1>, vector<32x1xf32>
    %eq3A_2275 = arith.constant 0xFF800000 : f32
    %eq3A_2276 = vector.broadcast %eq3A_2275 : f32 to vector<32x1xf32>
    %eq3A_2277 = arith.cmpf oeq, %select_n3A_2274, %eq3A_2276 : vector<32x1xf32>
    %jit3A_2278 = arith.constant -3.40282347E+38 : f32
    %broadcast_in_dim3A_2279 = vector.broadcast %jit3A_2278 : f32 to vector<32x1xf32>
    %select_n3A_2280 = arith.select %eq3A_2277, %broadcast_in_dim3A_2279, %select_n3A_2274 : vector<32x1xi1>, vector<32x1xf32>
    %ne3A_2281 = arith.cmpf one, %select_n3A_2264, %select_n3A_2264 : vector<32x1xf32>
    %jit3A_2282 = arith.constant 0.000000e+00 : f32
    %broadcast_in_dim3A_2283 = vector.broadcast %jit3A_2282 : f32 to vector<32x1xf32>
    %select_n3A_2284 = arith.select %ne3A_2281, %broadcast_in_dim3A_2283, %select_n3A_2264 : vector<32x1xi1>, vector<32x1xf32>
    %eq3A_2285 = arith.constant 0x7F800000 : f32
    %eq3A_2286 = vector.broadcast %eq3A_2285 : f32 to vector<32x1xf32>
    %eq3A_2287 = arith.cmpf oeq, %select_n3A_2284, %eq3A_2286 : vector<32x1xf32>
    %jit3A_2288 = arith.constant 3.40282347E+38 : f32
    %broadcast_in_dim3A_2289 = vector.broadcast %jit3A_2288 : f32 to vector<32x1xf32>
    %select_n3A_2290 = arith.select %eq3A_2287, %broadcast_in_dim3A_2289, %select_n3A_2284 : vector<32x1xi1>, vector<32x1xf32>
    %eq3A_2291 = arith.constant 0xFF800000 : f32
    %eq3A_2292 = vector.broadcast %eq3A_2291 : f32 to vector<32x1xf32>
    %eq3A_2293 = arith.cmpf oeq, %select_n3A_2290, %eq3A_2292 : vector<32x1xf32>
    %jit3A_2294 = arith.constant -3.40282347E+38 : f32
    %broadcast_in_dim3A_2295 = vector.broadcast %jit3A_2294 : f32 to vector<32x1xf32>
    %select_n3A_2296 = arith.select %eq3A_2293, %broadcast_in_dim3A_2295, %select_n3A_2290 : vector<32x1xi1>, vector<32x1xf32>
    %get3A_2297 = arith.constant 1 : index
    %get3A_2298 = arith.constant 0 : index
    %get3A_2299 = arith.constant 0 : index
    %get3A_2300 = vector.load %arg1[%get3A_2297, %get3A_2298, %get3A_2299] : memref<2x8x1400xf32, #tpu.memory_space<vmem>>, vector<1x1x1400xf32>
    %get3A_2301 = vector.shape_cast %get3A_2300 : vector<1x1x1400xf32> to vector<1400xf32>
    %reshape3A_2302 = vector.shape_cast %get3A_2301 : vector<1400xf32> to vector<1x1400xf32>
    %ne3A_2303 = arith.cmpf one, %reshape3A_2302, %reshape3A_2302 : vector<1x1400xf32>
    %jit3A_2304 = arith.constant 0.000000e+00 : f32
    %broadcast_in_dim3A_2305 = vector.broadcast %jit3A_2304 : f32 to vector<1x1400xf32>
    %select_n3A_2306 = arith.select %ne3A_2303, %broadcast_in_dim3A_2305, %reshape3A_2302 : vector<1x1400xi1>, vector<1x1400xf32>
    %eq3A_2307 = arith.constant 0x7F800000 : f32
    %eq3A_2308 = vector.broadcast %eq3A_2307 : f32 to vector<1x1400xf32>
    %eq3A_2309 = arith.cmpf oeq, %select_n3A_2306, %eq3A_2308 : vector<1x1400xf32>
    %jit3A_2310 = arith.constant 3.40282347E+38 : f32
    %broadcast_in_dim3A_2311 = vector.broadcast %jit3A_2310 : f32 to vector<1x1400xf32>
    %select_n3A_2312 = arith.select %eq3A_2309, %broadcast_in_dim3A_2311, %select_n3A_2306 : vector<1x1400xi1>, vector<1x1400xf32>
    %eq3A_2313 = arith.constant 0xFF800000 : f32
    %eq3A_2314 = vector.broadcast %eq3A_2313 : f32 to vector<1x1400xf32>
    %eq3A_2315 = arith.cmpf oeq, %select_n3A_2312, %eq3A_2314 : vector<1x1400xf32>
    %jit3A_2316 = arith.constant -3.40282347E+38 : f32
    %broadcast_in_dim3A_2317 = vector.broadcast %jit3A_2316 : f32 to vector<1x1400xf32>
    %select_n3A_2318 = arith.select %eq3A_2315, %broadcast_in_dim3A_2317, %select_n3A_2312 : vector<1x1400xi1>, vector<1x1400xf32>
    %broadcast_in_dim3A_2319 = vector.shape_cast %select_n3A_2318 : vector<1x1400xf32> to vector<1x1400xf32>
    %broadcast_in_dim3A_2320 = vector.broadcast %broadcast_in_dim3A_2319 : vector<1x1400xf32> to vector<32x1400xf32>
    %get3A_2321 = arith.constant 0 : index
    %get3A_2322 = arith.constant 0 : index
    %get3A_2323 = vector.load %arg6[%get3A_2321, %get3A_2322] : memref<34x8xf32, #tpu.memory_space<vmem>>, vector<1x8xf32>
    %get3A_2324 = vector.shape_cast %get3A_2323 : vector<1x8xf32> to vector<8xf32>
    %reshape3A_2325 = vector.shape_cast %get3A_2324 : vector<8xf32> to vector<1x8xf32>
    %broadcast_in_dim3A_2326 = vector.shape_cast %reshape3A_2325 : vector<1x8xf32> to vector<1x8xf32>
    %broadcast_in_dim3A_2327 = vector.broadcast %broadcast_in_dim3A_2326 : vector<1x8xf32> to vector<32x8xf32>
    %concatenate3A_2328 = tpu.concatenate %broadcast_in_dim3A_2327, %broadcast_in_dim3A_2320 in 1 : vector<32x8xf32>, vector<32x1400xf32> -> vector<32x1408xf32>
    %swap3A_2329 = arith.constant 0 : index
    %swap3A_2330 = arith.constant 32 : index
    %swap3A_2331 = arith.constant 0 : index
    %swap3A_2332 = vector.load %arg7[%swap3A_2329, %swap3A_2330, %swap3A_2331] : memref<34x64x1408xf32, #tpu.memory_space<vmem>>, vector<1x32x1408xf32>
    %swap3A_2333 = vector.shape_cast %swap3A_2332 : vector<1x32x1408xf32> to vector<32x1408xf32>
    %swap3A_2334 = vector.shape_cast %concatenate3A_2328 : vector<32x1408xf32> to vector<1x32x1408xf32>
    tpu.vector_store %arg7[%swap3A_2329, %swap3A_2330, %swap3A_2331], %swap3A_2334 {strides = array<i32>} : memref<34x64x1408xf32, #tpu.memory_space<vmem>>, vector<1x32x1408xf32>,
    %get3A_2335 = arith.constant 1 : index
    %get3A_2336 = arith.constant 1 : index
    %get3A_2337 = arith.constant 0 : index
    %get3A_2338 = vector.load %arg1[%get3A_2335, %get3A_2336, %get3A_2337] : memref<2x8x1400xf32, #tpu.memory_space<vmem>>, vector<1x1x1400xf32>
    %get3A_2339 = vector.shape_cast %get3A_2338 : vector<1x1x1400xf32> to vector<1400xf32>
    %reshape3A_2340 = vector.shape_cast %get3A_2339 : vector<1400xf32> to vector<1x1400xf32>
    %ne3A_2341 = arith.cmpf one, %reshape3A_2340, %reshape3A_2340 : vector<1x1400xf32>
    %jit3A_2342 = arith.constant 0.000000e+00 : f32
    %broadcast_in_dim3A_2343 = vector.broadcast %jit3A_2342 : f32 to vector<1x1400xf32>
    %select_n3A_2344 = arith.select %ne3A_2341, %broadcast_in_dim3A_2343, %reshape3A_2340 : vector<1x1400xi1>, vector<1x1400xf32>
    %eq3A_2345 = arith.constant 0x7F800000 : f32
    %eq3A_2346 = vector.broadcast %eq3A_2345 : f32 to vector<1x1400xf32>
    %eq3A_2347 = arith.cmpf oeq, %select_n3A_2344, %eq3A_2346 : vector<1x1400xf32>
    %jit3A_2348 = arith.constant 3.40282347E+38 : f32
    %broadcast_in_dim3A_2349 = vector.broadcast %jit3A_2348 : f32 to vector<1x1400xf32>
    %select_n3A_2350 = arith.select %eq3A_2347, %broadcast_in_dim3A_2349, %select_n3A_2344 : vector<1x1400xi1>, vector<1x1400xf32>
    %eq3A_2351 = arith.constant 0xFF800000 : f32
    %eq3A_2352 = vector.broadcast %eq3A_2351 : f32 to vector<1x1400xf32>
    %eq3A_2353 = arith.cmpf oeq, %select_n3A_2350, %eq3A_2352 : vector<1x1400xf32>
    %jit3A_2354 = arith.constant -3.40282347E+38 : f32
    %broadcast_in_dim3A_2355 = vector.broadcast %jit3A_2354 : f32 to vector<1x1400xf32>
    %select_n3A_2356 = arith.select %eq3A_2353, %broadcast_in_dim3A_2355, %select_n3A_2350 : vector<1x1400xi1>, vector<1x1400xf32>
    %broadcast_in_dim3A_2357 = vector.shape_cast %select_n3A_2356 : vector<1x1400xf32> to vector<1x1400xf32>
    %broadcast_in_dim3A_2358 = vector.broadcast %broadcast_in_dim3A_2357 : vector<1x1400xf32> to vector<32x1400xf32>
    %get3A_2359 = arith.constant 1 : index
    %get3A_2360 = arith.constant 0 : index
    %get3A_2361 = vector.load %arg6[%get3A_2359, %get3A_2360] : memref<34x8xf32, #tpu.memory_space<vmem>>, vector<1x8xf32>
    %get3A_2362 = vector.shape_cast %get3A_2361 : vector<1x8xf32> to vector<8xf32>
    %reshape3A_2363 = vector.shape_cast %get3A_2362 : vector<8xf32> to vector<1x8xf32>
    %broadcast_in_dim3A_2364 = vector.shape_cast %reshape3A_2363 : vector<1x8xf32> to vector<1x8xf32>
    %broadcast_in_dim3A_2365 = vector.broadcast %broadcast_in_dim3A_2364 : vector<1x8xf32> to vector<32x8xf32>
    %concatenate3A_2366 = tpu.concatenate %broadcast_in_dim3A_2365, %broadcast_in_dim3A_2358 in 1 : vector<32x8xf32>, vector<32x1400xf32> -> vector<32x1408xf32>
    %swap3A_2367 = arith.constant 1 : index
    %swap3A_2368 = arith.constant 32 : index
    %swap3A_2369 = arith.constant 0 : index
    %swap3A_2370 = vector.load %arg7[%swap3A_2367, %swap3A_2368, %swap3A_2369] : memref<34x64x1408xf32, #tpu.memory_space<vmem>>, vector<1x32x1408xf32>
    %swap3A_2371 = vector.shape_cast %swap3A_2370 : vector<1x32x1408xf32> to vector<32x1408xf32>
    %swap3A_2372 = vector.shape_cast %concatenate3A_2366 : vector<32x1408xf32> to vector<1x32x1408xf32>
    tpu.vector_store %arg7[%swap3A_2367, %swap3A_2368, %swap3A_2369], %swap3A_2372 {strides = array<i32>} : memref<34x64x1408xf32, #tpu.memory_space<vmem>>, vector<1x32x1408xf32>,
    %get3A_2373 = arith.constant 1 : index
    %get3A_2374 = arith.constant 2 : index
    %get3A_2375 = arith.constant 0 : index
    %get3A_2376 = vector.load %arg1[%get3A_2373, %get3A_2374, %get3A_2375] : memref<2x8x1400xf32, #tpu.memory_space<vmem>>, vector<1x1x1400xf32>
    %get3A_2377 = vector.shape_cast %get3A_2376 : vector<1x1x1400xf32> to vector<1400xf32>
    %reshape3A_2378 = vector.shape_cast %get3A_2377 : vector<1400xf32> to vector<1x1400xf32>
    %ne3A_2379 = arith.cmpf one, %reshape3A_2378, %reshape3A_2378 : vector<1x1400xf32>
    %jit3A_2380 = arith.constant 0.000000e+00 : f32
    %broadcast_in_dim3A_2381 = vector.broadcast %jit3A_2380 : f32 to vector<1x1400xf32>
    %select_n3A_2382 = arith.select %ne3A_2379, %broadcast_in_dim3A_2381, %reshape3A_2378 : vector<1x1400xi1>, vector<1x1400xf32>
    %eq3A_2383 = arith.constant 0x7F800000 : f32
    %eq3A_2384 = vector.broadcast %eq3A_2383 : f32 to vector<1x1400xf32>
    %eq3A_2385 = arith.cmpf oeq, %select_n3A_2382, %eq3A_2384 : vector<1x1400xf32>
    %jit3A_2386 = arith.constant 3.40282347E+38 : f32
    %broadcast_in_dim3A_2387 = vector.broadcast %jit3A_2386 : f32 to vector<1x1400xf32>
    %select_n3A_2388 = arith.select %eq3A_2385, %broadcast_in_dim3A_2387, %select_n3A_2382 : vector<1x1400xi1>, vector<1x1400xf32>
    %eq3A_2389 = arith.constant 0xFF800000 : f32
    %eq3A_2390 = vector.broadcast %eq3A_2389 : f32 to vector<1x1400xf32>
    %eq3A_2391 = arith.cmpf oeq, %select_n3A_2388, %eq3A_2390 : vector<1x1400xf32>
    %jit3A_2392 = arith.constant -3.40282347E+38 : f32
    %broadcast_in_dim3A_2393 = vector.broadcast %jit3A_2392 : f32 to vector<1x1400xf32>
    %select_n3A_2394 = arith.select %eq3A_2391, %broadcast_in_dim3A_2393, %select_n3A_2388 : vector<1x1400xi1>, vector<1x1400xf32>
    %broadcast_in_dim3A_2395 = vector.shape_cast %select_n3A_2394 : vector<1x1400xf32> to vector<1x1400xf32>
    %broadcast_in_dim3A_2396 = vector.broadcast %broadcast_in_dim3A_2395 : vector<1x1400xf32> to vector<32x1400xf32>
    %get3A_2397 = arith.constant 2 : index
    %get3A_2398 = arith.constant 0 : index
    %get3A_2399 = vector.load %arg6[%get3A_2397, %get3A_2398] : memref<34x8xf32, #tpu.memory_space<vmem>>, vector<1x8xf32>
    %get3A_2400 = vector.shape_cast %get3A_2399 : vector<1x8xf32> to vector<8xf32>
    %reshape3A_2401 = vector.shape_cast %get3A_2400 : vector<8xf32> to vector<1x8xf32>
    %broadcast_in_dim3A_2402 = vector.shape_cast %reshape3A_2401 : vector<1x8xf32> to vector<1x8xf32>
    %broadcast_in_dim3A_2403 = vector.broadcast %broadcast_in_dim3A_2402 : vector<1x8xf32> to vector<32x8xf32>
    %concatenate3A_2404 = tpu.concatenate %broadcast_in_dim3A_2403, %broadcast_in_dim3A_2396 in 1 : vector<32x8xf32>, vector<32x1400xf32> -> vector<32x1408xf32>
    %swap3A_2405 = arith.constant 2 : index
    %swap3A_2406 = arith.constant 32 : index
    %swap3A_2407 = arith.constant 0 : index
    %swap3A_2408 = vector.load %arg7[%swap3A_2405, %swap3A_2406, %swap3A_2407] : memref<34x64x1408xf32, #tpu.memory_space<vmem>>, vector<1x32x1408xf32>
    %swap3A_2409 = vector.shape_cast %swap3A_2408 : vector<1x32x1408xf32> to vector<32x1408xf32>
    %swap3A_2410 = vector.shape_cast %concatenate3A_2404 : vector<32x1408xf32> to vector<1x32x1408xf32>
    tpu.vector_store %arg7[%swap3A_2405, %swap3A_2406, %swap3A_2407], %swap3A_2410 {strides = array<i32>} : memref<34x64x1408xf32, #tpu.memory_space<vmem>>, vector<1x32x1408xf32>,
    %get3A_2411 = arith.constant 1 : index
    %get3A_2412 = arith.constant 3 : index
    %get3A_2413 = arith.constant 0 : index
    %get3A_2414 = vector.load %arg1[%get3A_2411, %get3A_2412, %get3A_2413] : memref<2x8x1400xf32, #tpu.memory_space<vmem>>, vector<1x1x1400xf32>
    %get3A_2415 = vector.shape_cast %get3A_2414 : vector<1x1x1400xf32> to vector<1400xf32>
    %reshape3A_2416 = vector.shape_cast %get3A_2415 : vector<1400xf32> to vector<1x1400xf32>
    %ne3A_2417 = arith.cmpf one, %reshape3A_2416, %reshape3A_2416 : vector<1x1400xf32>
    %jit3A_2418 = arith.constant 0.000000e+00 : f32
    %broadcast_in_dim3A_2419 = vector.broadcast %jit3A_2418 : f32 to vector<1x1400xf32>
    %select_n3A_2420 = arith.select %ne3A_2417, %broadcast_in_dim3A_2419, %reshape3A_2416 : vector<1x1400xi1>, vector<1x1400xf32>
    %eq3A_2421 = arith.constant 0x7F800000 : f32
    %eq3A_2422 = vector.broadcast %eq3A_2421 : f32 to vector<1x1400xf32>
    %eq3A_2423 = arith.cmpf oeq, %select_n3A_2420, %eq3A_2422 : vector<1x1400xf32>
    %jit3A_2424 = arith.constant 3.40282347E+38 : f32
    %broadcast_in_dim3A_2425 = vector.broadcast %jit3A_2424 : f32 to vector<1x1400xf32>
    %select_n3A_2426 = arith.select %eq3A_2423, %broadcast_in_dim3A_2425, %select_n3A_2420 : vector<1x1400xi1>, vector<1x1400xf32>
    %eq3A_2427 = arith.constant 0xFF800000 : f32
    %eq3A_2428 = vector.broadcast %eq3A_2427 : f32 to vector<1x1400xf32>
    %eq3A_2429 = arith.cmpf oeq, %select_n3A_2426, %eq3A_2428 : vector<1x1400xf32>
    %jit3A_2430 = arith.constant -3.40282347E+38 : f32
    %broadcast_in_dim3A_2431 = vector.broadcast %jit3A_2430 : f32 to vector<1x1400xf32>
    %select_n3A_2432 = arith.select %eq3A_2429, %broadcast_in_dim3A_2431, %select_n3A_2426 : vector<1x1400xi1>, vector<1x1400xf32>
    %broadcast_in_dim3A_2433 = vector.shape_cast %select_n3A_2432 : vector<1x1400xf32> to vector<1x1400xf32>
    %broadcast_in_dim3A_2434 = vector.broadcast %broadcast_in_dim3A_2433 : vector<1x1400xf32> to vector<32x1400xf32>
    %get3A_2435 = arith.constant 3 : index
    %get3A_2436 = arith.constant 0 : index
    %get3A_2437 = vector.load %arg6[%get3A_2435, %get3A_2436] : memref<34x8xf32, #tpu.memory_space<vmem>>, vector<1x8xf32>
    %get3A_2438 = vector.shape_cast %get3A_2437 : vector<1x8xf32> to vector<8xf32>
    %reshape3A_2439 = vector.shape_cast %get3A_2438 : vector<8xf32> to vector<1x8xf32>
    %broadcast_in_dim3A_2440 = vector.shape_cast %reshape3A_2439 : vector<1x8xf32> to vector<1x8xf32>
    %broadcast_in_dim3A_2441 = vector.broadcast %broadcast_in_dim3A_2440 : vector<1x8xf32> to vector<32x8xf32>
    %concatenate3A_2442 = tpu.concatenate %broadcast_in_dim3A_2441, %broadcast_in_dim3A_2434 in 1 : vector<32x8xf32>, vector<32x1400xf32> -> vector<32x1408xf32>
    %swap3A_2443 = arith.constant 3 : index
    %swap3A_2444 = arith.constant 32 : index
    %swap3A_2445 = arith.constant 0 : index
    %swap3A_2446 = vector.load %arg7[%swap3A_2443, %swap3A_2444, %swap3A_2445] : memref<34x64x1408xf32, #tpu.memory_space<vmem>>, vector<1x32x1408xf32>
    %swap3A_2447 = vector.shape_cast %swap3A_2446 : vector<1x32x1408xf32> to vector<32x1408xf32>
    %swap3A_2448 = vector.shape_cast %concatenate3A_2442 : vector<32x1408xf32> to vector<1x32x1408xf32>
    tpu.vector_store %arg7[%swap3A_2443, %swap3A_2444, %swap3A_2445], %swap3A_2448 {strides = array<i32>} : memref<34x64x1408xf32, #tpu.memory_space<vmem>>, vector<1x32x1408xf32>,
    %get3A_2449 = arith.constant 1 : index
    %get3A_2450 = arith.constant 4 : index
    %get3A_2451 = arith.constant 0 : index
    %get3A_2452 = vector.load %arg1[%get3A_2449, %get3A_2450, %get3A_2451] : memref<2x8x1400xf32, #tpu.memory_space<vmem>>, vector<1x1x1400xf32>
    %get3A_2453 = vector.shape_cast %get3A_2452 : vector<1x1x1400xf32> to vector<1400xf32>
    %reshape3A_2454 = vector.shape_cast %get3A_2453 : vector<1400xf32> to vector<1x1400xf32>
    %ne3A_2455 = arith.cmpf one, %reshape3A_2454, %reshape3A_2454 : vector<1x1400xf32>
    %jit3A_2456 = arith.constant 0.000000e+00 : f32
    %broadcast_in_dim3A_2457 = vector.broadcast %jit3A_2456 : f32 to vector<1x1400xf32>
    %select_n3A_2458 = arith.select %ne3A_2455, %broadcast_in_dim3A_2457, %reshape3A_2454 : vector<1x1400xi1>, vector<1x1400xf32>
    %eq3A_2459 = arith.constant 0x7F800000 : f32
    %eq3A_2460 = vector.broadcast %eq3A_2459 : f32 to vector<1x1400xf32>
    %eq3A_2461 = arith.cmpf oeq, %select_n3A_2458, %eq3A_2460 : vector<1x1400xf32>
    %jit3A_2462 = arith.constant 3.40282347E+38 : f32
    %broadcast_in_dim3A_2463 = vector.broadcast %jit3A_2462 : f32 to vector<1x1400xf32>
    %select_n3A_2464 = arith.select %eq3A_2461, %broadcast_in_dim3A_2463, %select_n3A_2458 : vector<1x1400xi1>, vector<1x1400xf32>
    %eq3A_2465 = arith.constant 0xFF800000 : f32
    %eq3A_2466 = vector.broadcast %eq3A_2465 : f32 to vector<1x1400xf32>
    %eq3A_2467 = arith.cmpf oeq, %select_n3A_2464, %eq3A_2466 : vector<1x1400xf32>
    %jit3A_2468 = arith.constant -3.40282347E+38 : f32
    %broadcast_in_dim3A_2469 = vector.broadcast %jit3A_2468 : f32 to vector<1x1400xf32>
    %select_n3A_2470 = arith.select %eq3A_2467, %broadcast_in_dim3A_2469, %select_n3A_2464 : vector<1x1400xi1>, vector<1x1400xf32>
    %broadcast_in_dim3A_2471 = vector.shape_cast %select_n3A_2470 : vector<1x1400xf32> to vector<1x1400xf32>
    %broadcast_in_dim3A_2472 = vector.broadcast %broadcast_in_dim3A_2471 : vector<1x1400xf32> to vector<32x1400xf32>
    %get3A_2473 = arith.constant 4 : index
    %get3A_2474 = arith.constant 0 : index
    %get3A_2475 = vector.load %arg6[%get3A_2473, %get3A_2474] : memref<34x8xf32, #tpu.memory_space<vmem>>, vector<1x8xf32>
    %get3A_2476 = vector.shape_cast %get3A_2475 : vector<1x8xf32> to vector<8xf32>
    %reshape3A_2477 = vector.shape_cast %get3A_2476 : vector<8xf32> to vector<1x8xf32>
    %broadcast_in_dim3A_2478 = vector.shape_cast %reshape3A_2477 : vector<1x8xf32> to vector<1x8xf32>
    %broadcast_in_dim3A_2479 = vector.broadcast %broadcast_in_dim3A_2478 : vector<1x8xf32> to vector<32x8xf32>
    %concatenate3A_2480 = tpu.concatenate %broadcast_in_dim3A_2479, %broadcast_in_dim3A_2472 in 1 : vector<32x8xf32>, vector<32x1400xf32> -> vector<32x1408xf32>
    %swap3A_2481 = arith.constant 4 : index
    %swap3A_2482 = arith.constant 32 : index
    %swap3A_2483 = arith.constant 0 : index
    %swap3A_2484 = vector.load %arg7[%swap3A_2481, %swap3A_2482, %swap3A_2483] : memref<34x64x1408xf32, #tpu.memory_space<vmem>>, vector<1x32x1408xf32>
    %swap3A_2485 = vector.shape_cast %swap3A_2484 : vector<1x32x1408xf32> to vector<32x1408xf32>
    %swap3A_2486 = vector.shape_cast %concatenate3A_2480 : vector<32x1408xf32> to vector<1x32x1408xf32>
    tpu.vector_store %arg7[%swap3A_2481, %swap3A_2482, %swap3A_2483], %swap3A_2486 {strides = array<i32>} : memref<34x64x1408xf32, #tpu.memory_space<vmem>>, vector<1x32x1408xf32>,
    %get3A_2487 = arith.constant 1 : index
    %get3A_2488 = arith.constant 5 : index
    %get3A_2489 = arith.constant 0 : index
    %get3A_2490 = vector.load %arg1[%get3A_2487, %get3A_2488, %get3A_2489] : memref<2x8x1400xf32, #tpu.memory_space<vmem>>, vector<1x1x1400xf32>
    %get3A_2491 = vector.shape_cast %get3A_2490 : vector<1x1x1400xf32> to vector<1400xf32>
    %reshape3A_2492 = vector.shape_cast %get3A_2491 : vector<1400xf32> to vector<1x1400xf32>
    %ne3A_2493 = arith.cmpf one, %reshape3A_2492, %reshape3A_2492 : vector<1x1400xf32>
    %jit3A_2494 = arith.constant 0.000000e+00 : f32
    %broadcast_in_dim3A_2495 = vector.broadcast %jit3A_2494 : f32 to vector<1x1400xf32>
    %select_n3A_2496 = arith.select %ne3A_2493, %broadcast_in_dim3A_2495, %reshape3A_2492 : vector<1x1400xi1>, vector<1x1400xf32>
    %eq3A_2497 = arith.constant 0x7F800000 : f32
    %eq3A_2498 = vector.broadcast %eq3A_2497 : f32 to vector<1x1400xf32>
    %eq3A_2499 = arith.cmpf oeq, %select_n3A_2496, %eq3A_2498 : vector<1x1400xf32>
    %jit3A_2500 = arith.constant 3.40282347E+38 : f32
    %broadcast_in_dim3A_2501 = vector.broadcast %jit3A_2500 : f32 to vector<1x1400xf32>
    %select_n3A_2502 = arith.select %eq3A_2499, %broadcast_in_dim3A_2501, %select_n3A_2496 : vector<1x1400xi1>, vector<1x1400xf32>
    %eq3A_2503 = arith.constant 0xFF800000 : f32
    %eq3A_2504 = vector.broadcast %eq3A_2503 : f32 to vector<1x1400xf32>
    %eq3A_2505 = arith.cmpf oeq, %select_n3A_2502, %eq3A_2504 : vector<1x1400xf32>
    %jit3A_2506 = arith.constant -3.40282347E+38 : f32
    %broadcast_in_dim3A_2507 = vector.broadcast %jit3A_2506 : f32 to vector<1x1400xf32>
    %select_n3A_2508 = arith.select %eq3A_2505, %broadcast_in_dim3A_2507, %select_n3A_2502 : vector<1x1400xi1>, vector<1x1400xf32>
    %broadcast_in_dim3A_2509 = vector.shape_cast %select_n3A_2508 : vector<1x1400xf32> to vector<1x1400xf32>
    %broadcast_in_dim3A_2510 = vector.broadcast %broadcast_in_dim3A_2509 : vector<1x1400xf32> to vector<32x1400xf32>
    %get3A_2511 = arith.constant 5 : index
    %get3A_2512 = arith.constant 0 : index
    %get3A_2513 = vector.load %arg6[%get3A_2511, %get3A_2512] : memref<34x8xf32, #tpu.memory_space<vmem>>, vector<1x8xf32>
    %get3A_2514 = vector.shape_cast %get3A_2513 : vector<1x8xf32> to vector<8xf32>
    %reshape3A_2515 = vector.shape_cast %get3A_2514 : vector<8xf32> to vector<1x8xf32>
    %broadcast_in_dim3A_2516 = vector.shape_cast %reshape3A_2515 : vector<1x8xf32> to vector<1x8xf32>
    %broadcast_in_dim3A_2517 = vector.broadcast %broadcast_in_dim3A_2516 : vector<1x8xf32> to vector<32x8xf32>
    %concatenate3A_2518 = tpu.concatenate %broadcast_in_dim3A_2517, %broadcast_in_dim3A_2510 in 1 : vector<32x8xf32>, vector<32x1400xf32> -> vector<32x1408xf32>
    %swap3A_2519 = arith.constant 5 : index
    %swap3A_2520 = arith.constant 32 : index
    %swap3A_2521 = arith.constant 0 : index
    %swap3A_2522 = vector.load %arg7[%swap3A_2519, %swap3A_2520, %swap3A_2521] : memref<34x64x1408xf32, #tpu.memory_space<vmem>>, vector<1x32x1408xf32>
    %swap3A_2523 = vector.shape_cast %swap3A_2522 : vector<1x32x1408xf32> to vector<32x1408xf32>
    %swap3A_2524 = vector.shape_cast %concatenate3A_2518 : vector<32x1408xf32> to vector<1x32x1408xf32>
    tpu.vector_store %arg7[%swap3A_2519, %swap3A_2520, %swap3A_2521], %swap3A_2524 {strides = array<i32>} : memref<34x64x1408xf32, #tpu.memory_space<vmem>>, vector<1x32x1408xf32>,
    %get3A_2525 = arith.constant 1 : index
    %get3A_2526 = arith.constant 6 : index
    %get3A_2527 = arith.constant 0 : index
    %get3A_2528 = vector.load %arg1[%get3A_2525, %get3A_2526, %get3A_2527] : memref<2x8x1400xf32, #tpu.memory_space<vmem>>, vector<1x1x1400xf32>
    %get3A_2529 = vector.shape_cast %get3A_2528 : vector<1x1x1400xf32> to vector<1400xf32>
    %reshape3A_2530 = vector.shape_cast %get3A_2529 : vector<1400xf32> to vector<1x1400xf32>
    %ne3A_2531 = arith.cmpf one, %reshape3A_2530, %reshape3A_2530 : vector<1x1400xf32>
    %jit3A_2532 = arith.constant 0.000000e+00 : f32
    %broadcast_in_dim3A_2533 = vector.broadcast %jit3A_2532 : f32 to vector<1x1400xf32>
    %select_n3A_2534 = arith.select %ne3A_2531, %broadcast_in_dim3A_2533, %reshape3A_2530 : vector<1x1400xi1>, vector<1x1400xf32>
    %eq3A_2535 = arith.constant 0x7F800000 : f32
    %eq3A_2536 = vector.broadcast %eq3A_2535 : f32 to vector<1x1400xf32>
    %eq3A_2537 = arith.cmpf oeq, %select_n3A_2534, %eq3A_2536 : vector<1x1400xf32>
    %jit3A_2538 = arith.constant 3.40282347E+38 : f32
    %broadcast_in_dim3A_2539 = vector.broadcast %jit3A_2538 : f32 to vector<1x1400xf32>
    %select_n3A_2540 = arith.select %eq3A_2537, %broadcast_in_dim3A_2539, %select_n3A_2534 : vector<1x1400xi1>, vector<1x1400xf32>
    %eq3A_2541 = arith.constant 0xFF800000 : f32
    %eq3A_2542 = vector.broadcast %eq3A_2541 : f32 to vector<1x1400xf32>
    %eq3A_2543 = arith.cmpf oeq, %select_n3A_2540, %eq3A_2542 : vector<1x1400xf32>
    %jit3A_2544 = arith.constant -3.40282347E+38 : f32
    %broadcast_in_dim3A_2545 = vector.broadcast %jit3A_2544 : f32 to vector<1x1400xf32>
    %select_n3A_2546 = arith.select %eq3A_2543, %broadcast_in_dim3A_2545, %select_n3A_2540 : vector<1x1400xi1>, vector<1x1400xf32>
    %broadcast_in_dim3A_2547 = vector.shape_cast %select_n3A_2546 : vector<1x1400xf32> to vector<1x1400xf32>
    %broadcast_in_dim3A_2548 = vector.broadcast %broadcast_in_dim3A_2547 : vector<1x1400xf32> to vector<32x1400xf32>
    %get3A_2549 = arith.constant 6 : index
    %get3A_2550 = arith.constant 0 : index
    %get3A_2551 = vector.load %arg6[%get3A_2549, %get3A_2550] : memref<34x8xf32, #tpu.memory_space<vmem>>, vector<1x8xf32>
    %get3A_2552 = vector.shape_cast %get3A_2551 : vector<1x8xf32> to vector<8xf32>
    %reshape3A_2553 = vector.shape_cast %get3A_2552 : vector<8xf32> to vector<1x8xf32>
    %broadcast_in_dim3A_2554 = vector.shape_cast %reshape3A_2553 : vector<1x8xf32> to vector<1x8xf32>
    %broadcast_in_dim3A_2555 = vector.broadcast %broadcast_in_dim3A_2554 : vector<1x8xf32> to vector<32x8xf32>
    %concatenate3A_2556 = tpu.concatenate %broadcast_in_dim3A_2555, %broadcast_in_dim3A_2548 in 1 : vector<32x8xf32>, vector<32x1400xf32> -> vector<32x1408xf32>
    %swap3A_2557 = arith.constant 6 : index
    %swap3A_2558 = arith.constant 32 : index
    %swap3A_2559 = arith.constant 0 : index
    %swap3A_2560 = vector.load %arg7[%swap3A_2557, %swap3A_2558, %swap3A_2559] : memref<34x64x1408xf32, #tpu.memory_space<vmem>>, vector<1x32x1408xf32>
    %swap3A_2561 = vector.shape_cast %swap3A_2560 : vector<1x32x1408xf32> to vector<32x1408xf32>
    %swap3A_2562 = vector.shape_cast %concatenate3A_2556 : vector<32x1408xf32> to vector<1x32x1408xf32>
    tpu.vector_store %arg7[%swap3A_2557, %swap3A_2558, %swap3A_2559], %swap3A_2562 {strides = array<i32>} : memref<34x64x1408xf32, #tpu.memory_space<vmem>>, vector<1x32x1408xf32>,
    %get3A_2563 = arith.constant 1 : index
    %get3A_2564 = arith.constant 7 : index
    %get3A_2565 = arith.constant 0 : index
    %get3A_2566 = vector.load %arg1[%get3A_2563, %get3A_2564, %get3A_2565] : memref<2x8x1400xf32, #tpu.memory_space<vmem>>, vector<1x1x1400xf32>
    %get3A_2567 = vector.shape_cast %get3A_2566 : vector<1x1x1400xf32> to vector<1400xf32>
    %reshape3A_2568 = vector.shape_cast %get3A_2567 : vector<1400xf32> to vector<1x1400xf32>
    %ne3A_2569 = arith.cmpf one, %reshape3A_2568, %reshape3A_2568 : vector<1x1400xf32>
    %jit3A_2570 = arith.constant 0.000000e+00 : f32
    %broadcast_in_dim3A_2571 = vector.broadcast %jit3A_2570 : f32 to vector<1x1400xf32>
    %select_n3A_2572 = arith.select %ne3A_2569, %broadcast_in_dim3A_2571, %reshape3A_2568 : vector<1x1400xi1>, vector<1x1400xf32>
    %eq3A_2573 = arith.constant 0x7F800000 : f32
    %eq3A_2574 = vector.broadcast %eq3A_2573 : f32 to vector<1x1400xf32>
    %eq3A_2575 = arith.cmpf oeq, %select_n3A_2572, %eq3A_2574 : vector<1x1400xf32>
    %jit3A_2576 = arith.constant 3.40282347E+38 : f32
    %broadcast_in_dim3A_2577 = vector.broadcast %jit3A_2576 : f32 to vector<1x1400xf32>
    %select_n3A_2578 = arith.select %eq3A_2575, %broadcast_in_dim3A_2577, %select_n3A_2572 : vector<1x1400xi1>, vector<1x1400xf32>
    %eq3A_2579 = arith.constant 0xFF800000 : f32
    %eq3A_2580 = vector.broadcast %eq3A_2579 : f32 to vector<1x1400xf32>
    %eq3A_2581 = arith.cmpf oeq, %select_n3A_2578, %eq3A_2580 : vector<1x1400xf32>
    %jit3A_2582 = arith.constant -3.40282347E+38 : f32
    %broadcast_in_dim3A_2583 = vector.broadcast %jit3A_2582 : f32 to vector<1x1400xf32>
    %select_n3A_2584 = arith.select %eq3A_2581, %broadcast_in_dim3A_2583, %select_n3A_2578 : vector<1x1400xi1>, vector<1x1400xf32>
    %broadcast_in_dim3A_2585 = vector.shape_cast %select_n3A_2584 : vector<1x1400xf32> to vector<1x1400xf32>
    %broadcast_in_dim3A_2586 = vector.broadcast %broadcast_in_dim3A_2585 : vector<1x1400xf32> to vector<32x1400xf32>
    %get3A_2587 = arith.constant 7 : index
    %get3A_2588 = arith.constant 0 : index
    %get3A_2589 = vector.load %arg6[%get3A_2587, %get3A_2588] : memref<34x8xf32, #tpu.memory_space<vmem>>, vector<1x8xf32>
    %get3A_2590 = vector.shape_cast %get3A_2589 : vector<1x8xf32> to vector<8xf32>
    %reshape3A_2591 = vector.shape_cast %get3A_2590 : vector<8xf32> to vector<1x8xf32>
    %broadcast_in_dim3A_2592 = vector.shape_cast %reshape3A_2591 : vector<1x8xf32> to vector<1x8xf32>
    %broadcast_in_dim3A_2593 = vector.broadcast %broadcast_in_dim3A_2592 : vector<1x8xf32> to vector<32x8xf32>
    %concatenate3A_2594 = tpu.concatenate %broadcast_in_dim3A_2593, %broadcast_in_dim3A_2586 in 1 : vector<32x8xf32>, vector<32x1400xf32> -> vector<32x1408xf32>
    %swap3A_2595 = arith.constant 7 : index
    %swap3A_2596 = arith.constant 32 : index
    %swap3A_2597 = arith.constant 0 : index
    %swap3A_2598 = vector.load %arg7[%swap3A_2595, %swap3A_2596, %swap3A_2597] : memref<34x64x1408xf32, #tpu.memory_space<vmem>>, vector<1x32x1408xf32>
    %swap3A_2599 = vector.shape_cast %swap3A_2598 : vector<1x32x1408xf32> to vector<32x1408xf32>
    %swap3A_2600 = vector.shape_cast %concatenate3A_2594 : vector<32x1408xf32> to vector<1x32x1408xf32>
    tpu.vector_store %arg7[%swap3A_2595, %swap3A_2596, %swap3A_2597], %swap3A_2600 {strides = array<i32>} : memref<34x64x1408xf32, #tpu.memory_space<vmem>>, vector<1x32x1408xf32>,
    %get3A_2601 = arith.constant 1 : index
    %get3A_2602 = arith.constant 0 : index
    %get3A_2603 = arith.constant 0 : index
    %get3A_2604 = vector.load %arg2[%get3A_2601, %get3A_2602, %get3A_2603] : memref<2x8x1400xf32, #tpu.memory_space<vmem>>, vector<1x1x1400xf32>
    %get3A_2605 = vector.shape_cast %get3A_2604 : vector<1x1x1400xf32> to vector<1400xf32>
    %reshape3A_2606 = vector.shape_cast %get3A_2605 : vector<1400xf32> to vector<1x1400xf32>
    %ne3A_2607 = arith.cmpf one, %reshape3A_2606, %reshape3A_2606 : vector<1x1400xf32>
    %jit3A_2608 = arith.constant 0.000000e+00 : f32
    %broadcast_in_dim3A_2609 = vector.broadcast %jit3A_2608 : f32 to vector<1x1400xf32>
    %select_n3A_2610 = arith.select %ne3A_2607, %broadcast_in_dim3A_2609, %reshape3A_2606 : vector<1x1400xi1>, vector<1x1400xf32>
    %eq3A_2611 = arith.constant 0x7F800000 : f32
    %eq3A_2612 = vector.broadcast %eq3A_2611 : f32 to vector<1x1400xf32>
    %eq3A_2613 = arith.cmpf oeq, %select_n3A_2610, %eq3A_2612 : vector<1x1400xf32>
    %jit3A_2614 = arith.constant 3.40282347E+38 : f32
    %broadcast_in_dim3A_2615 = vector.broadcast %jit3A_2614 : f32 to vector<1x1400xf32>
    %select_n3A_2616 = arith.select %eq3A_2613, %broadcast_in_dim3A_2615, %select_n3A_2610 : vector<1x1400xi1>, vector<1x1400xf32>
    %eq3A_2617 = arith.constant 0xFF800000 : f32
    %eq3A_2618 = vector.broadcast %eq3A_2617 : f32 to vector<1x1400xf32>
    %eq3A_2619 = arith.cmpf oeq, %select_n3A_2616, %eq3A_2618 : vector<1x1400xf32>
    %jit3A_2620 = arith.constant -3.40282347E+38 : f32
    %broadcast_in_dim3A_2621 = vector.broadcast %jit3A_2620 : f32 to vector<1x1400xf32>
    %select_n3A_2622 = arith.select %eq3A_2619, %broadcast_in_dim3A_2621, %select_n3A_2616 : vector<1x1400xi1>, vector<1x1400xf32>
    %broadcast_in_dim3A_2623 = vector.shape_cast %select_n3A_2622 : vector<1x1400xf32> to vector<1x1400xf32>
    %broadcast_in_dim3A_2624 = vector.broadcast %broadcast_in_dim3A_2623 : vector<1x1400xf32> to vector<32x1400xf32>
    %get3A_2625 = arith.constant 8 : index
    %get3A_2626 = arith.constant 0 : index
    %get3A_2627 = vector.load %arg6[%get3A_2625, %get3A_2626] : memref<34x8xf32, #tpu.memory_space<vmem>>, vector<1x8xf32>
    %get3A_2628 = vector.shape_cast %get3A_2627 : vector<1x8xf32> to vector<8xf32>
    %reshape3A_2629 = vector.shape_cast %get3A_2628 : vector<8xf32> to vector<1x8xf32>
    %broadcast_in_dim3A_2630 = vector.shape_cast %reshape3A_2629 : vector<1x8xf32> to vector<1x8xf32>
    %broadcast_in_dim3A_2631 = vector.broadcast %broadcast_in_dim3A_2630 : vector<1x8xf32> to vector<32x8xf32>
    %concatenate3A_2632 = tpu.concatenate %broadcast_in_dim3A_2631, %broadcast_in_dim3A_2624 in 1 : vector<32x8xf32>, vector<32x1400xf32> -> vector<32x1408xf32>
    %swap3A_2633 = arith.constant 8 : index
    %swap3A_2634 = arith.constant 32 : index
    %swap3A_2635 = arith.constant 0 : index
    %swap3A_2636 = vector.load %arg7[%swap3A_2633, %swap3A_2634, %swap3A_2635] : memref<34x64x1408xf32, #tpu.memory_space<vmem>>, vector<1x32x1408xf32>
    %swap3A_2637 = vector.shape_cast %swap3A_2636 : vector<1x32x1408xf32> to vector<32x1408xf32>
    %swap3A_2638 = vector.shape_cast %concatenate3A_2632 : vector<32x1408xf32> to vector<1x32x1408xf32>
    tpu.vector_store %arg7[%swap3A_2633, %swap3A_2634, %swap3A_2635], %swap3A_2638 {strides = array<i32>} : memref<34x64x1408xf32, #tpu.memory_space<vmem>>, vector<1x32x1408xf32>,
    %get3A_2639 = arith.constant 1 : index
    %get3A_2640 = arith.constant 1 : index
    %get3A_2641 = arith.constant 0 : index
    %get3A_2642 = vector.load %arg2[%get3A_2639, %get3A_2640, %get3A_2641] : memref<2x8x1400xf32, #tpu.memory_space<vmem>>, vector<1x1x1400xf32>
    %get3A_2643 = vector.shape_cast %get3A_2642 : vector<1x1x1400xf32> to vector<1400xf32>
    %reshape3A_2644 = vector.shape_cast %get3A_2643 : vector<1400xf32> to vector<1x1400xf32>
    %ne3A_2645 = arith.cmpf one, %reshape3A_2644, %reshape3A_2644 : vector<1x1400xf32>
    %jit3A_2646 = arith.constant 0.000000e+00 : f32
    %broadcast_in_dim3A_2647 = vector.broadcast %jit3A_2646 : f32 to vector<1x1400xf32>
    %select_n3A_2648 = arith.select %ne3A_2645, %broadcast_in_dim3A_2647, %reshape3A_2644 : vector<1x1400xi1>, vector<1x1400xf32>
    %eq3A_2649 = arith.constant 0x7F800000 : f32
    %eq3A_2650 = vector.broadcast %eq3A_2649 : f32 to vector<1x1400xf32>
    %eq3A_2651 = arith.cmpf oeq, %select_n3A_2648, %eq3A_2650 : vector<1x1400xf32>
    %jit3A_2652 = arith.constant 3.40282347E+38 : f32
    %broadcast_in_dim3A_2653 = vector.broadcast %jit3A_2652 : f32 to vector<1x1400xf32>
    %select_n3A_2654 = arith.select %eq3A_2651, %broadcast_in_dim3A_2653, %select_n3A_2648 : vector<1x1400xi1>, vector<1x1400xf32>
    %eq3A_2655 = arith.constant 0xFF800000 : f32
    %eq3A_2656 = vector.broadcast %eq3A_2655 : f32 to vector<1x1400xf32>
    %eq3A_2657 = arith.cmpf oeq, %select_n3A_2654, %eq3A_2656 : vector<1x1400xf32>
    %jit3A_2658 = arith.constant -3.40282347E+38 : f32
    %broadcast_in_dim3A_2659 = vector.broadcast %jit3A_2658 : f32 to vector<1x1400xf32>
    %select_n3A_2660 = arith.select %eq3A_2657, %broadcast_in_dim3A_2659, %select_n3A_2654 : vector<1x1400xi1>, vector<1x1400xf32>
    %broadcast_in_dim3A_2661 = vector.shape_cast %select_n3A_2660 : vector<1x1400xf32> to vector<1x1400xf32>
    %broadcast_in_dim3A_2662 = vector.broadcast %broadcast_in_dim3A_2661 : vector<1x1400xf32> to vector<32x1400xf32>
    %get3A_2663 = arith.constant 9 : index
    %get3A_2664 = arith.constant 0 : index
    %get3A_2665 = vector.load %arg6[%get3A_2663, %get3A_2664] : memref<34x8xf32, #tpu.memory_space<vmem>>, vector<1x8xf32>
    %get3A_2666 = vector.shape_cast %get3A_2665 : vector<1x8xf32> to vector<8xf32>
    %reshape3A_2667 = vector.shape_cast %get3A_2666 : vector<8xf32> to vector<1x8xf32>
    %broadcast_in_dim3A_2668 = vector.shape_cast %reshape3A_2667 : vector<1x8xf32> to vector<1x8xf32>
    %broadcast_in_dim3A_2669 = vector.broadcast %broadcast_in_dim3A_2668 : vector<1x8xf32> to vector<32x8xf32>
    %concatenate3A_2670 = tpu.concatenate %broadcast_in_dim3A_2669, %broadcast_in_dim3A_2662 in 1 : vector<32x8xf32>, vector<32x1400xf32> -> vector<32x1408xf32>
    %swap3A_2671 = arith.constant 9 : index
    %swap3A_2672 = arith.constant 32 : index
    %swap3A_2673 = arith.constant 0 : index
    %swap3A_2674 = vector.load %arg7[%swap3A_2671, %swap3A_2672, %swap3A_2673] : memref<34x64x1408xf32, #tpu.memory_space<vmem>>, vector<1x32x1408xf32>
    %swap3A_2675 = vector.shape_cast %swap3A_2674 : vector<1x32x1408xf32> to vector<32x1408xf32>
    %swap3A_2676 = vector.shape_cast %concatenate3A_2670 : vector<32x1408xf32> to vector<1x32x1408xf32>
    tpu.vector_store %arg7[%swap3A_2671, %swap3A_2672, %swap3A_2673], %swap3A_2676 {strides = array<i32>} : memref<34x64x1408xf32, #tpu.memory_space<vmem>>, vector<1x32x1408xf32>,
    %get3A_2677 = arith.constant 1 : index
    %get3A_2678 = arith.constant 2 : index
    %get3A_2679 = arith.constant 0 : index
    %get3A_2680 = vector.load %arg2[%get3A_2677, %get3A_2678, %get3A_2679] : memref<2x8x1400xf32, #tpu.memory_space<vmem>>, vector<1x1x1400xf32>
    %get3A_2681 = vector.shape_cast %get3A_2680 : vector<1x1x1400xf32> to vector<1400xf32>
    %reshape3A_2682 = vector.shape_cast %get3A_2681 : vector<1400xf32> to vector<1x1400xf32>
    %ne3A_2683 = arith.cmpf one, %reshape3A_2682, %reshape3A_2682 : vector<1x1400xf32>
    %jit3A_2684 = arith.constant 0.000000e+00 : f32
    %broadcast_in_dim3A_2685 = vector.broadcast %jit3A_2684 : f32 to vector<1x1400xf32>
    %select_n3A_2686 = arith.select %ne3A_2683, %broadcast_in_dim3A_2685, %reshape3A_2682 : vector<1x1400xi1>, vector<1x1400xf32>
    %eq3A_2687 = arith.constant 0x7F800000 : f32
    %eq3A_2688 = vector.broadcast %eq3A_2687 : f32 to vector<1x1400xf32>
    %eq3A_2689 = arith.cmpf oeq, %select_n3A_2686, %eq3A_2688 : vector<1x1400xf32>
    %jit3A_2690 = arith.constant 3.40282347E+38 : f32
    %broadcast_in_dim3A_2691 = vector.broadcast %jit3A_2690 : f32 to vector<1x1400xf32>
    %select_n3A_2692 = arith.select %eq3A_2689, %broadcast_in_dim3A_2691, %select_n3A_2686 : vector<1x1400xi1>, vector<1x1400xf32>
    %eq3A_2693 = arith.constant 0xFF800000 : f32
    %eq3A_2694 = vector.broadcast %eq3A_2693 : f32 to vector<1x1400xf32>
    %eq3A_2695 = arith.cmpf oeq, %select_n3A_2692, %eq3A_2694 : vector<1x1400xf32>
    %jit3A_2696 = arith.constant -3.40282347E+38 : f32
    %broadcast_in_dim3A_2697 = vector.broadcast %jit3A_2696 : f32 to vector<1x1400xf32>
    %select_n3A_2698 = arith.select %eq3A_2695, %broadcast_in_dim3A_2697, %select_n3A_2692 : vector<1x1400xi1>, vector<1x1400xf32>
    %broadcast_in_dim3A_2699 = vector.shape_cast %select_n3A_2698 : vector<1x1400xf32> to vector<1x1400xf32>
    %broadcast_in_dim3A_2700 = vector.broadcast %broadcast_in_dim3A_2699 : vector<1x1400xf32> to vector<32x1400xf32>
    %get3A_2701 = arith.constant 10 : index
    %get3A_2702 = arith.constant 0 : index
    %get3A_2703 = vector.load %arg6[%get3A_2701, %get3A_2702] : memref<34x8xf32, #tpu.memory_space<vmem>>, vector<1x8xf32>
    %get3A_2704 = vector.shape_cast %get3A_2703 : vector<1x8xf32> to vector<8xf32>
    %reshape3A_2705 = vector.shape_cast %get3A_2704 : vector<8xf32> to vector<1x8xf32>
    %broadcast_in_dim3A_2706 = vector.shape_cast %reshape3A_2705 : vector<1x8xf32> to vector<1x8xf32>
    %broadcast_in_dim3A_2707 = vector.broadcast %broadcast_in_dim3A_2706 : vector<1x8xf32> to vector<32x8xf32>
    %concatenate3A_2708 = tpu.concatenate %broadcast_in_dim3A_2707, %broadcast_in_dim3A_2700 in 1 : vector<32x8xf32>, vector<32x1400xf32> -> vector<32x1408xf32>
    %swap3A_2709 = arith.constant 10 : index
    %swap3A_2710 = arith.constant 32 : index
    %swap3A_2711 = arith.constant 0 : index
    %swap3A_2712 = vector.load %arg7[%swap3A_2709, %swap3A_2710, %swap3A_2711] : memref<34x64x1408xf32, #tpu.memory_space<vmem>>, vector<1x32x1408xf32>
    %swap3A_2713 = vector.shape_cast %swap3A_2712 : vector<1x32x1408xf32> to vector<32x1408xf32>
    %swap3A_2714 = vector.shape_cast %concatenate3A_2708 : vector<32x1408xf32> to vector<1x32x1408xf32>
    tpu.vector_store %arg7[%swap3A_2709, %swap3A_2710, %swap3A_2711], %swap3A_2714 {strides = array<i32>} : memref<34x64x1408xf32, #tpu.memory_space<vmem>>, vector<1x32x1408xf32>,
    %get3A_2715 = arith.constant 1 : index
    %get3A_2716 = arith.constant 3 : index
    %get3A_2717 = arith.constant 0 : index
    %get3A_2718 = vector.load %arg2[%get3A_2715, %get3A_2716, %get3A_2717] : memref<2x8x1400xf32, #tpu.memory_space<vmem>>, vector<1x1x1400xf32>
    %get3A_2719 = vector.shape_cast %get3A_2718 : vector<1x1x1400xf32> to vector<1400xf32>
    %reshape3A_2720 = vector.shape_cast %get3A_2719 : vector<1400xf32> to vector<1x1400xf32>
    %ne3A_2721 = arith.cmpf one, %reshape3A_2720, %reshape3A_2720 : vector<1x1400xf32>
    %jit3A_2722 = arith.constant 0.000000e+00 : f32
    %broadcast_in_dim3A_2723 = vector.broadcast %jit3A_2722 : f32 to vector<1x1400xf32>
    %select_n3A_2724 = arith.select %ne3A_2721, %broadcast_in_dim3A_2723, %reshape3A_2720 : vector<1x1400xi1>, vector<1x1400xf32>
    %eq3A_2725 = arith.constant 0x7F800000 : f32
    %eq3A_2726 = vector.broadcast %eq3A_2725 : f32 to vector<1x1400xf32>
    %eq3A_2727 = arith.cmpf oeq, %select_n3A_2724, %eq3A_2726 : vector<1x1400xf32>
    %jit3A_2728 = arith.constant 3.40282347E+38 : f32
    %broadcast_in_dim3A_2729 = vector.broadcast %jit3A_2728 : f32 to vector<1x1400xf32>
    %select_n3A_2730 = arith.select %eq3A_2727, %broadcast_in_dim3A_2729, %select_n3A_2724 : vector<1x1400xi1>, vector<1x1400xf32>
    %eq3A_2731 = arith.constant 0xFF800000 : f32
    %eq3A_2732 = vector.broadcast %eq3A_2731 : f32 to vector<1x1400xf32>
    %eq3A_2733 = arith.cmpf oeq, %select_n3A_2730, %eq3A_2732 : vector<1x1400xf32>
    %jit3A_2734 = arith.constant -3.40282347E+38 : f32
    %broadcast_in_dim3A_2735 = vector.broadcast %jit3A_2734 : f32 to vector<1x1400xf32>
    %select_n3A_2736 = arith.select %eq3A_2733, %broadcast_in_dim3A_2735, %select_n3A_2730 : vector<1x1400xi1>, vector<1x1400xf32>
    %broadcast_in_dim3A_2737 = vector.shape_cast %select_n3A_2736 : vector<1x1400xf32> to vector<1x1400xf32>
    %broadcast_in_dim3A_2738 = vector.broadcast %broadcast_in_dim3A_2737 : vector<1x1400xf32> to vector<32x1400xf32>
    %get3A_2739 = arith.constant 11 : index
    %get3A_2740 = arith.constant 0 : index
    %get3A_2741 = vector.load %arg6[%get3A_2739, %get3A_2740] : memref<34x8xf32, #tpu.memory_space<vmem>>, vector<1x8xf32>
    %get3A_2742 = vector.shape_cast %get3A_2741 : vector<1x8xf32> to vector<8xf32>
    %reshape3A_2743 = vector.shape_cast %get3A_2742 : vector<8xf32> to vector<1x8xf32>
    %broadcast_in_dim3A_2744 = vector.shape_cast %reshape3A_2743 : vector<1x8xf32> to vector<1x8xf32>
    %broadcast_in_dim3A_2745 = vector.broadcast %broadcast_in_dim3A_2744 : vector<1x8xf32> to vector<32x8xf32>
    %concatenate3A_2746 = tpu.concatenate %broadcast_in_dim3A_2745, %broadcast_in_dim3A_2738 in 1 : vector<32x8xf32>, vector<32x1400xf32> -> vector<32x1408xf32>
    %swap3A_2747 = arith.constant 11 : index
    %swap3A_2748 = arith.constant 32 : index
    %swap3A_2749 = arith.constant 0 : index
    %swap3A_2750 = vector.load %arg7[%swap3A_2747, %swap3A_2748, %swap3A_2749] : memref<34x64x1408xf32, #tpu.memory_space<vmem>>, vector<1x32x1408xf32>
    %swap3A_2751 = vector.shape_cast %swap3A_2750 : vector<1x32x1408xf32> to vector<32x1408xf32>
    %swap3A_2752 = vector.shape_cast %concatenate3A_2746 : vector<32x1408xf32> to vector<1x32x1408xf32>
    tpu.vector_store %arg7[%swap3A_2747, %swap3A_2748, %swap3A_2749], %swap3A_2752 {strides = array<i32>} : memref<34x64x1408xf32, #tpu.memory_space<vmem>>, vector<1x32x1408xf32>,
    %get3A_2753 = arith.constant 1 : index
    %get3A_2754 = arith.constant 4 : index
    %get3A_2755 = arith.constant 0 : index
    %get3A_2756 = vector.load %arg2[%get3A_2753, %get3A_2754, %get3A_2755] : memref<2x8x1400xf32, #tpu.memory_space<vmem>>, vector<1x1x1400xf32>
    %get3A_2757 = vector.shape_cast %get3A_2756 : vector<1x1x1400xf32> to vector<1400xf32>
    %reshape3A_2758 = vector.shape_cast %get3A_2757 : vector<1400xf32> to vector<1x1400xf32>
    %ne3A_2759 = arith.cmpf one, %reshape3A_2758, %reshape3A_2758 : vector<1x1400xf32>
    %jit3A_2760 = arith.constant 0.000000e+00 : f32
    %broadcast_in_dim3A_2761 = vector.broadcast %jit3A_2760 : f32 to vector<1x1400xf32>
    %select_n3A_2762 = arith.select %ne3A_2759, %broadcast_in_dim3A_2761, %reshape3A_2758 : vector<1x1400xi1>, vector<1x1400xf32>
    %eq3A_2763 = arith.constant 0x7F800000 : f32
    %eq3A_2764 = vector.broadcast %eq3A_2763 : f32 to vector<1x1400xf32>
    %eq3A_2765 = arith.cmpf oeq, %select_n3A_2762, %eq3A_2764 : vector<1x1400xf32>
    %jit3A_2766 = arith.constant 3.40282347E+38 : f32
    %broadcast_in_dim3A_2767 = vector.broadcast %jit3A_2766 : f32 to vector<1x1400xf32>
    %select_n3A_2768 = arith.select %eq3A_2765, %broadcast_in_dim3A_2767, %select_n3A_2762 : vector<1x1400xi1>, vector<1x1400xf32>
    %eq3A_2769 = arith.constant 0xFF800000 : f32
    %eq3A_2770 = vector.broadcast %eq3A_2769 : f32 to vector<1x1400xf32>
    %eq3A_2771 = arith.cmpf oeq, %select_n3A_2768, %eq3A_2770 : vector<1x1400xf32>
    %jit3A_2772 = arith.constant -3.40282347E+38 : f32
    %broadcast_in_dim3A_2773 = vector.broadcast %jit3A_2772 : f32 to vector<1x1400xf32>
    %select_n3A_2774 = arith.select %eq3A_2771, %broadcast_in_dim3A_2773, %select_n3A_2768 : vector<1x1400xi1>, vector<1x1400xf32>
    %broadcast_in_dim3A_2775 = vector.shape_cast %select_n3A_2774 : vector<1x1400xf32> to vector<1x1400xf32>
    %broadcast_in_dim3A_2776 = vector.broadcast %broadcast_in_dim3A_2775 : vector<1x1400xf32> to vector<32x1400xf32>
    %get3A_2777 = arith.constant 12 : index
    %get3A_2778 = arith.constant 0 : index
    %get3A_2779 = vector.load %arg6[%get3A_2777, %get3A_2778] : memref<34x8xf32, #tpu.memory_space<vmem>>, vector<1x8xf32>
    %get3A_2780 = vector.shape_cast %get3A_2779 : vector<1x8xf32> to vector<8xf32>
    %reshape3A_2781 = vector.shape_cast %get3A_2780 : vector<8xf32> to vector<1x8xf32>
    %broadcast_in_dim3A_2782 = vector.shape_cast %reshape3A_2781 : vector<1x8xf32> to vector<1x8xf32>
    %broadcast_in_dim3A_2783 = vector.broadcast %broadcast_in_dim3A_2782 : vector<1x8xf32> to vector<32x8xf32>
    %concatenate3A_2784 = tpu.concatenate %broadcast_in_dim3A_2783, %broadcast_in_dim3A_2776 in 1 : vector<32x8xf32>, vector<32x1400xf32> -> vector<32x1408xf32>
    %swap3A_2785 = arith.constant 12 : index
    %swap3A_2786 = arith.constant 32 : index
    %swap3A_2787 = arith.constant 0 : index
    %swap3A_2788 = vector.load %arg7[%swap3A_2785, %swap3A_2786, %swap3A_2787] : memref<34x64x1408xf32, #tpu.memory_space<vmem>>, vector<1x32x1408xf32>
    %swap3A_2789 = vector.shape_cast %swap3A_2788 : vector<1x32x1408xf32> to vector<32x1408xf32>
    %swap3A_2790 = vector.shape_cast %concatenate3A_2784 : vector<32x1408xf32> to vector<1x32x1408xf32>
    tpu.vector_store %arg7[%swap3A_2785, %swap3A_2786, %swap3A_2787], %swap3A_2790 {strides = array<i32>} : memref<34x64x1408xf32, #tpu.memory_space<vmem>>, vector<1x32x1408xf32>,
    %get3A_2791 = arith.constant 1 : index
    %get3A_2792 = arith.constant 5 : index
    %get3A_2793 = arith.constant 0 : index
    %get3A_2794 = vector.load %arg2[%get3A_2791, %get3A_2792, %get3A_2793] : memref<2x8x1400xf32, #tpu.memory_space<vmem>>, vector<1x1x1400xf32>
    %get3A_2795 = vector.shape_cast %get3A_2794 : vector<1x1x1400xf32> to vector<1400xf32>
    %reshape3A_2796 = vector.shape_cast %get3A_2795 : vector<1400xf32> to vector<1x1400xf32>
    %ne3A_2797 = arith.cmpf one, %reshape3A_2796, %reshape3A_2796 : vector<1x1400xf32>
    %jit3A_2798 = arith.constant 0.000000e+00 : f32
    %broadcast_in_dim3A_2799 = vector.broadcast %jit3A_2798 : f32 to vector<1x1400xf32>
    %select_n3A_2800 = arith.select %ne3A_2797, %broadcast_in_dim3A_2799, %reshape3A_2796 : vector<1x1400xi1>, vector<1x1400xf32>
    %eq3A_2801 = arith.constant 0x7F800000 : f32
    %eq3A_2802 = vector.broadcast %eq3A_2801 : f32 to vector<1x1400xf32>
    %eq3A_2803 = arith.cmpf oeq, %select_n3A_2800, %eq3A_2802 : vector<1x1400xf32>
    %jit3A_2804 = arith.constant 3.40282347E+38 : f32
    %broadcast_in_dim3A_2805 = vector.broadcast %jit3A_2804 : f32 to vector<1x1400xf32>
    %select_n3A_2806 = arith.select %eq3A_2803, %broadcast_in_dim3A_2805, %select_n3A_2800 : vector<1x1400xi1>, vector<1x1400xf32>
    %eq3A_2807 = arith.constant 0xFF800000 : f32
    %eq3A_2808 = vector.broadcast %eq3A_2807 : f32 to vector<1x1400xf32>
    %eq3A_2809 = arith.cmpf oeq, %select_n3A_2806, %eq3A_2808 : vector<1x1400xf32>
    %jit3A_2810 = arith.constant -3.40282347E+38 : f32
    %broadcast_in_dim3A_2811 = vector.broadcast %jit3A_2810 : f32 to vector<1x1400xf32>
    %select_n3A_2812 = arith.select %eq3A_2809, %broadcast_in_dim3A_2811, %select_n3A_2806 : vector<1x1400xi1>, vector<1x1400xf32>
    %broadcast_in_dim3A_2813 = vector.shape_cast %select_n3A_2812 : vector<1x1400xf32> to vector<1x1400xf32>
    %broadcast_in_dim3A_2814 = vector.broadcast %broadcast_in_dim3A_2813 : vector<1x1400xf32> to vector<32x1400xf32>
    %get3A_2815 = arith.constant 13 : index
    %get3A_2816 = arith.constant 0 : index
    %get3A_2817 = vector.load %arg6[%get3A_2815, %get3A_2816] : memref<34x8xf32, #tpu.memory_space<vmem>>, vector<1x8xf32>
    %get3A_2818 = vector.shape_cast %get3A_2817 : vector<1x8xf32> to vector<8xf32>
    %reshape3A_2819 = vector.shape_cast %get3A_2818 : vector<8xf32> to vector<1x8xf32>
    %broadcast_in_dim3A_2820 = vector.shape_cast %reshape3A_2819 : vector<1x8xf32> to vector<1x8xf32>
    %broadcast_in_dim3A_2821 = vector.broadcast %broadcast_in_dim3A_2820 : vector<1x8xf32> to vector<32x8xf32>
    %concatenate3A_2822 = tpu.concatenate %broadcast_in_dim3A_2821, %broadcast_in_dim3A_2814 in 1 : vector<32x8xf32>, vector<32x1400xf32> -> vector<32x1408xf32>
    %swap3A_2823 = arith.constant 13 : index
    %swap3A_2824 = arith.constant 32 : index
    %swap3A_2825 = arith.constant 0 : index
    %swap3A_2826 = vector.load %arg7[%swap3A_2823, %swap3A_2824, %swap3A_2825] : memref<34x64x1408xf32, #tpu.memory_space<vmem>>, vector<1x32x1408xf32>
    %swap3A_2827 = vector.shape_cast %swap3A_2826 : vector<1x32x1408xf32> to vector<32x1408xf32>
    %swap3A_2828 = vector.shape_cast %concatenate3A_2822 : vector<32x1408xf32> to vector<1x32x1408xf32>
    tpu.vector_store %arg7[%swap3A_2823, %swap3A_2824, %swap3A_2825], %swap3A_2828 {strides = array<i32>} : memref<34x64x1408xf32, #tpu.memory_space<vmem>>, vector<1x32x1408xf32>,
    %get3A_2829 = arith.constant 1 : index
    %get3A_2830 = arith.constant 6 : index
    %get3A_2831 = arith.constant 0 : index
    %get3A_2832 = vector.load %arg2[%get3A_2829, %get3A_2830, %get3A_2831] : memref<2x8x1400xf32, #tpu.memory_space<vmem>>, vector<1x1x1400xf32>
    %get3A_2833 = vector.shape_cast %get3A_2832 : vector<1x1x1400xf32> to vector<1400xf32>
    %reshape3A_2834 = vector.shape_cast %get3A_2833 : vector<1400xf32> to vector<1x1400xf32>
    %ne3A_2835 = arith.cmpf one, %reshape3A_2834, %reshape3A_2834 : vector<1x1400xf32>
    %jit3A_2836 = arith.constant 0.000000e+00 : f32
    %broadcast_in_dim3A_2837 = vector.broadcast %jit3A_2836 : f32 to vector<1x1400xf32>
    %select_n3A_2838 = arith.select %ne3A_2835, %broadcast_in_dim3A_2837, %reshape3A_2834 : vector<1x1400xi1>, vector<1x1400xf32>
    %eq3A_2839 = arith.constant 0x7F800000 : f32
    %eq3A_2840 = vector.broadcast %eq3A_2839 : f32 to vector<1x1400xf32>
    %eq3A_2841 = arith.cmpf oeq, %select_n3A_2838, %eq3A_2840 : vector<1x1400xf32>
    %jit3A_2842 = arith.constant 3.40282347E+38 : f32
    %broadcast_in_dim3A_2843 = vector.broadcast %jit3A_2842 : f32 to vector<1x1400xf32>
    %select_n3A_2844 = arith.select %eq3A_2841, %broadcast_in_dim3A_2843, %select_n3A_2838 : vector<1x1400xi1>, vector<1x1400xf32>
    %eq3A_2845 = arith.constant 0xFF800000 : f32
    %eq3A_2846 = vector.broadcast %eq3A_2845 : f32 to vector<1x1400xf32>
    %eq3A_2847 = arith.cmpf oeq, %select_n3A_2844, %eq3A_2846 : vector<1x1400xf32>
    %jit3A_2848 = arith.constant -3.40282347E+38 : f32
    %broadcast_in_dim3A_2849 = vector.broadcast %jit3A_2848 : f32 to vector<1x1400xf32>
    %select_n3A_2850 = arith.select %eq3A_2847, %broadcast_in_dim3A_2849, %select_n3A_2844 : vector<1x1400xi1>, vector<1x1400xf32>
    %broadcast_in_dim3A_2851 = vector.shape_cast %select_n3A_2850 : vector<1x1400xf32> to vector<1x1400xf32>
    %broadcast_in_dim3A_2852 = vector.broadcast %broadcast_in_dim3A_2851 : vector<1x1400xf32> to vector<32x1400xf32>
    %get3A_2853 = arith.constant 14 : index
    %get3A_2854 = arith.constant 0 : index
    %get3A_2855 = vector.load %arg6[%get3A_2853, %get3A_2854] : memref<34x8xf32, #tpu.memory_space<vmem>>, vector<1x8xf32>
    %get3A_2856 = vector.shape_cast %get3A_2855 : vector<1x8xf32> to vector<8xf32>
    %reshape3A_2857 = vector.shape_cast %get3A_2856 : vector<8xf32> to vector<1x8xf32>
    %broadcast_in_dim3A_2858 = vector.shape_cast %reshape3A_2857 : vector<1x8xf32> to vector<1x8xf32>
    %broadcast_in_dim3A_2859 = vector.broadcast %broadcast_in_dim3A_2858 : vector<1x8xf32> to vector<32x8xf32>
    %concatenate3A_2860 = tpu.concatenate %broadcast_in_dim3A_2859, %broadcast_in_dim3A_2852 in 1 : vector<32x8xf32>, vector<32x1400xf32> -> vector<32x1408xf32>
    %swap3A_2861 = arith.constant 14 : index
    %swap3A_2862 = arith.constant 32 : index
    %swap3A_2863 = arith.constant 0 : index
    %swap3A_2864 = vector.load %arg7[%swap3A_2861, %swap3A_2862, %swap3A_2863] : memref<34x64x1408xf32, #tpu.memory_space<vmem>>, vector<1x32x1408xf32>
    %swap3A_2865 = vector.shape_cast %swap3A_2864 : vector<1x32x1408xf32> to vector<32x1408xf32>
    %swap3A_2866 = vector.shape_cast %concatenate3A_2860 : vector<32x1408xf32> to vector<1x32x1408xf32>
    tpu.vector_store %arg7[%swap3A_2861, %swap3A_2862, %swap3A_2863], %swap3A_2866 {strides = array<i32>} : memref<34x64x1408xf32, #tpu.memory_space<vmem>>, vector<1x32x1408xf32>,
    %get3A_2867 = arith.constant 1 : index
    %get3A_2868 = arith.constant 7 : index
    %get3A_2869 = arith.constant 0 : index
    %get3A_2870 = vector.load %arg2[%get3A_2867, %get3A_2868, %get3A_2869] : memref<2x8x1400xf32, #tpu.memory_space<vmem>>, vector<1x1x1400xf32>
    %get3A_2871 = vector.shape_cast %get3A_2870 : vector<1x1x1400xf32> to vector<1400xf32>
    %reshape3A_2872 = vector.shape_cast %get3A_2871 : vector<1400xf32> to vector<1x1400xf32>
    %ne3A_2873 = arith.cmpf one, %reshape3A_2872, %reshape3A_2872 : vector<1x1400xf32>
    %jit3A_2874 = arith.constant 0.000000e+00 : f32
    %broadcast_in_dim3A_2875 = vector.broadcast %jit3A_2874 : f32 to vector<1x1400xf32>
    %select_n3A_2876 = arith.select %ne3A_2873, %broadcast_in_dim3A_2875, %reshape3A_2872 : vector<1x1400xi1>, vector<1x1400xf32>
    %eq3A_2877 = arith.constant 0x7F800000 : f32
    %eq3A_2878 = vector.broadcast %eq3A_2877 : f32 to vector<1x1400xf32>
    %eq3A_2879 = arith.cmpf oeq, %select_n3A_2876, %eq3A_2878 : vector<1x1400xf32>
    %jit3A_2880 = arith.constant 3.40282347E+38 : f32
    %broadcast_in_dim3A_2881 = vector.broadcast %jit3A_2880 : f32 to vector<1x1400xf32>
    %select_n3A_2882 = arith.select %eq3A_2879, %broadcast_in_dim3A_2881, %select_n3A_2876 : vector<1x1400xi1>, vector<1x1400xf32>
    %eq3A_2883 = arith.constant 0xFF800000 : f32
    %eq3A_2884 = vector.broadcast %eq3A_2883 : f32 to vector<1x1400xf32>
    %eq3A_2885 = arith.cmpf oeq, %select_n3A_2882, %eq3A_2884 : vector<1x1400xf32>
    %jit3A_2886 = arith.constant -3.40282347E+38 : f32
    %broadcast_in_dim3A_2887 = vector.broadcast %jit3A_2886 : f32 to vector<1x1400xf32>
    %select_n3A_2888 = arith.select %eq3A_2885, %broadcast_in_dim3A_2887, %select_n3A_2882 : vector<1x1400xi1>, vector<1x1400xf32>
    %broadcast_in_dim3A_2889 = vector.shape_cast %select_n3A_2888 : vector<1x1400xf32> to vector<1x1400xf32>
    %broadcast_in_dim3A_2890 = vector.broadcast %broadcast_in_dim3A_2889 : vector<1x1400xf32> to vector<32x1400xf32>
    %get3A_2891 = arith.constant 15 : index
    %get3A_2892 = arith.constant 0 : index
    %get3A_2893 = vector.load %arg6[%get3A_2891, %get3A_2892] : memref<34x8xf32, #tpu.memory_space<vmem>>, vector<1x8xf32>
    %get3A_2894 = vector.shape_cast %get3A_2893 : vector<1x8xf32> to vector<8xf32>
    %reshape3A_2895 = vector.shape_cast %get3A_2894 : vector<8xf32> to vector<1x8xf32>
    %broadcast_in_dim3A_2896 = vector.shape_cast %reshape3A_2895 : vector<1x8xf32> to vector<1x8xf32>
    %broadcast_in_dim3A_2897 = vector.broadcast %broadcast_in_dim3A_2896 : vector<1x8xf32> to vector<32x8xf32>
    %concatenate3A_2898 = tpu.concatenate %broadcast_in_dim3A_2897, %broadcast_in_dim3A_2890 in 1 : vector<32x8xf32>, vector<32x1400xf32> -> vector<32x1408xf32>
    %swap3A_2899 = arith.constant 15 : index
    %swap3A_2900 = arith.constant 32 : index
    %swap3A_2901 = arith.constant 0 : index
    %swap3A_2902 = vector.load %arg7[%swap3A_2899, %swap3A_2900, %swap3A_2901] : memref<34x64x1408xf32, #tpu.memory_space<vmem>>, vector<1x32x1408xf32>
    %swap3A_2903 = vector.shape_cast %swap3A_2902 : vector<1x32x1408xf32> to vector<32x1408xf32>
    %swap3A_2904 = vector.shape_cast %concatenate3A_2898 : vector<32x1408xf32> to vector<1x32x1408xf32>
    tpu.vector_store %arg7[%swap3A_2899, %swap3A_2900, %swap3A_2901], %swap3A_2904 {strides = array<i32>} : memref<34x64x1408xf32, #tpu.memory_space<vmem>>, vector<1x32x1408xf32>,
    %slice3A_2905 = vector.extract_strided_slice %transpose3A_1748 {offsets = [0, 0], sizes = [1, 1400], strides = [1, 1]} : vector<16x1400xf32> to vector<1x1400xf32>
    %squeeze3A_2906 = vector.shape_cast %slice3A_2905 : vector<1x1400xf32> to vector<1400xf32>
    %reshape3A_2907 = vector.shape_cast %squeeze3A_2906 : vector<1400xf32> to vector<1x1400xf32>
    %ne3A_2908 = arith.cmpf one, %reshape3A_2907, %reshape3A_2907 : vector<1x1400xf32>
    %jit3A_2909 = arith.constant 0.000000e+00 : f32
    %broadcast_in_dim3A_2910 = vector.broadcast %jit3A_2909 : f32 to vector<1x1400xf32>
    %select_n3A_2911 = arith.select %ne3A_2908, %broadcast_in_dim3A_2910, %reshape3A_2907 : vector<1x1400xi1>, vector<1x1400xf32>
    %eq3A_2912 = arith.constant 0x7F800000 : f32
    %eq3A_2913 = vector.broadcast %eq3A_2912 : f32 to vector<1x1400xf32>
    %eq3A_2914 = arith.cmpf oeq, %select_n3A_2911, %eq3A_2913 : vector<1x1400xf32>
    %jit3A_2915 = arith.constant 3.40282347E+38 : f32
    %broadcast_in_dim3A_2916 = vector.broadcast %jit3A_2915 : f32 to vector<1x1400xf32>
    %select_n3A_2917 = arith.select %eq3A_2914, %broadcast_in_dim3A_2916, %select_n3A_2911 : vector<1x1400xi1>, vector<1x1400xf32>
    %eq3A_2918 = arith.constant 0xFF800000 : f32
    %eq3A_2919 = vector.broadcast %eq3A_2918 : f32 to vector<1x1400xf32>
    %eq3A_2920 = arith.cmpf oeq, %select_n3A_2917, %eq3A_2919 : vector<1x1400xf32>
    %jit3A_2921 = arith.constant -3.40282347E+38 : f32
    %broadcast_in_dim3A_2922 = vector.broadcast %jit3A_2921 : f32 to vector<1x1400xf32>
    %select_n3A_2923 = arith.select %eq3A_2920, %broadcast_in_dim3A_2922, %select_n3A_2917 : vector<1x1400xi1>, vector<1x1400xf32>
    %broadcast_in_dim3A_2924 = vector.shape_cast %select_n3A_2923 : vector<1x1400xf32> to vector<1x1400xf32>
    %broadcast_in_dim3A_2925 = vector.broadcast %broadcast_in_dim3A_2924 : vector<1x1400xf32> to vector<32x1400xf32>
    %get3A_2926 = arith.constant 16 : index
    %get3A_2927 = arith.constant 0 : index
    %get3A_2928 = vector.load %arg6[%get3A_2926, %get3A_2927] : memref<34x8xf32, #tpu.memory_space<vmem>>, vector<1x8xf32>
    %get3A_2929 = vector.shape_cast %get3A_2928 : vector<1x8xf32> to vector<8xf32>
    %reshape3A_2930 = vector.shape_cast %get3A_2929 : vector<8xf32> to vector<1x8xf32>
    %broadcast_in_dim3A_2931 = vector.shape_cast %reshape3A_2930 : vector<1x8xf32> to vector<1x8xf32>
    %broadcast_in_dim3A_2932 = vector.broadcast %broadcast_in_dim3A_2931 : vector<1x8xf32> to vector<32x8xf32>
    %concatenate3A_2933 = tpu.concatenate %broadcast_in_dim3A_2932, %broadcast_in_dim3A_2925 in 1 : vector<32x8xf32>, vector<32x1400xf32> -> vector<32x1408xf32>
    %swap3A_2934 = arith.constant 16 : index
    %swap3A_2935 = arith.constant 32 : index
    %swap3A_2936 = arith.constant 0 : index
    %swap3A_2937 = vector.load %arg7[%swap3A_2934, %swap3A_2935, %swap3A_2936] : memref<34x64x1408xf32, #tpu.memory_space<vmem>>, vector<1x32x1408xf32>
    %swap3A_2938 = vector.shape_cast %swap3A_2937 : vector<1x32x1408xf32> to vector<32x1408xf32>
    %swap3A_2939 = vector.shape_cast %concatenate3A_2933 : vector<32x1408xf32> to vector<1x32x1408xf32>
    tpu.vector_store %arg7[%swap3A_2934, %swap3A_2935, %swap3A_2936], %swap3A_2939 {strides = array<i32>} : memref<34x64x1408xf32, #tpu.memory_space<vmem>>, vector<1x32x1408xf32>,
    %slice3A_2940 = vector.extract_strided_slice %transpose3A_1748 {offsets = [1, 0], sizes = [1, 1400], strides = [1, 1]} : vector<16x1400xf32> to vector<1x1400xf32>
    %squeeze3A_2941 = vector.shape_cast %slice3A_2940 : vector<1x1400xf32> to vector<1400xf32>
    %reshape3A_2942 = vector.shape_cast %squeeze3A_2941 : vector<1400xf32> to vector<1x1400xf32>
    %ne3A_2943 = arith.cmpf one, %reshape3A_2942, %reshape3A_2942 : vector<1x1400xf32>
    %jit3A_2944 = arith.constant 0.000000e+00 : f32
    %broadcast_in_dim3A_2945 = vector.broadcast %jit3A_2944 : f32 to vector<1x1400xf32>
    %select_n3A_2946 = arith.select %ne3A_2943, %broadcast_in_dim3A_2945, %reshape3A_2942 : vector<1x1400xi1>, vector<1x1400xf32>
    %eq3A_2947 = arith.constant 0x7F800000 : f32
    %eq3A_2948 = vector.broadcast %eq3A_2947 : f32 to vector<1x1400xf32>
    %eq3A_2949 = arith.cmpf oeq, %select_n3A_2946, %eq3A_2948 : vector<1x1400xf32>
    %jit3A_2950 = arith.constant 3.40282347E+38 : f32
    %broadcast_in_dim3A_2951 = vector.broadcast %jit3A_2950 : f32 to vector<1x1400xf32>
    %select_n3A_2952 = arith.select %eq3A_2949, %broadcast_in_dim3A_2951, %select_n3A_2946 : vector<1x1400xi1>, vector<1x1400xf32>
    %eq3A_2953 = arith.constant 0xFF800000 : f32
    %eq3A_2954 = vector.broadcast %eq3A_2953 : f32 to vector<1x1400xf32>
    %eq3A_2955 = arith.cmpf oeq, %select_n3A_2952, %eq3A_2954 : vector<1x1400xf32>
    %jit3A_2956 = arith.constant -3.40282347E+38 : f32
    %broadcast_in_dim3A_2957 = vector.broadcast %jit3A_2956 : f32 to vector<1x1400xf32>
    %select_n3A_2958 = arith.select %eq3A_2955, %broadcast_in_dim3A_2957, %select_n3A_2952 : vector<1x1400xi1>, vector<1x1400xf32>
    %broadcast_in_dim3A_2959 = vector.shape_cast %select_n3A_2958 : vector<1x1400xf32> to vector<1x1400xf32>
    %broadcast_in_dim3A_2960 = vector.broadcast %broadcast_in_dim3A_2959 : vector<1x1400xf32> to vector<32x1400xf32>
    %get3A_2961 = arith.constant 17 : index
    %get3A_2962 = arith.constant 0 : index
    %get3A_2963 = vector.load %arg6[%get3A_2961, %get3A_2962] : memref<34x8xf32, #tpu.memory_space<vmem>>, vector<1x8xf32>
    %get3A_2964 = vector.shape_cast %get3A_2963 : vector<1x8xf32> to vector<8xf32>
    %reshape3A_2965 = vector.shape_cast %get3A_2964 : vector<8xf32> to vector<1x8xf32>
    %broadcast_in_dim3A_2966 = vector.shape_cast %reshape3A_2965 : vector<1x8xf32> to vector<1x8xf32>
    %broadcast_in_dim3A_2967 = vector.broadcast %broadcast_in_dim3A_2966 : vector<1x8xf32> to vector<32x8xf32>
    %concatenate3A_2968 = tpu.concatenate %broadcast_in_dim3A_2967, %broadcast_in_dim3A_2960 in 1 : vector<32x8xf32>, vector<32x1400xf32> -> vector<32x1408xf32>
    %swap3A_2969 = arith.constant 17 : index
    %swap3A_2970 = arith.constant 32 : index
    %swap3A_2971 = arith.constant 0 : index
    %swap3A_2972 = vector.load %arg7[%swap3A_2969, %swap3A_2970, %swap3A_2971] : memref<34x64x1408xf32, #tpu.memory_space<vmem>>, vector<1x32x1408xf32>
    %swap3A_2973 = vector.shape_cast %swap3A_2972 : vector<1x32x1408xf32> to vector<32x1408xf32>
    %swap3A_2974 = vector.shape_cast %concatenate3A_2968 : vector<32x1408xf32> to vector<1x32x1408xf32>
    tpu.vector_store %arg7[%swap3A_2969, %swap3A_2970, %swap3A_2971], %swap3A_2974 {strides = array<i32>} : memref<34x64x1408xf32, #tpu.memory_space<vmem>>, vector<1x32x1408xf32>,
    %slice3A_2975 = vector.extract_strided_slice %transpose3A_1748 {offsets = [2, 0], sizes = [1, 1400], strides = [1, 1]} : vector<16x1400xf32> to vector<1x1400xf32>
    %squeeze3A_2976 = vector.shape_cast %slice3A_2975 : vector<1x1400xf32> to vector<1400xf32>
    %reshape3A_2977 = vector.shape_cast %squeeze3A_2976 : vector<1400xf32> to vector<1x1400xf32>
    %ne3A_2978 = arith.cmpf one, %reshape3A_2977, %reshape3A_2977 : vector<1x1400xf32>
    %jit3A_2979 = arith.constant 0.000000e+00 : f32
    %broadcast_in_dim3A_2980 = vector.broadcast %jit3A_2979 : f32 to vector<1x1400xf32>
    %select_n3A_2981 = arith.select %ne3A_2978, %broadcast_in_dim3A_2980, %reshape3A_2977 : vector<1x1400xi1>, vector<1x1400xf32>
    %eq3A_2982 = arith.constant 0x7F800000 : f32
    %eq3A_2983 = vector.broadcast %eq3A_2982 : f32 to vector<1x1400xf32>
    %eq3A_2984 = arith.cmpf oeq, %select_n3A_2981, %eq3A_2983 : vector<1x1400xf32>
    %jit3A_2985 = arith.constant 3.40282347E+38 : f32
    %broadcast_in_dim3A_2986 = vector.broadcast %jit3A_2985 : f32 to vector<1x1400xf32>
    %select_n3A_2987 = arith.select %eq3A_2984, %broadcast_in_dim3A_2986, %select_n3A_2981 : vector<1x1400xi1>, vector<1x1400xf32>
    %eq3A_2988 = arith.constant 0xFF800000 : f32
    %eq3A_2989 = vector.broadcast %eq3A_2988 : f32 to vector<1x1400xf32>
    %eq3A_2990 = arith.cmpf oeq, %select_n3A_2987, %eq3A_2989 : vector<1x1400xf32>
    %jit3A_2991 = arith.constant -3.40282347E+38 : f32
    %broadcast_in_dim3A_2992 = vector.broadcast %jit3A_2991 : f32 to vector<1x1400xf32>
    %select_n3A_2993 = arith.select %eq3A_2990, %broadcast_in_dim3A_2992, %select_n3A_2987 : vector<1x1400xi1>, vector<1x1400xf32>
    %broadcast_in_dim3A_2994 = vector.shape_cast %select_n3A_2993 : vector<1x1400xf32> to vector<1x1400xf32>
    %broadcast_in_dim3A_2995 = vector.broadcast %broadcast_in_dim3A_2994 : vector<1x1400xf32> to vector<32x1400xf32>
    %get3A_2996 = arith.constant 18 : index
    %get3A_2997 = arith.constant 0 : index
    %get3A_2998 = vector.load %arg6[%get3A_2996, %get3A_2997] : memref<34x8xf32, #tpu.memory_space<vmem>>, vector<1x8xf32>
    %get3A_2999 = vector.shape_cast %get3A_2998 : vector<1x8xf32> to vector<8xf32>
    %reshape3A_3000 = vector.shape_cast %get3A_2999 : vector<8xf32> to vector<1x8xf32>
    %broadcast_in_dim3A_3001 = vector.shape_cast %reshape3A_3000 : vector<1x8xf32> to vector<1x8xf32>
    %broadcast_in_dim3A_3002 = vector.broadcast %broadcast_in_dim3A_3001 : vector<1x8xf32> to vector<32x8xf32>
    %concatenate3A_3003 = tpu.concatenate %broadcast_in_dim3A_3002, %broadcast_in_dim3A_2995 in 1 : vector<32x8xf32>, vector<32x1400xf32> -> vector<32x1408xf32>
    %swap3A_3004 = arith.constant 18 : index
    %swap3A_3005 = arith.constant 32 : index
    %swap3A_3006 = arith.constant 0 : index
    %swap3A_3007 = vector.load %arg7[%swap3A_3004, %swap3A_3005, %swap3A_3006] : memref<34x64x1408xf32, #tpu.memory_space<vmem>>, vector<1x32x1408xf32>
    %swap3A_3008 = vector.shape_cast %swap3A_3007 : vector<1x32x1408xf32> to vector<32x1408xf32>
    %swap3A_3009 = vector.shape_cast %concatenate3A_3003 : vector<32x1408xf32> to vector<1x32x1408xf32>
    tpu.vector_store %arg7[%swap3A_3004, %swap3A_3005, %swap3A_3006], %swap3A_3009 {strides = array<i32>} : memref<34x64x1408xf32, #tpu.memory_space<vmem>>, vector<1x32x1408xf32>,
    %slice3A_3010 = vector.extract_strided_slice %transpose3A_1748 {offsets = [3, 0], sizes = [1, 1400], strides = [1, 1]} : vector<16x1400xf32> to vector<1x1400xf32>
    %squeeze3A_3011 = vector.shape_cast %slice3A_3010 : vector<1x1400xf32> to vector<1400xf32>
    %reshape3A_3012 = vector.shape_cast %squeeze3A_3011 : vector<1400xf32> to vector<1x1400xf32>
    %ne3A_3013 = arith.cmpf one, %reshape3A_3012, %reshape3A_3012 : vector<1x1400xf32>
    %jit3A_3014 = arith.constant 0.000000e+00 : f32
    %broadcast_in_dim3A_3015 = vector.broadcast %jit3A_3014 : f32 to vector<1x1400xf32>
    %select_n3A_3016 = arith.select %ne3A_3013, %broadcast_in_dim3A_3015, %reshape3A_3012 : vector<1x1400xi1>, vector<1x1400xf32>
    %eq3A_3017 = arith.constant 0x7F800000 : f32
    %eq3A_3018 = vector.broadcast %eq3A_3017 : f32 to vector<1x1400xf32>
    %eq3A_3019 = arith.cmpf oeq, %select_n3A_3016, %eq3A_3018 : vector<1x1400xf32>
    %jit3A_3020 = arith.constant 3.40282347E+38 : f32
    %broadcast_in_dim3A_3021 = vector.broadcast %jit3A_3020 : f32 to vector<1x1400xf32>
    %select_n3A_3022 = arith.select %eq3A_3019, %broadcast_in_dim3A_3021, %select_n3A_3016 : vector<1x1400xi1>, vector<1x1400xf32>
    %eq3A_3023 = arith.constant 0xFF800000 : f32
    %eq3A_3024 = vector.broadcast %eq3A_3023 : f32 to vector<1x1400xf32>
    %eq3A_3025 = arith.cmpf oeq, %select_n3A_3022, %eq3A_3024 : vector<1x1400xf32>
    %jit3A_3026 = arith.constant -3.40282347E+38 : f32
    %broadcast_in_dim3A_3027 = vector.broadcast %jit3A_3026 : f32 to vector<1x1400xf32>
    %select_n3A_3028 = arith.select %eq3A_3025, %broadcast_in_dim3A_3027, %select_n3A_3022 : vector<1x1400xi1>, vector<1x1400xf32>
    %broadcast_in_dim3A_3029 = vector.shape_cast %select_n3A_3028 : vector<1x1400xf32> to vector<1x1400xf32>
    %broadcast_in_dim3A_3030 = vector.broadcast %broadcast_in_dim3A_3029 : vector<1x1400xf32> to vector<32x1400xf32>
    %get3A_3031 = arith.constant 19 : index
    %get3A_3032 = arith.constant 0 : index
    %get3A_3033 = vector.load %arg6[%get3A_3031, %get3A_3032] : memref<34x8xf32, #tpu.memory_space<vmem>>, vector<1x8xf32>
    %get3A_3034 = vector.shape_cast %get3A_3033 : vector<1x8xf32> to vector<8xf32>
    %reshape3A_3035 = vector.shape_cast %get3A_3034 : vector<8xf32> to vector<1x8xf32>
    %broadcast_in_dim3A_3036 = vector.shape_cast %reshape3A_3035 : vector<1x8xf32> to vector<1x8xf32>
    %broadcast_in_dim3A_3037 = vector.broadcast %broadcast_in_dim3A_3036 : vector<1x8xf32> to vector<32x8xf32>
    %concatenate3A_3038 = tpu.concatenate %broadcast_in_dim3A_3037, %broadcast_in_dim3A_3030 in 1 : vector<32x8xf32>, vector<32x1400xf32> -> vector<32x1408xf32>
    %swap3A_3039 = arith.constant 19 : index
    %swap3A_3040 = arith.constant 32 : index
    %swap3A_3041 = arith.constant 0 : index
    %swap3A_3042 = vector.load %arg7[%swap3A_3039, %swap3A_3040, %swap3A_3041] : memref<34x64x1408xf32, #tpu.memory_space<vmem>>, vector<1x32x1408xf32>
    %swap3A_3043 = vector.shape_cast %swap3A_3042 : vector<1x32x1408xf32> to vector<32x1408xf32>
    %swap3A_3044 = vector.shape_cast %concatenate3A_3038 : vector<32x1408xf32> to vector<1x32x1408xf32>
    tpu.vector_store %arg7[%swap3A_3039, %swap3A_3040, %swap3A_3041], %swap3A_3044 {strides = array<i32>} : memref<34x64x1408xf32, #tpu.memory_space<vmem>>, vector<1x32x1408xf32>,
    %slice3A_3045 = vector.extract_strided_slice %transpose3A_1748 {offsets = [4, 0], sizes = [1, 1400], strides = [1, 1]} : vector<16x1400xf32> to vector<1x1400xf32>
    %squeeze3A_3046 = vector.shape_cast %slice3A_3045 : vector<1x1400xf32> to vector<1400xf32>
    %reshape3A_3047 = vector.shape_cast %squeeze3A_3046 : vector<1400xf32> to vector<1x1400xf32>
    %ne3A_3048 = arith.cmpf one, %reshape3A_3047, %reshape3A_3047 : vector<1x1400xf32>
    %jit3A_3049 = arith.constant 0.000000e+00 : f32
    %broadcast_in_dim3A_3050 = vector.broadcast %jit3A_3049 : f32 to vector<1x1400xf32>
    %select_n3A_3051 = arith.select %ne3A_3048, %broadcast_in_dim3A_3050, %reshape3A_3047 : vector<1x1400xi1>, vector<1x1400xf32>
    %eq3A_3052 = arith.constant 0x7F800000 : f32
    %eq3A_3053 = vector.broadcast %eq3A_3052 : f32 to vector<1x1400xf32>
    %eq3A_3054 = arith.cmpf oeq, %select_n3A_3051, %eq3A_3053 : vector<1x1400xf32>
    %jit3A_3055 = arith.constant 3.40282347E+38 : f32
    %broadcast_in_dim3A_3056 = vector.broadcast %jit3A_3055 : f32 to vector<1x1400xf32>
    %select_n3A_3057 = arith.select %eq3A_3054, %broadcast_in_dim3A_3056, %select_n3A_3051 : vector<1x1400xi1>, vector<1x1400xf32>
    %eq3A_3058 = arith.constant 0xFF800000 : f32
    %eq3A_3059 = vector.broadcast %eq3A_3058 : f32 to vector<1x1400xf32>
    %eq3A_3060 = arith.cmpf oeq, %select_n3A_3057, %eq3A_3059 : vector<1x1400xf32>
    %jit3A_3061 = arith.constant -3.40282347E+38 : f32
    %broadcast_in_dim3A_3062 = vector.broadcast %jit3A_3061 : f32 to vector<1x1400xf32>
    %select_n3A_3063 = arith.select %eq3A_3060, %broadcast_in_dim3A_3062, %select_n3A_3057 : vector<1x1400xi1>, vector<1x1400xf32>
    %broadcast_in_dim3A_3064 = vector.shape_cast %select_n3A_3063 : vector<1x1400xf32> to vector<1x1400xf32>
    %broadcast_in_dim3A_3065 = vector.broadcast %broadcast_in_dim3A_3064 : vector<1x1400xf32> to vector<32x1400xf32>
    %get3A_3066 = arith.constant 20 : index
    %get3A_3067 = arith.constant 0 : index
    %get3A_3068 = vector.load %arg6[%get3A_3066, %get3A_3067] : memref<34x8xf32, #tpu.memory_space<vmem>>, vector<1x8xf32>
    %get3A_3069 = vector.shape_cast %get3A_3068 : vector<1x8xf32> to vector<8xf32>
    %reshape3A_3070 = vector.shape_cast %get3A_3069 : vector<8xf32> to vector<1x8xf32>
    %broadcast_in_dim3A_3071 = vector.shape_cast %reshape3A_3070 : vector<1x8xf32> to vector<1x8xf32>
    %broadcast_in_dim3A_3072 = vector.broadcast %broadcast_in_dim3A_3071 : vector<1x8xf32> to vector<32x8xf32>
    %concatenate3A_3073 = tpu.concatenate %broadcast_in_dim3A_3072, %broadcast_in_dim3A_3065 in 1 : vector<32x8xf32>, vector<32x1400xf32> -> vector<32x1408xf32>
    %swap3A_3074 = arith.constant 20 : index
    %swap3A_3075 = arith.constant 32 : index
    %swap3A_3076 = arith.constant 0 : index
    %swap3A_3077 = vector.load %arg7[%swap3A_3074, %swap3A_3075, %swap3A_3076] : memref<34x64x1408xf32, #tpu.memory_space<vmem>>, vector<1x32x1408xf32>
    %swap3A_3078 = vector.shape_cast %swap3A_3077 : vector<1x32x1408xf32> to vector<32x1408xf32>
    %swap3A_3079 = vector.shape_cast %concatenate3A_3073 : vector<32x1408xf32> to vector<1x32x1408xf32>
    tpu.vector_store %arg7[%swap3A_3074, %swap3A_3075, %swap3A_3076], %swap3A_3079 {strides = array<i32>} : memref<34x64x1408xf32, #tpu.memory_space<vmem>>, vector<1x32x1408xf32>,
    %slice3A_3080 = vector.extract_strided_slice %transpose3A_1748 {offsets = [5, 0], sizes = [1, 1400], strides = [1, 1]} : vector<16x1400xf32> to vector<1x1400xf32>
    %squeeze3A_3081 = vector.shape_cast %slice3A_3080 : vector<1x1400xf32> to vector<1400xf32>
    %reshape3A_3082 = vector.shape_cast %squeeze3A_3081 : vector<1400xf32> to vector<1x1400xf32>
    %ne3A_3083 = arith.cmpf one, %reshape3A_3082, %reshape3A_3082 : vector<1x1400xf32>
    %jit3A_3084 = arith.constant 0.000000e+00 : f32
    %broadcast_in_dim3A_3085 = vector.broadcast %jit3A_3084 : f32 to vector<1x1400xf32>
    %select_n3A_3086 = arith.select %ne3A_3083, %broadcast_in_dim3A_3085, %reshape3A_3082 : vector<1x1400xi1>, vector<1x1400xf32>
    %eq3A_3087 = arith.constant 0x7F800000 : f32
    %eq3A_3088 = vector.broadcast %eq3A_3087 : f32 to vector<1x1400xf32>
    %eq3A_3089 = arith.cmpf oeq, %select_n3A_3086, %eq3A_3088 : vector<1x1400xf32>
    %jit3A_3090 = arith.constant 3.40282347E+38 : f32
    %broadcast_in_dim3A_3091 = vector.broadcast %jit3A_3090 : f32 to vector<1x1400xf32>
    %select_n3A_3092 = arith.select %eq3A_3089, %broadcast_in_dim3A_3091, %select_n3A_3086 : vector<1x1400xi1>, vector<1x1400xf32>
    %eq3A_3093 = arith.constant 0xFF800000 : f32
    %eq3A_3094 = vector.broadcast %eq3A_3093 : f32 to vector<1x1400xf32>
    %eq3A_3095 = arith.cmpf oeq, %select_n3A_3092, %eq3A_3094 : vector<1x1400xf32>
    %jit3A_3096 = arith.constant -3.40282347E+38 : f32
    %broadcast_in_dim3A_3097 = vector.broadcast %jit3A_3096 : f32 to vector<1x1400xf32>
    %select_n3A_3098 = arith.select %eq3A_3095, %broadcast_in_dim3A_3097, %select_n3A_3092 : vector<1x1400xi1>, vector<1x1400xf32>
    %broadcast_in_dim3A_3099 = vector.shape_cast %select_n3A_3098 : vector<1x1400xf32> to vector<1x1400xf32>
    %broadcast_in_dim3A_3100 = vector.broadcast %broadcast_in_dim3A_3099 : vector<1x1400xf32> to vector<32x1400xf32>
    %get3A_3101 = arith.constant 21 : index
    %get3A_3102 = arith.constant 0 : index
    %get3A_3103 = vector.load %arg6[%get3A_3101, %get3A_3102] : memref<34x8xf32, #tpu.memory_space<vmem>>, vector<1x8xf32>
    %get3A_3104 = vector.shape_cast %get3A_3103 : vector<1x8xf32> to vector<8xf32>
    %reshape3A_3105 = vector.shape_cast %get3A_3104 : vector<8xf32> to vector<1x8xf32>
    %broadcast_in_dim3A_3106 = vector.shape_cast %reshape3A_3105 : vector<1x8xf32> to vector<1x8xf32>
    %broadcast_in_dim3A_3107 = vector.broadcast %broadcast_in_dim3A_3106 : vector<1x8xf32> to vector<32x8xf32>
    %concatenate3A_3108 = tpu.concatenate %broadcast_in_dim3A_3107, %broadcast_in_dim3A_3100 in 1 : vector<32x8xf32>, vector<32x1400xf32> -> vector<32x1408xf32>
    %swap3A_3109 = arith.constant 21 : index
    %swap3A_3110 = arith.constant 32 : index
    %swap3A_3111 = arith.constant 0 : index
    %swap3A_3112 = vector.load %arg7[%swap3A_3109, %swap3A_3110, %swap3A_3111] : memref<34x64x1408xf32, #tpu.memory_space<vmem>>, vector<1x32x1408xf32>
    %swap3A_3113 = vector.shape_cast %swap3A_3112 : vector<1x32x1408xf32> to vector<32x1408xf32>
    %swap3A_3114 = vector.shape_cast %concatenate3A_3108 : vector<32x1408xf32> to vector<1x32x1408xf32>
    tpu.vector_store %arg7[%swap3A_3109, %swap3A_3110, %swap3A_3111], %swap3A_3114 {strides = array<i32>} : memref<34x64x1408xf32, #tpu.memory_space<vmem>>, vector<1x32x1408xf32>,
    %slice3A_3115 = vector.extract_strided_slice %transpose3A_1748 {offsets = [6, 0], sizes = [1, 1400], strides = [1, 1]} : vector<16x1400xf32> to vector<1x1400xf32>
    %squeeze3A_3116 = vector.shape_cast %slice3A_3115 : vector<1x1400xf32> to vector<1400xf32>
    %reshape3A_3117 = vector.shape_cast %squeeze3A_3116 : vector<1400xf32> to vector<1x1400xf32>
    %ne3A_3118 = arith.cmpf one, %reshape3A_3117, %reshape3A_3117 : vector<1x1400xf32>
    %jit3A_3119 = arith.constant 0.000000e+00 : f32
    %broadcast_in_dim3A_3120 = vector.broadcast %jit3A_3119 : f32 to vector<1x1400xf32>
    %select_n3A_3121 = arith.select %ne3A_3118, %broadcast_in_dim3A_3120, %reshape3A_3117 : vector<1x1400xi1>, vector<1x1400xf32>
    %eq3A_3122 = arith.constant 0x7F800000 : f32
    %eq3A_3123 = vector.broadcast %eq3A_3122 : f32 to vector<1x1400xf32>
    %eq3A_3124 = arith.cmpf oeq, %select_n3A_3121, %eq3A_3123 : vector<1x1400xf32>
    %jit3A_3125 = arith.constant 3.40282347E+38 : f32
    %broadcast_in_dim3A_3126 = vector.broadcast %jit3A_3125 : f32 to vector<1x1400xf32>
    %select_n3A_3127 = arith.select %eq3A_3124, %broadcast_in_dim3A_3126, %select_n3A_3121 : vector<1x1400xi1>, vector<1x1400xf32>
    %eq3A_3128 = arith.constant 0xFF800000 : f32
    %eq3A_3129 = vector.broadcast %eq3A_3128 : f32 to vector<1x1400xf32>
    %eq3A_3130 = arith.cmpf oeq, %select_n3A_3127, %eq3A_3129 : vector<1x1400xf32>
    %jit3A_3131 = arith.constant -3.40282347E+38 : f32
    %broadcast_in_dim3A_3132 = vector.broadcast %jit3A_3131 : f32 to vector<1x1400xf32>
    %select_n3A_3133 = arith.select %eq3A_3130, %broadcast_in_dim3A_3132, %select_n3A_3127 : vector<1x1400xi1>, vector<1x1400xf32>
    %broadcast_in_dim3A_3134 = vector.shape_cast %select_n3A_3133 : vector<1x1400xf32> to vector<1x1400xf32>
    %broadcast_in_dim3A_3135 = vector.broadcast %broadcast_in_dim3A_3134 : vector<1x1400xf32> to vector<32x1400xf32>
    %get3A_3136 = arith.constant 22 : index
    %get3A_3137 = arith.constant 0 : index
    %get3A_3138 = vector.load %arg6[%get3A_3136, %get3A_3137] : memref<34x8xf32, #tpu.memory_space<vmem>>, vector<1x8xf32>
    %get3A_3139 = vector.shape_cast %get3A_3138 : vector<1x8xf32> to vector<8xf32>
    %reshape3A_3140 = vector.shape_cast %get3A_3139 : vector<8xf32> to vector<1x8xf32>
    %broadcast_in_dim3A_3141 = vector.shape_cast %reshape3A_3140 : vector<1x8xf32> to vector<1x8xf32>
    %broadcast_in_dim3A_3142 = vector.broadcast %broadcast_in_dim3A_3141 : vector<1x8xf32> to vector<32x8xf32>
    %concatenate3A_3143 = tpu.concatenate %broadcast_in_dim3A_3142, %broadcast_in_dim3A_3135 in 1 : vector<32x8xf32>, vector<32x1400xf32> -> vector<32x1408xf32>
    %swap3A_3144 = arith.constant 22 : index
    %swap3A_3145 = arith.constant 32 : index
    %swap3A_3146 = arith.constant 0 : index
    %swap3A_3147 = vector.load %arg7[%swap3A_3144, %swap3A_3145, %swap3A_3146] : memref<34x64x1408xf32, #tpu.memory_space<vmem>>, vector<1x32x1408xf32>
    %swap3A_3148 = vector.shape_cast %swap3A_3147 : vector<1x32x1408xf32> to vector<32x1408xf32>
    %swap3A_3149 = vector.shape_cast %concatenate3A_3143 : vector<32x1408xf32> to vector<1x32x1408xf32>
    tpu.vector_store %arg7[%swap3A_3144, %swap3A_3145, %swap3A_3146], %swap3A_3149 {strides = array<i32>} : memref<34x64x1408xf32, #tpu.memory_space<vmem>>, vector<1x32x1408xf32>,
    %slice3A_3150 = vector.extract_strided_slice %transpose3A_1748 {offsets = [7, 0], sizes = [1, 1400], strides = [1, 1]} : vector<16x1400xf32> to vector<1x1400xf32>
    %squeeze3A_3151 = vector.shape_cast %slice3A_3150 : vector<1x1400xf32> to vector<1400xf32>
    %reshape3A_3152 = vector.shape_cast %squeeze3A_3151 : vector<1400xf32> to vector<1x1400xf32>
    %ne3A_3153 = arith.cmpf one, %reshape3A_3152, %reshape3A_3152 : vector<1x1400xf32>
    %jit3A_3154 = arith.constant 0.000000e+00 : f32
    %broadcast_in_dim3A_3155 = vector.broadcast %jit3A_3154 : f32 to vector<1x1400xf32>
    %select_n3A_3156 = arith.select %ne3A_3153, %broadcast_in_dim3A_3155, %reshape3A_3152 : vector<1x1400xi1>, vector<1x1400xf32>
    %eq3A_3157 = arith.constant 0x7F800000 : f32
    %eq3A_3158 = vector.broadcast %eq3A_3157 : f32 to vector<1x1400xf32>
    %eq3A_3159 = arith.cmpf oeq, %select_n3A_3156, %eq3A_3158 : vector<1x1400xf32>
    %jit3A_3160 = arith.constant 3.40282347E+38 : f32
    %broadcast_in_dim3A_3161 = vector.broadcast %jit3A_3160 : f32 to vector<1x1400xf32>
    %select_n3A_3162 = arith.select %eq3A_3159, %broadcast_in_dim3A_3161, %select_n3A_3156 : vector<1x1400xi1>, vector<1x1400xf32>
    %eq3A_3163 = arith.constant 0xFF800000 : f32
    %eq3A_3164 = vector.broadcast %eq3A_3163 : f32 to vector<1x1400xf32>
    %eq3A_3165 = arith.cmpf oeq, %select_n3A_3162, %eq3A_3164 : vector<1x1400xf32>
    %jit3A_3166 = arith.constant -3.40282347E+38 : f32
    %broadcast_in_dim3A_3167 = vector.broadcast %jit3A_3166 : f32 to vector<1x1400xf32>
    %select_n3A_3168 = arith.select %eq3A_3165, %broadcast_in_dim3A_3167, %select_n3A_3162 : vector<1x1400xi1>, vector<1x1400xf32>
    %broadcast_in_dim3A_3169 = vector.shape_cast %select_n3A_3168 : vector<1x1400xf32> to vector<1x1400xf32>
    %broadcast_in_dim3A_3170 = vector.broadcast %broadcast_in_dim3A_3169 : vector<1x1400xf32> to vector<32x1400xf32>
    %get3A_3171 = arith.constant 23 : index
    %get3A_3172 = arith.constant 0 : index
    %get3A_3173 = vector.load %arg6[%get3A_3171, %get3A_3172] : memref<34x8xf32, #tpu.memory_space<vmem>>, vector<1x8xf32>
    %get3A_3174 = vector.shape_cast %get3A_3173 : vector<1x8xf32> to vector<8xf32>
    %reshape3A_3175 = vector.shape_cast %get3A_3174 : vector<8xf32> to vector<1x8xf32>
    %broadcast_in_dim3A_3176 = vector.shape_cast %reshape3A_3175 : vector<1x8xf32> to vector<1x8xf32>
    %broadcast_in_dim3A_3177 = vector.broadcast %broadcast_in_dim3A_3176 : vector<1x8xf32> to vector<32x8xf32>
    %concatenate3A_3178 = tpu.concatenate %broadcast_in_dim3A_3177, %broadcast_in_dim3A_3170 in 1 : vector<32x8xf32>, vector<32x1400xf32> -> vector<32x1408xf32>
    %swap3A_3179 = arith.constant 23 : index
    %swap3A_3180 = arith.constant 32 : index
    %swap3A_3181 = arith.constant 0 : index
    %swap3A_3182 = vector.load %arg7[%swap3A_3179, %swap3A_3180, %swap3A_3181] : memref<34x64x1408xf32, #tpu.memory_space<vmem>>, vector<1x32x1408xf32>
    %swap3A_3183 = vector.shape_cast %swap3A_3182 : vector<1x32x1408xf32> to vector<32x1408xf32>
    %swap3A_3184 = vector.shape_cast %concatenate3A_3178 : vector<32x1408xf32> to vector<1x32x1408xf32>
    tpu.vector_store %arg7[%swap3A_3179, %swap3A_3180, %swap3A_3181], %swap3A_3184 {strides = array<i32>} : memref<34x64x1408xf32, #tpu.memory_space<vmem>>, vector<1x32x1408xf32>,
    %slice3A_3185 = vector.extract_strided_slice %transpose3A_1748 {offsets = [8, 0], sizes = [1, 1400], strides = [1, 1]} : vector<16x1400xf32> to vector<1x1400xf32>
    %squeeze3A_3186 = vector.shape_cast %slice3A_3185 : vector<1x1400xf32> to vector<1400xf32>
    %reshape3A_3187 = vector.shape_cast %squeeze3A_3186 : vector<1400xf32> to vector<1x1400xf32>
    %ne3A_3188 = arith.cmpf one, %reshape3A_3187, %reshape3A_3187 : vector<1x1400xf32>
    %jit3A_3189 = arith.constant 0.000000e+00 : f32
    %broadcast_in_dim3A_3190 = vector.broadcast %jit3A_3189 : f32 to vector<1x1400xf32>
    %select_n3A_3191 = arith.select %ne3A_3188, %broadcast_in_dim3A_3190, %reshape3A_3187 : vector<1x1400xi1>, vector<1x1400xf32>
    %eq3A_3192 = arith.constant 0x7F800000 : f32
    %eq3A_3193 = vector.broadcast %eq3A_3192 : f32 to vector<1x1400xf32>
    %eq3A_3194 = arith.cmpf oeq, %select_n3A_3191, %eq3A_3193 : vector<1x1400xf32>
    %jit3A_3195 = arith.constant 3.40282347E+38 : f32
    %broadcast_in_dim3A_3196 = vector.broadcast %jit3A_3195 : f32 to vector<1x1400xf32>
    %select_n3A_3197 = arith.select %eq3A_3194, %broadcast_in_dim3A_3196, %select_n3A_3191 : vector<1x1400xi1>, vector<1x1400xf32>
    %eq3A_3198 = arith.constant 0xFF800000 : f32
    %eq3A_3199 = vector.broadcast %eq3A_3198 : f32 to vector<1x1400xf32>
    %eq3A_3200 = arith.cmpf oeq, %select_n3A_3197, %eq3A_3199 : vector<1x1400xf32>
    %jit3A_3201 = arith.constant -3.40282347E+38 : f32
    %broadcast_in_dim3A_3202 = vector.broadcast %jit3A_3201 : f32 to vector<1x1400xf32>
    %select_n3A_3203 = arith.select %eq3A_3200, %broadcast_in_dim3A_3202, %select_n3A_3197 : vector<1x1400xi1>, vector<1x1400xf32>
    %broadcast_in_dim3A_3204 = vector.shape_cast %select_n3A_3203 : vector<1x1400xf32> to vector<1x1400xf32>
    %broadcast_in_dim3A_3205 = vector.broadcast %broadcast_in_dim3A_3204 : vector<1x1400xf32> to vector<32x1400xf32>
    %get3A_3206 = arith.constant 24 : index
    %get3A_3207 = arith.constant 0 : index
    %get3A_3208 = vector.load %arg6[%get3A_3206, %get3A_3207] : memref<34x8xf32, #tpu.memory_space<vmem>>, vector<1x8xf32>
    %get3A_3209 = vector.shape_cast %get3A_3208 : vector<1x8xf32> to vector<8xf32>
    %reshape3A_3210 = vector.shape_cast %get3A_3209 : vector<8xf32> to vector<1x8xf32>
    %broadcast_in_dim3A_3211 = vector.shape_cast %reshape3A_3210 : vector<1x8xf32> to vector<1x8xf32>
    %broadcast_in_dim3A_3212 = vector.broadcast %broadcast_in_dim3A_3211 : vector<1x8xf32> to vector<32x8xf32>
    %concatenate3A_3213 = tpu.concatenate %broadcast_in_dim3A_3212, %broadcast_in_dim3A_3205 in 1 : vector<32x8xf32>, vector<32x1400xf32> -> vector<32x1408xf32>
    %swap3A_3214 = arith.constant 24 : index
    %swap3A_3215 = arith.constant 32 : index
    %swap3A_3216 = arith.constant 0 : index
    %swap3A_3217 = vector.load %arg7[%swap3A_3214, %swap3A_3215, %swap3A_3216] : memref<34x64x1408xf32, #tpu.memory_space<vmem>>, vector<1x32x1408xf32>
    %swap3A_3218 = vector.shape_cast %swap3A_3217 : vector<1x32x1408xf32> to vector<32x1408xf32>
    %swap3A_3219 = vector.shape_cast %concatenate3A_3213 : vector<32x1408xf32> to vector<1x32x1408xf32>
    tpu.vector_store %arg7[%swap3A_3214, %swap3A_3215, %swap3A_3216], %swap3A_3219 {strides = array<i32>} : memref<34x64x1408xf32, #tpu.memory_space<vmem>>, vector<1x32x1408xf32>,
    %slice3A_3220 = vector.extract_strided_slice %transpose3A_1748 {offsets = [9, 0], sizes = [1, 1400], strides = [1, 1]} : vector<16x1400xf32> to vector<1x1400xf32>
    %squeeze3A_3221 = vector.shape_cast %slice3A_3220 : vector<1x1400xf32> to vector<1400xf32>
    %reshape3A_3222 = vector.shape_cast %squeeze3A_3221 : vector<1400xf32> to vector<1x1400xf32>
    %ne3A_3223 = arith.cmpf one, %reshape3A_3222, %reshape3A_3222 : vector<1x1400xf32>
    %jit3A_3224 = arith.constant 0.000000e+00 : f32
    %broadcast_in_dim3A_3225 = vector.broadcast %jit3A_3224 : f32 to vector<1x1400xf32>
    %select_n3A_3226 = arith.select %ne3A_3223, %broadcast_in_dim3A_3225, %reshape3A_3222 : vector<1x1400xi1>, vector<1x1400xf32>
    %eq3A_3227 = arith.constant 0x7F800000 : f32
    %eq3A_3228 = vector.broadcast %eq3A_3227 : f32 to vector<1x1400xf32>
    %eq3A_3229 = arith.cmpf oeq, %select_n3A_3226, %eq3A_3228 : vector<1x1400xf32>
    %jit3A_3230 = arith.constant 3.40282347E+38 : f32
    %broadcast_in_dim3A_3231 = vector.broadcast %jit3A_3230 : f32 to vector<1x1400xf32>
    %select_n3A_3232 = arith.select %eq3A_3229, %broadcast_in_dim3A_3231, %select_n3A_3226 : vector<1x1400xi1>, vector<1x1400xf32>
    %eq3A_3233 = arith.constant 0xFF800000 : f32
    %eq3A_3234 = vector.broadcast %eq3A_3233 : f32 to vector<1x1400xf32>
    %eq3A_3235 = arith.cmpf oeq, %select_n3A_3232, %eq3A_3234 : vector<1x1400xf32>
    %jit3A_3236 = arith.constant -3.40282347E+38 : f32
    %broadcast_in_dim3A_3237 = vector.broadcast %jit3A_3236 : f32 to vector<1x1400xf32>
    %select_n3A_3238 = arith.select %eq3A_3235, %broadcast_in_dim3A_3237, %select_n3A_3232 : vector<1x1400xi1>, vector<1x1400xf32>
    %broadcast_in_dim3A_3239 = vector.shape_cast %select_n3A_3238 : vector<1x1400xf32> to vector<1x1400xf32>
    %broadcast_in_dim3A_3240 = vector.broadcast %broadcast_in_dim3A_3239 : vector<1x1400xf32> to vector<32x1400xf32>
    %get3A_3241 = arith.constant 25 : index
    %get3A_3242 = arith.constant 0 : index
    %get3A_3243 = vector.load %arg6[%get3A_3241, %get3A_3242] : memref<34x8xf32, #tpu.memory_space<vmem>>, vector<1x8xf32>
    %get3A_3244 = vector.shape_cast %get3A_3243 : vector<1x8xf32> to vector<8xf32>
    %reshape3A_3245 = vector.shape_cast %get3A_3244 : vector<8xf32> to vector<1x8xf32>
    %broadcast_in_dim3A_3246 = vector.shape_cast %reshape3A_3245 : vector<1x8xf32> to vector<1x8xf32>
    %broadcast_in_dim3A_3247 = vector.broadcast %broadcast_in_dim3A_3246 : vector<1x8xf32> to vector<32x8xf32>
    %concatenate3A_3248 = tpu.concatenate %broadcast_in_dim3A_3247, %broadcast_in_dim3A_3240 in 1 : vector<32x8xf32>, vector<32x1400xf32> -> vector<32x1408xf32>
    %swap3A_3249 = arith.constant 25 : index
    %swap3A_3250 = arith.constant 32 : index
    %swap3A_3251 = arith.constant 0 : index
    %swap3A_3252 = vector.load %arg7[%swap3A_3249, %swap3A_3250, %swap3A_3251] : memref<34x64x1408xf32, #tpu.memory_space<vmem>>, vector<1x32x1408xf32>
    %swap3A_3253 = vector.shape_cast %swap3A_3252 : vector<1x32x1408xf32> to vector<32x1408xf32>
    %swap3A_3254 = vector.shape_cast %concatenate3A_3248 : vector<32x1408xf32> to vector<1x32x1408xf32>
    tpu.vector_store %arg7[%swap3A_3249, %swap3A_3250, %swap3A_3251], %swap3A_3254 {strides = array<i32>} : memref<34x64x1408xf32, #tpu.memory_space<vmem>>, vector<1x32x1408xf32>,
    %slice3A_3255 = vector.extract_strided_slice %transpose3A_1748 {offsets = [10, 0], sizes = [1, 1400], strides = [1, 1]} : vector<16x1400xf32> to vector<1x1400xf32>
    %squeeze3A_3256 = vector.shape_cast %slice3A_3255 : vector<1x1400xf32> to vector<1400xf32>
    %reshape3A_3257 = vector.shape_cast %squeeze3A_3256 : vector<1400xf32> to vector<1x1400xf32>
    %ne3A_3258 = arith.cmpf one, %reshape3A_3257, %reshape3A_3257 : vector<1x1400xf32>
    %jit3A_3259 = arith.constant 0.000000e+00 : f32
    %broadcast_in_dim3A_3260 = vector.broadcast %jit3A_3259 : f32 to vector<1x1400xf32>
    %select_n3A_3261 = arith.select %ne3A_3258, %broadcast_in_dim3A_3260, %reshape3A_3257 : vector<1x1400xi1>, vector<1x1400xf32>
    %eq3A_3262 = arith.constant 0x7F800000 : f32
    %eq3A_3263 = vector.broadcast %eq3A_3262 : f32 to vector<1x1400xf32>
    %eq3A_3264 = arith.cmpf oeq, %select_n3A_3261, %eq3A_3263 : vector<1x1400xf32>
    %jit3A_3265 = arith.constant 3.40282347E+38 : f32
    %broadcast_in_dim3A_3266 = vector.broadcast %jit3A_3265 : f32 to vector<1x1400xf32>
    %select_n3A_3267 = arith.select %eq3A_3264, %broadcast_in_dim3A_3266, %select_n3A_3261 : vector<1x1400xi1>, vector<1x1400xf32>
    %eq3A_3268 = arith.constant 0xFF800000 : f32
    %eq3A_3269 = vector.broadcast %eq3A_3268 : f32 to vector<1x1400xf32>
    %eq3A_3270 = arith.cmpf oeq, %select_n3A_3267, %eq3A_3269 : vector<1x1400xf32>
    %jit3A_3271 = arith.constant -3.40282347E+38 : f32
    %broadcast_in_dim3A_3272 = vector.broadcast %jit3A_3271 : f32 to vector<1x1400xf32>
    %select_n3A_3273 = arith.select %eq3A_3270, %broadcast_in_dim3A_3272, %select_n3A_3267 : vector<1x1400xi1>, vector<1x1400xf32>
    %broadcast_in_dim3A_3274 = vector.shape_cast %select_n3A_3273 : vector<1x1400xf32> to vector<1x1400xf32>
    %broadcast_in_dim3A_3275 = vector.broadcast %broadcast_in_dim3A_3274 : vector<1x1400xf32> to vector<32x1400xf32>
    %get3A_3276 = arith.constant 26 : index
    %get3A_3277 = arith.constant 0 : index
    %get3A_3278 = vector.load %arg6[%get3A_3276, %get3A_3277] : memref<34x8xf32, #tpu.memory_space<vmem>>, vector<1x8xf32>
    %get3A_3279 = vector.shape_cast %get3A_3278 : vector<1x8xf32> to vector<8xf32>
    %reshape3A_3280 = vector.shape_cast %get3A_3279 : vector<8xf32> to vector<1x8xf32>
    %broadcast_in_dim3A_3281 = vector.shape_cast %reshape3A_3280 : vector<1x8xf32> to vector<1x8xf32>
    %broadcast_in_dim3A_3282 = vector.broadcast %broadcast_in_dim3A_3281 : vector<1x8xf32> to vector<32x8xf32>
    %concatenate3A_3283 = tpu.concatenate %broadcast_in_dim3A_3282, %broadcast_in_dim3A_3275 in 1 : vector<32x8xf32>, vector<32x1400xf32> -> vector<32x1408xf32>
    %swap3A_3284 = arith.constant 26 : index
    %swap3A_3285 = arith.constant 32 : index
    %swap3A_3286 = arith.constant 0 : index
    %swap3A_3287 = vector.load %arg7[%swap3A_3284, %swap3A_3285, %swap3A_3286] : memref<34x64x1408xf32, #tpu.memory_space<vmem>>, vector<1x32x1408xf32>
    %swap3A_3288 = vector.shape_cast %swap3A_3287 : vector<1x32x1408xf32> to vector<32x1408xf32>
    %swap3A_3289 = vector.shape_cast %concatenate3A_3283 : vector<32x1408xf32> to vector<1x32x1408xf32>
    tpu.vector_store %arg7[%swap3A_3284, %swap3A_3285, %swap3A_3286], %swap3A_3289 {strides = array<i32>} : memref<34x64x1408xf32, #tpu.memory_space<vmem>>, vector<1x32x1408xf32>,
    %slice3A_3290 = vector.extract_strided_slice %transpose3A_1748 {offsets = [11, 0], sizes = [1, 1400], strides = [1, 1]} : vector<16x1400xf32> to vector<1x1400xf32>
    %squeeze3A_3291 = vector.shape_cast %slice3A_3290 : vector<1x1400xf32> to vector<1400xf32>
    %reshape3A_3292 = vector.shape_cast %squeeze3A_3291 : vector<1400xf32> to vector<1x1400xf32>
    %ne3A_3293 = arith.cmpf one, %reshape3A_3292, %reshape3A_3292 : vector<1x1400xf32>
    %jit3A_3294 = arith.constant 0.000000e+00 : f32
    %broadcast_in_dim3A_3295 = vector.broadcast %jit3A_3294 : f32 to vector<1x1400xf32>
    %select_n3A_3296 = arith.select %ne3A_3293, %broadcast_in_dim3A_3295, %reshape3A_3292 : vector<1x1400xi1>, vector<1x1400xf32>
    %eq3A_3297 = arith.constant 0x7F800000 : f32
    %eq3A_3298 = vector.broadcast %eq3A_3297 : f32 to vector<1x1400xf32>
    %eq3A_3299 = arith.cmpf oeq, %select_n3A_3296, %eq3A_3298 : vector<1x1400xf32>
    %jit3A_3300 = arith.constant 3.40282347E+38 : f32
    %broadcast_in_dim3A_3301 = vector.broadcast %jit3A_3300 : f32 to vector<1x1400xf32>
    %select_n3A_3302 = arith.select %eq3A_3299, %broadcast_in_dim3A_3301, %select_n3A_3296 : vector<1x1400xi1>, vector<1x1400xf32>
    %eq3A_3303 = arith.constant 0xFF800000 : f32
    %eq3A_3304 = vector.broadcast %eq3A_3303 : f32 to vector<1x1400xf32>
    %eq3A_3305 = arith.cmpf oeq, %select_n3A_3302, %eq3A_3304 : vector<1x1400xf32>
    %jit3A_3306 = arith.constant -3.40282347E+38 : f32
    %broadcast_in_dim3A_3307 = vector.broadcast %jit3A_3306 : f32 to vector<1x1400xf32>
    %select_n3A_3308 = arith.select %eq3A_3305, %broadcast_in_dim3A_3307, %select_n3A_3302 : vector<1x1400xi1>, vector<1x1400xf32>
    %broadcast_in_dim3A_3309 = vector.shape_cast %select_n3A_3308 : vector<1x1400xf32> to vector<1x1400xf32>
    %broadcast_in_dim3A_3310 = vector.broadcast %broadcast_in_dim3A_3309 : vector<1x1400xf32> to vector<32x1400xf32>
    %get3A_3311 = arith.constant 27 : index
    %get3A_3312 = arith.constant 0 : index
    %get3A_3313 = vector.load %arg6[%get3A_3311, %get3A_3312] : memref<34x8xf32, #tpu.memory_space<vmem>>, vector<1x8xf32>
    %get3A_3314 = vector.shape_cast %get3A_3313 : vector<1x8xf32> to vector<8xf32>
    %reshape3A_3315 = vector.shape_cast %get3A_3314 : vector<8xf32> to vector<1x8xf32>
    %broadcast_in_dim3A_3316 = vector.shape_cast %reshape3A_3315 : vector<1x8xf32> to vector<1x8xf32>
    %broadcast_in_dim3A_3317 = vector.broadcast %broadcast_in_dim3A_3316 : vector<1x8xf32> to vector<32x8xf32>
    %concatenate3A_3318 = tpu.concatenate %broadcast_in_dim3A_3317, %broadcast_in_dim3A_3310 in 1 : vector<32x8xf32>, vector<32x1400xf32> -> vector<32x1408xf32>
    %swap3A_3319 = arith.constant 27 : index
    %swap3A_3320 = arith.constant 32 : index
    %swap3A_3321 = arith.constant 0 : index
    %swap3A_3322 = vector.load %arg7[%swap3A_3319, %swap3A_3320, %swap3A_3321] : memref<34x64x1408xf32, #tpu.memory_space<vmem>>, vector<1x32x1408xf32>
    %swap3A_3323 = vector.shape_cast %swap3A_3322 : vector<1x32x1408xf32> to vector<32x1408xf32>
    %swap3A_3324 = vector.shape_cast %concatenate3A_3318 : vector<32x1408xf32> to vector<1x32x1408xf32>
    tpu.vector_store %arg7[%swap3A_3319, %swap3A_3320, %swap3A_3321], %swap3A_3324 {strides = array<i32>} : memref<34x64x1408xf32, #tpu.memory_space<vmem>>, vector<1x32x1408xf32>,
    %slice3A_3325 = vector.extract_strided_slice %transpose3A_1748 {offsets = [12, 0], sizes = [1, 1400], strides = [1, 1]} : vector<16x1400xf32> to vector<1x1400xf32>
    %squeeze3A_3326 = vector.shape_cast %slice3A_3325 : vector<1x1400xf32> to vector<1400xf32>
    %reshape3A_3327 = vector.shape_cast %squeeze3A_3326 : vector<1400xf32> to vector<1x1400xf32>
    %ne3A_3328 = arith.cmpf one, %reshape3A_3327, %reshape3A_3327 : vector<1x1400xf32>
    %jit3A_3329 = arith.constant 0.000000e+00 : f32
    %broadcast_in_dim3A_3330 = vector.broadcast %jit3A_3329 : f32 to vector<1x1400xf32>
    %select_n3A_3331 = arith.select %ne3A_3328, %broadcast_in_dim3A_3330, %reshape3A_3327 : vector<1x1400xi1>, vector<1x1400xf32>
    %eq3A_3332 = arith.constant 0x7F800000 : f32
    %eq3A_3333 = vector.broadcast %eq3A_3332 : f32 to vector<1x1400xf32>
    %eq3A_3334 = arith.cmpf oeq, %select_n3A_3331, %eq3A_3333 : vector<1x1400xf32>
    %jit3A_3335 = arith.constant 3.40282347E+38 : f32
    %broadcast_in_dim3A_3336 = vector.broadcast %jit3A_3335 : f32 to vector<1x1400xf32>
    %select_n3A_3337 = arith.select %eq3A_3334, %broadcast_in_dim3A_3336, %select_n3A_3331 : vector<1x1400xi1>, vector<1x1400xf32>
    %eq3A_3338 = arith.constant 0xFF800000 : f32
    %eq3A_3339 = vector.broadcast %eq3A_3338 : f32 to vector<1x1400xf32>
    %eq3A_3340 = arith.cmpf oeq, %select_n3A_3337, %eq3A_3339 : vector<1x1400xf32>
    %jit3A_3341 = arith.constant -3.40282347E+38 : f32
    %broadcast_in_dim3A_3342 = vector.broadcast %jit3A_3341 : f32 to vector<1x1400xf32>
    %select_n3A_3343 = arith.select %eq3A_3340, %broadcast_in_dim3A_3342, %select_n3A_3337 : vector<1x1400xi1>, vector<1x1400xf32>
    %broadcast_in_dim3A_3344 = vector.shape_cast %select_n3A_3343 : vector<1x1400xf32> to vector<1x1400xf32>
    %broadcast_in_dim3A_3345 = vector.broadcast %broadcast_in_dim3A_3344 : vector<1x1400xf32> to vector<32x1400xf32>
    %get3A_3346 = arith.constant 28 : index
    %get3A_3347 = arith.constant 0 : index
    %get3A_3348 = vector.load %arg6[%get3A_3346, %get3A_3347] : memref<34x8xf32, #tpu.memory_space<vmem>>, vector<1x8xf32>
    %get3A_3349 = vector.shape_cast %get3A_3348 : vector<1x8xf32> to vector<8xf32>
    %reshape3A_3350 = vector.shape_cast %get3A_3349 : vector<8xf32> to vector<1x8xf32>
    %broadcast_in_dim3A_3351 = vector.shape_cast %reshape3A_3350 : vector<1x8xf32> to vector<1x8xf32>
    %broadcast_in_dim3A_3352 = vector.broadcast %broadcast_in_dim3A_3351 : vector<1x8xf32> to vector<32x8xf32>
    %concatenate3A_3353 = tpu.concatenate %broadcast_in_dim3A_3352, %broadcast_in_dim3A_3345 in 1 : vector<32x8xf32>, vector<32x1400xf32> -> vector<32x1408xf32>
    %swap3A_3354 = arith.constant 28 : index
    %swap3A_3355 = arith.constant 32 : index
    %swap3A_3356 = arith.constant 0 : index
    %swap3A_3357 = vector.load %arg7[%swap3A_3354, %swap3A_3355, %swap3A_3356] : memref<34x64x1408xf32, #tpu.memory_space<vmem>>, vector<1x32x1408xf32>
    %swap3A_3358 = vector.shape_cast %swap3A_3357 : vector<1x32x1408xf32> to vector<32x1408xf32>
    %swap3A_3359 = vector.shape_cast %concatenate3A_3353 : vector<32x1408xf32> to vector<1x32x1408xf32>
    tpu.vector_store %arg7[%swap3A_3354, %swap3A_3355, %swap3A_3356], %swap3A_3359 {strides = array<i32>} : memref<34x64x1408xf32, #tpu.memory_space<vmem>>, vector<1x32x1408xf32>,
    %slice3A_3360 = vector.extract_strided_slice %transpose3A_1748 {offsets = [13, 0], sizes = [1, 1400], strides = [1, 1]} : vector<16x1400xf32> to vector<1x1400xf32>
    %squeeze3A_3361 = vector.shape_cast %slice3A_3360 : vector<1x1400xf32> to vector<1400xf32>
    %reshape3A_3362 = vector.shape_cast %squeeze3A_3361 : vector<1400xf32> to vector<1x1400xf32>
    %ne3A_3363 = arith.cmpf one, %reshape3A_3362, %reshape3A_3362 : vector<1x1400xf32>
    %jit3A_3364 = arith.constant 0.000000e+00 : f32
    %broadcast_in_dim3A_3365 = vector.broadcast %jit3A_3364 : f32 to vector<1x1400xf32>
    %select_n3A_3366 = arith.select %ne3A_3363, %broadcast_in_dim3A_3365, %reshape3A_3362 : vector<1x1400xi1>, vector<1x1400xf32>
    %eq3A_3367 = arith.constant 0x7F800000 : f32
    %eq3A_3368 = vector.broadcast %eq3A_3367 : f32 to vector<1x1400xf32>
    %eq3A_3369 = arith.cmpf oeq, %select_n3A_3366, %eq3A_3368 : vector<1x1400xf32>
    %jit3A_3370 = arith.constant 3.40282347E+38 : f32
    %broadcast_in_dim3A_3371 = vector.broadcast %jit3A_3370 : f32 to vector<1x1400xf32>
    %select_n3A_3372 = arith.select %eq3A_3369, %broadcast_in_dim3A_3371, %select_n3A_3366 : vector<1x1400xi1>, vector<1x1400xf32>
    %eq3A_3373 = arith.constant 0xFF800000 : f32
    %eq3A_3374 = vector.broadcast %eq3A_3373 : f32 to vector<1x1400xf32>
    %eq3A_3375 = arith.cmpf oeq, %select_n3A_3372, %eq3A_3374 : vector<1x1400xf32>
    %jit3A_3376 = arith.constant -3.40282347E+38 : f32
    %broadcast_in_dim3A_3377 = vector.broadcast %jit3A_3376 : f32 to vector<1x1400xf32>
    %select_n3A_3378 = arith.select %eq3A_3375, %broadcast_in_dim3A_3377, %select_n3A_3372 : vector<1x1400xi1>, vector<1x1400xf32>
    %broadcast_in_dim3A_3379 = vector.shape_cast %select_n3A_3378 : vector<1x1400xf32> to vector<1x1400xf32>
    %broadcast_in_dim3A_3380 = vector.broadcast %broadcast_in_dim3A_3379 : vector<1x1400xf32> to vector<32x1400xf32>
    %get3A_3381 = arith.constant 29 : index
    %get3A_3382 = arith.constant 0 : index
    %get3A_3383 = vector.load %arg6[%get3A_3381, %get3A_3382] : memref<34x8xf32, #tpu.memory_space<vmem>>, vector<1x8xf32>
    %get3A_3384 = vector.shape_cast %get3A_3383 : vector<1x8xf32> to vector<8xf32>
    %reshape3A_3385 = vector.shape_cast %get3A_3384 : vector<8xf32> to vector<1x8xf32>
    %broadcast_in_dim3A_3386 = vector.shape_cast %reshape3A_3385 : vector<1x8xf32> to vector<1x8xf32>
    %broadcast_in_dim3A_3387 = vector.broadcast %broadcast_in_dim3A_3386 : vector<1x8xf32> to vector<32x8xf32>
    %concatenate3A_3388 = tpu.concatenate %broadcast_in_dim3A_3387, %broadcast_in_dim3A_3380 in 1 : vector<32x8xf32>, vector<32x1400xf32> -> vector<32x1408xf32>
    %swap3A_3389 = arith.constant 29 : index
    %swap3A_3390 = arith.constant 32 : index
    %swap3A_3391 = arith.constant 0 : index
    %swap3A_3392 = vector.load %arg7[%swap3A_3389, %swap3A_3390, %swap3A_3391] : memref<34x64x1408xf32, #tpu.memory_space<vmem>>, vector<1x32x1408xf32>
    %swap3A_3393 = vector.shape_cast %swap3A_3392 : vector<1x32x1408xf32> to vector<32x1408xf32>
    %swap3A_3394 = vector.shape_cast %concatenate3A_3388 : vector<32x1408xf32> to vector<1x32x1408xf32>
    tpu.vector_store %arg7[%swap3A_3389, %swap3A_3390, %swap3A_3391], %swap3A_3394 {strides = array<i32>} : memref<34x64x1408xf32, #tpu.memory_space<vmem>>, vector<1x32x1408xf32>,
    %slice3A_3395 = vector.extract_strided_slice %transpose3A_1748 {offsets = [14, 0], sizes = [1, 1400], strides = [1, 1]} : vector<16x1400xf32> to vector<1x1400xf32>
    %squeeze3A_3396 = vector.shape_cast %slice3A_3395 : vector<1x1400xf32> to vector<1400xf32>
    %reshape3A_3397 = vector.shape_cast %squeeze3A_3396 : vector<1400xf32> to vector<1x1400xf32>
    %ne3A_3398 = arith.cmpf one, %reshape3A_3397, %reshape3A_3397 : vector<1x1400xf32>
    %jit3A_3399 = arith.constant 0.000000e+00 : f32
    %broadcast_in_dim3A_3400 = vector.broadcast %jit3A_3399 : f32 to vector<1x1400xf32>
    %select_n3A_3401 = arith.select %ne3A_3398, %broadcast_in_dim3A_3400, %reshape3A_3397 : vector<1x1400xi1>, vector<1x1400xf32>
    %eq3A_3402 = arith.constant 0x7F800000 : f32
    %eq3A_3403 = vector.broadcast %eq3A_3402 : f32 to vector<1x1400xf32>
    %eq3A_3404 = arith.cmpf oeq, %select_n3A_3401, %eq3A_3403 : vector<1x1400xf32>
    %jit3A_3405 = arith.constant 3.40282347E+38 : f32
    %broadcast_in_dim3A_3406 = vector.broadcast %jit3A_3405 : f32 to vector<1x1400xf32>
    %select_n3A_3407 = arith.select %eq3A_3404, %broadcast_in_dim3A_3406, %select_n3A_3401 : vector<1x1400xi1>, vector<1x1400xf32>
    %eq3A_3408 = arith.constant 0xFF800000 : f32
    %eq3A_3409 = vector.broadcast %eq3A_3408 : f32 to vector<1x1400xf32>
    %eq3A_3410 = arith.cmpf oeq, %select_n3A_3407, %eq3A_3409 : vector<1x1400xf32>
    %jit3A_3411 = arith.constant -3.40282347E+38 : f32
    %broadcast_in_dim3A_3412 = vector.broadcast %jit3A_3411 : f32 to vector<1x1400xf32>
    %select_n3A_3413 = arith.select %eq3A_3410, %broadcast_in_dim3A_3412, %select_n3A_3407 : vector<1x1400xi1>, vector<1x1400xf32>
    %broadcast_in_dim3A_3414 = vector.shape_cast %select_n3A_3413 : vector<1x1400xf32> to vector<1x1400xf32>
    %broadcast_in_dim3A_3415 = vector.broadcast %broadcast_in_dim3A_3414 : vector<1x1400xf32> to vector<32x1400xf32>
    %get3A_3416 = arith.constant 30 : index
    %get3A_3417 = arith.constant 0 : index
    %get3A_3418 = vector.load %arg6[%get3A_3416, %get3A_3417] : memref<34x8xf32, #tpu.memory_space<vmem>>, vector<1x8xf32>
    %get3A_3419 = vector.shape_cast %get3A_3418 : vector<1x8xf32> to vector<8xf32>
    %reshape3A_3420 = vector.shape_cast %get3A_3419 : vector<8xf32> to vector<1x8xf32>
    %broadcast_in_dim3A_3421 = vector.shape_cast %reshape3A_3420 : vector<1x8xf32> to vector<1x8xf32>
    %broadcast_in_dim3A_3422 = vector.broadcast %broadcast_in_dim3A_3421 : vector<1x8xf32> to vector<32x8xf32>
    %concatenate3A_3423 = tpu.concatenate %broadcast_in_dim3A_3422, %broadcast_in_dim3A_3415 in 1 : vector<32x8xf32>, vector<32x1400xf32> -> vector<32x1408xf32>
    %swap3A_3424 = arith.constant 30 : index
    %swap3A_3425 = arith.constant 32 : index
    %swap3A_3426 = arith.constant 0 : index
    %swap3A_3427 = vector.load %arg7[%swap3A_3424, %swap3A_3425, %swap3A_3426] : memref<34x64x1408xf32, #tpu.memory_space<vmem>>, vector<1x32x1408xf32>
    %swap3A_3428 = vector.shape_cast %swap3A_3427 : vector<1x32x1408xf32> to vector<32x1408xf32>
    %swap3A_3429 = vector.shape_cast %concatenate3A_3423 : vector<32x1408xf32> to vector<1x32x1408xf32>
    tpu.vector_store %arg7[%swap3A_3424, %swap3A_3425, %swap3A_3426], %swap3A_3429 {strides = array<i32>} : memref<34x64x1408xf32, #tpu.memory_space<vmem>>, vector<1x32x1408xf32>,
    %slice3A_3430 = vector.extract_strided_slice %transpose3A_1748 {offsets = [15, 0], sizes = [1, 1400], strides = [1, 1]} : vector<16x1400xf32> to vector<1x1400xf32>
    %squeeze3A_3431 = vector.shape_cast %slice3A_3430 : vector<1x1400xf32> to vector<1400xf32>
    %reshape3A_3432 = vector.shape_cast %squeeze3A_3431 : vector<1400xf32> to vector<1x1400xf32>
    %ne3A_3433 = arith.cmpf one, %reshape3A_3432, %reshape3A_3432 : vector<1x1400xf32>
    %jit3A_3434 = arith.constant 0.000000e+00 : f32
    %broadcast_in_dim3A_3435 = vector.broadcast %jit3A_3434 : f32 to vector<1x1400xf32>
    %select_n3A_3436 = arith.select %ne3A_3433, %broadcast_in_dim3A_3435, %reshape3A_3432 : vector<1x1400xi1>, vector<1x1400xf32>
    %eq3A_3437 = arith.constant 0x7F800000 : f32
    %eq3A_3438 = vector.broadcast %eq3A_3437 : f32 to vector<1x1400xf32>
    %eq3A_3439 = arith.cmpf oeq, %select_n3A_3436, %eq3A_3438 : vector<1x1400xf32>
    %jit3A_3440 = arith.constant 3.40282347E+38 : f32
    %broadcast_in_dim3A_3441 = vector.broadcast %jit3A_3440 : f32 to vector<1x1400xf32>
    %select_n3A_3442 = arith.select %eq3A_3439, %broadcast_in_dim3A_3441, %select_n3A_3436 : vector<1x1400xi1>, vector<1x1400xf32>
    %eq3A_3443 = arith.constant 0xFF800000 : f32
    %eq3A_3444 = vector.broadcast %eq3A_3443 : f32 to vector<1x1400xf32>
    %eq3A_3445 = arith.cmpf oeq, %select_n3A_3442, %eq3A_3444 : vector<1x1400xf32>
    %jit3A_3446 = arith.constant -3.40282347E+38 : f32
    %broadcast_in_dim3A_3447 = vector.broadcast %jit3A_3446 : f32 to vector<1x1400xf32>
    %select_n3A_3448 = arith.select %eq3A_3445, %broadcast_in_dim3A_3447, %select_n3A_3442 : vector<1x1400xi1>, vector<1x1400xf32>
    %broadcast_in_dim3A_3449 = vector.shape_cast %select_n3A_3448 : vector<1x1400xf32> to vector<1x1400xf32>
    %broadcast_in_dim3A_3450 = vector.broadcast %broadcast_in_dim3A_3449 : vector<1x1400xf32> to vector<32x1400xf32>
    %get3A_3451 = arith.constant 31 : index
    %get3A_3452 = arith.constant 0 : index
    %get3A_3453 = vector.load %arg6[%get3A_3451, %get3A_3452] : memref<34x8xf32, #tpu.memory_space<vmem>>, vector<1x8xf32>
    %get3A_3454 = vector.shape_cast %get3A_3453 : vector<1x8xf32> to vector<8xf32>
    %reshape3A_3455 = vector.shape_cast %get3A_3454 : vector<8xf32> to vector<1x8xf32>
    %broadcast_in_dim3A_3456 = vector.shape_cast %reshape3A_3455 : vector<1x8xf32> to vector<1x8xf32>
    %broadcast_in_dim3A_3457 = vector.broadcast %broadcast_in_dim3A_3456 : vector<1x8xf32> to vector<32x8xf32>
    %concatenate3A_3458 = tpu.concatenate %broadcast_in_dim3A_3457, %broadcast_in_dim3A_3450 in 1 : vector<32x8xf32>, vector<32x1400xf32> -> vector<32x1408xf32>
    %swap3A_3459 = arith.constant 31 : index
    %swap3A_3460 = arith.constant 32 : index
    %swap3A_3461 = arith.constant 0 : index
    %swap3A_3462 = vector.load %arg7[%swap3A_3459, %swap3A_3460, %swap3A_3461] : memref<34x64x1408xf32, #tpu.memory_space<vmem>>, vector<1x32x1408xf32>
    %swap3A_3463 = vector.shape_cast %swap3A_3462 : vector<1x32x1408xf32> to vector<32x1408xf32>
    %swap3A_3464 = vector.shape_cast %concatenate3A_3458 : vector<32x1408xf32> to vector<1x32x1408xf32>
    tpu.vector_store %arg7[%swap3A_3459, %swap3A_3460, %swap3A_3461], %swap3A_3464 {strides = array<i32>} : memref<34x64x1408xf32, #tpu.memory_space<vmem>>, vector<1x32x1408xf32>,
    %broadcast_in_dim3A_3465 = vector.shape_cast %select_n3A_2280 : vector<32x1xf32> to vector<32x1xf32>
    %broadcast_in_dim3A_3466 = vector.broadcast %broadcast_in_dim3A_3465 : vector<32x1xf32> to vector<32x1400xf32>
    %get3A_3467 = arith.constant 32 : index
    %get3A_3468 = arith.constant 0 : index
    %get3A_3469 = vector.load %arg6[%get3A_3467, %get3A_3468] : memref<34x8xf32, #tpu.memory_space<vmem>>, vector<1x8xf32>
    %get3A_3470 = vector.shape_cast %get3A_3469 : vector<1x8xf32> to vector<8xf32>
    %reshape3A_3471 = vector.shape_cast %get3A_3470 : vector<8xf32> to vector<1x8xf32>
    %broadcast_in_dim3A_3472 = vector.shape_cast %reshape3A_3471 : vector<1x8xf32> to vector<1x8xf32>
    %broadcast_in_dim3A_3473 = vector.broadcast %broadcast_in_dim3A_3472 : vector<1x8xf32> to vector<32x8xf32>
    %concatenate3A_3474 = tpu.concatenate %broadcast_in_dim3A_3473, %broadcast_in_dim3A_3466 in 1 : vector<32x8xf32>, vector<32x1400xf32> -> vector<32x1408xf32>
    %swap3A_3475 = arith.constant 32 : index
    %swap3A_3476 = arith.constant 32 : index
    %swap3A_3477 = arith.constant 0 : index
    %swap3A_3478 = vector.load %arg7[%swap3A_3475, %swap3A_3476, %swap3A_3477] : memref<34x64x1408xf32, #tpu.memory_space<vmem>>, vector<1x32x1408xf32>
    %swap3A_3479 = vector.shape_cast %swap3A_3478 : vector<1x32x1408xf32> to vector<32x1408xf32>
    %swap3A_3480 = vector.shape_cast %concatenate3A_3474 : vector<32x1408xf32> to vector<1x32x1408xf32>
    tpu.vector_store %arg7[%swap3A_3475, %swap3A_3476, %swap3A_3477], %swap3A_3480 {strides = array<i32>} : memref<34x64x1408xf32, #tpu.memory_space<vmem>>, vector<1x32x1408xf32>,
    %broadcast_in_dim3A_3481 = vector.shape_cast %select_n3A_2296 : vector<32x1xf32> to vector<32x1xf32>
    %broadcast_in_dim3A_3482 = vector.broadcast %broadcast_in_dim3A_3481 : vector<32x1xf32> to vector<32x1400xf32>
    %get3A_3483 = arith.constant 33 : index
    %get3A_3484 = arith.constant 0 : index
    %get3A_3485 = vector.load %arg6[%get3A_3483, %get3A_3484] : memref<34x8xf32, #tpu.memory_space<vmem>>, vector<1x8xf32>
    %get3A_3486 = vector.shape_cast %get3A_3485 : vector<1x8xf32> to vector<8xf32>
    %reshape3A_3487 = vector.shape_cast %get3A_3486 : vector<8xf32> to vector<1x8xf32>
    %broadcast_in_dim3A_3488 = vector.shape_cast %reshape3A_3487 : vector<1x8xf32> to vector<1x8xf32>
    %broadcast_in_dim3A_3489 = vector.broadcast %broadcast_in_dim3A_3488 : vector<1x8xf32> to vector<32x8xf32>
    %concatenate3A_3490 = tpu.concatenate %broadcast_in_dim3A_3489, %broadcast_in_dim3A_3482 in 1 : vector<32x8xf32>, vector<32x1400xf32> -> vector<32x1408xf32>
    %swap3A_3491 = arith.constant 33 : index
    %swap3A_3492 = arith.constant 32 : index
    %swap3A_3493 = arith.constant 0 : index
    %swap3A_3494 = vector.load %arg7[%swap3A_3491, %swap3A_3492, %swap3A_3493] : memref<34x64x1408xf32, #tpu.memory_space<vmem>>, vector<1x32x1408xf32>
    %swap3A_3495 = vector.shape_cast %swap3A_3494 : vector<1x32x1408xf32> to vector<32x1408xf32>
    %swap3A_3496 = vector.shape_cast %concatenate3A_3490 : vector<32x1408xf32> to vector<1x32x1408xf32>
    tpu.vector_store %arg7[%swap3A_3491, %swap3A_3492, %swap3A_3493], %swap3A_3496 {strides = array<i32>} : memref<34x64x1408xf32, #tpu.memory_space<vmem>>, vector<1x32x1408xf32>,
    return
  }
  func.func @transform_0(%arg0: i32) -> (i32, i32, i32) {
    %c0_i32 = arith.constant 0 : i32
    %c0_i32_0 = arith.constant 0 : i32
    %c0_i32_1 = arith.constant 0 : i32
    return %arg0, %c0_i32, %c0_i32_0 : i32, i32, i32
  }
  func.func @transform_1(%arg0: i32) -> (i32, i32, i32) {
    %c0_i32 = arith.constant 0 : i32
    %c0_i32_0 = arith.constant 0 : i32
    %c0_i32_1 = arith.constant 0 : i32
    return %arg0, %c0_i32, %c0_i32_0 : i32, i32, i32
  }
  func.func @transform_2(%arg0: i32) -> (i32, i32) {
    %c0_i32 = arith.constant 0 : i32
    %c0_i32_0 = arith.constant 0 : i32
    return %arg0, %c0_i32 : i32, i32
  }
  func.func @transform_3(%arg0: i32) -> (i32, i32) {
    %c0_i32 = arith.constant 0 : i32
    %c0_i32_0 = arith.constant 0 : i32
    %c0_i32_1 = arith.constant 0 : i32
    return %c0_i32, %c0_i32_0 : i32, i32
  }
  func.func @transform_4(%arg0: i32) -> (i32, i32) {
    %c0_i32 = arith.constant 0 : i32
    %c0_i32_0 = arith.constant 0 : i32
    %c0_i32_1 = arith.constant 0 : i32
    return %c0_i32, %c0_i32_0 : i32, i32
  }
  func.func @transform_5(%arg0: i32) -> (i32, i32) {
    %c0_i32 = arith.constant 0 : i32
    %c0_i32_0 = arith.constant 0 : i32
    %c0_i32_1 = arith.constant 0 : i32
    return %c0_i32, %c0_i32_0 : i32, i32
  }
  func.func @transform_6(%arg0: i32) -> (i32, i32, i32) {
    %c0_i32 = arith.constant 0 : i32
    %c0_i32_0 = arith.constant 0 : i32
    %c0_i32_1 = arith.constant 0 : i32
    return %c0_i32, %arg0, %c0_i32_0 : i32, i32, i32
  }
}

</mosaic_0001>

<sc_bundles>
// kernel: kernel.4.cloned.1.call-start
scs
__scs_entry_jumppad:
0x0: {  	(pc) =	sbr.rel $0x88, $3  }
0x1: {  	(tag) =	ssettag $0x0;
	lr =	simm.s32 $0x1  }
0x2: {  	[smem:$0x3F9A] =	sst lr;
	_ =	strace $0xD0000000  }
0x3: {  	_ = 	snop  }
0x4: {  	_ = 	snop  }
0x5: {  	_ = 	snop  }
0x6: {  	_ = 	snop  }
0x7: {  	_ = 	snop  }
__scs_overlays_trampoline_lowered:
0x8: {  	[smem:$0x3FA9] =	sst s0  }
0x9: {  	[smem:$0x3FAA] =	sst s1  }
0xa: {  	[smem:$0x3FAB] =	sst s2  }
0xb: {  	[smem:$0x3FAC] =	sst s3  }
0xc: {  	[smem:$0x3FAD] =	sst s4  }
0xd: {  	[smem:$0x3FAE] =	sst s5  }
0xe: {  	[smem:$0x3FAF] =	sst s6  }
0xf: {  	[smem:$0x3FB0] =	sst s7  }
0x10: {  	[smem:$0x3FB1] =	sst s8  }
0x11: {  	[smem:$0x3FB2] =	sst s9;
	s0 =	simm.s32 @!p0 $0x0  }
0x12: {  	s1 =	sld [smem:$0x3F98];
	s0 =	simm.s32 @p0 $0x1  }
0x13: {  	[smem:$0x3FB3] =	sst s0;
	s0 =	simm.s32 @!p1 $0x0  }
0x14: {  	s2 =	sld [smem:$0x3F97];
	s0 =	simm.s32 @p1 $0x1  }
0x15: {  	[smem:$0x3FB4] =	sst s0;
	s0 =	simm.s32 @!p2 $0x0  }
0x16: {  	s3 =	sld [smem:$0x3FDB];
	s0 =	simm.s32 @p2 $0x1  }
0x17: {  	s4 =	simm.s32 $0x1BF5;
	[smem:$0x3FB6] =	sst s0  }
0x18: {  	s0 =	sld [smem:$0x3F99];
	_ =	swait.ge [sflag:s4], $0x0  }
0x19: {  	s7 =	sld [smem:$0x3F9A]  }
0x1a: {  	s8 =	sadd.s32 $0xFFFFE003, lr  }
0x1b: {  	s9 =	sadd.s32 $0xFFFFFEF7, lr;
	s5 =	simm.s32 $0xFFFFFFFF;
	p2 =	slt.u32 s8, $0xFFFFF086  }
0x1c: {  	p1 =	slt.u32 s9, $0xF7A;
	s5 =	simm.s32 @!p2 $0x0  }
0x1d: {  	s5 =	simm.s32 @p1 $0x1;
	p0 =	seq.s32 s7, s2  }
0x1e: {  	s7 =	smul.u32 @!p0 $0xF7A, s2;
	p2 =	seq.s32 @!p0 s5, $0x0  }
0x1f: {  	s9 =	smul.u32 $0xF7A, s1;
	s8 =	simm.s32 @!p0 $0x1BF5;
	p2 =	por !p2, p0  }
0x20: {  	[sflag:s8] =	ssyncset.s32 @!p0 $0xFFFFF086;
	s6 =	sadd.s32 @!p0 s3, s7;
	s7 =	simm.s32 @!p0 $0x108  }
0x21: {  	s3 =	sadd.s32 s3, s9;
	s6 =	sadd.s32 @!p0 $0x88, s6;
	s7 =	simm.s32 @p2 $0x1082  }
0x22: {  	[simem:s7], [sflag:s8] =	dma.local @!p0 [hbm:s6], $0xF7A  }
0x23: {  	s9 =	sor.u32 $0xD0000000, s2;
	s6 =	simm.s32 $0x108;
	_ =	swait.ge @!p0 [sflag:s8], $0x0  }
0x24: {  	s3 =	sadd.s32 $0x88, s3;
	s6 =	simm.s32 @!p1 $0x1082;
	[sflag:s4] =	ssyncset.s32 $0xFFFFF086  }
0x25: {  	[simem:s6], [sflag:s4] =	dma.local [hbm:s3], $0xF7A  }
0x26: {  	[smem:$0x3F9A] =	sst s1;
	(tag) =	ssettag s2;
	_ =	strace s9  }
0x27: {  	s1 =	sld [smem:$0x3FAA]  }
0x28: {  	s2 =	sld [smem:$0x3FAB]  }
0x29: {  	s4 =	sld [smem:$0x3FAD]  }
0x2a: {  	p0 =	seq.s32 s5, $0x0;
	s5 =	sld [smem:$0x3FAE]  }
0x2b: {  	s6 =	sld [smem:$0x3FAF]  }
0x2c: {  	s7 =	sld [smem:$0x3FB0]  }
0x2d: {  	s3 =	simm.s32 $0x108;
	s8 =	sld [smem:$0x3FB1]  }
0x2e: {  	s3 =	simm.s32 @!p0 $0x1082;
	s9 =	sld [smem:$0x3FB2]  }
0x2f: {  	lr =	sadd.s32 s0, s3;
	s0 =	sld [smem:$0x3FA9]  }
0x30: {  	s3 =	sld [smem:$0x3FAC]  }
0x31: {  	[smem:$0x3FB5] =	sst s10  }
0x32: {  	s10 =	sld [smem:$0x3FB3];
	_ =	sdelay $0x3  }
0x33: {  	p0 =	seq.s32 s10, $0x1;
	s10 =	sld [smem:$0x3FB5];
	_ =	sdelay $0x3  }
0x34: {  	[smem:$0x3FB5] =	sst s10  }
0x35: {  	s10 =	sld [smem:$0x3FB4];
	_ =	sdelay $0x3  }
0x36: {  	p1 =	seq.s32 s10, $0x1;
	s10 =	sld [smem:$0x3FB5];
	_ =	sdelay $0x3  }
0x37: {  	[smem:$0x3FB5] =	sst s10  }
0x38: {  	s10 =	sld [smem:$0x3FB6]  }
0x39: {  	_ = 	snop;
	(pc) =	sbr.ind lr, $3  }
0x3a: {  	_ = 	snop  }
0x3b: {  	_ = 	snop  }
0x3c: {  	p2 =	seq.s32 s10, $0x1;
	s10 =	sld [smem:$0x3FB5]  }
0x3d: {  	_ =	shalt  }
0x3e: {  	_ =	shalt  }
0x3f: {  	_ =	shalt  }
0x40: {  	_ =	shalt  }
0x41: {  	_ =	shalt  }
0x42: {  	_ =	shalt  }
0x43: {  	_ =	shalt  }
0x44: {  	_ =	shalt  }
0x45: {  	_ =	shalt  }
0x46: {  	_ =	shalt  }
0x47: {  	_ =	shalt  }
0x48: {  	_ =	shalt  }
0x49: {  	_ =	shalt  }
0x4a: {  	_ =	shalt  }
0x4b: {  	_ =	shalt  }
0x4c: {  	_ =	shalt  }
0x4d: {  	_ =	shalt  }
0x4e: {  	_ =	shalt  }
0x4f: {  	_ =	shalt  }
0x50: {  	_ =	shalt  }
0x51: {  	_ =	shalt  }
0x52: {  	_ =	shalt  }
0x53: {  	_ =	shalt  }
0x54: {  	_ =	shalt  }
0x55: {  	_ =	shalt  }
0x56: {  	_ =	shalt  }
0x57: {  	_ =	shalt  }
0x58: {  	_ =	shalt  }
0x59: {  	_ =	shalt  }
0x5a: {  	_ =	shalt  }
0x5b: {  	_ =	shalt  }
0x5c: {  	_ =	shalt  }
0x5d: {  	_ =	shalt  }
0x5e: {  	_ =	shalt  }
0x5f: {  	_ =	shalt  }
0x60: {  	_ =	shalt  }
0x61: {  	_ =	shalt  }
0x62: {  	_ =	shalt  }
0x63: {  	_ =	shalt  }
0x64: {  	_ =	shalt  }
0x65: {  	_ =	shalt  }
0x66: {  	_ =	shalt  }
0x67: {  	_ =	shalt  }
0x68: {  	_ =	shalt  }
0x69: {  	_ =	shalt  }
0x6a: {  	_ =	shalt  }
0x6b: {  	_ =	shalt  }
0x6c: {  	_ =	shalt  }
0x6d: {  	_ =	shalt  }
0x6e: {  	_ =	shalt  }
0x6f: {  	_ =	shalt  }
0x70: {  	_ =	shalt  }
0x71: {  	_ =	shalt  }
0x72: {  	_ =	shalt  }
0x73: {  	_ =	shalt  }
0x74: {  	_ =	shalt  }
0x75: {  	_ =	shalt  }
0x76: {  	_ =	shalt  }
0x77: {  	_ =	shalt  }
0x78: {  	_ =	shalt  }
0x79: {  	_ =	shalt  }
0x7a: {  	_ =	shalt  }
0x7b: {  	_ =	shalt  }
0x7c: {  	_ =	shalt  }
0x7d: {  	_ =	shalt  }
0x7e: {  	_ =	shalt  }
0x7f: {  	_ =	shalt  }
0x80: {  	_ =	shalt  }
0x81: {  	_ =	shalt  }
0x82: {  	_ =	shalt  }
0x83: {  	_ =	shalt  }
0x84: {  	_ =	shalt  }
0x85: {  	_ =	shalt  }
0x86: {  	_ =	shalt  }
0x87: {  	_ =	shalt  }
.Lfunc_end0:
.L_simem_size_0:
called_computation_lowered:
.L_overlay_start_0:
0x88: {  	s2 =	sld [smem:$0x3FD9]  }
0x89: {  	s3 =	sld [smem:$0x3FFE];
	_ =	sdelay $0x1  }
0x8a: {  	s1 =	srdreg.scid  }
0x8b: {  	s0 =	sand.u32 $0x1, s1  }
0x8c: {  	s17 =	sshll.u32 s0, $0xA;
	s2 =	sadd.s32 s3, s2  }
0x8d: {  	s2 =	sadd.s32 s2, s17  }
0x8e: {  	[smem:$0x3FC1] =	sst s2  }
0x8f: {  	_ = 	snop  }
0x90: {  	s2 =	sld [smem:$0x3FD0];
	(tm) =	ssettm $0x1  }
0x91: {  	s18 =	sld [smem:$0x3FFB];
	_ =	sdelay $0x3  }
0x92: {  	_ =	strace s18  }
0x93: {  	s3 =	sld [smem:$0x3FFC];
	_ =	sdelay $0x3  }
0x94: {  	_ =	strace s3  }
0x95: {  	s3 =	sld [smem:$0x3FFD];
	_ =	sdelay $0x3  }
0x96: {  	_ =	strace s3  }
0x97: {  	_ =	strace $0x8FFFFFFF  }
0x98: {  	s19 =	sld [smem:$0x3FDB];
	_ =	sdelay $0x1  }
0x99: {  	s4 =	simm.s32 $_scs_section_size  }
0x9a: {  	s5 =	simm.s32 $_size__tile_overlayer_lowered;
	s6 =	simm.s32 $_tile_overlayer_lowered  }
0x9b: {  	s22 =	simm.s32 $0x1BFF;
	s21 =	sshll.u32 s6, $0x1;
	s3 =	sadd.s32 s4, s19  }
0x9c: {  	s7 =	simm.s32 $0x0;
	s20 =	sshll.u32 s5, $0x1;
	s5 =	sadd.s32 s21, s3  }
0x9d: {  	[timem:s7], [sflag:s22] =	dma.local [hbm:s5], s20  }
0x9e: {  	_ =	swait.ge [sflag:s22], s20  }
0x9f: {  	s4 =	ssub.s32 $0x0, s20;
	[sflag:s22] =	ssyncset.done $0x0  }
0xa0: {  	[sflag:s22] =	ssyncadd.s32 s4;
	_ =	sdelay $0x1  }
0xa1: {  	s23 =	simm.s32 $0x1B8B  }
0xa2: {  	_ =	swait.ge [sflag:s23], $0x1  }
0xa3: {  	[sflag:s23] =	ssyncset.done $0x0  }
0xa4: {  	s25 =	simm.s32 $0x1B8E;
	s24 =	sld [smem:$0x3FFE];
	[sflag:s23] =	ssyncadd.s32 $0xFFFFFFFF  }
0xa5: {  	s26 =	simm.s32 $execute0_lowered;
	[smem:$0x3FD2] =	sst s25  }
0xa6: {  	s5 =	sshll.u32 s26, $0x1;
	_ =	strace $0x80000046;
	[dreg:$0x1] =	wrdreg $0xFFFFFFFF  }
0xa7: {  	s28 =	simm.s32 $_size_execute0_lowered;
	s3 =	sadd.s32 s3, s5;
	[dreg:$0x0] =	wrdreg $0x0  }
0xa8: {  	s5 =	sshll.u32 s28, $0x1;
	[dreg:$0x2] =	wrdreg s3  }
0xa9: {  	[dreg:$0x3] =	wrdreg s5  }
0xaa: {  	[dreg:$0x4] =	wrdreg $0xC0  }
0xab: {  	_ =	task [dreg:s7], $0x5FFFF  }
0xac: {  	[dreg:$0x1] =	wrdreg $0xFFFFFFFF  }
0xad: {  	[dreg:$0x0] =	wrdreg $0x60  }
0xae: {  	[dreg:$0x2] =	wrdreg s24  }
0xaf: {  	[dreg:$0x3] =	wrdreg s2  }
0xb0: {  	[dreg:$0x4] =	wrdreg $0x9  }
0xb1: {  	_ =	task.clear_ibuf [dreg:s7], $0x5FFFF;
	_ =	strace $0x90000046  }
0xb2: {  	s29 =	simm.s32 $0x9;
	_ =	strace $0x80000048  }
0xb3: {  	_ =	swait.ge [sflag:s29], $0x1  }
0xb4: {  	[sflag:s29] =	ssyncadd.s32 $0xFFFFFFFF  }
0xb5: {  	_ =	strace $0x90000048  }
0xb6: {  	_ =	sfence  }
0xb7: {  	s30 =	sld [smem:$0x0];
	_ =	sdelay $0x2  }
0xb8: {  	s31 =	sshll.u32 s1, $0xD;
	s1 =	sshrl.u32 s1, $0x2  }
0xb9: {  	s3 =	sand.u32 $0x4000, s31;
	s1 =	sadd.s32 s1, s30  }
0xba: {  	s0 =	sor.u32 s3, s0;
	s1 =	sshll.u32 s1, $0x11  }
0xbb: {  	s0 =	sor.u32 s1, s0  }
0xbc: {  	s0 =	sadd.s32 $0x8F2B, s0  }
0xbd: {  	[sflag:s0] =	ssyncadd.remote.s32 $0x1  }
0xbe: {  	_ =	sfence.sel $0xFFFF  }
0xbf: {  	[dreg:$0x0] =	wrdreg $0xFFFFFFFF;
	(pc) =	sbr.abs _section_cstart, $3  }
0xc0: {  	[dreg:$0x1] =	wrdreg $0xFFFFFFFF  }
0xc1: {  	_ =	task.clear_ibuf [dreg:s7], $0x2FFFF;
	_ =	strace $0x9FFFFFFF  }
0xc2: {  	(tm) =	ssettm $0x7FFFFFFF  }
0xc3: {  	_ =	shalt  }
tec
execute0_lowered:
.L_overlay_start_1:
0x0: {  	(tag) =	ssettag $0x1  }
0x1: {  	s1 =	srdreg.scid;
	s0 =	stileid.u32  }
0x2: {  	s6 =	sand.u32 $0x1, s1;
	s30 =	sshll.u32 s0, $0x1  }
0x3: {  	s5 =	rddreg [dreg:$0x0];
	s8 =	sor.u32 s6, s30  }
0x4: {  	s9 =	rddreg [dreg:$0x1];
	s2 =	simm.s32 $0x0;
	s3 =	smul.u32 $0x58, s8  }
0x5: {  	[smem:$0x7FF] =	sst s2  }
0x6: {  	s1 =	rddreg [dreg:$0x2];
	_ =	strace $0x80000047;
	s3 =	sadd.s32 s3, s5  }
0x7: {  	s10 =	ssub.s32 $0x2, s6;
	s4 =	sadd.s32 $0xC00, s3;
	s3 =	simm.s32 $0x2  }
0x8: {  	[tilespmem:s2], [sflag:$0x2] =	stream.linear.gather [hbm4b:s4+s2], $0x2C0, $0x38;
	[tilespmem:$0x2EC0] =	vst v63  }
0x9: {  	s7 =	simm.s32 $0x1;
	s11 =	sshrl.u32 s10, $0x1;
	_ =	swait.ge [sflag:s3], $0x2C0  }
0xa: {  	s6 =	simm.s32 $0x2C0;
	s10 =	ssub.s32 s10, s11;
	[sflag:s3] =	ssyncset.done $0x0  }
0xb: {  	s5 =	sadd.s32 $0x1800, s5;
	s31 =	smax.u32 s10, $0x1;
	[sflag:s3] =	ssyncadd.s32 $0xFFFFFD40  }
0xc: {  	[tilespmem:s6], [sflag:$0x1] =	stream.indirect.gather [hbm4b:s5+s6], $0x10, s2, s6, $0xb8;
	[tilespmem:$0x2EC0] =	vst v63  }
0xd: {  	s8 =	smul.u32 $0x580, s8;
	p0 =	sne.s32 s31, $0x1;
	_ =	swait.ge [sflag:s7], $0x2C00  }
.Ltmp0:
0xe: {  	[sflag:s7] =	ssyncset.done $0x0;
	(pc) =	sbr.rel @!p0 .LBB2_2-.Ltmp0, $4  }
0xf: {  	s8 =	sadd.s32 s9, s8;
	[sflag:s7] =	ssyncadd.s32 $0xFFFFD400  }
0x10: {  	[hbm4b:s8+s2] =	stream.linear.scatter [tilespmem:s6], [sflag:$0x2], $0x2C00, $0x38;
	[tilespmem:$0x2EC0] =	vst v63  }
0x11: {  	_ =	swait.ge [sflag:s3], $0x2C00  }
0x12: {  	s9 =	sadd.s32 $0xFFFFFFFF, s31;
	[sflag:s3] =	ssyncset.done $0x0  }
.LBB2_1:
0x13: {  	p0 =	sne.s32 s9, $0x1;
	s9 =	sadd.s32 $0xFFFFFFFF, s9;
	[sflag:s3] =	ssyncadd.s32 $0xFFFFD400  }
0x14: {  	[tilespmem:s2], [sflag:$0x2] =	stream.linear.gather [hbm4b:s4+s2], $0x2C0, $0x38;
	[tilespmem:$0x2EC0] =	vst v63  }
0x15: {  	_ =	swait.ge [sflag:s3], $0x2C0  }
0x16: {  	[sflag:s3] =	ssyncset.done $0x0  }
0x17: {  	[sflag:s3] =	ssyncadd.s32 $0xFFFFFD40  }
0x18: {  	[tilespmem:s6], [sflag:$0x1] =	stream.indirect.gather [hbm4b:s5+s6], $0x10, s2, s6, $0xb8;
	[tilespmem:$0x2EC0] =	vst v63  }
0x19: {  	_ =	swait.ge [sflag:s7], $0x2C00  }
.Ltmp1:
0x1a: {  	[sflag:s7] =	ssyncset.done $0x0;
	(pc) =	sbr.rel @p0 .LBB2_1-.Ltmp1, $4  }
0x1b: {  	[sflag:s7] =	ssyncadd.s32 $0xFFFFD400  }
0x1c: {  	[hbm4b:s8+s2] =	stream.linear.scatter [tilespmem:s6], [sflag:$0x2], $0x2C00, $0x38;
	[tilespmem:$0x2EC0] =	vst v63  }
0x1d: {  	_ =	swait.ge [sflag:s3], $0x2C00  }
0x1e: {  	[sflag:s3] =	ssyncset.done $0x0  }
.LBB2_2:
0x1f: {  	[sflag:s3] =	ssyncadd.s32 $0xFFFFD400  }
0x20: {  	_ =	sfence.sel $0x180000  }
0x21: {  	[bflag:$0x0] =	sbarrier.arrive $0xFFFF  }
0x22: {  	p0 =	sne.s32 s0, $0x0;
	_ =	strace $0x90000047  }
0x23: {  	s0 =	sadd.s32 @!p0 $0x100000, s1;
	[bflag:$0x2] =	sbarrier.arrive $0xFFFF  }
0x24: {  	[sflag:s0] =	ssyncadd.tile.s32 @!p0 $0x1;
	_ =	shalt  }
.Lfunc_end2:
_tile_overlayer_lowered:
.L_overlay_start_2:
0x25: {  	(tag) =	ssettag $0x2  }
0x26: {  	s0 =	rddreg [dreg:$0x0];
	s2 =	stileid.u32  }
0x27: {  	s1 =	rddreg [dreg:$0x1];
	p0 =	sne.s32 s2, $0x0  }
0x28: {  	s3 =	rddreg [dreg:$0x2];
	[bflag:$0x3] =	sbarrier.arrive $0xFFFF;
	s2 =	simm.s32 @!p0 $0x1C02  }
0x29: {  	[timem:s3], [sflag:s2] =	dma.local @!p0 [hbm:s0], s1  }
0x2a: {  	s0 =	simm.s32 @!p0 $0x2  }
0x2b: {  	_ =	swait.ge @!p0 [sflag:s0], s1  }
0x2c: {  	s1 =	ssub.s32 @!p0 $0x0, s1;
	[sflag:s0] =	ssyncset.done @!p0 $0x0  }
0x2d: {  	[sflag:s0] =	ssyncadd.s32 @!p0 s1  }
0x2e: {  	[bflag:$0x3] =	sbarrier.arrive $0xFFFF  }
0x2f: {  	_ =	shalt  }

</sc_bundles>
